<compile_context>
chip_gen: v7x
topology: tpu7x:2x2x1
jax: 0.10.2.dev20260603
libtpu: 0.0.44.dev20260713+nightly
codegen_flags: <defaults>
</compile_context>

<pallas_src>
import functools

import jax
import jax.numpy as jnp
from jax import lax
from jax.experimental import pallas as pl
from jax.experimental.pallas import tpu as pltpu
from jax.experimental.pallas import tpu_sc as plsc

N = 10000
E = 320000
D = 128
EPS = 1e-07

NC = 2
NS = 16
PER_TEC = E // NS
CHUNK = 80
NCHUNKS = PER_TEC // CHUNK
NROT = 3
NIDX = 6
UNROLL = 6
MAIN_ITERS = NCHUNKS // UNROLL
TAIL = NCHUNKS - MAIN_ITERS * UNROLL
ROWS_PER_TEC = 624
ROWS_REM = N - NS * ROWS_PER_TEC


def _prep_body(beta_ref, x_ref, t_ref):
    g = jnp.maximum(x_ref[...], 0.0) + EPS
    w = jnp.exp(beta_ref[0, 0] * g)
    t_ref[0] = w
    t_ref[1] = g * w


def _precompute_tables(x, beta):
    bn = 1000
    t = pl.pallas_call(
        _prep_body,
        grid=(N // bn,),
        in_specs=[
            pl.BlockSpec(memory_space=pltpu.SMEM),
            pl.BlockSpec((bn, D), lambda i: (i, 0)),
        ],
        out_specs=pl.BlockSpec((2, bn, D), lambda i: (0, i, 0)),
        out_shape=jax.ShapeDtypeStruct((2, N, D), jnp.float32),
    )(jnp.reshape(beta, (1, 1)).astype(jnp.float32), x)
    return t.reshape(2 * N, D)


def _sc_body(table, src4, dst4, out,
             sidx, didx, rows, acc, gsems, ssems, isems):
    c = lax.axis_index("c")
    s = lax.axis_index("s")
    w = c * NS + s

    def start_idx(j, q):
        pltpu.async_copy(src4.at[w * NCHUNKS + j], sidx.at[q], isems.at[q])
        pltpu.async_copy(dst4.at[s * NCHUNKS + j], didx.at[q], isems.at[q])

    def wait_idx(j, q):
        pltpu.make_async_copy(src4.at[w * NCHUNKS + j], sidx.at[q],
                              isems.at[q]).wait()
        pltpu.make_async_copy(dst4.at[s * NCHUNKS + j], didx.at[q],
                              isems.at[q]).wait()

    def start_gather(q, r):
        pltpu.async_copy(table.at[sidx.at[q]], rows.at[r], gsems.at[r])

    def wait_gather(q, r):
        pltpu.make_async_copy(table.at[sidx.at[q]], rows.at[r],
                              gsems.at[r]).wait()

    def start_scatter(q, r):
        pltpu.async_copy(rows.at[r], acc.at[didx.at[q]], ssems.at[r],
                         add=True)

    def wait_scatter(q, r):
        pltpu.make_async_copy(rows.at[r], acc.at[didx.at[q]],
                              ssems.at[r]).wait()

    for k in range(NROT):
        start_idx(k, k)

    zero16 = jnp.zeros((16,), jnp.float32)

    def zrow(i, carry):
        for kk in range(D // 16):
            rows[0, i, pl.ds(kk * 16, 16)] = zero16
        return carry

    lax.fori_loop(0, CHUNK, zrow, 0)
    r0 = s * ROWS_PER_TEC
    for off in range(0, ROWS_PER_TEC, CHUNK):
        sz = min(CHUNK, ROWS_PER_TEC - off)
        pltpu.sync_copy(rows.at[0, pl.ds(0, sz)],
                        acc.at[pl.ds(r0 + off, sz)])

    @pl.when(s == NS - 1)
    def _():
        pltpu.sync_copy(rows.at[0, pl.ds(0, ROWS_REM)],
                        acc.at[pl.ds(NS * ROWS_PER_TEC, ROWS_REM)])

    plsc.subcore_barrier()

    def body(j, k, first):
        r = k % NROT
        q = k % NIDX
        q3 = (k + NROT) % NIDX
        if not first:
            wait_scatter(q3, r)

            @pl.when(j + NROT < NCHUNKS)
            def _():
                start_idx(j + NROT, q3)
        else:
            start_idx(j + NROT, q3)
        wait_idx(j, q)
        start_gather(q, r)
        if not first or k > 0:
            rp = (k - 1) % NROT
            qp = (k - 1) % NIDX
            wait_gather(qp, rp)
            start_scatter(qp, rp)

    for k in range(UNROLL):
        body(k, k, first=(k < NROT))

    def loop_body(jj, carry):
        j0 = jj * UNROLL
        for k in range(UNROLL):
            body(j0 + k, k, first=False)
        return carry

    lax.fori_loop(1, MAIN_ITERS, loop_body, 0)

    for k in range(TAIL):
        body(MAIN_ITERS * UNROLL + k, k, first=False)

    last = NCHUNKS - 1
    wait_gather(last % NIDX, last % NROT)
    start_scatter(last % NIDX, last % NROT)
    for j in range(NCHUNKS - NROT, NCHUNKS):
        wait_scatter(j % NIDX, j % NROT)

    plsc.subcore_barrier()
    pltpu.sync_copy(acc.at[pl.ds(r0, ROWS_PER_TEC)],
                    out.at[pl.ds(c * N + r0, ROWS_PER_TEC)])

    @pl.when(s == NS - 1)
    def _():
        pltpu.sync_copy(acc.at[pl.ds(NS * ROWS_PER_TEC, ROWS_REM)],
                        out.at[pl.ds(c * N + NS * ROWS_PER_TEC, ROWS_REM)])


def _sc_aggregate(table, src, dst):
    src4 = jnp.concatenate([src, src + N]).reshape(NC * NS * NCHUNKS, CHUNK)
    dst4 = dst.reshape(NS * NCHUNKS, CHUNK)
    mesh = plsc.VectorSubcoreMesh(core_axis_name="c", subcore_axis_name="s")
    run = functools.partial(
        pl.kernel,
        out_type=jax.ShapeDtypeStruct((2 * N, D), jnp.float32),
        mesh=mesh,
        scratch_types=[
            pltpu.VMEM((NIDX, CHUNK), jnp.int32),
            pltpu.VMEM((NIDX, CHUNK), jnp.int32),
            pltpu.VMEM((NROT, CHUNK, D), jnp.float32),
            pltpu.VMEM_SHARED((N, D), jnp.float32),
            pltpu.SemaphoreType.DMA((NROT,)),
            pltpu.SemaphoreType.DMA((NROT,)),
            pltpu.SemaphoreType.DMA((NIDX,)),
        ],
    )(_sc_body)
    return run(table, src4, dst4)


def _finish_body(s1_ref, s2_ref, w_ref, b_ref, o_ref):
    s1 = s1_ref[...]
    s2 = s2_ref[...]
    agg = jnp.where(s1 > 0.0, s2 / jnp.where(s1 > 0.0, s1, 1.0), 0.0)
    acc = lax.dot_general(agg, w_ref[...], (((1,), (1,)), ((), ())),
                          preferred_element_type=jnp.float32)
    o_ref[...] = acc + b_ref[...]


def _finish(acc, W, b):
    bn = 1000
    return pl.pallas_call(
        _finish_body,
        grid=(N // bn,),
        in_specs=[
            pl.BlockSpec((bn, D), lambda i: (i, 0)),
            pl.BlockSpec((bn, D), lambda i: (i + N // bn, 0)),
            pl.BlockSpec((D, D), lambda i: (0, 0)),
            pl.BlockSpec((1, D), lambda i: (0, 0)),
        ],
        out_specs=pl.BlockSpec((bn, D), lambda i: (i, 0)),
        out_shape=jax.ShapeDtypeStruct((N, D), jnp.float32),
    )(acc, acc, W, jnp.reshape(b, (1, D)))


def kernel(x, edge_index, W, b, beta):
    dst = edge_index[0].astype(jnp.int32)
    src = edge_index[1].astype(jnp.int32)
    table = _precompute_tables(x, beta)
    acc = _sc_aggregate(table, src, dst)
    return _finish(acc, W, b)

# --- scband reference (transcript-rebuilt; emitter-appended) ---
"""Pipeline reference for scband-genconv-57604101374215 (READ-ONLY COPY).

The authoritative reference and input builder live on the scoring server;
editing this copy changes nothing except your own understanding.
"""

import jax, jax.numpy as jnp
import numpy as np

N = 10000
E = 320000
D = 128
EPS = 1e-07


def setup_inputs(seed: int = 0) -> dict:
    key = jax.random.key(seed)
    k1, k2, k3 = jax.random.split(key, 3)
    x = jax.random.normal(k1, (N, D), dtype=jnp.float32)
    edge_index = jax.random.randint(k2, (2, E), 0, N)
    # learned params: mlp Linear(in_feat=128, out_feat=128)
    W = jax.random.normal(k3, (D, D), dtype=jnp.float32) * (1.0 / np.sqrt(D))
    b = jnp.zeros((D,), dtype=jnp.float32)
    beta = jnp.asarray(1.0, dtype=jnp.float32)  # non-learnable (learn_beta=False)
    return {"x": x, "edge_index": edge_index, "W": W, "b": b, "beta": beta}


def reference(x, edge_index, W, b, beta):
    dst = edge_index[0]
    src = edge_index[1]
    # edge message: gather src features, ReLU + eps
    edge_msg = jax.nn.relu(x[src]) + EPS
    # mul_edge_softmax: per-destination-node, per-channel softmax over edges
    logits = beta * edge_msg
    m = jax.ops.segment_max(logits, dst, num_segments=N)
    m = jnp.where(jnp.isfinite(m), m, 0.0)  # guard empty segments (-inf)
    e = jnp.exp(logits - m[dst])
    s = jax.ops.segment_sum(e, dst, num_segments=N)
    alpha = e / s[dst]
    h = edge_msg * alpha
    # scatter_add aggregation onto destination nodes
    agg = jnp.zeros_like(x).at[dst].add(h)
    # use_msg_norm=False -> straight to mlp
    out = agg @ W.T + b
    return out

if __name__ == "__main__":
    import jax
    _d = setup_inputs()
    print(jax.jit(kernel)(*tuple(_d.values())))

</pallas_src>

<mosaic_0001>
#map = affine_map<(d0, d1) -> (0, 0)>
module attributes {stable_mosaic.version = 14 : i64} {
  func.func @_sc_body(%arg0: i32, %arg1: i32, %arg2: memref<20000x128xf32, #tpu.memory_space<hbm>>, %arg3: memref<8000x80xi32, #tpu.memory_space<hbm>>, %arg4: memref<4000x80xi32, #tpu.memory_space<hbm>>, %arg5: memref<20000x128xf32, #tpu.memory_space<hbm>>, %arg6: memref<6x80xi32, #tpu.memory_space<vmem>>, %arg7: memref<6x80xi32, #tpu.memory_space<vmem>>, %arg8: memref<3x80x128xf32, #tpu.memory_space<vmem>>, %arg9: memref<10000x128xf32, #tpu.memory_space<vmem_shared>>, %arg10: memref<3x!tpu.dma_semaphore, #tpu.memory_space<semaphore_mem>>, %arg11: memref<3x!tpu.dma_semaphore, #tpu.memory_space<semaphore_mem>>, %arg12: memref<6x!tpu.dma_semaphore, #tpu.memory_space<semaphore_mem>>) attributes {dimension_semantics = [#tpu.dimension_semantics<core_parallel>, #tpu.dimension_semantics<subcore_parallel>], iteration_bounds = array<i64: 2, 16>, scalar_prefetch = 0 : i64, scratch_operands = 7 : i64, tpu.core_type = #tpu.core_type<sc_vector_subcore>, window_params = [{transform_indices = #map}, {transform_indices = #map}, {transform_indices = #map}, {transform_indices = #map}]} {
    %mul3A = arith.constant 16 : i32
    %mul3A_0 = arith.muli %arg0, %mul3A : i32
    %add3A = arith.addi %mul3A_0, %arg1 : i32
    %mul3A_1 = arith.constant 250 : i32
    %mul3A_2 = arith.muli %add3A, %mul3A_1 : i32
    %add3A_3 = arith.constant 0 : i32
    %add3A_4 = arith.addi %mul3A_2, %add3A_3 : i32
    %dma_start3A = arith.constant 0 : i32
    %dma_start3A_5 = arith.constant 0 : i32
    %dma_start3A_6 = arith.constant 0 : i32
    %dma_start3A_7 = tpu.memref_slice %arg6[%dma_start3A, %dma_start3A_6] : memref<6x80xi32, #tpu.memory_space<vmem>> -> memref<1x80xi32, #tpu.memory_space<vmem>>
    %dma_start3A_8 = tpu.memref_squeeze %dma_start3A_7 : memref<1x80xi32, #tpu.memory_space<vmem>> -> memref<80xi32, #tpu.memory_space<vmem>>
    %dma_start3A_9 = arith.constant 0 : i32
    %dma_start3A_10 = tpu.memref_slice %arg3[%add3A_4, %dma_start3A_9] : memref<8000x80xi32, #tpu.memory_space<hbm>> -> memref<1x80xi32, #tpu.memory_space<hbm>>
    %dma_start3A_11 = tpu.memref_squeeze %dma_start3A_10 : memref<1x80xi32, #tpu.memory_space<hbm>> -> memref<80xi32, #tpu.memory_space<hbm>>
    %dma_start3A_12 = tpu.memref_slice %arg12[%dma_start3A_5] : memref<6x!tpu.dma_semaphore, #tpu.memory_space<semaphore_mem>> -> memref<1x!tpu.dma_semaphore, #tpu.memory_space<semaphore_mem>>
    %dma_start3A_13 = tpu.memref_squeeze %dma_start3A_12 : memref<1x!tpu.dma_semaphore, #tpu.memory_space<semaphore_mem>> -> memref<!tpu.dma_semaphore, #tpu.memory_space<semaphore_mem>>
    %dma_start3A_14 = arith.constant 0 : i32
    %dma_start3A_15 = tpu.memref_slice %arg6[%dma_start3A, %dma_start3A_14] : memref<6x80xi32, #tpu.memory_space<vmem>> -> memref<1x80xi32, #tpu.memory_space<vmem>>
    %dma_start3A_16 = tpu.memref_squeeze %dma_start3A_15 : memref<1x80xi32, #tpu.memory_space<vmem>> -> memref<80xi32, #tpu.memory_space<vmem>>
    %dma_start3A_17 = arith.constant 0 : i32
    %dma_start3A_18 = tpu.memref_slice %arg3[%add3A_4, %dma_start3A_17] : memref<8000x80xi32, #tpu.memory_space<hbm>> -> memref<1x80xi32, #tpu.memory_space<hbm>>
    %dma_start3A_19 = tpu.memref_squeeze %dma_start3A_18 : memref<1x80xi32, #tpu.memory_space<hbm>> -> memref<80xi32, #tpu.memory_space<hbm>>
    tpu.enqueue_dma source(%dma_start3A_19 : memref<80xi32, #tpu.memory_space<hbm>>) target(%dma_start3A_16 : memref<80xi32, #tpu.memory_space<vmem>>) target_semaphore(%dma_start3A_13 : memref<!tpu.dma_semaphore, #tpu.memory_space<semaphore_mem>>)
    %mul3A_20 = arith.constant 250 : i32
    %mul3A_21 = arith.muli %arg1, %mul3A_20 : i32
    %add3A_22 = arith.constant 0 : i32
    %add3A_23 = arith.addi %mul3A_21, %add3A_22 : i32
    %dma_start3A_24 = arith.constant 0 : i32
    %dma_start3A_25 = arith.constant 0 : i32
    %dma_start3A_26 = arith.constant 0 : i32
    %dma_start3A_27 = tpu.memref_slice %arg7[%dma_start3A_24, %dma_start3A_26] : memref<6x80xi32, #tpu.memory_space<vmem>> -> memref<1x80xi32, #tpu.memory_space<vmem>>
    %dma_start3A_28 = tpu.memref_squeeze %dma_start3A_27 : memref<1x80xi32, #tpu.memory_space<vmem>> -> memref<80xi32, #tpu.memory_space<vmem>>
    %dma_start3A_29 = arith.constant 0 : i32
    %dma_start3A_30 = tpu.memref_slice %arg4[%add3A_23, %dma_start3A_29] : memref<4000x80xi32, #tpu.memory_space<hbm>> -> memref<1x80xi32, #tpu.memory_space<hbm>>
    %dma_start3A_31 = tpu.memref_squeeze %dma_start3A_30 : memref<1x80xi32, #tpu.memory_space<hbm>> -> memref<80xi32, #tpu.memory_space<hbm>>
    %dma_start3A_32 = tpu.memref_slice %arg12[%dma_start3A_25] : memref<6x!tpu.dma_semaphore, #tpu.memory_space<semaphore_mem>> -> memref<1x!tpu.dma_semaphore, #tpu.memory_space<semaphore_mem>>
    %dma_start3A_33 = tpu.memref_squeeze %dma_start3A_32 : memref<1x!tpu.dma_semaphore, #tpu.memory_space<semaphore_mem>> -> memref<!tpu.dma_semaphore, #tpu.memory_space<semaphore_mem>>
    %dma_start3A_34 = arith.constant 0 : i32
    %dma_start3A_35 = tpu.memref_slice %arg7[%dma_start3A_24, %dma_start3A_34] : memref<6x80xi32, #tpu.memory_space<vmem>> -> memref<1x80xi32, #tpu.memory_space<vmem>>
    %dma_start3A_36 = tpu.memref_squeeze %dma_start3A_35 : memref<1x80xi32, #tpu.memory_space<vmem>> -> memref<80xi32, #tpu.memory_space<vmem>>
    %dma_start3A_37 = arith.constant 0 : i32
    %dma_start3A_38 = tpu.memref_slice %arg4[%add3A_23, %dma_start3A_37] : memref<4000x80xi32, #tpu.memory_space<hbm>> -> memref<1x80xi32, #tpu.memory_space<hbm>>
    %dma_start3A_39 = tpu.memref_squeeze %dma_start3A_38 : memref<1x80xi32, #tpu.memory_space<hbm>> -> memref<80xi32, #tpu.memory_space<hbm>>
    tpu.enqueue_dma source(%dma_start3A_39 : memref<80xi32, #tpu.memory_space<hbm>>) target(%dma_start3A_36 : memref<80xi32, #tpu.memory_space<vmem>>) target_semaphore(%dma_start3A_33 : memref<!tpu.dma_semaphore, #tpu.memory_space<semaphore_mem>>)
    %mul3A_40 = arith.constant 250 : i32
    %mul3A_41 = arith.muli %add3A, %mul3A_40 : i32
    %add3A_42 = arith.constant 1 : i32
    %add3A_43 = arith.addi %mul3A_41, %add3A_42 : i32
    %dma_start3A_44 = arith.constant 1 : i32
    %dma_start3A_45 = arith.constant 1 : i32
    %dma_start3A_46 = arith.constant 0 : i32
    %dma_start3A_47 = tpu.memref_slice %arg6[%dma_start3A_44, %dma_start3A_46] : memref<6x80xi32, #tpu.memory_space<vmem>> -> memref<1x80xi32, #tpu.memory_space<vmem>>
    %dma_start3A_48 = tpu.memref_squeeze %dma_start3A_47 : memref<1x80xi32, #tpu.memory_space<vmem>> -> memref<80xi32, #tpu.memory_space<vmem>>
    %dma_start3A_49 = arith.constant 0 : i32
    %dma_start3A_50 = tpu.memref_slice %arg3[%add3A_43, %dma_start3A_49] : memref<8000x80xi32, #tpu.memory_space<hbm>> -> memref<1x80xi32, #tpu.memory_space<hbm>>
    %dma_start3A_51 = tpu.memref_squeeze %dma_start3A_50 : memref<1x80xi32, #tpu.memory_space<hbm>> -> memref<80xi32, #tpu.memory_space<hbm>>
    %dma_start3A_52 = tpu.memref_slice %arg12[%dma_start3A_45] : memref<6x!tpu.dma_semaphore, #tpu.memory_space<semaphore_mem>> -> memref<1x!tpu.dma_semaphore, #tpu.memory_space<semaphore_mem>>
    %dma_start3A_53 = tpu.memref_squeeze %dma_start3A_52 : memref<1x!tpu.dma_semaphore, #tpu.memory_space<semaphore_mem>> -> memref<!tpu.dma_semaphore, #tpu.memory_space<semaphore_mem>>
    %dma_start3A_54 = arith.constant 0 : i32
    %dma_start3A_55 = tpu.memref_slice %arg6[%dma_start3A_44, %dma_start3A_54] : memref<6x80xi32, #tpu.memory_space<vmem>> -> memref<1x80xi32, #tpu.memory_space<vmem>>
    %dma_start3A_56 = tpu.memref_squeeze %dma_start3A_55 : memref<1x80xi32, #tpu.memory_space<vmem>> -> memref<80xi32, #tpu.memory_space<vmem>>
    %dma_start3A_57 = arith.constant 0 : i32
    %dma_start3A_58 = tpu.memref_slice %arg3[%add3A_43, %dma_start3A_57] : memref<8000x80xi32, #tpu.memory_space<hbm>> -> memref<1x80xi32, #tpu.memory_space<hbm>>
    %dma_start3A_59 = tpu.memref_squeeze %dma_start3A_58 : memref<1x80xi32, #tpu.memory_space<hbm>> -> memref<80xi32, #tpu.memory_space<hbm>>
    tpu.enqueue_dma source(%dma_start3A_59 : memref<80xi32, #tpu.memory_space<hbm>>) target(%dma_start3A_56 : memref<80xi32, #tpu.memory_space<vmem>>) target_semaphore(%dma_start3A_53 : memref<!tpu.dma_semaphore, #tpu.memory_space<semaphore_mem>>)
    %mul3A_60 = arith.constant 250 : i32
    %mul3A_61 = arith.muli %arg1, %mul3A_60 : i32
    %add3A_62 = arith.constant 1 : i32
    %add3A_63 = arith.addi %mul3A_61, %add3A_62 : i32
    %dma_start3A_64 = arith.constant 1 : i32
    %dma_start3A_65 = arith.constant 1 : i32
    %dma_start3A_66 = arith.constant 0 : i32
    %dma_start3A_67 = tpu.memref_slice %arg7[%dma_start3A_64, %dma_start3A_66] : memref<6x80xi32, #tpu.memory_space<vmem>> -> memref<1x80xi32, #tpu.memory_space<vmem>>
    %dma_start3A_68 = tpu.memref_squeeze %dma_start3A_67 : memref<1x80xi32, #tpu.memory_space<vmem>> -> memref<80xi32, #tpu.memory_space<vmem>>
    %dma_start3A_69 = arith.constant 0 : i32
    %dma_start3A_70 = tpu.memref_slice %arg4[%add3A_63, %dma_start3A_69] : memref<4000x80xi32, #tpu.memory_space<hbm>> -> memref<1x80xi32, #tpu.memory_space<hbm>>
    %dma_start3A_71 = tpu.memref_squeeze %dma_start3A_70 : memref<1x80xi32, #tpu.memory_space<hbm>> -> memref<80xi32, #tpu.memory_space<hbm>>
    %dma_start3A_72 = tpu.memref_slice %arg12[%dma_start3A_65] : memref<6x!tpu.dma_semaphore, #tpu.memory_space<semaphore_mem>> -> memref<1x!tpu.dma_semaphore, #tpu.memory_space<semaphore_mem>>
    %dma_start3A_73 = tpu.memref_squeeze %dma_start3A_72 : memref<1x!tpu.dma_semaphore, #tpu.memory_space<semaphore_mem>> -> memref<!tpu.dma_semaphore, #tpu.memory_space<semaphore_mem>>
    %dma_start3A_74 = arith.constant 0 : i32
    %dma_start3A_75 = tpu.memref_slice %arg7[%dma_start3A_64, %dma_start3A_74] : memref<6x80xi32, #tpu.memory_space<vmem>> -> memref<1x80xi32, #tpu.memory_space<vmem>>
    %dma_start3A_76 = tpu.memref_squeeze %dma_start3A_75 : memref<1x80xi32, #tpu.memory_space<vmem>> -> memref<80xi32, #tpu.memory_space<vmem>>
    %dma_start3A_77 = arith.constant 0 : i32
    %dma_start3A_78 = tpu.memref_slice %arg4[%add3A_63, %dma_start3A_77] : memref<4000x80xi32, #tpu.memory_space<hbm>> -> memref<1x80xi32, #tpu.memory_space<hbm>>
    %dma_start3A_79 = tpu.memref_squeeze %dma_start3A_78 : memref<1x80xi32, #tpu.memory_space<hbm>> -> memref<80xi32, #tpu.memory_space<hbm>>
    tpu.enqueue_dma source(%dma_start3A_79 : memref<80xi32, #tpu.memory_space<hbm>>) target(%dma_start3A_76 : memref<80xi32, #tpu.memory_space<vmem>>) target_semaphore(%dma_start3A_73 : memref<!tpu.dma_semaphore, #tpu.memory_space<semaphore_mem>>)
    %mul3A_80 = arith.constant 250 : i32
    %mul3A_81 = arith.muli %add3A, %mul3A_80 : i32
    %add3A_82 = arith.constant 2 : i32
    %add3A_83 = arith.addi %mul3A_81, %add3A_82 : i32
    %dma_start3A_84 = arith.constant 2 : i32
    %dma_start3A_85 = arith.constant 2 : i32
    %dma_start3A_86 = arith.constant 0 : i32
    %dma_start3A_87 = tpu.memref_slice %arg6[%dma_start3A_84, %dma_start3A_86] : memref<6x80xi32, #tpu.memory_space<vmem>> -> memref<1x80xi32, #tpu.memory_space<vmem>>
    %dma_start3A_88 = tpu.memref_squeeze %dma_start3A_87 : memref<1x80xi32, #tpu.memory_space<vmem>> -> memref<80xi32, #tpu.memory_space<vmem>>
    %dma_start3A_89 = arith.constant 0 : i32
    %dma_start3A_90 = tpu.memref_slice %arg3[%add3A_83, %dma_start3A_89] : memref<8000x80xi32, #tpu.memory_space<hbm>> -> memref<1x80xi32, #tpu.memory_space<hbm>>
    %dma_start3A_91 = tpu.memref_squeeze %dma_start3A_90 : memref<1x80xi32, #tpu.memory_space<hbm>> -> memref<80xi32, #tpu.memory_space<hbm>>
    %dma_start3A_92 = tpu.memref_slice %arg12[%dma_start3A_85] : memref<6x!tpu.dma_semaphore, #tpu.memory_space<semaphore_mem>> -> memref<1x!tpu.dma_semaphore, #tpu.memory_space<semaphore_mem>>
    %dma_start3A_93 = tpu.memref_squeeze %dma_start3A_92 : memref<1x!tpu.dma_semaphore, #tpu.memory_space<semaphore_mem>> -> memref<!tpu.dma_semaphore, #tpu.memory_space<semaphore_mem>>
    %dma_start3A_94 = arith.constant 0 : i32
    %dma_start3A_95 = tpu.memref_slice %arg6[%dma_start3A_84, %dma_start3A_94] : memref<6x80xi32, #tpu.memory_space<vmem>> -> memref<1x80xi32, #tpu.memory_space<vmem>>
    %dma_start3A_96 = tpu.memref_squeeze %dma_start3A_95 : memref<1x80xi32, #tpu.memory_space<vmem>> -> memref<80xi32, #tpu.memory_space<vmem>>
    %dma_start3A_97 = arith.constant 0 : i32
    %dma_start3A_98 = tpu.memref_slice %arg3[%add3A_83, %dma_start3A_97] : memref<8000x80xi32, #tpu.memory_space<hbm>> -> memref<1x80xi32, #tpu.memory_space<hbm>>
    %dma_start3A_99 = tpu.memref_squeeze %dma_start3A_98 : memref<1x80xi32, #tpu.memory_space<hbm>> -> memref<80xi32, #tpu.memory_space<hbm>>
    tpu.enqueue_dma source(%dma_start3A_99 : memref<80xi32, #tpu.memory_space<hbm>>) target(%dma_start3A_96 : memref<80xi32, #tpu.memory_space<vmem>>) target_semaphore(%dma_start3A_93 : memref<!tpu.dma_semaphore, #tpu.memory_space<semaphore_mem>>)
    %mul3A_100 = arith.constant 250 : i32
    %mul3A_101 = arith.muli %arg1, %mul3A_100 : i32
    %add3A_102 = arith.constant 2 : i32
    %add3A_103 = arith.addi %mul3A_101, %add3A_102 : i32
    %dma_start3A_104 = arith.constant 2 : i32
    %dma_start3A_105 = arith.constant 2 : i32
    %dma_start3A_106 = arith.constant 0 : i32
    %dma_start3A_107 = tpu.memref_slice %arg7[%dma_start3A_104, %dma_start3A_106] : memref<6x80xi32, #tpu.memory_space<vmem>> -> memref<1x80xi32, #tpu.memory_space<vmem>>
    %dma_start3A_108 = tpu.memref_squeeze %dma_start3A_107 : memref<1x80xi32, #tpu.memory_space<vmem>> -> memref<80xi32, #tpu.memory_space<vmem>>
    %dma_start3A_109 = arith.constant 0 : i32
    %dma_start3A_110 = tpu.memref_slice %arg4[%add3A_103, %dma_start3A_109] : memref<4000x80xi32, #tpu.memory_space<hbm>> -> memref<1x80xi32, #tpu.memory_space<hbm>>
    %dma_start3A_111 = tpu.memref_squeeze %dma_start3A_110 : memref<1x80xi32, #tpu.memory_space<hbm>> -> memref<80xi32, #tpu.memory_space<hbm>>
    %dma_start3A_112 = tpu.memref_slice %arg12[%dma_start3A_105] : memref<6x!tpu.dma_semaphore, #tpu.memory_space<semaphore_mem>> -> memref<1x!tpu.dma_semaphore, #tpu.memory_space<semaphore_mem>>
    %dma_start3A_113 = tpu.memref_squeeze %dma_start3A_112 : memref<1x!tpu.dma_semaphore, #tpu.memory_space<semaphore_mem>> -> memref<!tpu.dma_semaphore, #tpu.memory_space<semaphore_mem>>
    %dma_start3A_114 = arith.constant 0 : i32
    %dma_start3A_115 = tpu.memref_slice %arg7[%dma_start3A_104, %dma_start3A_114] : memref<6x80xi32, #tpu.memory_space<vmem>> -> memref<1x80xi32, #tpu.memory_space<vmem>>
    %dma_start3A_116 = tpu.memref_squeeze %dma_start3A_115 : memref<1x80xi32, #tpu.memory_space<vmem>> -> memref<80xi32, #tpu.memory_space<vmem>>
    %dma_start3A_117 = arith.constant 0 : i32
    %dma_start3A_118 = tpu.memref_slice %arg4[%add3A_103, %dma_start3A_117] : memref<4000x80xi32, #tpu.memory_space<hbm>> -> memref<1x80xi32, #tpu.memory_space<hbm>>
    %dma_start3A_119 = tpu.memref_squeeze %dma_start3A_118 : memref<1x80xi32, #tpu.memory_space<hbm>> -> memref<80xi32, #tpu.memory_space<hbm>>
    tpu.enqueue_dma source(%dma_start3A_119 : memref<80xi32, #tpu.memory_space<hbm>>) target(%dma_start3A_116 : memref<80xi32, #tpu.memory_space<vmem>>) target_semaphore(%dma_start3A_113 : memref<!tpu.dma_semaphore, #tpu.memory_space<semaphore_mem>>)
    %broadcast_in_dim3A = arith.constant 0.000000e+00 : f32
    %broadcast_in_dim3A_120 = vector.broadcast %broadcast_in_dim3A : f32 to vector<16xf32>
    %scan3A = arith.constant 0 : i32
    %scan3A_121 = arith.constant 0 : i32
    %scan3A_122 = arith.constant 80 : i32
    %scan3A_123 = arith.addi %scan3A_121, %scan3A_122 : i32
    %scan3A_124 = arith.constant 1 : i32
    scf.for %scan3A_1447 = %scan3A_121 to %scan3A_123 step %scan3A_124  : i32 {
      %swap3A = arith.constant 0 : i32
      %swap3A_1448 = arith.index_cast %swap3A : i32 to index
      %swap3A_1449 = arith.index_cast %scan3A_1447 : i32 to index
      %swap3A_1450 = arith.constant 0 : index
      %swap3A_1451 = tpu.vector_load %arg8[%swap3A_1448, %swap3A_1449, %swap3A_1450] {strides = array<i32>} : memref<3x80x128xf32, #tpu.memory_space<vmem>>, vector<1x1x16xf32>,
      %swap3A_1452 = vector.shape_cast %swap3A_1451 : vector<1x1x16xf32> to vector<16xf32>
      %swap3A_1453 = vector.shape_cast %broadcast_in_dim3A_120 : vector<16xf32> to vector<1x1x16xf32>
      tpu.vector_store %arg8[%swap3A_1448, %swap3A_1449, %swap3A_1450], %swap3A_1453 {strides = array<i32>} : memref<3x80x128xf32, #tpu.memory_space<vmem>>, vector<1x1x16xf32>,
      %swap3A_1454 = arith.constant 0 : i32
      %swap3A_1455 = arith.index_cast %swap3A_1454 : i32 to index
      %swap3A_1456 = arith.index_cast %scan3A_1447 : i32 to index
      %swap3A_1457 = arith.constant 16 : index
      %swap3A_1458 = tpu.vector_load %arg8[%swap3A_1455, %swap3A_1456, %swap3A_1457] {strides = array<i32>} : memref<3x80x128xf32, #tpu.memory_space<vmem>>, vector<1x1x16xf32>,
      %swap3A_1459 = vector.shape_cast %swap3A_1458 : vector<1x1x16xf32> to vector<16xf32>
      %swap3A_1460 = vector.shape_cast %broadcast_in_dim3A_120 : vector<16xf32> to vector<1x1x16xf32>
      tpu.vector_store %arg8[%swap3A_1455, %swap3A_1456, %swap3A_1457], %swap3A_1460 {strides = array<i32>} : memref<3x80x128xf32, #tpu.memory_space<vmem>>, vector<1x1x16xf32>,
      %swap3A_1461 = arith.constant 0 : i32
      %swap3A_1462 = arith.index_cast %swap3A_1461 : i32 to index
      %swap3A_1463 = arith.index_cast %scan3A_1447 : i32 to index
      %swap3A_1464 = arith.constant 32 : index
      %swap3A_1465 = tpu.vector_load %arg8[%swap3A_1462, %swap3A_1463, %swap3A_1464] {strides = array<i32>} : memref<3x80x128xf32, #tpu.memory_space<vmem>>, vector<1x1x16xf32>,
      %swap3A_1466 = vector.shape_cast %swap3A_1465 : vector<1x1x16xf32> to vector<16xf32>
      %swap3A_1467 = vector.shape_cast %broadcast_in_dim3A_120 : vector<16xf32> to vector<1x1x16xf32>
      tpu.vector_store %arg8[%swap3A_1462, %swap3A_1463, %swap3A_1464], %swap3A_1467 {strides = array<i32>} : memref<3x80x128xf32, #tpu.memory_space<vmem>>, vector<1x1x16xf32>,
      %swap3A_1468 = arith.constant 0 : i32
      %swap3A_1469 = arith.index_cast %swap3A_1468 : i32 to index
      %swap3A_1470 = arith.index_cast %scan3A_1447 : i32 to index
      %swap3A_1471 = arith.constant 48 : index
      %swap3A_1472 = tpu.vector_load %arg8[%swap3A_1469, %swap3A_1470, %swap3A_1471] {strides = array<i32>} : memref<3x80x128xf32, #tpu.memory_space<vmem>>, vector<1x1x16xf32>,
      %swap3A_1473 = vector.shape_cast %swap3A_1472 : vector<1x1x16xf32> to vector<16xf32>
      %swap3A_1474 = vector.shape_cast %broadcast_in_dim3A_120 : vector<16xf32> to vector<1x1x16xf32>
      tpu.vector_store %arg8[%swap3A_1469, %swap3A_1470, %swap3A_1471], %swap3A_1474 {strides = array<i32>} : memref<3x80x128xf32, #tpu.memory_space<vmem>>, vector<1x1x16xf32>,
      %swap3A_1475 = arith.constant 0 : i32
      %swap3A_1476 = arith.index_cast %swap3A_1475 : i32 to index
      %swap3A_1477 = arith.index_cast %scan3A_1447 : i32 to index
      %swap3A_1478 = arith.constant 64 : index
      %swap3A_1479 = tpu.vector_load %arg8[%swap3A_1476, %swap3A_1477, %swap3A_1478] {strides = array<i32>} : memref<3x80x128xf32, #tpu.memory_space<vmem>>, vector<1x1x16xf32>,
      %swap3A_1480 = vector.shape_cast %swap3A_1479 : vector<1x1x16xf32> to vector<16xf32>
      %swap3A_1481 = vector.shape_cast %broadcast_in_dim3A_120 : vector<16xf32> to vector<1x1x16xf32>
      tpu.vector_store %arg8[%swap3A_1476, %swap3A_1477, %swap3A_1478], %swap3A_1481 {strides = array<i32>} : memref<3x80x128xf32, #tpu.memory_space<vmem>>, vector<1x1x16xf32>,
      %swap3A_1482 = arith.constant 0 : i32
      %swap3A_1483 = arith.index_cast %swap3A_1482 : i32 to index
      %swap3A_1484 = arith.index_cast %scan3A_1447 : i32 to index
      %swap3A_1485 = arith.constant 80 : index
      %swap3A_1486 = tpu.vector_load %arg8[%swap3A_1483, %swap3A_1484, %swap3A_1485] {strides = array<i32>} : memref<3x80x128xf32, #tpu.memory_space<vmem>>, vector<1x1x16xf32>,
      %swap3A_1487 = vector.shape_cast %swap3A_1486 : vector<1x1x16xf32> to vector<16xf32>
      %swap3A_1488 = vector.shape_cast %broadcast_in_dim3A_120 : vector<16xf32> to vector<1x1x16xf32>
      tpu.vector_store %arg8[%swap3A_1483, %swap3A_1484, %swap3A_1485], %swap3A_1488 {strides = array<i32>} : memref<3x80x128xf32, #tpu.memory_space<vmem>>, vector<1x1x16xf32>,
      %swap3A_1489 = arith.constant 0 : i32
      %swap3A_1490 = arith.index_cast %swap3A_1489 : i32 to index
      %swap3A_1491 = arith.index_cast %scan3A_1447 : i32 to index
      %swap3A_1492 = arith.constant 96 : index
      %swap3A_1493 = tpu.vector_load %arg8[%swap3A_1490, %swap3A_1491, %swap3A_1492] {strides = array<i32>} : memref<3x80x128xf32, #tpu.memory_space<vmem>>, vector<1x1x16xf32>,
      %swap3A_1494 = vector.shape_cast %swap3A_1493 : vector<1x1x16xf32> to vector<16xf32>
      %swap3A_1495 = vector.shape_cast %broadcast_in_dim3A_120 : vector<16xf32> to vector<1x1x16xf32>
      tpu.vector_store %arg8[%swap3A_1490, %swap3A_1491, %swap3A_1492], %swap3A_1495 {strides = array<i32>} : memref<3x80x128xf32, #tpu.memory_space<vmem>>, vector<1x1x16xf32>,
      %swap3A_1496 = arith.constant 0 : i32
      %swap3A_1497 = arith.index_cast %swap3A_1496 : i32 to index
      %swap3A_1498 = arith.index_cast %scan3A_1447 : i32 to index
      %swap3A_1499 = arith.constant 112 : index
      %swap3A_1500 = tpu.vector_load %arg8[%swap3A_1497, %swap3A_1498, %swap3A_1499] {strides = array<i32>} : memref<3x80x128xf32, #tpu.memory_space<vmem>>, vector<1x1x16xf32>,
      %swap3A_1501 = vector.shape_cast %swap3A_1500 : vector<1x1x16xf32> to vector<16xf32>
      %swap3A_1502 = vector.shape_cast %broadcast_in_dim3A_120 : vector<16xf32> to vector<1x1x16xf32>
      tpu.vector_store %arg8[%swap3A_1497, %swap3A_1498, %swap3A_1499], %swap3A_1502 {strides = array<i32>} : memref<3x80x128xf32, #tpu.memory_space<vmem>>, vector<1x1x16xf32>,
    }
    %scan3A_125 = arith.constant 80 : i32
    %mul3A_126 = arith.constant 624 : i32
    %mul3A_127 = arith.muli %arg1, %mul3A_126 : i32
    %add3A_128 = arith.constant 0 : i32
    %add3A_129 = arith.addi %mul3A_127, %add3A_128 : i32
    %run_scoped3A = arith.constant 0 : i32
    "tpu.region"() ({
      %run_scoped3A_1447 = tpu.sem_alloc : memref<!tpu.dma_semaphore, #tpu.memory_space<semaphore_mem>>
      %dma_start3A_1448 = arith.constant 0 : i32
      %dma_start3A_1449 = arith.constant 0 : i32
      %dma_start3A_1450 = tpu.memref_slice %arg8[%run_scoped3A, %dma_start3A_1448, %dma_start3A_1449] : memref<3x80x128xf32, #tpu.memory_space<vmem>> -> memref<1x80x128xf32, #tpu.memory_space<vmem>>
      %dma_start3A_1451 = tpu.memref_squeeze %dma_start3A_1450 : memref<1x80x128xf32, #tpu.memory_space<vmem>> -> memref<80x128xf32, #tpu.memory_space<vmem>>
      %dma_start3A_1452 = arith.constant 0 : i32
      %dma_start3A_1453 = tpu.memref_slice %arg9[%add3A_129, %dma_start3A_1452] : memref<10000x128xf32, #tpu.memory_space<vmem_shared>> -> memref<80x128xf32, #tpu.memory_space<vmem_shared>>
      %dma_start3A_1454 = arith.constant 0 : i32
      %dma_start3A_1455 = tpu.memref_slice %arg9[%add3A_129, %dma_start3A_1454] : memref<10000x128xf32, #tpu.memory_space<vmem_shared>> -> memref<80x128xf32, #tpu.memory_space<vmem_shared>>
      %dma_start3A_1456 = arith.constant 0 : i32
      %dma_start3A_1457 = arith.constant 0 : i32
      %dma_start3A_1458 = tpu.memref_slice %arg8[%run_scoped3A, %dma_start3A_1456, %dma_start3A_1457] : memref<3x80x128xf32, #tpu.memory_space<vmem>> -> memref<1x80x128xf32, #tpu.memory_space<vmem>>
      %dma_start3A_1459 = tpu.memref_squeeze %dma_start3A_1458 : memref<1x80x128xf32, #tpu.memory_space<vmem>> -> memref<80x128xf32, #tpu.memory_space<vmem>>
      tpu.enqueue_dma source(%dma_start3A_1459 : memref<80x128xf32, #tpu.memory_space<vmem>>) target(%dma_start3A_1455 : memref<80x128xf32, #tpu.memory_space<vmem_shared>>) target_semaphore(%run_scoped3A_1447 : memref<!tpu.dma_semaphore, #tpu.memory_space<semaphore_mem>>)
      %dma_wait3A_1460 = arith.constant 0 : i32
      %dma_wait3A_1461 = arith.constant 0 : i32
      %dma_wait3A_1462 = tpu.memref_slice %arg8[%run_scoped3A, %dma_wait3A_1460, %dma_wait3A_1461] : memref<3x80x128xf32, #tpu.memory_space<vmem>> -> memref<1x80x128xf32, #tpu.memory_space<vmem>>
      %dma_wait3A_1463 = tpu.memref_squeeze %dma_wait3A_1462 : memref<1x80x128xf32, #tpu.memory_space<vmem>> -> memref<80x128xf32, #tpu.memory_space<vmem>>
      %dma_wait3A_1464 = arith.constant 0 : i32
      %dma_wait3A_1465 = tpu.memref_slice %arg9[%add3A_129, %dma_wait3A_1464] : memref<10000x128xf32, #tpu.memory_space<vmem_shared>> -> memref<80x128xf32, #tpu.memory_space<vmem_shared>>
      %dma_wait3A_1466 = arith.constant 0 : i32
      %dma_wait3A_1467 = tpu.memref_slice %arg9[%add3A_129, %dma_wait3A_1466] : memref<10000x128xf32, #tpu.memory_space<vmem_shared>> -> memref<80x128xf32, #tpu.memory_space<vmem_shared>>
      %dma_wait3A_1468 = arith.constant 0 : i32
      %dma_wait3A_1469 = arith.constant 0 : i32
      %dma_wait3A_1470 = tpu.memref_slice %arg8[%run_scoped3A, %dma_wait3A_1468, %dma_wait3A_1469] : memref<3x80x128xf32, #tpu.memory_space<vmem>> -> memref<1x80x128xf32, #tpu.memory_space<vmem>>
      %dma_wait3A_1471 = tpu.memref_squeeze %dma_wait3A_1470 : memref<1x80x128xf32, #tpu.memory_space<vmem>> -> memref<80x128xf32, #tpu.memory_space<vmem>>
      tpu.wait_dma2 semaphore(%run_scoped3A_1447 : memref<!tpu.dma_semaphore, #tpu.memory_space<semaphore_mem>>) src(%dma_wait3A_1471 : memref<80x128xf32, #tpu.memory_space<vmem>>) dst(%dma_wait3A_1467 : memref<80x128xf32, #tpu.memory_space<vmem_shared>>)
      tpu.yield
    }) : () -> ()
    %add3A_130 = arith.constant 80 : i32
    %add3A_131 = arith.addi %mul3A_127, %add3A_130 : i32
    %run_scoped3A_132 = arith.constant 0 : i32
    "tpu.region"() ({
      %run_scoped3A_1447 = tpu.sem_alloc : memref<!tpu.dma_semaphore, #tpu.memory_space<semaphore_mem>>
      %dma_start3A_1448 = arith.constant 0 : i32
      %dma_start3A_1449 = arith.constant 0 : i32
      %dma_start3A_1450 = tpu.memref_slice %arg8[%run_scoped3A_132, %dma_start3A_1448, %dma_start3A_1449] : memref<3x80x128xf32, #tpu.memory_space<vmem>> -> memref<1x80x128xf32, #tpu.memory_space<vmem>>
      %dma_start3A_1451 = tpu.memref_squeeze %dma_start3A_1450 : memref<1x80x128xf32, #tpu.memory_space<vmem>> -> memref<80x128xf32, #tpu.memory_space<vmem>>
      %dma_start3A_1452 = arith.constant 0 : i32
      %dma_start3A_1453 = tpu.memref_slice %arg9[%add3A_131, %dma_start3A_1452] : memref<10000x128xf32, #tpu.memory_space<vmem_shared>> -> memref<80x128xf32, #tpu.memory_space<vmem_shared>>
      %dma_start3A_1454 = arith.constant 0 : i32
      %dma_start3A_1455 = tpu.memref_slice %arg9[%add3A_131, %dma_start3A_1454] : memref<10000x128xf32, #tpu.memory_space<vmem_shared>> -> memref<80x128xf32, #tpu.memory_space<vmem_shared>>
      %dma_start3A_1456 = arith.constant 0 : i32
      %dma_start3A_1457 = arith.constant 0 : i32
      %dma_start3A_1458 = tpu.memref_slice %arg8[%run_scoped3A_132, %dma_start3A_1456, %dma_start3A_1457] : memref<3x80x128xf32, #tpu.memory_space<vmem>> -> memref<1x80x128xf32, #tpu.memory_space<vmem>>
      %dma_start3A_1459 = tpu.memref_squeeze %dma_start3A_1458 : memref<1x80x128xf32, #tpu.memory_space<vmem>> -> memref<80x128xf32, #tpu.memory_space<vmem>>
      tpu.enqueue_dma source(%dma_start3A_1459 : memref<80x128xf32, #tpu.memory_space<vmem>>) target(%dma_start3A_1455 : memref<80x128xf32, #tpu.memory_space<vmem_shared>>) target_semaphore(%run_scoped3A_1447 : memref<!tpu.dma_semaphore, #tpu.memory_space<semaphore_mem>>)
      %dma_wait3A_1460 = arith.constant 0 : i32
      %dma_wait3A_1461 = arith.constant 0 : i32
      %dma_wait3A_1462 = tpu.memref_slice %arg8[%run_scoped3A_132, %dma_wait3A_1460, %dma_wait3A_1461] : memref<3x80x128xf32, #tpu.memory_space<vmem>> -> memref<1x80x128xf32, #tpu.memory_space<vmem>>
      %dma_wait3A_1463 = tpu.memref_squeeze %dma_wait3A_1462 : memref<1x80x128xf32, #tpu.memory_space<vmem>> -> memref<80x128xf32, #tpu.memory_space<vmem>>
      %dma_wait3A_1464 = arith.constant 0 : i32
      %dma_wait3A_1465 = tpu.memref_slice %arg9[%add3A_131, %dma_wait3A_1464] : memref<10000x128xf32, #tpu.memory_space<vmem_shared>> -> memref<80x128xf32, #tpu.memory_space<vmem_shared>>
      %dma_wait3A_1466 = arith.constant 0 : i32
      %dma_wait3A_1467 = tpu.memref_slice %arg9[%add3A_131, %dma_wait3A_1466] : memref<10000x128xf32, #tpu.memory_space<vmem_shared>> -> memref<80x128xf32, #tpu.memory_space<vmem_shared>>
      %dma_wait3A_1468 = arith.constant 0 : i32
      %dma_wait3A_1469 = arith.constant 0 : i32
      %dma_wait3A_1470 = tpu.memref_slice %arg8[%run_scoped3A_132, %dma_wait3A_1468, %dma_wait3A_1469] : memref<3x80x128xf32, #tpu.memory_space<vmem>> -> memref<1x80x128xf32, #tpu.memory_space<vmem>>
      %dma_wait3A_1471 = tpu.memref_squeeze %dma_wait3A_1470 : memref<1x80x128xf32, #tpu.memory_space<vmem>> -> memref<80x128xf32, #tpu.memory_space<vmem>>
      tpu.wait_dma2 semaphore(%run_scoped3A_1447 : memref<!tpu.dma_semaphore, #tpu.memory_space<semaphore_mem>>) src(%dma_wait3A_1471 : memref<80x128xf32, #tpu.memory_space<vmem>>) dst(%dma_wait3A_1467 : memref<80x128xf32, #tpu.memory_space<vmem_shared>>)
      tpu.yield
    }) : () -> ()
    %add3A_133 = arith.constant 160 : i32
    %add3A_134 = arith.addi %mul3A_127, %add3A_133 : i32
    %run_scoped3A_135 = arith.constant 0 : i32
    "tpu.region"() ({
      %run_scoped3A_1447 = tpu.sem_alloc : memref<!tpu.dma_semaphore, #tpu.memory_space<semaphore_mem>>
      %dma_start3A_1448 = arith.constant 0 : i32
      %dma_start3A_1449 = arith.constant 0 : i32
      %dma_start3A_1450 = tpu.memref_slice %arg8[%run_scoped3A_135, %dma_start3A_1448, %dma_start3A_1449] : memref<3x80x128xf32, #tpu.memory_space<vmem>> -> memref<1x80x128xf32, #tpu.memory_space<vmem>>
      %dma_start3A_1451 = tpu.memref_squeeze %dma_start3A_1450 : memref<1x80x128xf32, #tpu.memory_space<vmem>> -> memref<80x128xf32, #tpu.memory_space<vmem>>
      %dma_start3A_1452 = arith.constant 0 : i32
      %dma_start3A_1453 = tpu.memref_slice %arg9[%add3A_134, %dma_start3A_1452] : memref<10000x128xf32, #tpu.memory_space<vmem_shared>> -> memref<80x128xf32, #tpu.memory_space<vmem_shared>>
      %dma_start3A_1454 = arith.constant 0 : i32
      %dma_start3A_1455 = tpu.memref_slice %arg9[%add3A_134, %dma_start3A_1454] : memref<10000x128xf32, #tpu.memory_space<vmem_shared>> -> memref<80x128xf32, #tpu.memory_space<vmem_shared>>
      %dma_start3A_1456 = arith.constant 0 : i32
      %dma_start3A_1457 = arith.constant 0 : i32
      %dma_start3A_1458 = tpu.memref_slice %arg8[%run_scoped3A_135, %dma_start3A_1456, %dma_start3A_1457] : memref<3x80x128xf32, #tpu.memory_space<vmem>> -> memref<1x80x128xf32, #tpu.memory_space<vmem>>
      %dma_start3A_1459 = tpu.memref_squeeze %dma_start3A_1458 : memref<1x80x128xf32, #tpu.memory_space<vmem>> -> memref<80x128xf32, #tpu.memory_space<vmem>>
      tpu.enqueue_dma source(%dma_start3A_1459 : memref<80x128xf32, #tpu.memory_space<vmem>>) target(%dma_start3A_1455 : memref<80x128xf32, #tpu.memory_space<vmem_shared>>) target_semaphore(%run_scoped3A_1447 : memref<!tpu.dma_semaphore, #tpu.memory_space<semaphore_mem>>)
      %dma_wait3A_1460 = arith.constant 0 : i32
      %dma_wait3A_1461 = arith.constant 0 : i32
      %dma_wait3A_1462 = tpu.memref_slice %arg8[%run_scoped3A_135, %dma_wait3A_1460, %dma_wait3A_1461] : memref<3x80x128xf32, #tpu.memory_space<vmem>> -> memref<1x80x128xf32, #tpu.memory_space<vmem>>
      %dma_wait3A_1463 = tpu.memref_squeeze %dma_wait3A_1462 : memref<1x80x128xf32, #tpu.memory_space<vmem>> -> memref<80x128xf32, #tpu.memory_space<vmem>>
      %dma_wait3A_1464 = arith.constant 0 : i32
      %dma_wait3A_1465 = tpu.memref_slice %arg9[%add3A_134, %dma_wait3A_1464] : memref<10000x128xf32, #tpu.memory_space<vmem_shared>> -> memref<80x128xf32, #tpu.memory_space<vmem_shared>>
      %dma_wait3A_1466 = arith.constant 0 : i32
      %dma_wait3A_1467 = tpu.memref_slice %arg9[%add3A_134, %dma_wait3A_1466] : memref<10000x128xf32, #tpu.memory_space<vmem_shared>> -> memref<80x128xf32, #tpu.memory_space<vmem_shared>>
      %dma_wait3A_1468 = arith.constant 0 : i32
      %dma_wait3A_1469 = arith.constant 0 : i32
      %dma_wait3A_1470 = tpu.memref_slice %arg8[%run_scoped3A_135, %dma_wait3A_1468, %dma_wait3A_1469] : memref<3x80x128xf32, #tpu.memory_space<vmem>> -> memref<1x80x128xf32, #tpu.memory_space<vmem>>
      %dma_wait3A_1471 = tpu.memref_squeeze %dma_wait3A_1470 : memref<1x80x128xf32, #tpu.memory_space<vmem>> -> memref<80x128xf32, #tpu.memory_space<vmem>>
      tpu.wait_dma2 semaphore(%run_scoped3A_1447 : memref<!tpu.dma_semaphore, #tpu.memory_space<semaphore_mem>>) src(%dma_wait3A_1471 : memref<80x128xf32, #tpu.memory_space<vmem>>) dst(%dma_wait3A_1467 : memref<80x128xf32, #tpu.memory_space<vmem_shared>>)
      tpu.yield
    }) : () -> ()
    %add3A_136 = arith.constant 240 : i32
    %add3A_137 = arith.addi %mul3A_127, %add3A_136 : i32
    %run_scoped3A_138 = arith.constant 0 : i32
    "tpu.region"() ({
      %run_scoped3A_1447 = tpu.sem_alloc : memref<!tpu.dma_semaphore, #tpu.memory_space<semaphore_mem>>
      %dma_start3A_1448 = arith.constant 0 : i32
      %dma_start3A_1449 = arith.constant 0 : i32
      %dma_start3A_1450 = tpu.memref_slice %arg8[%run_scoped3A_138, %dma_start3A_1448, %dma_start3A_1449] : memref<3x80x128xf32, #tpu.memory_space<vmem>> -> memref<1x80x128xf32, #tpu.memory_space<vmem>>
      %dma_start3A_1451 = tpu.memref_squeeze %dma_start3A_1450 : memref<1x80x128xf32, #tpu.memory_space<vmem>> -> memref<80x128xf32, #tpu.memory_space<vmem>>
      %dma_start3A_1452 = arith.constant 0 : i32
      %dma_start3A_1453 = tpu.memref_slice %arg9[%add3A_137, %dma_start3A_1452] : memref<10000x128xf32, #tpu.memory_space<vmem_shared>> -> memref<80x128xf32, #tpu.memory_space<vmem_shared>>
      %dma_start3A_1454 = arith.constant 0 : i32
      %dma_start3A_1455 = tpu.memref_slice %arg9[%add3A_137, %dma_start3A_1454] : memref<10000x128xf32, #tpu.memory_space<vmem_shared>> -> memref<80x128xf32, #tpu.memory_space<vmem_shared>>
      %dma_start3A_1456 = arith.constant 0 : i32
      %dma_start3A_1457 = arith.constant 0 : i32
      %dma_start3A_1458 = tpu.memref_slice %arg8[%run_scoped3A_138, %dma_start3A_1456, %dma_start3A_1457] : memref<3x80x128xf32, #tpu.memory_space<vmem>> -> memref<1x80x128xf32, #tpu.memory_space<vmem>>
      %dma_start3A_1459 = tpu.memref_squeeze %dma_start3A_1458 : memref<1x80x128xf32, #tpu.memory_space<vmem>> -> memref<80x128xf32, #tpu.memory_space<vmem>>
      tpu.enqueue_dma source(%dma_start3A_1459 : memref<80x128xf32, #tpu.memory_space<vmem>>) target(%dma_start3A_1455 : memref<80x128xf32, #tpu.memory_space<vmem_shared>>) target_semaphore(%run_scoped3A_1447 : memref<!tpu.dma_semaphore, #tpu.memory_space<semaphore_mem>>)
      %dma_wait3A_1460 = arith.constant 0 : i32
      %dma_wait3A_1461 = arith.constant 0 : i32
      %dma_wait3A_1462 = tpu.memref_slice %arg8[%run_scoped3A_138, %dma_wait3A_1460, %dma_wait3A_1461] : memref<3x80x128xf32, #tpu.memory_space<vmem>> -> memref<1x80x128xf32, #tpu.memory_space<vmem>>
      %dma_wait3A_1463 = tpu.memref_squeeze %dma_wait3A_1462 : memref<1x80x128xf32, #tpu.memory_space<vmem>> -> memref<80x128xf32, #tpu.memory_space<vmem>>
      %dma_wait3A_1464 = arith.constant 0 : i32
      %dma_wait3A_1465 = tpu.memref_slice %arg9[%add3A_137, %dma_wait3A_1464] : memref<10000x128xf32, #tpu.memory_space<vmem_shared>> -> memref<80x128xf32, #tpu.memory_space<vmem_shared>>
      %dma_wait3A_1466 = arith.constant 0 : i32
      %dma_wait3A_1467 = tpu.memref_slice %arg9[%add3A_137, %dma_wait3A_1466] : memref<10000x128xf32, #tpu.memory_space<vmem_shared>> -> memref<80x128xf32, #tpu.memory_space<vmem_shared>>
      %dma_wait3A_1468 = arith.constant 0 : i32
      %dma_wait3A_1469 = arith.constant 0 : i32
      %dma_wait3A_1470 = tpu.memref_slice %arg8[%run_scoped3A_138, %dma_wait3A_1468, %dma_wait3A_1469] : memref<3x80x128xf32, #tpu.memory_space<vmem>> -> memref<1x80x128xf32, #tpu.memory_space<vmem>>
      %dma_wait3A_1471 = tpu.memref_squeeze %dma_wait3A_1470 : memref<1x80x128xf32, #tpu.memory_space<vmem>> -> memref<80x128xf32, #tpu.memory_space<vmem>>
      tpu.wait_dma2 semaphore(%run_scoped3A_1447 : memref<!tpu.dma_semaphore, #tpu.memory_space<semaphore_mem>>) src(%dma_wait3A_1471 : memref<80x128xf32, #tpu.memory_space<vmem>>) dst(%dma_wait3A_1467 : memref<80x128xf32, #tpu.memory_space<vmem_shared>>)
      tpu.yield
    }) : () -> ()
    %add3A_139 = arith.constant 320 : i32
    %add3A_140 = arith.addi %mul3A_127, %add3A_139 : i32
    %run_scoped3A_141 = arith.constant 0 : i32
    "tpu.region"() ({
      %run_scoped3A_1447 = tpu.sem_alloc : memref<!tpu.dma_semaphore, #tpu.memory_space<semaphore_mem>>
      %dma_start3A_1448 = arith.constant 0 : i32
      %dma_start3A_1449 = arith.constant 0 : i32
      %dma_start3A_1450 = tpu.memref_slice %arg8[%run_scoped3A_141, %dma_start3A_1448, %dma_start3A_1449] : memref<3x80x128xf32, #tpu.memory_space<vmem>> -> memref<1x80x128xf32, #tpu.memory_space<vmem>>
      %dma_start3A_1451 = tpu.memref_squeeze %dma_start3A_1450 : memref<1x80x128xf32, #tpu.memory_space<vmem>> -> memref<80x128xf32, #tpu.memory_space<vmem>>
      %dma_start3A_1452 = arith.constant 0 : i32
      %dma_start3A_1453 = tpu.memref_slice %arg9[%add3A_140, %dma_start3A_1452] : memref<10000x128xf32, #tpu.memory_space<vmem_shared>> -> memref<80x128xf32, #tpu.memory_space<vmem_shared>>
      %dma_start3A_1454 = arith.constant 0 : i32
      %dma_start3A_1455 = tpu.memref_slice %arg9[%add3A_140, %dma_start3A_1454] : memref<10000x128xf32, #tpu.memory_space<vmem_shared>> -> memref<80x128xf32, #tpu.memory_space<vmem_shared>>
      %dma_start3A_1456 = arith.constant 0 : i32
      %dma_start3A_1457 = arith.constant 0 : i32
      %dma_start3A_1458 = tpu.memref_slice %arg8[%run_scoped3A_141, %dma_start3A_1456, %dma_start3A_1457] : memref<3x80x128xf32, #tpu.memory_space<vmem>> -> memref<1x80x128xf32, #tpu.memory_space<vmem>>
      %dma_start3A_1459 = tpu.memref_squeeze %dma_start3A_1458 : memref<1x80x128xf32, #tpu.memory_space<vmem>> -> memref<80x128xf32, #tpu.memory_space<vmem>>
      tpu.enqueue_dma source(%dma_start3A_1459 : memref<80x128xf32, #tpu.memory_space<vmem>>) target(%dma_start3A_1455 : memref<80x128xf32, #tpu.memory_space<vmem_shared>>) target_semaphore(%run_scoped3A_1447 : memref<!tpu.dma_semaphore, #tpu.memory_space<semaphore_mem>>)
      %dma_wait3A_1460 = arith.constant 0 : i32
      %dma_wait3A_1461 = arith.constant 0 : i32
      %dma_wait3A_1462 = tpu.memref_slice %arg8[%run_scoped3A_141, %dma_wait3A_1460, %dma_wait3A_1461] : memref<3x80x128xf32, #tpu.memory_space<vmem>> -> memref<1x80x128xf32, #tpu.memory_space<vmem>>
      %dma_wait3A_1463 = tpu.memref_squeeze %dma_wait3A_1462 : memref<1x80x128xf32, #tpu.memory_space<vmem>> -> memref<80x128xf32, #tpu.memory_space<vmem>>
      %dma_wait3A_1464 = arith.constant 0 : i32
      %dma_wait3A_1465 = tpu.memref_slice %arg9[%add3A_140, %dma_wait3A_1464] : memref<10000x128xf32, #tpu.memory_space<vmem_shared>> -> memref<80x128xf32, #tpu.memory_space<vmem_shared>>
      %dma_wait3A_1466 = arith.constant 0 : i32
      %dma_wait3A_1467 = tpu.memref_slice %arg9[%add3A_140, %dma_wait3A_1466] : memref<10000x128xf32, #tpu.memory_space<vmem_shared>> -> memref<80x128xf32, #tpu.memory_space<vmem_shared>>
      %dma_wait3A_1468 = arith.constant 0 : i32
      %dma_wait3A_1469 = arith.constant 0 : i32
      %dma_wait3A_1470 = tpu.memref_slice %arg8[%run_scoped3A_141, %dma_wait3A_1468, %dma_wait3A_1469] : memref<3x80x128xf32, #tpu.memory_space<vmem>> -> memref<1x80x128xf32, #tpu.memory_space<vmem>>
      %dma_wait3A_1471 = tpu.memref_squeeze %dma_wait3A_1470 : memref<1x80x128xf32, #tpu.memory_space<vmem>> -> memref<80x128xf32, #tpu.memory_space<vmem>>
      tpu.wait_dma2 semaphore(%run_scoped3A_1447 : memref<!tpu.dma_semaphore, #tpu.memory_space<semaphore_mem>>) src(%dma_wait3A_1471 : memref<80x128xf32, #tpu.memory_space<vmem>>) dst(%dma_wait3A_1467 : memref<80x128xf32, #tpu.memory_space<vmem_shared>>)
      tpu.yield
    }) : () -> ()
    %add3A_142 = arith.constant 400 : i32
    %add3A_143 = arith.addi %mul3A_127, %add3A_142 : i32
    %run_scoped3A_144 = arith.constant 0 : i32
    "tpu.region"() ({
      %run_scoped3A_1447 = tpu.sem_alloc : memref<!tpu.dma_semaphore, #tpu.memory_space<semaphore_mem>>
      %dma_start3A_1448 = arith.constant 0 : i32
      %dma_start3A_1449 = arith.constant 0 : i32
      %dma_start3A_1450 = tpu.memref_slice %arg8[%run_scoped3A_144, %dma_start3A_1448, %dma_start3A_1449] : memref<3x80x128xf32, #tpu.memory_space<vmem>> -> memref<1x80x128xf32, #tpu.memory_space<vmem>>
      %dma_start3A_1451 = tpu.memref_squeeze %dma_start3A_1450 : memref<1x80x128xf32, #tpu.memory_space<vmem>> -> memref<80x128xf32, #tpu.memory_space<vmem>>
      %dma_start3A_1452 = arith.constant 0 : i32
      %dma_start3A_1453 = tpu.memref_slice %arg9[%add3A_143, %dma_start3A_1452] : memref<10000x128xf32, #tpu.memory_space<vmem_shared>> -> memref<80x128xf32, #tpu.memory_space<vmem_shared>>
      %dma_start3A_1454 = arith.constant 0 : i32
      %dma_start3A_1455 = tpu.memref_slice %arg9[%add3A_143, %dma_start3A_1454] : memref<10000x128xf32, #tpu.memory_space<vmem_shared>> -> memref<80x128xf32, #tpu.memory_space<vmem_shared>>
      %dma_start3A_1456 = arith.constant 0 : i32
      %dma_start3A_1457 = arith.constant 0 : i32
      %dma_start3A_1458 = tpu.memref_slice %arg8[%run_scoped3A_144, %dma_start3A_1456, %dma_start3A_1457] : memref<3x80x128xf32, #tpu.memory_space<vmem>> -> memref<1x80x128xf32, #tpu.memory_space<vmem>>
      %dma_start3A_1459 = tpu.memref_squeeze %dma_start3A_1458 : memref<1x80x128xf32, #tpu.memory_space<vmem>> -> memref<80x128xf32, #tpu.memory_space<vmem>>
      tpu.enqueue_dma source(%dma_start3A_1459 : memref<80x128xf32, #tpu.memory_space<vmem>>) target(%dma_start3A_1455 : memref<80x128xf32, #tpu.memory_space<vmem_shared>>) target_semaphore(%run_scoped3A_1447 : memref<!tpu.dma_semaphore, #tpu.memory_space<semaphore_mem>>)
      %dma_wait3A_1460 = arith.constant 0 : i32
      %dma_wait3A_1461 = arith.constant 0 : i32
      %dma_wait3A_1462 = tpu.memref_slice %arg8[%run_scoped3A_144, %dma_wait3A_1460, %dma_wait3A_1461] : memref<3x80x128xf32, #tpu.memory_space<vmem>> -> memref<1x80x128xf32, #tpu.memory_space<vmem>>
      %dma_wait3A_1463 = tpu.memref_squeeze %dma_wait3A_1462 : memref<1x80x128xf32, #tpu.memory_space<vmem>> -> memref<80x128xf32, #tpu.memory_space<vmem>>
      %dma_wait3A_1464 = arith.constant 0 : i32
      %dma_wait3A_1465 = tpu.memref_slice %arg9[%add3A_143, %dma_wait3A_1464] : memref<10000x128xf32, #tpu.memory_space<vmem_shared>> -> memref<80x128xf32, #tpu.memory_space<vmem_shared>>
      %dma_wait3A_1466 = arith.constant 0 : i32
      %dma_wait3A_1467 = tpu.memref_slice %arg9[%add3A_143, %dma_wait3A_1466] : memref<10000x128xf32, #tpu.memory_space<vmem_shared>> -> memref<80x128xf32, #tpu.memory_space<vmem_shared>>
      %dma_wait3A_1468 = arith.constant 0 : i32
      %dma_wait3A_1469 = arith.constant 0 : i32
      %dma_wait3A_1470 = tpu.memref_slice %arg8[%run_scoped3A_144, %dma_wait3A_1468, %dma_wait3A_1469] : memref<3x80x128xf32, #tpu.memory_space<vmem>> -> memref<1x80x128xf32, #tpu.memory_space<vmem>>
      %dma_wait3A_1471 = tpu.memref_squeeze %dma_wait3A_1470 : memref<1x80x128xf32, #tpu.memory_space<vmem>> -> memref<80x128xf32, #tpu.memory_space<vmem>>
      tpu.wait_dma2 semaphore(%run_scoped3A_1447 : memref<!tpu.dma_semaphore, #tpu.memory_space<semaphore_mem>>) src(%dma_wait3A_1471 : memref<80x128xf32, #tpu.memory_space<vmem>>) dst(%dma_wait3A_1467 : memref<80x128xf32, #tpu.memory_space<vmem_shared>>)
      tpu.yield
    }) : () -> ()
    %add3A_145 = arith.constant 480 : i32
    %add3A_146 = arith.addi %mul3A_127, %add3A_145 : i32
    %run_scoped3A_147 = arith.constant 0 : i32
    "tpu.region"() ({
      %run_scoped3A_1447 = tpu.sem_alloc : memref<!tpu.dma_semaphore, #tpu.memory_space<semaphore_mem>>
      %dma_start3A_1448 = arith.constant 0 : i32
      %dma_start3A_1449 = arith.constant 0 : i32
      %dma_start3A_1450 = tpu.memref_slice %arg8[%run_scoped3A_147, %dma_start3A_1448, %dma_start3A_1449] : memref<3x80x128xf32, #tpu.memory_space<vmem>> -> memref<1x80x128xf32, #tpu.memory_space<vmem>>
      %dma_start3A_1451 = tpu.memref_squeeze %dma_start3A_1450 : memref<1x80x128xf32, #tpu.memory_space<vmem>> -> memref<80x128xf32, #tpu.memory_space<vmem>>
      %dma_start3A_1452 = arith.constant 0 : i32
      %dma_start3A_1453 = tpu.memref_slice %arg9[%add3A_146, %dma_start3A_1452] : memref<10000x128xf32, #tpu.memory_space<vmem_shared>> -> memref<80x128xf32, #tpu.memory_space<vmem_shared>>
      %dma_start3A_1454 = arith.constant 0 : i32
      %dma_start3A_1455 = tpu.memref_slice %arg9[%add3A_146, %dma_start3A_1454] : memref<10000x128xf32, #tpu.memory_space<vmem_shared>> -> memref<80x128xf32, #tpu.memory_space<vmem_shared>>
      %dma_start3A_1456 = arith.constant 0 : i32
      %dma_start3A_1457 = arith.constant 0 : i32
      %dma_start3A_1458 = tpu.memref_slice %arg8[%run_scoped3A_147, %dma_start3A_1456, %dma_start3A_1457] : memref<3x80x128xf32, #tpu.memory_space<vmem>> -> memref<1x80x128xf32, #tpu.memory_space<vmem>>
      %dma_start3A_1459 = tpu.memref_squeeze %dma_start3A_1458 : memref<1x80x128xf32, #tpu.memory_space<vmem>> -> memref<80x128xf32, #tpu.memory_space<vmem>>
      tpu.enqueue_dma source(%dma_start3A_1459 : memref<80x128xf32, #tpu.memory_space<vmem>>) target(%dma_start3A_1455 : memref<80x128xf32, #tpu.memory_space<vmem_shared>>) target_semaphore(%run_scoped3A_1447 : memref<!tpu.dma_semaphore, #tpu.memory_space<semaphore_mem>>)
      %dma_wait3A_1460 = arith.constant 0 : i32
      %dma_wait3A_1461 = arith.constant 0 : i32
      %dma_wait3A_1462 = tpu.memref_slice %arg8[%run_scoped3A_147, %dma_wait3A_1460, %dma_wait3A_1461] : memref<3x80x128xf32, #tpu.memory_space<vmem>> -> memref<1x80x128xf32, #tpu.memory_space<vmem>>
      %dma_wait3A_1463 = tpu.memref_squeeze %dma_wait3A_1462 : memref<1x80x128xf32, #tpu.memory_space<vmem>> -> memref<80x128xf32, #tpu.memory_space<vmem>>
      %dma_wait3A_1464 = arith.constant 0 : i32
      %dma_wait3A_1465 = tpu.memref_slice %arg9[%add3A_146, %dma_wait3A_1464] : memref<10000x128xf32, #tpu.memory_space<vmem_shared>> -> memref<80x128xf32, #tpu.memory_space<vmem_shared>>
      %dma_wait3A_1466 = arith.constant 0 : i32
      %dma_wait3A_1467 = tpu.memref_slice %arg9[%add3A_146, %dma_wait3A_1466] : memref<10000x128xf32, #tpu.memory_space<vmem_shared>> -> memref<80x128xf32, #tpu.memory_space<vmem_shared>>
      %dma_wait3A_1468 = arith.constant 0 : i32
      %dma_wait3A_1469 = arith.constant 0 : i32
      %dma_wait3A_1470 = tpu.memref_slice %arg8[%run_scoped3A_147, %dma_wait3A_1468, %dma_wait3A_1469] : memref<3x80x128xf32, #tpu.memory_space<vmem>> -> memref<1x80x128xf32, #tpu.memory_space<vmem>>
      %dma_wait3A_1471 = tpu.memref_squeeze %dma_wait3A_1470 : memref<1x80x128xf32, #tpu.memory_space<vmem>> -> memref<80x128xf32, #tpu.memory_space<vmem>>
      tpu.wait_dma2 semaphore(%run_scoped3A_1447 : memref<!tpu.dma_semaphore, #tpu.memory_space<semaphore_mem>>) src(%dma_wait3A_1471 : memref<80x128xf32, #tpu.memory_space<vmem>>) dst(%dma_wait3A_1467 : memref<80x128xf32, #tpu.memory_space<vmem_shared>>)
      tpu.yield
    }) : () -> ()
    %add3A_148 = arith.constant 560 : i32
    %add3A_149 = arith.addi %mul3A_127, %add3A_148 : i32
    %run_scoped3A_150 = arith.constant 0 : i32
    "tpu.region"() ({
      %run_scoped3A_1447 = tpu.sem_alloc : memref<!tpu.dma_semaphore, #tpu.memory_space<semaphore_mem>>
      %dma_start3A_1448 = arith.constant 0 : i32
      %dma_start3A_1449 = arith.constant 0 : i32
      %dma_start3A_1450 = tpu.memref_slice %arg8[%run_scoped3A_150, %dma_start3A_1448, %dma_start3A_1449] : memref<3x80x128xf32, #tpu.memory_space<vmem>> -> memref<1x64x128xf32, #tpu.memory_space<vmem>>
      %dma_start3A_1451 = tpu.memref_squeeze %dma_start3A_1450 : memref<1x64x128xf32, #tpu.memory_space<vmem>> -> memref<64x128xf32, #tpu.memory_space<vmem>>
      %dma_start3A_1452 = arith.constant 0 : i32
      %dma_start3A_1453 = tpu.memref_slice %arg9[%add3A_149, %dma_start3A_1452] : memref<10000x128xf32, #tpu.memory_space<vmem_shared>> -> memref<64x128xf32, #tpu.memory_space<vmem_shared>>
      %dma_start3A_1454 = arith.constant 0 : i32
      %dma_start3A_1455 = tpu.memref_slice %arg9[%add3A_149, %dma_start3A_1454] : memref<10000x128xf32, #tpu.memory_space<vmem_shared>> -> memref<64x128xf32, #tpu.memory_space<vmem_shared>>
      %dma_start3A_1456 = arith.constant 0 : i32
      %dma_start3A_1457 = arith.constant 0 : i32
      %dma_start3A_1458 = tpu.memref_slice %arg8[%run_scoped3A_150, %dma_start3A_1456, %dma_start3A_1457] : memref<3x80x128xf32, #tpu.memory_space<vmem>> -> memref<1x64x128xf32, #tpu.memory_space<vmem>>
      %dma_start3A_1459 = tpu.memref_squeeze %dma_start3A_1458 : memref<1x64x128xf32, #tpu.memory_space<vmem>> -> memref<64x128xf32, #tpu.memory_space<vmem>>
      tpu.enqueue_dma source(%dma_start3A_1459 : memref<64x128xf32, #tpu.memory_space<vmem>>) target(%dma_start3A_1455 : memref<64x128xf32, #tpu.memory_space<vmem_shared>>) target_semaphore(%run_scoped3A_1447 : memref<!tpu.dma_semaphore, #tpu.memory_space<semaphore_mem>>)
      %dma_wait3A_1460 = arith.constant 0 : i32
      %dma_wait3A_1461 = arith.constant 0 : i32
      %dma_wait3A_1462 = tpu.memref_slice %arg8[%run_scoped3A_150, %dma_wait3A_1460, %dma_wait3A_1461] : memref<3x80x128xf32, #tpu.memory_space<vmem>> -> memref<1x64x128xf32, #tpu.memory_space<vmem>>
      %dma_wait3A_1463 = tpu.memref_squeeze %dma_wait3A_1462 : memref<1x64x128xf32, #tpu.memory_space<vmem>> -> memref<64x128xf32, #tpu.memory_space<vmem>>
      %dma_wait3A_1464 = arith.constant 0 : i32
      %dma_wait3A_1465 = tpu.memref_slice %arg9[%add3A_149, %dma_wait3A_1464] : memref<10000x128xf32, #tpu.memory_space<vmem_shared>> -> memref<64x128xf32, #tpu.memory_space<vmem_shared>>
      %dma_wait3A_1466 = arith.constant 0 : i32
      %dma_wait3A_1467 = tpu.memref_slice %arg9[%add3A_149, %dma_wait3A_1466] : memref<10000x128xf32, #tpu.memory_space<vmem_shared>> -> memref<64x128xf32, #tpu.memory_space<vmem_shared>>
      %dma_wait3A_1468 = arith.constant 0 : i32
      %dma_wait3A_1469 = arith.constant 0 : i32
      %dma_wait3A_1470 = tpu.memref_slice %arg8[%run_scoped3A_150, %dma_wait3A_1468, %dma_wait3A_1469] : memref<3x80x128xf32, #tpu.memory_space<vmem>> -> memref<1x64x128xf32, #tpu.memory_space<vmem>>
      %dma_wait3A_1471 = tpu.memref_squeeze %dma_wait3A_1470 : memref<1x64x128xf32, #tpu.memory_space<vmem>> -> memref<64x128xf32, #tpu.memory_space<vmem>>
      tpu.wait_dma2 semaphore(%run_scoped3A_1447 : memref<!tpu.dma_semaphore, #tpu.memory_space<semaphore_mem>>) src(%dma_wait3A_1471 : memref<64x128xf32, #tpu.memory_space<vmem>>) dst(%dma_wait3A_1467 : memref<64x128xf32, #tpu.memory_space<vmem_shared>>)
      tpu.yield
    }) : () -> ()
    %eq3A = arith.constant 15 : i32
    %eq3A_151 = arith.cmpi eq, %arg1, %eq3A : i32
    %convert_element_type3A = arith.extui %eq3A_151 : i1 to i32
    %cond3A = arith.constant 0 : i32
    %cond3A_152 = arith.cmpi ne, %convert_element_type3A, %cond3A : i32
    scf.if %cond3A_152 {
      %run_scoped3A_1447 = arith.constant 0 : i32
      "tpu.region"() ({
        %run_scoped3A_1448 = tpu.sem_alloc : memref<!tpu.dma_semaphore, #tpu.memory_space<semaphore_mem>>
        %dma_start3A_1449 = arith.constant 0 : i32
        %dma_start3A_1450 = arith.constant 0 : i32
        %dma_start3A_1451 = tpu.memref_slice %arg8[%run_scoped3A_1447, %dma_start3A_1449, %dma_start3A_1450] : memref<3x80x128xf32, #tpu.memory_space<vmem>> -> memref<1x16x128xf32, #tpu.memory_space<vmem>>
        %dma_start3A_1452 = tpu.memref_squeeze %dma_start3A_1451 : memref<1x16x128xf32, #tpu.memory_space<vmem>> -> memref<16x128xf32, #tpu.memory_space<vmem>>
        %dma_start3A_1453 = arith.constant 9984 : i32
        %dma_start3A_1454 = arith.constant 0 : i32
        %dma_start3A_1455 = tpu.memref_slice %arg9[%dma_start3A_1453, %dma_start3A_1454] : memref<10000x128xf32, #tpu.memory_space<vmem_shared>> -> memref<16x128xf32, #tpu.memory_space<vmem_shared>>
        %dma_start3A_1456 = arith.constant 9984 : i32
        %dma_start3A_1457 = arith.constant 0 : i32
        %dma_start3A_1458 = tpu.memref_slice %arg9[%dma_start3A_1456, %dma_start3A_1457] : memref<10000x128xf32, #tpu.memory_space<vmem_shared>> -> memref<16x128xf32, #tpu.memory_space<vmem_shared>>
        %dma_start3A_1459 = arith.constant 0 : i32
        %dma_start3A_1460 = arith.constant 0 : i32
        %dma_start3A_1461 = tpu.memref_slice %arg8[%run_scoped3A_1447, %dma_start3A_1459, %dma_start3A_1460] : memref<3x80x128xf32, #tpu.memory_space<vmem>> -> memref<1x16x128xf32, #tpu.memory_space<vmem>>
        %dma_start3A_1462 = tpu.memref_squeeze %dma_start3A_1461 : memref<1x16x128xf32, #tpu.memory_space<vmem>> -> memref<16x128xf32, #tpu.memory_space<vmem>>
        tpu.enqueue_dma source(%dma_start3A_1462 : memref<16x128xf32, #tpu.memory_space<vmem>>) target(%dma_start3A_1458 : memref<16x128xf32, #tpu.memory_space<vmem_shared>>) target_semaphore(%run_scoped3A_1448 : memref<!tpu.dma_semaphore, #tpu.memory_space<semaphore_mem>>)
        %dma_wait3A_1463 = arith.constant 0 : i32
        %dma_wait3A_1464 = arith.constant 0 : i32
        %dma_wait3A_1465 = tpu.memref_slice %arg8[%run_scoped3A_1447, %dma_wait3A_1463, %dma_wait3A_1464] : memref<3x80x128xf32, #tpu.memory_space<vmem>> -> memref<1x16x128xf32, #tpu.memory_space<vmem>>
        %dma_wait3A_1466 = tpu.memref_squeeze %dma_wait3A_1465 : memref<1x16x128xf32, #tpu.memory_space<vmem>> -> memref<16x128xf32, #tpu.memory_space<vmem>>
        %dma_wait3A_1467 = arith.constant 9984 : i32
        %dma_wait3A_1468 = arith.constant 0 : i32
        %dma_wait3A_1469 = tpu.memref_slice %arg9[%dma_wait3A_1467, %dma_wait3A_1468] : memref<10000x128xf32, #tpu.memory_space<vmem_shared>> -> memref<16x128xf32, #tpu.memory_space<vmem_shared>>
        %dma_wait3A_1470 = arith.constant 9984 : i32
        %dma_wait3A_1471 = arith.constant 0 : i32
        %dma_wait3A_1472 = tpu.memref_slice %arg9[%dma_wait3A_1470, %dma_wait3A_1471] : memref<10000x128xf32, #tpu.memory_space<vmem_shared>> -> memref<16x128xf32, #tpu.memory_space<vmem_shared>>
        %dma_wait3A_1473 = arith.constant 0 : i32
        %dma_wait3A_1474 = arith.constant 0 : i32
        %dma_wait3A_1475 = tpu.memref_slice %arg8[%run_scoped3A_1447, %dma_wait3A_1473, %dma_wait3A_1474] : memref<3x80x128xf32, #tpu.memory_space<vmem>> -> memref<1x16x128xf32, #tpu.memory_space<vmem>>
        %dma_wait3A_1476 = tpu.memref_squeeze %dma_wait3A_1475 : memref<1x16x128xf32, #tpu.memory_space<vmem>> -> memref<16x128xf32, #tpu.memory_space<vmem>>
        tpu.wait_dma2 semaphore(%run_scoped3A_1448 : memref<!tpu.dma_semaphore, #tpu.memory_space<semaphore_mem>>) src(%dma_wait3A_1476 : memref<16x128xf32, #tpu.memory_space<vmem>>) dst(%dma_wait3A_1472 : memref<16x128xf32, #tpu.memory_space<vmem_shared>>)
        tpu.yield
      }) : () -> ()
    } else {
    }
    %barrier3A = arith.constant 0 : index
    tpu.barrier barrier_id(%barrier3A)
    %mul3A_153 = arith.constant 250 : i32
    %mul3A_154 = arith.muli %add3A, %mul3A_153 : i32
    %add3A_155 = arith.constant 3 : i32
    %add3A_156 = arith.addi %mul3A_154, %add3A_155 : i32
    %dma_start3A_157 = arith.constant 3 : i32
    %dma_start3A_158 = arith.constant 3 : i32
    %dma_start3A_159 = arith.constant 0 : i32
    %dma_start3A_160 = tpu.memref_slice %arg6[%dma_start3A_157, %dma_start3A_159] : memref<6x80xi32, #tpu.memory_space<vmem>> -> memref<1x80xi32, #tpu.memory_space<vmem>>
    %dma_start3A_161 = tpu.memref_squeeze %dma_start3A_160 : memref<1x80xi32, #tpu.memory_space<vmem>> -> memref<80xi32, #tpu.memory_space<vmem>>
    %dma_start3A_162 = arith.constant 0 : i32
    %dma_start3A_163 = tpu.memref_slice %arg3[%add3A_156, %dma_start3A_162] : memref<8000x80xi32, #tpu.memory_space<hbm>> -> memref<1x80xi32, #tpu.memory_space<hbm>>
    %dma_start3A_164 = tpu.memref_squeeze %dma_start3A_163 : memref<1x80xi32, #tpu.memory_space<hbm>> -> memref<80xi32, #tpu.memory_space<hbm>>
    %dma_start3A_165 = tpu.memref_slice %arg12[%dma_start3A_158] : memref<6x!tpu.dma_semaphore, #tpu.memory_space<semaphore_mem>> -> memref<1x!tpu.dma_semaphore, #tpu.memory_space<semaphore_mem>>
    %dma_start3A_166 = tpu.memref_squeeze %dma_start3A_165 : memref<1x!tpu.dma_semaphore, #tpu.memory_space<semaphore_mem>> -> memref<!tpu.dma_semaphore, #tpu.memory_space<semaphore_mem>>
    %dma_start3A_167 = arith.constant 0 : i32
    %dma_start3A_168 = tpu.memref_slice %arg6[%dma_start3A_157, %dma_start3A_167] : memref<6x80xi32, #tpu.memory_space<vmem>> -> memref<1x80xi32, #tpu.memory_space<vmem>>
    %dma_start3A_169 = tpu.memref_squeeze %dma_start3A_168 : memref<1x80xi32, #tpu.memory_space<vmem>> -> memref<80xi32, #tpu.memory_space<vmem>>
    %dma_start3A_170 = arith.constant 0 : i32
    %dma_start3A_171 = tpu.memref_slice %arg3[%add3A_156, %dma_start3A_170] : memref<8000x80xi32, #tpu.memory_space<hbm>> -> memref<1x80xi32, #tpu.memory_space<hbm>>
    %dma_start3A_172 = tpu.memref_squeeze %dma_start3A_171 : memref<1x80xi32, #tpu.memory_space<hbm>> -> memref<80xi32, #tpu.memory_space<hbm>>
    tpu.enqueue_dma source(%dma_start3A_172 : memref<80xi32, #tpu.memory_space<hbm>>) target(%dma_start3A_169 : memref<80xi32, #tpu.memory_space<vmem>>) target_semaphore(%dma_start3A_166 : memref<!tpu.dma_semaphore, #tpu.memory_space<semaphore_mem>>)
    %mul3A_173 = arith.constant 250 : i32
    %mul3A_174 = arith.muli %arg1, %mul3A_173 : i32
    %add3A_175 = arith.constant 3 : i32
    %add3A_176 = arith.addi %mul3A_174, %add3A_175 : i32
    %dma_start3A_177 = arith.constant 3 : i32
    %dma_start3A_178 = arith.constant 3 : i32
    %dma_start3A_179 = arith.constant 0 : i32
    %dma_start3A_180 = tpu.memref_slice %arg7[%dma_start3A_177, %dma_start3A_179] : memref<6x80xi32, #tpu.memory_space<vmem>> -> memref<1x80xi32, #tpu.memory_space<vmem>>
    %dma_start3A_181 = tpu.memref_squeeze %dma_start3A_180 : memref<1x80xi32, #tpu.memory_space<vmem>> -> memref<80xi32, #tpu.memory_space<vmem>>
    %dma_start3A_182 = arith.constant 0 : i32
    %dma_start3A_183 = tpu.memref_slice %arg4[%add3A_176, %dma_start3A_182] : memref<4000x80xi32, #tpu.memory_space<hbm>> -> memref<1x80xi32, #tpu.memory_space<hbm>>
    %dma_start3A_184 = tpu.memref_squeeze %dma_start3A_183 : memref<1x80xi32, #tpu.memory_space<hbm>> -> memref<80xi32, #tpu.memory_space<hbm>>
    %dma_start3A_185 = tpu.memref_slice %arg12[%dma_start3A_178] : memref<6x!tpu.dma_semaphore, #tpu.memory_space<semaphore_mem>> -> memref<1x!tpu.dma_semaphore, #tpu.memory_space<semaphore_mem>>
    %dma_start3A_186 = tpu.memref_squeeze %dma_start3A_185 : memref<1x!tpu.dma_semaphore, #tpu.memory_space<semaphore_mem>> -> memref<!tpu.dma_semaphore, #tpu.memory_space<semaphore_mem>>
    %dma_start3A_187 = arith.constant 0 : i32
    %dma_start3A_188 = tpu.memref_slice %arg7[%dma_start3A_177, %dma_start3A_187] : memref<6x80xi32, #tpu.memory_space<vmem>> -> memref<1x80xi32, #tpu.memory_space<vmem>>
    %dma_start3A_189 = tpu.memref_squeeze %dma_start3A_188 : memref<1x80xi32, #tpu.memory_space<vmem>> -> memref<80xi32, #tpu.memory_space<vmem>>
    %dma_start3A_190 = arith.constant 0 : i32
    %dma_start3A_191 = tpu.memref_slice %arg4[%add3A_176, %dma_start3A_190] : memref<4000x80xi32, #tpu.memory_space<hbm>> -> memref<1x80xi32, #tpu.memory_space<hbm>>
    %dma_start3A_192 = tpu.memref_squeeze %dma_start3A_191 : memref<1x80xi32, #tpu.memory_space<hbm>> -> memref<80xi32, #tpu.memory_space<hbm>>
    tpu.enqueue_dma source(%dma_start3A_192 : memref<80xi32, #tpu.memory_space<hbm>>) target(%dma_start3A_189 : memref<80xi32, #tpu.memory_space<vmem>>) target_semaphore(%dma_start3A_186 : memref<!tpu.dma_semaphore, #tpu.memory_space<semaphore_mem>>)
    %mul3A_193 = arith.constant 250 : i32
    %mul3A_194 = arith.muli %add3A, %mul3A_193 : i32
    %add3A_195 = arith.constant 0 : i32
    %add3A_196 = arith.addi %mul3A_194, %add3A_195 : i32
    %dma_wait3A = arith.constant 0 : i32
    %dma_wait3A_197 = arith.constant 0 : i32
    %dma_wait3A_198 = arith.constant 0 : i32
    %dma_wait3A_199 = tpu.memref_slice %arg6[%dma_wait3A, %dma_wait3A_198] : memref<6x80xi32, #tpu.memory_space<vmem>> -> memref<1x80xi32, #tpu.memory_space<vmem>>
    %dma_wait3A_200 = tpu.memref_squeeze %dma_wait3A_199 : memref<1x80xi32, #tpu.memory_space<vmem>> -> memref<80xi32, #tpu.memory_space<vmem>>
    %dma_wait3A_201 = arith.constant 0 : i32
    %dma_wait3A_202 = tpu.memref_slice %arg3[%add3A_196, %dma_wait3A_201] : memref<8000x80xi32, #tpu.memory_space<hbm>> -> memref<1x80xi32, #tpu.memory_space<hbm>>
    %dma_wait3A_203 = tpu.memref_squeeze %dma_wait3A_202 : memref<1x80xi32, #tpu.memory_space<hbm>> -> memref<80xi32, #tpu.memory_space<hbm>>
    %dma_wait3A_204 = tpu.memref_slice %arg12[%dma_wait3A_197] : memref<6x!tpu.dma_semaphore, #tpu.memory_space<semaphore_mem>> -> memref<1x!tpu.dma_semaphore, #tpu.memory_space<semaphore_mem>>
    %dma_wait3A_205 = tpu.memref_squeeze %dma_wait3A_204 : memref<1x!tpu.dma_semaphore, #tpu.memory_space<semaphore_mem>> -> memref<!tpu.dma_semaphore, #tpu.memory_space<semaphore_mem>>
    %dma_wait3A_206 = arith.constant 0 : i32
    %dma_wait3A_207 = tpu.memref_slice %arg6[%dma_wait3A, %dma_wait3A_206] : memref<6x80xi32, #tpu.memory_space<vmem>> -> memref<1x80xi32, #tpu.memory_space<vmem>>
    %dma_wait3A_208 = tpu.memref_squeeze %dma_wait3A_207 : memref<1x80xi32, #tpu.memory_space<vmem>> -> memref<80xi32, #tpu.memory_space<vmem>>
    %dma_wait3A_209 = arith.constant 0 : i32
    %dma_wait3A_210 = tpu.memref_slice %arg3[%add3A_196, %dma_wait3A_209] : memref<8000x80xi32, #tpu.memory_space<hbm>> -> memref<1x80xi32, #tpu.memory_space<hbm>>
    %dma_wait3A_211 = tpu.memref_squeeze %dma_wait3A_210 : memref<1x80xi32, #tpu.memory_space<hbm>> -> memref<80xi32, #tpu.memory_space<hbm>>
    tpu.wait_dma2 semaphore(%dma_wait3A_205 : memref<!tpu.dma_semaphore, #tpu.memory_space<semaphore_mem>>) src(%dma_wait3A_211 : memref<80xi32, #tpu.memory_space<hbm>>) dst(%dma_wait3A_208 : memref<80xi32, #tpu.memory_space<vmem>>)
    %mul3A_212 = arith.constant 250 : i32
    %mul3A_213 = arith.muli %arg1, %mul3A_212 : i32
    %add3A_214 = arith.constant 0 : i32
    %add3A_215 = arith.addi %mul3A_213, %add3A_214 : i32
    %dma_wait3A_216 = arith.constant 0 : i32
    %dma_wait3A_217 = arith.constant 0 : i32
    %dma_wait3A_218 = arith.constant 0 : i32
    %dma_wait3A_219 = tpu.memref_slice %arg7[%dma_wait3A_216, %dma_wait3A_218] : memref<6x80xi32, #tpu.memory_space<vmem>> -> memref<1x80xi32, #tpu.memory_space<vmem>>
    %dma_wait3A_220 = tpu.memref_squeeze %dma_wait3A_219 : memref<1x80xi32, #tpu.memory_space<vmem>> -> memref<80xi32, #tpu.memory_space<vmem>>
    %dma_wait3A_221 = arith.constant 0 : i32
    %dma_wait3A_222 = tpu.memref_slice %arg4[%add3A_215, %dma_wait3A_221] : memref<4000x80xi32, #tpu.memory_space<hbm>> -> memref<1x80xi32, #tpu.memory_space<hbm>>
    %dma_wait3A_223 = tpu.memref_squeeze %dma_wait3A_222 : memref<1x80xi32, #tpu.memory_space<hbm>> -> memref<80xi32, #tpu.memory_space<hbm>>
    %dma_wait3A_224 = tpu.memref_slice %arg12[%dma_wait3A_217] : memref<6x!tpu.dma_semaphore, #tpu.memory_space<semaphore_mem>> -> memref<1x!tpu.dma_semaphore, #tpu.memory_space<semaphore_mem>>
    %dma_wait3A_225 = tpu.memref_squeeze %dma_wait3A_224 : memref<1x!tpu.dma_semaphore, #tpu.memory_space<semaphore_mem>> -> memref<!tpu.dma_semaphore, #tpu.memory_space<semaphore_mem>>
    %dma_wait3A_226 = arith.constant 0 : i32
    %dma_wait3A_227 = tpu.memref_slice %arg7[%dma_wait3A_216, %dma_wait3A_226] : memref<6x80xi32, #tpu.memory_space<vmem>> -> memref<1x80xi32, #tpu.memory_space<vmem>>
    %dma_wait3A_228 = tpu.memref_squeeze %dma_wait3A_227 : memref<1x80xi32, #tpu.memory_space<vmem>> -> memref<80xi32, #tpu.memory_space<vmem>>
    %dma_wait3A_229 = arith.constant 0 : i32
    %dma_wait3A_230 = tpu.memref_slice %arg4[%add3A_215, %dma_wait3A_229] : memref<4000x80xi32, #tpu.memory_space<hbm>> -> memref<1x80xi32, #tpu.memory_space<hbm>>
    %dma_wait3A_231 = tpu.memref_squeeze %dma_wait3A_230 : memref<1x80xi32, #tpu.memory_space<hbm>> -> memref<80xi32, #tpu.memory_space<hbm>>
    tpu.wait_dma2 semaphore(%dma_wait3A_225 : memref<!tpu.dma_semaphore, #tpu.memory_space<semaphore_mem>>) src(%dma_wait3A_231 : memref<80xi32, #tpu.memory_space<hbm>>) dst(%dma_wait3A_228 : memref<80xi32, #tpu.memory_space<vmem>>)
    %dma_start3A_232 = arith.constant 0 : i32
    %dma_start3A_233 = arith.constant 0 : i32
    %dma_start3A_234 = arith.constant 0 : i32
    %dma_start3A_235 = arith.constant 0 : i32
    %dma_start3A_236 = arith.constant 0 : i32
    %dma_start3A_237 = tpu.memref_slice %arg8[%dma_start3A_233, %dma_start3A_235, %dma_start3A_236] : memref<3x80x128xf32, #tpu.memory_space<vmem>> -> memref<1x80x128xf32, #tpu.memory_space<vmem>>
    %dma_start3A_238 = tpu.memref_squeeze %dma_start3A_237 : memref<1x80x128xf32, #tpu.memory_space<vmem>> -> memref<80x128xf32, #tpu.memory_space<vmem>>
    %dma_start3A_239 = arith.constant 0 : i32
    %dma_start3A_240 = tpu.memref_slice %arg6[%dma_start3A_232, %dma_start3A_239] : memref<6x80xi32, #tpu.memory_space<vmem>> -> memref<1x80xi32, #tpu.memory_space<vmem>>
    %dma_start3A_241 = tpu.memref_squeeze %dma_start3A_240 : memref<1x80xi32, #tpu.memory_space<vmem>> -> memref<80xi32, #tpu.memory_space<vmem>>
    %dma_start3A_242 = arith.constant 0 : i32
    %dma_start3A_243 = arith.constant 0 : i32
    %dma_start3A_244 = tpu.memref_slice %arg2[%dma_start3A_242, %dma_start3A_243] : memref<20000x128xf32, #tpu.memory_space<hbm>> -> memref<20000x128xf32, #tpu.memory_space<hbm>>
    %dma_start3A_245 = tpu.memref_slice %arg10[%dma_start3A_234] : memref<3x!tpu.dma_semaphore, #tpu.memory_space<semaphore_mem>> -> memref<1x!tpu.dma_semaphore, #tpu.memory_space<semaphore_mem>>
    %dma_start3A_246 = tpu.memref_squeeze %dma_start3A_245 : memref<1x!tpu.dma_semaphore, #tpu.memory_space<semaphore_mem>> -> memref<!tpu.dma_semaphore, #tpu.memory_space<semaphore_mem>>
    tpu.enqueue_indirect_dma source(%dma_start3A_244 : memref<20000x128xf32, #tpu.memory_space<hbm>>) target(%dma_start3A_238 : memref<80x128xf32, #tpu.memory_space<vmem>>) offsets(%dma_start3A_241 : memref<80xi32, #tpu.memory_space<vmem>>) semaphore(%dma_start3A_246 : memref<!tpu.dma_semaphore, #tpu.memory_space<semaphore_mem>>)
    %mul3A_247 = arith.constant 250 : i32
    %mul3A_248 = arith.muli %add3A, %mul3A_247 : i32
    %add3A_249 = arith.constant 4 : i32
    %add3A_250 = arith.addi %mul3A_248, %add3A_249 : i32
    %dma_start3A_251 = arith.constant 4 : i32
    %dma_start3A_252 = arith.constant 4 : i32
    %dma_start3A_253 = arith.constant 0 : i32
    %dma_start3A_254 = tpu.memref_slice %arg6[%dma_start3A_251, %dma_start3A_253] : memref<6x80xi32, #tpu.memory_space<vmem>> -> memref<1x80xi32, #tpu.memory_space<vmem>>
    %dma_start3A_255 = tpu.memref_squeeze %dma_start3A_254 : memref<1x80xi32, #tpu.memory_space<vmem>> -> memref<80xi32, #tpu.memory_space<vmem>>
    %dma_start3A_256 = arith.constant 0 : i32
    %dma_start3A_257 = tpu.memref_slice %arg3[%add3A_250, %dma_start3A_256] : memref<8000x80xi32, #tpu.memory_space<hbm>> -> memref<1x80xi32, #tpu.memory_space<hbm>>
    %dma_start3A_258 = tpu.memref_squeeze %dma_start3A_257 : memref<1x80xi32, #tpu.memory_space<hbm>> -> memref<80xi32, #tpu.memory_space<hbm>>
    %dma_start3A_259 = tpu.memref_slice %arg12[%dma_start3A_252] : memref<6x!tpu.dma_semaphore, #tpu.memory_space<semaphore_mem>> -> memref<1x!tpu.dma_semaphore, #tpu.memory_space<semaphore_mem>>
    %dma_start3A_260 = tpu.memref_squeeze %dma_start3A_259 : memref<1x!tpu.dma_semaphore, #tpu.memory_space<semaphore_mem>> -> memref<!tpu.dma_semaphore, #tpu.memory_space<semaphore_mem>>
    %dma_start3A_261 = arith.constant 0 : i32
    %dma_start3A_262 = tpu.memref_slice %arg6[%dma_start3A_251, %dma_start3A_261] : memref<6x80xi32, #tpu.memory_space<vmem>> -> memref<1x80xi32, #tpu.memory_space<vmem>>
    %dma_start3A_263 = tpu.memref_squeeze %dma_start3A_262 : memref<1x80xi32, #tpu.memory_space<vmem>> -> memref<80xi32, #tpu.memory_space<vmem>>
    %dma_start3A_264 = arith.constant 0 : i32
    %dma_start3A_265 = tpu.memref_slice %arg3[%add3A_250, %dma_start3A_264] : memref<8000x80xi32, #tpu.memory_space<hbm>> -> memref<1x80xi32, #tpu.memory_space<hbm>>
    %dma_start3A_266 = tpu.memref_squeeze %dma_start3A_265 : memref<1x80xi32, #tpu.memory_space<hbm>> -> memref<80xi32, #tpu.memory_space<hbm>>
    tpu.enqueue_dma source(%dma_start3A_266 : memref<80xi32, #tpu.memory_space<hbm>>) target(%dma_start3A_263 : memref<80xi32, #tpu.memory_space<vmem>>) target_semaphore(%dma_start3A_260 : memref<!tpu.dma_semaphore, #tpu.memory_space<semaphore_mem>>)
    %mul3A_267 = arith.constant 250 : i32
    %mul3A_268 = arith.muli %arg1, %mul3A_267 : i32
    %add3A_269 = arith.constant 4 : i32
    %add3A_270 = arith.addi %mul3A_268, %add3A_269 : i32
    %dma_start3A_271 = arith.constant 4 : i32
    %dma_start3A_272 = arith.constant 4 : i32
    %dma_start3A_273 = arith.constant 0 : i32
    %dma_start3A_274 = tpu.memref_slice %arg7[%dma_start3A_271, %dma_start3A_273] : memref<6x80xi32, #tpu.memory_space<vmem>> -> memref<1x80xi32, #tpu.memory_space<vmem>>
    %dma_start3A_275 = tpu.memref_squeeze %dma_start3A_274 : memref<1x80xi32, #tpu.memory_space<vmem>> -> memref<80xi32, #tpu.memory_space<vmem>>
    %dma_start3A_276 = arith.constant 0 : i32
    %dma_start3A_277 = tpu.memref_slice %arg4[%add3A_270, %dma_start3A_276] : memref<4000x80xi32, #tpu.memory_space<hbm>> -> memref<1x80xi32, #tpu.memory_space<hbm>>
    %dma_start3A_278 = tpu.memref_squeeze %dma_start3A_277 : memref<1x80xi32, #tpu.memory_space<hbm>> -> memref<80xi32, #tpu.memory_space<hbm>>
    %dma_start3A_279 = tpu.memref_slice %arg12[%dma_start3A_272] : memref<6x!tpu.dma_semaphore, #tpu.memory_space<semaphore_mem>> -> memref<1x!tpu.dma_semaphore, #tpu.memory_space<semaphore_mem>>
    %dma_start3A_280 = tpu.memref_squeeze %dma_start3A_279 : memref<1x!tpu.dma_semaphore, #tpu.memory_space<semaphore_mem>> -> memref<!tpu.dma_semaphore, #tpu.memory_space<semaphore_mem>>
    %dma_start3A_281 = arith.constant 0 : i32
    %dma_start3A_282 = tpu.memref_slice %arg7[%dma_start3A_271, %dma_start3A_281] : memref<6x80xi32, #tpu.memory_space<vmem>> -> memref<1x80xi32, #tpu.memory_space<vmem>>
    %dma_start3A_283 = tpu.memref_squeeze %dma_start3A_282 : memref<1x80xi32, #tpu.memory_space<vmem>> -> memref<80xi32, #tpu.memory_space<vmem>>
    %dma_start3A_284 = arith.constant 0 : i32
    %dma_start3A_285 = tpu.memref_slice %arg4[%add3A_270, %dma_start3A_284] : memref<4000x80xi32, #tpu.memory_space<hbm>> -> memref<1x80xi32, #tpu.memory_space<hbm>>
    %dma_start3A_286 = tpu.memref_squeeze %dma_start3A_285 : memref<1x80xi32, #tpu.memory_space<hbm>> -> memref<80xi32, #tpu.memory_space<hbm>>
    tpu.enqueue_dma source(%dma_start3A_286 : memref<80xi32, #tpu.memory_space<hbm>>) target(%dma_start3A_283 : memref<80xi32, #tpu.memory_space<vmem>>) target_semaphore(%dma_start3A_280 : memref<!tpu.dma_semaphore, #tpu.memory_space<semaphore_mem>>)
    %mul3A_287 = arith.constant 250 : i32
    %mul3A_288 = arith.muli %add3A, %mul3A_287 : i32
    %add3A_289 = arith.constant 1 : i32
    %add3A_290 = arith.addi %mul3A_288, %add3A_289 : i32
    %dma_wait3A_291 = arith.constant 1 : i32
    %dma_wait3A_292 = arith.constant 1 : i32
    %dma_wait3A_293 = arith.constant 0 : i32
    %dma_wait3A_294 = tpu.memref_slice %arg6[%dma_wait3A_291, %dma_wait3A_293] : memref<6x80xi32, #tpu.memory_space<vmem>> -> memref<1x80xi32, #tpu.memory_space<vmem>>
    %dma_wait3A_295 = tpu.memref_squeeze %dma_wait3A_294 : memref<1x80xi32, #tpu.memory_space<vmem>> -> memref<80xi32, #tpu.memory_space<vmem>>
    %dma_wait3A_296 = arith.constant 0 : i32
    %dma_wait3A_297 = tpu.memref_slice %arg3[%add3A_290, %dma_wait3A_296] : memref<8000x80xi32, #tpu.memory_space<hbm>> -> memref<1x80xi32, #tpu.memory_space<hbm>>
    %dma_wait3A_298 = tpu.memref_squeeze %dma_wait3A_297 : memref<1x80xi32, #tpu.memory_space<hbm>> -> memref<80xi32, #tpu.memory_space<hbm>>
    %dma_wait3A_299 = tpu.memref_slice %arg12[%dma_wait3A_292] : memref<6x!tpu.dma_semaphore, #tpu.memory_space<semaphore_mem>> -> memref<1x!tpu.dma_semaphore, #tpu.memory_space<semaphore_mem>>
    %dma_wait3A_300 = tpu.memref_squeeze %dma_wait3A_299 : memref<1x!tpu.dma_semaphore, #tpu.memory_space<semaphore_mem>> -> memref<!tpu.dma_semaphore, #tpu.memory_space<semaphore_mem>>
    %dma_wait3A_301 = arith.constant 0 : i32
    %dma_wait3A_302 = tpu.memref_slice %arg6[%dma_wait3A_291, %dma_wait3A_301] : memref<6x80xi32, #tpu.memory_space<vmem>> -> memref<1x80xi32, #tpu.memory_space<vmem>>
    %dma_wait3A_303 = tpu.memref_squeeze %dma_wait3A_302 : memref<1x80xi32, #tpu.memory_space<vmem>> -> memref<80xi32, #tpu.memory_space<vmem>>
    %dma_wait3A_304 = arith.constant 0 : i32
    %dma_wait3A_305 = tpu.memref_slice %arg3[%add3A_290, %dma_wait3A_304] : memref<8000x80xi32, #tpu.memory_space<hbm>> -> memref<1x80xi32, #tpu.memory_space<hbm>>
    %dma_wait3A_306 = tpu.memref_squeeze %dma_wait3A_305 : memref<1x80xi32, #tpu.memory_space<hbm>> -> memref<80xi32, #tpu.memory_space<hbm>>
    tpu.wait_dma2 semaphore(%dma_wait3A_300 : memref<!tpu.dma_semaphore, #tpu.memory_space<semaphore_mem>>) src(%dma_wait3A_306 : memref<80xi32, #tpu.memory_space<hbm>>) dst(%dma_wait3A_303 : memref<80xi32, #tpu.memory_space<vmem>>)
    %mul3A_307 = arith.constant 250 : i32
    %mul3A_308 = arith.muli %arg1, %mul3A_307 : i32
    %add3A_309 = arith.constant 1 : i32
    %add3A_310 = arith.addi %mul3A_308, %add3A_309 : i32
    %dma_wait3A_311 = arith.constant 1 : i32
    %dma_wait3A_312 = arith.constant 1 : i32
    %dma_wait3A_313 = arith.constant 0 : i32
    %dma_wait3A_314 = tpu.memref_slice %arg7[%dma_wait3A_311, %dma_wait3A_313] : memref<6x80xi32, #tpu.memory_space<vmem>> -> memref<1x80xi32, #tpu.memory_space<vmem>>
    %dma_wait3A_315 = tpu.memref_squeeze %dma_wait3A_314 : memref<1x80xi32, #tpu.memory_space<vmem>> -> memref<80xi32, #tpu.memory_space<vmem>>
    %dma_wait3A_316 = arith.constant 0 : i32
    %dma_wait3A_317 = tpu.memref_slice %arg4[%add3A_310, %dma_wait3A_316] : memref<4000x80xi32, #tpu.memory_space<hbm>> -> memref<1x80xi32, #tpu.memory_space<hbm>>
    %dma_wait3A_318 = tpu.memref_squeeze %dma_wait3A_317 : memref<1x80xi32, #tpu.memory_space<hbm>> -> memref<80xi32, #tpu.memory_space<hbm>>
    %dma_wait3A_319 = tpu.memref_slice %arg12[%dma_wait3A_312] : memref<6x!tpu.dma_semaphore, #tpu.memory_space<semaphore_mem>> -> memref<1x!tpu.dma_semaphore, #tpu.memory_space<semaphore_mem>>
    %dma_wait3A_320 = tpu.memref_squeeze %dma_wait3A_319 : memref<1x!tpu.dma_semaphore, #tpu.memory_space<semaphore_mem>> -> memref<!tpu.dma_semaphore, #tpu.memory_space<semaphore_mem>>
    %dma_wait3A_321 = arith.constant 0 : i32
    %dma_wait3A_322 = tpu.memref_slice %arg7[%dma_wait3A_311, %dma_wait3A_321] : memref<6x80xi32, #tpu.memory_space<vmem>> -> memref<1x80xi32, #tpu.memory_space<vmem>>
    %dma_wait3A_323 = tpu.memref_squeeze %dma_wait3A_322 : memref<1x80xi32, #tpu.memory_space<vmem>> -> memref<80xi32, #tpu.memory_space<vmem>>
    %dma_wait3A_324 = arith.constant 0 : i32
    %dma_wait3A_325 = tpu.memref_slice %arg4[%add3A_310, %dma_wait3A_324] : memref<4000x80xi32, #tpu.memory_space<hbm>> -> memref<1x80xi32, #tpu.memory_space<hbm>>
    %dma_wait3A_326 = tpu.memref_squeeze %dma_wait3A_325 : memref<1x80xi32, #tpu.memory_space<hbm>> -> memref<80xi32, #tpu.memory_space<hbm>>
    tpu.wait_dma2 semaphore(%dma_wait3A_320 : memref<!tpu.dma_semaphore, #tpu.memory_space<semaphore_mem>>) src(%dma_wait3A_326 : memref<80xi32, #tpu.memory_space<hbm>>) dst(%dma_wait3A_323 : memref<80xi32, #tpu.memory_space<vmem>>)
    %dma_start3A_327 = arith.constant 1 : i32
    %dma_start3A_328 = arith.constant 1 : i32
    %dma_start3A_329 = arith.constant 1 : i32
    %dma_start3A_330 = arith.constant 0 : i32
    %dma_start3A_331 = arith.constant 0 : i32
    %dma_start3A_332 = tpu.memref_slice %arg8[%dma_start3A_328, %dma_start3A_330, %dma_start3A_331] : memref<3x80x128xf32, #tpu.memory_space<vmem>> -> memref<1x80x128xf32, #tpu.memory_space<vmem>>
    %dma_start3A_333 = tpu.memref_squeeze %dma_start3A_332 : memref<1x80x128xf32, #tpu.memory_space<vmem>> -> memref<80x128xf32, #tpu.memory_space<vmem>>
    %dma_start3A_334 = arith.constant 0 : i32
    %dma_start3A_335 = tpu.memref_slice %arg6[%dma_start3A_327, %dma_start3A_334] : memref<6x80xi32, #tpu.memory_space<vmem>> -> memref<1x80xi32, #tpu.memory_space<vmem>>
    %dma_start3A_336 = tpu.memref_squeeze %dma_start3A_335 : memref<1x80xi32, #tpu.memory_space<vmem>> -> memref<80xi32, #tpu.memory_space<vmem>>
    %dma_start3A_337 = arith.constant 0 : i32
    %dma_start3A_338 = arith.constant 0 : i32
    %dma_start3A_339 = tpu.memref_slice %arg2[%dma_start3A_337, %dma_start3A_338] : memref<20000x128xf32, #tpu.memory_space<hbm>> -> memref<20000x128xf32, #tpu.memory_space<hbm>>
    %dma_start3A_340 = tpu.memref_slice %arg10[%dma_start3A_329] : memref<3x!tpu.dma_semaphore, #tpu.memory_space<semaphore_mem>> -> memref<1x!tpu.dma_semaphore, #tpu.memory_space<semaphore_mem>>
    %dma_start3A_341 = tpu.memref_squeeze %dma_start3A_340 : memref<1x!tpu.dma_semaphore, #tpu.memory_space<semaphore_mem>> -> memref<!tpu.dma_semaphore, #tpu.memory_space<semaphore_mem>>
    tpu.enqueue_indirect_dma source(%dma_start3A_339 : memref<20000x128xf32, #tpu.memory_space<hbm>>) target(%dma_start3A_333 : memref<80x128xf32, #tpu.memory_space<vmem>>) offsets(%dma_start3A_336 : memref<80xi32, #tpu.memory_space<vmem>>) semaphore(%dma_start3A_341 : memref<!tpu.dma_semaphore, #tpu.memory_space<semaphore_mem>>)
    %dma_wait3A_342 = arith.constant 0 : i32
    %dma_wait3A_343 = arith.constant 0 : i32
    %dma_wait3A_344 = arith.constant 0 : i32
    %dma_wait3A_345 = arith.constant 0 : i32
    %dma_wait3A_346 = arith.constant 0 : i32
    %dma_wait3A_347 = tpu.memref_slice %arg8[%dma_wait3A_343, %dma_wait3A_345, %dma_wait3A_346] : memref<3x80x128xf32, #tpu.memory_space<vmem>> -> memref<1x80x128xf32, #tpu.memory_space<vmem>>
    %dma_wait3A_348 = tpu.memref_squeeze %dma_wait3A_347 : memref<1x80x128xf32, #tpu.memory_space<vmem>> -> memref<80x128xf32, #tpu.memory_space<vmem>>
    %dma_wait3A_349 = arith.constant 0 : i32
    %dma_wait3A_350 = tpu.memref_slice %arg6[%dma_wait3A_342, %dma_wait3A_349] : memref<6x80xi32, #tpu.memory_space<vmem>> -> memref<1x80xi32, #tpu.memory_space<vmem>>
    %dma_wait3A_351 = tpu.memref_squeeze %dma_wait3A_350 : memref<1x80xi32, #tpu.memory_space<vmem>> -> memref<80xi32, #tpu.memory_space<vmem>>
    %dma_wait3A_352 = arith.constant 0 : i32
    %dma_wait3A_353 = arith.constant 0 : i32
    %dma_wait3A_354 = tpu.memref_slice %arg2[%dma_wait3A_352, %dma_wait3A_353] : memref<20000x128xf32, #tpu.memory_space<hbm>> -> memref<20000x128xf32, #tpu.memory_space<hbm>>
    %dma_wait3A_355 = tpu.memref_slice %arg10[%dma_wait3A_344] : memref<3x!tpu.dma_semaphore, #tpu.memory_space<semaphore_mem>> -> memref<1x!tpu.dma_semaphore, #tpu.memory_space<semaphore_mem>>
    %dma_wait3A_356 = tpu.memref_squeeze %dma_wait3A_355 : memref<1x!tpu.dma_semaphore, #tpu.memory_space<semaphore_mem>> -> memref<!tpu.dma_semaphore, #tpu.memory_space<semaphore_mem>>
    tpu.wait_indirect_dma semaphore(%dma_wait3A_356 : memref<!tpu.dma_semaphore, #tpu.memory_space<semaphore_mem>>) src(%dma_wait3A_354 : memref<20000x128xf32, #tpu.memory_space<hbm>>) dst(%dma_wait3A_348 : memref<80x128xf32, #tpu.memory_space<vmem>>)
    %dma_start3A_357 = arith.constant 0 : i32
    %dma_start3A_358 = arith.constant 0 : i32
    %dma_start3A_359 = arith.constant 0 : i32
    %dma_start3A_360 = arith.constant 0 : i32
    %dma_start3A_361 = arith.constant 0 : i32
    %dma_start3A_362 = tpu.memref_slice %arg8[%dma_start3A_357, %dma_start3A_360, %dma_start3A_361] : memref<3x80x128xf32, #tpu.memory_space<vmem>> -> memref<1x80x128xf32, #tpu.memory_space<vmem>>
    %dma_start3A_363 = tpu.memref_squeeze %dma_start3A_362 : memref<1x80x128xf32, #tpu.memory_space<vmem>> -> memref<80x128xf32, #tpu.memory_space<vmem>>
    %dma_start3A_364 = arith.constant 0 : i32
    %dma_start3A_365 = tpu.memref_slice %arg7[%dma_start3A_358, %dma_start3A_364] : memref<6x80xi32, #tpu.memory_space<vmem>> -> memref<1x80xi32, #tpu.memory_space<vmem>>
    %dma_start3A_366 = tpu.memref_squeeze %dma_start3A_365 : memref<1x80xi32, #tpu.memory_space<vmem>> -> memref<80xi32, #tpu.memory_space<vmem>>
    %dma_start3A_367 = arith.constant 0 : i32
    %dma_start3A_368 = arith.constant 0 : i32
    %dma_start3A_369 = tpu.memref_slice %arg9[%dma_start3A_367, %dma_start3A_368] : memref<10000x128xf32, #tpu.memory_space<vmem_shared>> -> memref<10000x128xf32, #tpu.memory_space<vmem_shared>>
    %dma_start3A_370 = tpu.memref_slice %arg11[%dma_start3A_359] : memref<3x!tpu.dma_semaphore, #tpu.memory_space<semaphore_mem>> -> memref<1x!tpu.dma_semaphore, #tpu.memory_space<semaphore_mem>>
    %dma_start3A_371 = tpu.memref_squeeze %dma_start3A_370 : memref<1x!tpu.dma_semaphore, #tpu.memory_space<semaphore_mem>> -> memref<!tpu.dma_semaphore, #tpu.memory_space<semaphore_mem>>
    tpu.enqueue_indirect_dma source(%dma_start3A_363 : memref<80x128xf32, #tpu.memory_space<vmem>>) target(%dma_start3A_369 : memref<10000x128xf32, #tpu.memory_space<vmem_shared>>) offsets(%dma_start3A_366 : memref<80xi32, #tpu.memory_space<vmem>>) semaphore(%dma_start3A_371 : memref<!tpu.dma_semaphore, #tpu.memory_space<semaphore_mem>>) {add = true}
    %mul3A_372 = arith.constant 250 : i32
    %mul3A_373 = arith.muli %add3A, %mul3A_372 : i32
    %add3A_374 = arith.constant 5 : i32
    %add3A_375 = arith.addi %mul3A_373, %add3A_374 : i32
    %dma_start3A_376 = arith.constant 5 : i32
    %dma_start3A_377 = arith.constant 5 : i32
    %dma_start3A_378 = arith.constant 0 : i32
    %dma_start3A_379 = tpu.memref_slice %arg6[%dma_start3A_376, %dma_start3A_378] : memref<6x80xi32, #tpu.memory_space<vmem>> -> memref<1x80xi32, #tpu.memory_space<vmem>>
    %dma_start3A_380 = tpu.memref_squeeze %dma_start3A_379 : memref<1x80xi32, #tpu.memory_space<vmem>> -> memref<80xi32, #tpu.memory_space<vmem>>
    %dma_start3A_381 = arith.constant 0 : i32
    %dma_start3A_382 = tpu.memref_slice %arg3[%add3A_375, %dma_start3A_381] : memref<8000x80xi32, #tpu.memory_space<hbm>> -> memref<1x80xi32, #tpu.memory_space<hbm>>
    %dma_start3A_383 = tpu.memref_squeeze %dma_start3A_382 : memref<1x80xi32, #tpu.memory_space<hbm>> -> memref<80xi32, #tpu.memory_space<hbm>>
    %dma_start3A_384 = tpu.memref_slice %arg12[%dma_start3A_377] : memref<6x!tpu.dma_semaphore, #tpu.memory_space<semaphore_mem>> -> memref<1x!tpu.dma_semaphore, #tpu.memory_space<semaphore_mem>>
    %dma_start3A_385 = tpu.memref_squeeze %dma_start3A_384 : memref<1x!tpu.dma_semaphore, #tpu.memory_space<semaphore_mem>> -> memref<!tpu.dma_semaphore, #tpu.memory_space<semaphore_mem>>
    %dma_start3A_386 = arith.constant 0 : i32
    %dma_start3A_387 = tpu.memref_slice %arg6[%dma_start3A_376, %dma_start3A_386] : memref<6x80xi32, #tpu.memory_space<vmem>> -> memref<1x80xi32, #tpu.memory_space<vmem>>
    %dma_start3A_388 = tpu.memref_squeeze %dma_start3A_387 : memref<1x80xi32, #tpu.memory_space<vmem>> -> memref<80xi32, #tpu.memory_space<vmem>>
    %dma_start3A_389 = arith.constant 0 : i32
    %dma_start3A_390 = tpu.memref_slice %arg3[%add3A_375, %dma_start3A_389] : memref<8000x80xi32, #tpu.memory_space<hbm>> -> memref<1x80xi32, #tpu.memory_space<hbm>>
    %dma_start3A_391 = tpu.memref_squeeze %dma_start3A_390 : memref<1x80xi32, #tpu.memory_space<hbm>> -> memref<80xi32, #tpu.memory_space<hbm>>
    tpu.enqueue_dma source(%dma_start3A_391 : memref<80xi32, #tpu.memory_space<hbm>>) target(%dma_start3A_388 : memref<80xi32, #tpu.memory_space<vmem>>) target_semaphore(%dma_start3A_385 : memref<!tpu.dma_semaphore, #tpu.memory_space<semaphore_mem>>)
    %mul3A_392 = arith.constant 250 : i32
    %mul3A_393 = arith.muli %arg1, %mul3A_392 : i32
    %add3A_394 = arith.constant 5 : i32
    %add3A_395 = arith.addi %mul3A_393, %add3A_394 : i32
    %dma_start3A_396 = arith.constant 5 : i32
    %dma_start3A_397 = arith.constant 5 : i32
    %dma_start3A_398 = arith.constant 0 : i32
    %dma_start3A_399 = tpu.memref_slice %arg7[%dma_start3A_396, %dma_start3A_398] : memref<6x80xi32, #tpu.memory_space<vmem>> -> memref<1x80xi32, #tpu.memory_space<vmem>>
    %dma_start3A_400 = tpu.memref_squeeze %dma_start3A_399 : memref<1x80xi32, #tpu.memory_space<vmem>> -> memref<80xi32, #tpu.memory_space<vmem>>
    %dma_start3A_401 = arith.constant 0 : i32
    %dma_start3A_402 = tpu.memref_slice %arg4[%add3A_395, %dma_start3A_401] : memref<4000x80xi32, #tpu.memory_space<hbm>> -> memref<1x80xi32, #tpu.memory_space<hbm>>
    %dma_start3A_403 = tpu.memref_squeeze %dma_start3A_402 : memref<1x80xi32, #tpu.memory_space<hbm>> -> memref<80xi32, #tpu.memory_space<hbm>>
    %dma_start3A_404 = tpu.memref_slice %arg12[%dma_start3A_397] : memref<6x!tpu.dma_semaphore, #tpu.memory_space<semaphore_mem>> -> memref<1x!tpu.dma_semaphore, #tpu.memory_space<semaphore_mem>>
    %dma_start3A_405 = tpu.memref_squeeze %dma_start3A_404 : memref<1x!tpu.dma_semaphore, #tpu.memory_space<semaphore_mem>> -> memref<!tpu.dma_semaphore, #tpu.memory_space<semaphore_mem>>
    %dma_start3A_406 = arith.constant 0 : i32
    %dma_start3A_407 = tpu.memref_slice %arg7[%dma_start3A_396, %dma_start3A_406] : memref<6x80xi32, #tpu.memory_space<vmem>> -> memref<1x80xi32, #tpu.memory_space<vmem>>
    %dma_start3A_408 = tpu.memref_squeeze %dma_start3A_407 : memref<1x80xi32, #tpu.memory_space<vmem>> -> memref<80xi32, #tpu.memory_space<vmem>>
    %dma_start3A_409 = arith.constant 0 : i32
    %dma_start3A_410 = tpu.memref_slice %arg4[%add3A_395, %dma_start3A_409] : memref<4000x80xi32, #tpu.memory_space<hbm>> -> memref<1x80xi32, #tpu.memory_space<hbm>>
    %dma_start3A_411 = tpu.memref_squeeze %dma_start3A_410 : memref<1x80xi32, #tpu.memory_space<hbm>> -> memref<80xi32, #tpu.memory_space<hbm>>
    tpu.enqueue_dma source(%dma_start3A_411 : memref<80xi32, #tpu.memory_space<hbm>>) target(%dma_start3A_408 : memref<80xi32, #tpu.memory_space<vmem>>) target_semaphore(%dma_start3A_405 : memref<!tpu.dma_semaphore, #tpu.memory_space<semaphore_mem>>)
    %mul3A_412 = arith.constant 250 : i32
    %mul3A_413 = arith.muli %add3A, %mul3A_412 : i32
    %add3A_414 = arith.constant 2 : i32
    %add3A_415 = arith.addi %mul3A_413, %add3A_414 : i32
    %dma_wait3A_416 = arith.constant 2 : i32
    %dma_wait3A_417 = arith.constant 2 : i32
    %dma_wait3A_418 = arith.constant 0 : i32
    %dma_wait3A_419 = tpu.memref_slice %arg6[%dma_wait3A_416, %dma_wait3A_418] : memref<6x80xi32, #tpu.memory_space<vmem>> -> memref<1x80xi32, #tpu.memory_space<vmem>>
    %dma_wait3A_420 = tpu.memref_squeeze %dma_wait3A_419 : memref<1x80xi32, #tpu.memory_space<vmem>> -> memref<80xi32, #tpu.memory_space<vmem>>
    %dma_wait3A_421 = arith.constant 0 : i32
    %dma_wait3A_422 = tpu.memref_slice %arg3[%add3A_415, %dma_wait3A_421] : memref<8000x80xi32, #tpu.memory_space<hbm>> -> memref<1x80xi32, #tpu.memory_space<hbm>>
    %dma_wait3A_423 = tpu.memref_squeeze %dma_wait3A_422 : memref<1x80xi32, #tpu.memory_space<hbm>> -> memref<80xi32, #tpu.memory_space<hbm>>
    %dma_wait3A_424 = tpu.memref_slice %arg12[%dma_wait3A_417] : memref<6x!tpu.dma_semaphore, #tpu.memory_space<semaphore_mem>> -> memref<1x!tpu.dma_semaphore, #tpu.memory_space<semaphore_mem>>
    %dma_wait3A_425 = tpu.memref_squeeze %dma_wait3A_424 : memref<1x!tpu.dma_semaphore, #tpu.memory_space<semaphore_mem>> -> memref<!tpu.dma_semaphore, #tpu.memory_space<semaphore_mem>>
    %dma_wait3A_426 = arith.constant 0 : i32
    %dma_wait3A_427 = tpu.memref_slice %arg6[%dma_wait3A_416, %dma_wait3A_426] : memref<6x80xi32, #tpu.memory_space<vmem>> -> memref<1x80xi32, #tpu.memory_space<vmem>>
    %dma_wait3A_428 = tpu.memref_squeeze %dma_wait3A_427 : memref<1x80xi32, #tpu.memory_space<vmem>> -> memref<80xi32, #tpu.memory_space<vmem>>
    %dma_wait3A_429 = arith.constant 0 : i32
    %dma_wait3A_430 = tpu.memref_slice %arg3[%add3A_415, %dma_wait3A_429] : memref<8000x80xi32, #tpu.memory_space<hbm>> -> memref<1x80xi32, #tpu.memory_space<hbm>>
    %dma_wait3A_431 = tpu.memref_squeeze %dma_wait3A_430 : memref<1x80xi32, #tpu.memory_space<hbm>> -> memref<80xi32, #tpu.memory_space<hbm>>
    tpu.wait_dma2 semaphore(%dma_wait3A_425 : memref<!tpu.dma_semaphore, #tpu.memory_space<semaphore_mem>>) src(%dma_wait3A_431 : memref<80xi32, #tpu.memory_space<hbm>>) dst(%dma_wait3A_428 : memref<80xi32, #tpu.memory_space<vmem>>)
    %mul3A_432 = arith.constant 250 : i32
    %mul3A_433 = arith.muli %arg1, %mul3A_432 : i32
    %add3A_434 = arith.constant 2 : i32
    %add3A_435 = arith.addi %mul3A_433, %add3A_434 : i32
    %dma_wait3A_436 = arith.constant 2 : i32
    %dma_wait3A_437 = arith.constant 2 : i32
    %dma_wait3A_438 = arith.constant 0 : i32
    %dma_wait3A_439 = tpu.memref_slice %arg7[%dma_wait3A_436, %dma_wait3A_438] : memref<6x80xi32, #tpu.memory_space<vmem>> -> memref<1x80xi32, #tpu.memory_space<vmem>>
    %dma_wait3A_440 = tpu.memref_squeeze %dma_wait3A_439 : memref<1x80xi32, #tpu.memory_space<vmem>> -> memref<80xi32, #tpu.memory_space<vmem>>
    %dma_wait3A_441 = arith.constant 0 : i32
    %dma_wait3A_442 = tpu.memref_slice %arg4[%add3A_435, %dma_wait3A_441] : memref<4000x80xi32, #tpu.memory_space<hbm>> -> memref<1x80xi32, #tpu.memory_space<hbm>>
    %dma_wait3A_443 = tpu.memref_squeeze %dma_wait3A_442 : memref<1x80xi32, #tpu.memory_space<hbm>> -> memref<80xi32, #tpu.memory_space<hbm>>
    %dma_wait3A_444 = tpu.memref_slice %arg12[%dma_wait3A_437] : memref<6x!tpu.dma_semaphore, #tpu.memory_space<semaphore_mem>> -> memref<1x!tpu.dma_semaphore, #tpu.memory_space<semaphore_mem>>
    %dma_wait3A_445 = tpu.memref_squeeze %dma_wait3A_444 : memref<1x!tpu.dma_semaphore, #tpu.memory_space<semaphore_mem>> -> memref<!tpu.dma_semaphore, #tpu.memory_space<semaphore_mem>>
    %dma_wait3A_446 = arith.constant 0 : i32
    %dma_wait3A_447 = tpu.memref_slice %arg7[%dma_wait3A_436, %dma_wait3A_446] : memref<6x80xi32, #tpu.memory_space<vmem>> -> memref<1x80xi32, #tpu.memory_space<vmem>>
    %dma_wait3A_448 = tpu.memref_squeeze %dma_wait3A_447 : memref<1x80xi32, #tpu.memory_space<vmem>> -> memref<80xi32, #tpu.memory_space<vmem>>
    %dma_wait3A_449 = arith.constant 0 : i32
    %dma_wait3A_450 = tpu.memref_slice %arg4[%add3A_435, %dma_wait3A_449] : memref<4000x80xi32, #tpu.memory_space<hbm>> -> memref<1x80xi32, #tpu.memory_space<hbm>>
    %dma_wait3A_451 = tpu.memref_squeeze %dma_wait3A_450 : memref<1x80xi32, #tpu.memory_space<hbm>> -> memref<80xi32, #tpu.memory_space<hbm>>
    tpu.wait_dma2 semaphore(%dma_wait3A_445 : memref<!tpu.dma_semaphore, #tpu.memory_space<semaphore_mem>>) src(%dma_wait3A_451 : memref<80xi32, #tpu.memory_space<hbm>>) dst(%dma_wait3A_448 : memref<80xi32, #tpu.memory_space<vmem>>)
    %dma_start3A_452 = arith.constant 2 : i32
    %dma_start3A_453 = arith.constant 2 : i32
    %dma_start3A_454 = arith.constant 2 : i32
    %dma_start3A_455 = arith.constant 0 : i32
    %dma_start3A_456 = arith.constant 0 : i32
    %dma_start3A_457 = tpu.memref_slice %arg8[%dma_start3A_453, %dma_start3A_455, %dma_start3A_456] : memref<3x80x128xf32, #tpu.memory_space<vmem>> -> memref<1x80x128xf32, #tpu.memory_space<vmem>>
    %dma_start3A_458 = tpu.memref_squeeze %dma_start3A_457 : memref<1x80x128xf32, #tpu.memory_space<vmem>> -> memref<80x128xf32, #tpu.memory_space<vmem>>
    %dma_start3A_459 = arith.constant 0 : i32
    %dma_start3A_460 = tpu.memref_slice %arg6[%dma_start3A_452, %dma_start3A_459] : memref<6x80xi32, #tpu.memory_space<vmem>> -> memref<1x80xi32, #tpu.memory_space<vmem>>
    %dma_start3A_461 = tpu.memref_squeeze %dma_start3A_460 : memref<1x80xi32, #tpu.memory_space<vmem>> -> memref<80xi32, #tpu.memory_space<vmem>>
    %dma_start3A_462 = arith.constant 0 : i32
    %dma_start3A_463 = arith.constant 0 : i32
    %dma_start3A_464 = tpu.memref_slice %arg2[%dma_start3A_462, %dma_start3A_463] : memref<20000x128xf32, #tpu.memory_space<hbm>> -> memref<20000x128xf32, #tpu.memory_space<hbm>>
    %dma_start3A_465 = tpu.memref_slice %arg10[%dma_start3A_454] : memref<3x!tpu.dma_semaphore, #tpu.memory_space<semaphore_mem>> -> memref<1x!tpu.dma_semaphore, #tpu.memory_space<semaphore_mem>>
    %dma_start3A_466 = tpu.memref_squeeze %dma_start3A_465 : memref<1x!tpu.dma_semaphore, #tpu.memory_space<semaphore_mem>> -> memref<!tpu.dma_semaphore, #tpu.memory_space<semaphore_mem>>
    tpu.enqueue_indirect_dma source(%dma_start3A_464 : memref<20000x128xf32, #tpu.memory_space<hbm>>) target(%dma_start3A_458 : memref<80x128xf32, #tpu.memory_space<vmem>>) offsets(%dma_start3A_461 : memref<80xi32, #tpu.memory_space<vmem>>) semaphore(%dma_start3A_466 : memref<!tpu.dma_semaphore, #tpu.memory_space<semaphore_mem>>)
    %dma_wait3A_467 = arith.constant 1 : i32
    %dma_wait3A_468 = arith.constant 1 : i32
    %dma_wait3A_469 = arith.constant 1 : i32
    %dma_wait3A_470 = arith.constant 0 : i32
    %dma_wait3A_471 = arith.constant 0 : i32
    %dma_wait3A_472 = tpu.memref_slice %arg8[%dma_wait3A_468, %dma_wait3A_470, %dma_wait3A_471] : memref<3x80x128xf32, #tpu.memory_space<vmem>> -> memref<1x80x128xf32, #tpu.memory_space<vmem>>
    %dma_wait3A_473 = tpu.memref_squeeze %dma_wait3A_472 : memref<1x80x128xf32, #tpu.memory_space<vmem>> -> memref<80x128xf32, #tpu.memory_space<vmem>>
    %dma_wait3A_474 = arith.constant 0 : i32
    %dma_wait3A_475 = tpu.memref_slice %arg6[%dma_wait3A_467, %dma_wait3A_474] : memref<6x80xi32, #tpu.memory_space<vmem>> -> memref<1x80xi32, #tpu.memory_space<vmem>>
    %dma_wait3A_476 = tpu.memref_squeeze %dma_wait3A_475 : memref<1x80xi32, #tpu.memory_space<vmem>> -> memref<80xi32, #tpu.memory_space<vmem>>
    %dma_wait3A_477 = arith.constant 0 : i32
    %dma_wait3A_478 = arith.constant 0 : i32
    %dma_wait3A_479 = tpu.memref_slice %arg2[%dma_wait3A_477, %dma_wait3A_478] : memref<20000x128xf32, #tpu.memory_space<hbm>> -> memref<20000x128xf32, #tpu.memory_space<hbm>>
    %dma_wait3A_480 = tpu.memref_slice %arg10[%dma_wait3A_469] : memref<3x!tpu.dma_semaphore, #tpu.memory_space<semaphore_mem>> -> memref<1x!tpu.dma_semaphore, #tpu.memory_space<semaphore_mem>>
    %dma_wait3A_481 = tpu.memref_squeeze %dma_wait3A_480 : memref<1x!tpu.dma_semaphore, #tpu.memory_space<semaphore_mem>> -> memref<!tpu.dma_semaphore, #tpu.memory_space<semaphore_mem>>
    tpu.wait_indirect_dma semaphore(%dma_wait3A_481 : memref<!tpu.dma_semaphore, #tpu.memory_space<semaphore_mem>>) src(%dma_wait3A_479 : memref<20000x128xf32, #tpu.memory_space<hbm>>) dst(%dma_wait3A_473 : memref<80x128xf32, #tpu.memory_space<vmem>>)
    %dma_start3A_482 = arith.constant 1 : i32
    %dma_start3A_483 = arith.constant 1 : i32
    %dma_start3A_484 = arith.constant 1 : i32
    %dma_start3A_485 = arith.constant 0 : i32
    %dma_start3A_486 = arith.constant 0 : i32
    %dma_start3A_487 = tpu.memref_slice %arg8[%dma_start3A_482, %dma_start3A_485, %dma_start3A_486] : memref<3x80x128xf32, #tpu.memory_space<vmem>> -> memref<1x80x128xf32, #tpu.memory_space<vmem>>
    %dma_start3A_488 = tpu.memref_squeeze %dma_start3A_487 : memref<1x80x128xf32, #tpu.memory_space<vmem>> -> memref<80x128xf32, #tpu.memory_space<vmem>>
    %dma_start3A_489 = arith.constant 0 : i32
    %dma_start3A_490 = tpu.memref_slice %arg7[%dma_start3A_483, %dma_start3A_489] : memref<6x80xi32, #tpu.memory_space<vmem>> -> memref<1x80xi32, #tpu.memory_space<vmem>>
    %dma_start3A_491 = tpu.memref_squeeze %dma_start3A_490 : memref<1x80xi32, #tpu.memory_space<vmem>> -> memref<80xi32, #tpu.memory_space<vmem>>
    %dma_start3A_492 = arith.constant 0 : i32
    %dma_start3A_493 = arith.constant 0 : i32
    %dma_start3A_494 = tpu.memref_slice %arg9[%dma_start3A_492, %dma_start3A_493] : memref<10000x128xf32, #tpu.memory_space<vmem_shared>> -> memref<10000x128xf32, #tpu.memory_space<vmem_shared>>
    %dma_start3A_495 = tpu.memref_slice %arg11[%dma_start3A_484] : memref<3x!tpu.dma_semaphore, #tpu.memory_space<semaphore_mem>> -> memref<1x!tpu.dma_semaphore, #tpu.memory_space<semaphore_mem>>
    %dma_start3A_496 = tpu.memref_squeeze %dma_start3A_495 : memref<1x!tpu.dma_semaphore, #tpu.memory_space<semaphore_mem>> -> memref<!tpu.dma_semaphore, #tpu.memory_space<semaphore_mem>>
    tpu.enqueue_indirect_dma source(%dma_start3A_488 : memref<80x128xf32, #tpu.memory_space<vmem>>) target(%dma_start3A_494 : memref<10000x128xf32, #tpu.memory_space<vmem_shared>>) offsets(%dma_start3A_491 : memref<80xi32, #tpu.memory_space<vmem>>) semaphore(%dma_start3A_496 : memref<!tpu.dma_semaphore, #tpu.memory_space<semaphore_mem>>) {add = true}
    %dma_wait3A_497 = arith.constant 0 : i32
    %dma_wait3A_498 = arith.constant 0 : i32
    %dma_wait3A_499 = arith.constant 0 : i32
    %dma_wait3A_500 = arith.constant 0 : i32
    %dma_wait3A_501 = arith.constant 0 : i32
    %dma_wait3A_502 = tpu.memref_slice %arg8[%dma_wait3A_497, %dma_wait3A_500, %dma_wait3A_501] : memref<3x80x128xf32, #tpu.memory_space<vmem>> -> memref<1x80x128xf32, #tpu.memory_space<vmem>>
    %dma_wait3A_503 = tpu.memref_squeeze %dma_wait3A_502 : memref<1x80x128xf32, #tpu.memory_space<vmem>> -> memref<80x128xf32, #tpu.memory_space<vmem>>
    %dma_wait3A_504 = arith.constant 0 : i32
    %dma_wait3A_505 = tpu.memref_slice %arg7[%dma_wait3A_498, %dma_wait3A_504] : memref<6x80xi32, #tpu.memory_space<vmem>> -> memref<1x80xi32, #tpu.memory_space<vmem>>
    %dma_wait3A_506 = tpu.memref_squeeze %dma_wait3A_505 : memref<1x80xi32, #tpu.memory_space<vmem>> -> memref<80xi32, #tpu.memory_space<vmem>>
    %dma_wait3A_507 = arith.constant 0 : i32
    %dma_wait3A_508 = arith.constant 0 : i32
    %dma_wait3A_509 = tpu.memref_slice %arg9[%dma_wait3A_507, %dma_wait3A_508] : memref<10000x128xf32, #tpu.memory_space<vmem_shared>> -> memref<10000x128xf32, #tpu.memory_space<vmem_shared>>
    %dma_wait3A_510 = tpu.memref_slice %arg11[%dma_wait3A_499] : memref<3x!tpu.dma_semaphore, #tpu.memory_space<semaphore_mem>> -> memref<1x!tpu.dma_semaphore, #tpu.memory_space<semaphore_mem>>
    %dma_wait3A_511 = tpu.memref_squeeze %dma_wait3A_510 : memref<1x!tpu.dma_semaphore, #tpu.memory_space<semaphore_mem>> -> memref<!tpu.dma_semaphore, #tpu.memory_space<semaphore_mem>>
    tpu.wait_indirect_dma semaphore(%dma_wait3A_511 : memref<!tpu.dma_semaphore, #tpu.memory_space<semaphore_mem>>) src(%dma_wait3A_503 : memref<80x128xf32, #tpu.memory_space<vmem>>) dst(%dma_wait3A_509 : memref<10000x128xf32, #tpu.memory_space<vmem_shared>>)
    %mul3A_512 = arith.constant 250 : i32
    %mul3A_513 = arith.muli %add3A, %mul3A_512 : i32
    %add3A_514 = arith.constant 6 : i32
    %add3A_515 = arith.addi %mul3A_513, %add3A_514 : i32
    %dma_start3A_516 = arith.constant 0 : i32
    %dma_start3A_517 = arith.constant 0 : i32
    %dma_start3A_518 = arith.constant 0 : i32
    %dma_start3A_519 = tpu.memref_slice %arg6[%dma_start3A_516, %dma_start3A_518] : memref<6x80xi32, #tpu.memory_space<vmem>> -> memref<1x80xi32, #tpu.memory_space<vmem>>
    %dma_start3A_520 = tpu.memref_squeeze %dma_start3A_519 : memref<1x80xi32, #tpu.memory_space<vmem>> -> memref<80xi32, #tpu.memory_space<vmem>>
    %dma_start3A_521 = arith.constant 0 : i32
    %dma_start3A_522 = tpu.memref_slice %arg3[%add3A_515, %dma_start3A_521] : memref<8000x80xi32, #tpu.memory_space<hbm>> -> memref<1x80xi32, #tpu.memory_space<hbm>>
    %dma_start3A_523 = tpu.memref_squeeze %dma_start3A_522 : memref<1x80xi32, #tpu.memory_space<hbm>> -> memref<80xi32, #tpu.memory_space<hbm>>
    %dma_start3A_524 = tpu.memref_slice %arg12[%dma_start3A_517] : memref<6x!tpu.dma_semaphore, #tpu.memory_space<semaphore_mem>> -> memref<1x!tpu.dma_semaphore, #tpu.memory_space<semaphore_mem>>
    %dma_start3A_525 = tpu.memref_squeeze %dma_start3A_524 : memref<1x!tpu.dma_semaphore, #tpu.memory_space<semaphore_mem>> -> memref<!tpu.dma_semaphore, #tpu.memory_space<semaphore_mem>>
    %dma_start3A_526 = arith.constant 0 : i32
    %dma_start3A_527 = tpu.memref_slice %arg6[%dma_start3A_516, %dma_start3A_526] : memref<6x80xi32, #tpu.memory_space<vmem>> -> memref<1x80xi32, #tpu.memory_space<vmem>>
    %dma_start3A_528 = tpu.memref_squeeze %dma_start3A_527 : memref<1x80xi32, #tpu.memory_space<vmem>> -> memref<80xi32, #tpu.memory_space<vmem>>
    %dma_start3A_529 = arith.constant 0 : i32
    %dma_start3A_530 = tpu.memref_slice %arg3[%add3A_515, %dma_start3A_529] : memref<8000x80xi32, #tpu.memory_space<hbm>> -> memref<1x80xi32, #tpu.memory_space<hbm>>
    %dma_start3A_531 = tpu.memref_squeeze %dma_start3A_530 : memref<1x80xi32, #tpu.memory_space<hbm>> -> memref<80xi32, #tpu.memory_space<hbm>>
    tpu.enqueue_dma source(%dma_start3A_531 : memref<80xi32, #tpu.memory_space<hbm>>) target(%dma_start3A_528 : memref<80xi32, #tpu.memory_space<vmem>>) target_semaphore(%dma_start3A_525 : memref<!tpu.dma_semaphore, #tpu.memory_space<semaphore_mem>>)
    %mul3A_532 = arith.constant 250 : i32
    %mul3A_533 = arith.muli %arg1, %mul3A_532 : i32
    %add3A_534 = arith.constant 6 : i32
    %add3A_535 = arith.addi %mul3A_533, %add3A_534 : i32
    %dma_start3A_536 = arith.constant 0 : i32
    %dma_start3A_537 = arith.constant 0 : i32
    %dma_start3A_538 = arith.constant 0 : i32
    %dma_start3A_539 = tpu.memref_slice %arg7[%dma_start3A_536, %dma_start3A_538] : memref<6x80xi32, #tpu.memory_space<vmem>> -> memref<1x80xi32, #tpu.memory_space<vmem>>
    %dma_start3A_540 = tpu.memref_squeeze %dma_start3A_539 : memref<1x80xi32, #tpu.memory_space<vmem>> -> memref<80xi32, #tpu.memory_space<vmem>>
    %dma_start3A_541 = arith.constant 0 : i32
    %dma_start3A_542 = tpu.memref_slice %arg4[%add3A_535, %dma_start3A_541] : memref<4000x80xi32, #tpu.memory_space<hbm>> -> memref<1x80xi32, #tpu.memory_space<hbm>>
    %dma_start3A_543 = tpu.memref_squeeze %dma_start3A_542 : memref<1x80xi32, #tpu.memory_space<hbm>> -> memref<80xi32, #tpu.memory_space<hbm>>
    %dma_start3A_544 = tpu.memref_slice %arg12[%dma_start3A_537] : memref<6x!tpu.dma_semaphore, #tpu.memory_space<semaphore_mem>> -> memref<1x!tpu.dma_semaphore, #tpu.memory_space<semaphore_mem>>
    %dma_start3A_545 = tpu.memref_squeeze %dma_start3A_544 : memref<1x!tpu.dma_semaphore, #tpu.memory_space<semaphore_mem>> -> memref<!tpu.dma_semaphore, #tpu.memory_space<semaphore_mem>>
    %dma_start3A_546 = arith.constant 0 : i32
    %dma_start3A_547 = tpu.memref_slice %arg7[%dma_start3A_536, %dma_start3A_546] : memref<6x80xi32, #tpu.memory_space<vmem>> -> memref<1x80xi32, #tpu.memory_space<vmem>>
    %dma_start3A_548 = tpu.memref_squeeze %dma_start3A_547 : memref<1x80xi32, #tpu.memory_space<vmem>> -> memref<80xi32, #tpu.memory_space<vmem>>
    %dma_start3A_549 = arith.constant 0 : i32
    %dma_start3A_550 = tpu.memref_slice %arg4[%add3A_535, %dma_start3A_549] : memref<4000x80xi32, #tpu.memory_space<hbm>> -> memref<1x80xi32, #tpu.memory_space<hbm>>
    %dma_start3A_551 = tpu.memref_squeeze %dma_start3A_550 : memref<1x80xi32, #tpu.memory_space<hbm>> -> memref<80xi32, #tpu.memory_space<hbm>>
    tpu.enqueue_dma source(%dma_start3A_551 : memref<80xi32, #tpu.memory_space<hbm>>) target(%dma_start3A_548 : memref<80xi32, #tpu.memory_space<vmem>>) target_semaphore(%dma_start3A_545 : memref<!tpu.dma_semaphore, #tpu.memory_space<semaphore_mem>>)
    %mul3A_552 = arith.constant 250 : i32
    %mul3A_553 = arith.muli %add3A, %mul3A_552 : i32
    %add3A_554 = arith.constant 3 : i32
    %add3A_555 = arith.addi %mul3A_553, %add3A_554 : i32
    %dma_wait3A_556 = arith.constant 3 : i32
    %dma_wait3A_557 = arith.constant 3 : i32
    %dma_wait3A_558 = arith.constant 0 : i32
    %dma_wait3A_559 = tpu.memref_slice %arg6[%dma_wait3A_556, %dma_wait3A_558] : memref<6x80xi32, #tpu.memory_space<vmem>> -> memref<1x80xi32, #tpu.memory_space<vmem>>
    %dma_wait3A_560 = tpu.memref_squeeze %dma_wait3A_559 : memref<1x80xi32, #tpu.memory_space<vmem>> -> memref<80xi32, #tpu.memory_space<vmem>>
    %dma_wait3A_561 = arith.constant 0 : i32
    %dma_wait3A_562 = tpu.memref_slice %arg3[%add3A_555, %dma_wait3A_561] : memref<8000x80xi32, #tpu.memory_space<hbm>> -> memref<1x80xi32, #tpu.memory_space<hbm>>
    %dma_wait3A_563 = tpu.memref_squeeze %dma_wait3A_562 : memref<1x80xi32, #tpu.memory_space<hbm>> -> memref<80xi32, #tpu.memory_space<hbm>>
    %dma_wait3A_564 = tpu.memref_slice %arg12[%dma_wait3A_557] : memref<6x!tpu.dma_semaphore, #tpu.memory_space<semaphore_mem>> -> memref<1x!tpu.dma_semaphore, #tpu.memory_space<semaphore_mem>>
    %dma_wait3A_565 = tpu.memref_squeeze %dma_wait3A_564 : memref<1x!tpu.dma_semaphore, #tpu.memory_space<semaphore_mem>> -> memref<!tpu.dma_semaphore, #tpu.memory_space<semaphore_mem>>
    %dma_wait3A_566 = arith.constant 0 : i32
    %dma_wait3A_567 = tpu.memref_slice %arg6[%dma_wait3A_556, %dma_wait3A_566] : memref<6x80xi32, #tpu.memory_space<vmem>> -> memref<1x80xi32, #tpu.memory_space<vmem>>
    %dma_wait3A_568 = tpu.memref_squeeze %dma_wait3A_567 : memref<1x80xi32, #tpu.memory_space<vmem>> -> memref<80xi32, #tpu.memory_space<vmem>>
    %dma_wait3A_569 = arith.constant 0 : i32
    %dma_wait3A_570 = tpu.memref_slice %arg3[%add3A_555, %dma_wait3A_569] : memref<8000x80xi32, #tpu.memory_space<hbm>> -> memref<1x80xi32, #tpu.memory_space<hbm>>
    %dma_wait3A_571 = tpu.memref_squeeze %dma_wait3A_570 : memref<1x80xi32, #tpu.memory_space<hbm>> -> memref<80xi32, #tpu.memory_space<hbm>>
    tpu.wait_dma2 semaphore(%dma_wait3A_565 : memref<!tpu.dma_semaphore, #tpu.memory_space<semaphore_mem>>) src(%dma_wait3A_571 : memref<80xi32, #tpu.memory_space<hbm>>) dst(%dma_wait3A_568 : memref<80xi32, #tpu.memory_space<vmem>>)
    %mul3A_572 = arith.constant 250 : i32
    %mul3A_573 = arith.muli %arg1, %mul3A_572 : i32
    %add3A_574 = arith.constant 3 : i32
    %add3A_575 = arith.addi %mul3A_573, %add3A_574 : i32
    %dma_wait3A_576 = arith.constant 3 : i32
    %dma_wait3A_577 = arith.constant 3 : i32
    %dma_wait3A_578 = arith.constant 0 : i32
    %dma_wait3A_579 = tpu.memref_slice %arg7[%dma_wait3A_576, %dma_wait3A_578] : memref<6x80xi32, #tpu.memory_space<vmem>> -> memref<1x80xi32, #tpu.memory_space<vmem>>
    %dma_wait3A_580 = tpu.memref_squeeze %dma_wait3A_579 : memref<1x80xi32, #tpu.memory_space<vmem>> -> memref<80xi32, #tpu.memory_space<vmem>>
    %dma_wait3A_581 = arith.constant 0 : i32
    %dma_wait3A_582 = tpu.memref_slice %arg4[%add3A_575, %dma_wait3A_581] : memref<4000x80xi32, #tpu.memory_space<hbm>> -> memref<1x80xi32, #tpu.memory_space<hbm>>
    %dma_wait3A_583 = tpu.memref_squeeze %dma_wait3A_582 : memref<1x80xi32, #tpu.memory_space<hbm>> -> memref<80xi32, #tpu.memory_space<hbm>>
    %dma_wait3A_584 = tpu.memref_slice %arg12[%dma_wait3A_577] : memref<6x!tpu.dma_semaphore, #tpu.memory_space<semaphore_mem>> -> memref<1x!tpu.dma_semaphore, #tpu.memory_space<semaphore_mem>>
    %dma_wait3A_585 = tpu.memref_squeeze %dma_wait3A_584 : memref<1x!tpu.dma_semaphore, #tpu.memory_space<semaphore_mem>> -> memref<!tpu.dma_semaphore, #tpu.memory_space<semaphore_mem>>
    %dma_wait3A_586 = arith.constant 0 : i32
    %dma_wait3A_587 = tpu.memref_slice %arg7[%dma_wait3A_576, %dma_wait3A_586] : memref<6x80xi32, #tpu.memory_space<vmem>> -> memref<1x80xi32, #tpu.memory_space<vmem>>
    %dma_wait3A_588 = tpu.memref_squeeze %dma_wait3A_587 : memref<1x80xi32, #tpu.memory_space<vmem>> -> memref<80xi32, #tpu.memory_space<vmem>>
    %dma_wait3A_589 = arith.constant 0 : i32
    %dma_wait3A_590 = tpu.memref_slice %arg4[%add3A_575, %dma_wait3A_589] : memref<4000x80xi32, #tpu.memory_space<hbm>> -> memref<1x80xi32, #tpu.memory_space<hbm>>
    %dma_wait3A_591 = tpu.memref_squeeze %dma_wait3A_590 : memref<1x80xi32, #tpu.memory_space<hbm>> -> memref<80xi32, #tpu.memory_space<hbm>>
    tpu.wait_dma2 semaphore(%dma_wait3A_585 : memref<!tpu.dma_semaphore, #tpu.memory_space<semaphore_mem>>) src(%dma_wait3A_591 : memref<80xi32, #tpu.memory_space<hbm>>) dst(%dma_wait3A_588 : memref<80xi32, #tpu.memory_space<vmem>>)
    %dma_start3A_592 = arith.constant 3 : i32
    %dma_start3A_593 = arith.constant 0 : i32
    %dma_start3A_594 = arith.constant 0 : i32
    %dma_start3A_595 = arith.constant 0 : i32
    %dma_start3A_596 = arith.constant 0 : i32
    %dma_start3A_597 = tpu.memref_slice %arg8[%dma_start3A_593, %dma_start3A_595, %dma_start3A_596] : memref<3x80x128xf32, #tpu.memory_space<vmem>> -> memref<1x80x128xf32, #tpu.memory_space<vmem>>
    %dma_start3A_598 = tpu.memref_squeeze %dma_start3A_597 : memref<1x80x128xf32, #tpu.memory_space<vmem>> -> memref<80x128xf32, #tpu.memory_space<vmem>>
    %dma_start3A_599 = arith.constant 0 : i32
    %dma_start3A_600 = tpu.memref_slice %arg6[%dma_start3A_592, %dma_start3A_599] : memref<6x80xi32, #tpu.memory_space<vmem>> -> memref<1x80xi32, #tpu.memory_space<vmem>>
    %dma_start3A_601 = tpu.memref_squeeze %dma_start3A_600 : memref<1x80xi32, #tpu.memory_space<vmem>> -> memref<80xi32, #tpu.memory_space<vmem>>
    %dma_start3A_602 = arith.constant 0 : i32
    %dma_start3A_603 = arith.constant 0 : i32
    %dma_start3A_604 = tpu.memref_slice %arg2[%dma_start3A_602, %dma_start3A_603] : memref<20000x128xf32, #tpu.memory_space<hbm>> -> memref<20000x128xf32, #tpu.memory_space<hbm>>
    %dma_start3A_605 = tpu.memref_slice %arg10[%dma_start3A_594] : memref<3x!tpu.dma_semaphore, #tpu.memory_space<semaphore_mem>> -> memref<1x!tpu.dma_semaphore, #tpu.memory_space<semaphore_mem>>
    %dma_start3A_606 = tpu.memref_squeeze %dma_start3A_605 : memref<1x!tpu.dma_semaphore, #tpu.memory_space<semaphore_mem>> -> memref<!tpu.dma_semaphore, #tpu.memory_space<semaphore_mem>>
    tpu.enqueue_indirect_dma source(%dma_start3A_604 : memref<20000x128xf32, #tpu.memory_space<hbm>>) target(%dma_start3A_598 : memref<80x128xf32, #tpu.memory_space<vmem>>) offsets(%dma_start3A_601 : memref<80xi32, #tpu.memory_space<vmem>>) semaphore(%dma_start3A_606 : memref<!tpu.dma_semaphore, #tpu.memory_space<semaphore_mem>>)
    %dma_wait3A_607 = arith.constant 2 : i32
    %dma_wait3A_608 = arith.constant 2 : i32
    %dma_wait3A_609 = arith.constant 2 : i32
    %dma_wait3A_610 = arith.constant 0 : i32
    %dma_wait3A_611 = arith.constant 0 : i32
    %dma_wait3A_612 = tpu.memref_slice %arg8[%dma_wait3A_608, %dma_wait3A_610, %dma_wait3A_611] : memref<3x80x128xf32, #tpu.memory_space<vmem>> -> memref<1x80x128xf32, #tpu.memory_space<vmem>>
    %dma_wait3A_613 = tpu.memref_squeeze %dma_wait3A_612 : memref<1x80x128xf32, #tpu.memory_space<vmem>> -> memref<80x128xf32, #tpu.memory_space<vmem>>
    %dma_wait3A_614 = arith.constant 0 : i32
    %dma_wait3A_615 = tpu.memref_slice %arg6[%dma_wait3A_607, %dma_wait3A_614] : memref<6x80xi32, #tpu.memory_space<vmem>> -> memref<1x80xi32, #tpu.memory_space<vmem>>
    %dma_wait3A_616 = tpu.memref_squeeze %dma_wait3A_615 : memref<1x80xi32, #tpu.memory_space<vmem>> -> memref<80xi32, #tpu.memory_space<vmem>>
    %dma_wait3A_617 = arith.constant 0 : i32
    %dma_wait3A_618 = arith.constant 0 : i32
    %dma_wait3A_619 = tpu.memref_slice %arg2[%dma_wait3A_617, %dma_wait3A_618] : memref<20000x128xf32, #tpu.memory_space<hbm>> -> memref<20000x128xf32, #tpu.memory_space<hbm>>
    %dma_wait3A_620 = tpu.memref_slice %arg10[%dma_wait3A_609] : memref<3x!tpu.dma_semaphore, #tpu.memory_space<semaphore_mem>> -> memref<1x!tpu.dma_semaphore, #tpu.memory_space<semaphore_mem>>
    %dma_wait3A_621 = tpu.memref_squeeze %dma_wait3A_620 : memref<1x!tpu.dma_semaphore, #tpu.memory_space<semaphore_mem>> -> memref<!tpu.dma_semaphore, #tpu.memory_space<semaphore_mem>>
    tpu.wait_indirect_dma semaphore(%dma_wait3A_621 : memref<!tpu.dma_semaphore, #tpu.memory_space<semaphore_mem>>) src(%dma_wait3A_619 : memref<20000x128xf32, #tpu.memory_space<hbm>>) dst(%dma_wait3A_613 : memref<80x128xf32, #tpu.memory_space<vmem>>)
    %dma_start3A_622 = arith.constant 2 : i32
    %dma_start3A_623 = arith.constant 2 : i32
    %dma_start3A_624 = arith.constant 2 : i32
    %dma_start3A_625 = arith.constant 0 : i32
    %dma_start3A_626 = arith.constant 0 : i32
    %dma_start3A_627 = tpu.memref_slice %arg8[%dma_start3A_622, %dma_start3A_625, %dma_start3A_626] : memref<3x80x128xf32, #tpu.memory_space<vmem>> -> memref<1x80x128xf32, #tpu.memory_space<vmem>>
    %dma_start3A_628 = tpu.memref_squeeze %dma_start3A_627 : memref<1x80x128xf32, #tpu.memory_space<vmem>> -> memref<80x128xf32, #tpu.memory_space<vmem>>
    %dma_start3A_629 = arith.constant 0 : i32
    %dma_start3A_630 = tpu.memref_slice %arg7[%dma_start3A_623, %dma_start3A_629] : memref<6x80xi32, #tpu.memory_space<vmem>> -> memref<1x80xi32, #tpu.memory_space<vmem>>
    %dma_start3A_631 = tpu.memref_squeeze %dma_start3A_630 : memref<1x80xi32, #tpu.memory_space<vmem>> -> memref<80xi32, #tpu.memory_space<vmem>>
    %dma_start3A_632 = arith.constant 0 : i32
    %dma_start3A_633 = arith.constant 0 : i32
    %dma_start3A_634 = tpu.memref_slice %arg9[%dma_start3A_632, %dma_start3A_633] : memref<10000x128xf32, #tpu.memory_space<vmem_shared>> -> memref<10000x128xf32, #tpu.memory_space<vmem_shared>>
    %dma_start3A_635 = tpu.memref_slice %arg11[%dma_start3A_624] : memref<3x!tpu.dma_semaphore, #tpu.memory_space<semaphore_mem>> -> memref<1x!tpu.dma_semaphore, #tpu.memory_space<semaphore_mem>>
    %dma_start3A_636 = tpu.memref_squeeze %dma_start3A_635 : memref<1x!tpu.dma_semaphore, #tpu.memory_space<semaphore_mem>> -> memref<!tpu.dma_semaphore, #tpu.memory_space<semaphore_mem>>
    tpu.enqueue_indirect_dma source(%dma_start3A_628 : memref<80x128xf32, #tpu.memory_space<vmem>>) target(%dma_start3A_634 : memref<10000x128xf32, #tpu.memory_space<vmem_shared>>) offsets(%dma_start3A_631 : memref<80xi32, #tpu.memory_space<vmem>>) semaphore(%dma_start3A_636 : memref<!tpu.dma_semaphore, #tpu.memory_space<semaphore_mem>>) {add = true}
    %dma_wait3A_637 = arith.constant 1 : i32
    %dma_wait3A_638 = arith.constant 1 : i32
    %dma_wait3A_639 = arith.constant 1 : i32
    %dma_wait3A_640 = arith.constant 0 : i32
    %dma_wait3A_641 = arith.constant 0 : i32
    %dma_wait3A_642 = tpu.memref_slice %arg8[%dma_wait3A_637, %dma_wait3A_640, %dma_wait3A_641] : memref<3x80x128xf32, #tpu.memory_space<vmem>> -> memref<1x80x128xf32, #tpu.memory_space<vmem>>
    %dma_wait3A_643 = tpu.memref_squeeze %dma_wait3A_642 : memref<1x80x128xf32, #tpu.memory_space<vmem>> -> memref<80x128xf32, #tpu.memory_space<vmem>>
    %dma_wait3A_644 = arith.constant 0 : i32
    %dma_wait3A_645 = tpu.memref_slice %arg7[%dma_wait3A_638, %dma_wait3A_644] : memref<6x80xi32, #tpu.memory_space<vmem>> -> memref<1x80xi32, #tpu.memory_space<vmem>>
    %dma_wait3A_646 = tpu.memref_squeeze %dma_wait3A_645 : memref<1x80xi32, #tpu.memory_space<vmem>> -> memref<80xi32, #tpu.memory_space<vmem>>
    %dma_wait3A_647 = arith.constant 0 : i32
    %dma_wait3A_648 = arith.constant 0 : i32
    %dma_wait3A_649 = tpu.memref_slice %arg9[%dma_wait3A_647, %dma_wait3A_648] : memref<10000x128xf32, #tpu.memory_space<vmem_shared>> -> memref<10000x128xf32, #tpu.memory_space<vmem_shared>>
    %dma_wait3A_650 = tpu.memref_slice %arg11[%dma_wait3A_639] : memref<3x!tpu.dma_semaphore, #tpu.memory_space<semaphore_mem>> -> memref<1x!tpu.dma_semaphore, #tpu.memory_space<semaphore_mem>>
    %dma_wait3A_651 = tpu.memref_squeeze %dma_wait3A_650 : memref<1x!tpu.dma_semaphore, #tpu.memory_space<semaphore_mem>> -> memref<!tpu.dma_semaphore, #tpu.memory_space<semaphore_mem>>
    tpu.wait_indirect_dma semaphore(%dma_wait3A_651 : memref<!tpu.dma_semaphore, #tpu.memory_space<semaphore_mem>>) src(%dma_wait3A_643 : memref<80x128xf32, #tpu.memory_space<vmem>>) dst(%dma_wait3A_649 : memref<10000x128xf32, #tpu.memory_space<vmem_shared>>)
    %mul3A_652 = arith.constant 250 : i32
    %mul3A_653 = arith.muli %add3A, %mul3A_652 : i32
    %add3A_654 = arith.constant 7 : i32
    %add3A_655 = arith.addi %mul3A_653, %add3A_654 : i32
    %dma_start3A_656 = arith.constant 1 : i32
    %dma_start3A_657 = arith.constant 1 : i32
    %dma_start3A_658 = arith.constant 0 : i32
    %dma_start3A_659 = tpu.memref_slice %arg6[%dma_start3A_656, %dma_start3A_658] : memref<6x80xi32, #tpu.memory_space<vmem>> -> memref<1x80xi32, #tpu.memory_space<vmem>>
    %dma_start3A_660 = tpu.memref_squeeze %dma_start3A_659 : memref<1x80xi32, #tpu.memory_space<vmem>> -> memref<80xi32, #tpu.memory_space<vmem>>
    %dma_start3A_661 = arith.constant 0 : i32
    %dma_start3A_662 = tpu.memref_slice %arg3[%add3A_655, %dma_start3A_661] : memref<8000x80xi32, #tpu.memory_space<hbm>> -> memref<1x80xi32, #tpu.memory_space<hbm>>
    %dma_start3A_663 = tpu.memref_squeeze %dma_start3A_662 : memref<1x80xi32, #tpu.memory_space<hbm>> -> memref<80xi32, #tpu.memory_space<hbm>>
    %dma_start3A_664 = tpu.memref_slice %arg12[%dma_start3A_657] : memref<6x!tpu.dma_semaphore, #tpu.memory_space<semaphore_mem>> -> memref<1x!tpu.dma_semaphore, #tpu.memory_space<semaphore_mem>>
    %dma_start3A_665 = tpu.memref_squeeze %dma_start3A_664 : memref<1x!tpu.dma_semaphore, #tpu.memory_space<semaphore_mem>> -> memref<!tpu.dma_semaphore, #tpu.memory_space<semaphore_mem>>
    %dma_start3A_666 = arith.constant 0 : i32
    %dma_start3A_667 = tpu.memref_slice %arg6[%dma_start3A_656, %dma_start3A_666] : memref<6x80xi32, #tpu.memory_space<vmem>> -> memref<1x80xi32, #tpu.memory_space<vmem>>
    %dma_start3A_668 = tpu.memref_squeeze %dma_start3A_667 : memref<1x80xi32, #tpu.memory_space<vmem>> -> memref<80xi32, #tpu.memory_space<vmem>>
    %dma_start3A_669 = arith.constant 0 : i32
    %dma_start3A_670 = tpu.memref_slice %arg3[%add3A_655, %dma_start3A_669] : memref<8000x80xi32, #tpu.memory_space<hbm>> -> memref<1x80xi32, #tpu.memory_space<hbm>>
    %dma_start3A_671 = tpu.memref_squeeze %dma_start3A_670 : memref<1x80xi32, #tpu.memory_space<hbm>> -> memref<80xi32, #tpu.memory_space<hbm>>
    tpu.enqueue_dma source(%dma_start3A_671 : memref<80xi32, #tpu.memory_space<hbm>>) target(%dma_start3A_668 : memref<80xi32, #tpu.memory_space<vmem>>) target_semaphore(%dma_start3A_665 : memref<!tpu.dma_semaphore, #tpu.memory_space<semaphore_mem>>)
    %mul3A_672 = arith.constant 250 : i32
    %mul3A_673 = arith.muli %arg1, %mul3A_672 : i32
    %add3A_674 = arith.constant 7 : i32
    %add3A_675 = arith.addi %mul3A_673, %add3A_674 : i32
    %dma_start3A_676 = arith.constant 1 : i32
    %dma_start3A_677 = arith.constant 1 : i32
    %dma_start3A_678 = arith.constant 0 : i32
    %dma_start3A_679 = tpu.memref_slice %arg7[%dma_start3A_676, %dma_start3A_678] : memref<6x80xi32, #tpu.memory_space<vmem>> -> memref<1x80xi32, #tpu.memory_space<vmem>>
    %dma_start3A_680 = tpu.memref_squeeze %dma_start3A_679 : memref<1x80xi32, #tpu.memory_space<vmem>> -> memref<80xi32, #tpu.memory_space<vmem>>
    %dma_start3A_681 = arith.constant 0 : i32
    %dma_start3A_682 = tpu.memref_slice %arg4[%add3A_675, %dma_start3A_681] : memref<4000x80xi32, #tpu.memory_space<hbm>> -> memref<1x80xi32, #tpu.memory_space<hbm>>
    %dma_start3A_683 = tpu.memref_squeeze %dma_start3A_682 : memref<1x80xi32, #tpu.memory_space<hbm>> -> memref<80xi32, #tpu.memory_space<hbm>>
    %dma_start3A_684 = tpu.memref_slice %arg12[%dma_start3A_677] : memref<6x!tpu.dma_semaphore, #tpu.memory_space<semaphore_mem>> -> memref<1x!tpu.dma_semaphore, #tpu.memory_space<semaphore_mem>>
    %dma_start3A_685 = tpu.memref_squeeze %dma_start3A_684 : memref<1x!tpu.dma_semaphore, #tpu.memory_space<semaphore_mem>> -> memref<!tpu.dma_semaphore, #tpu.memory_space<semaphore_mem>>
    %dma_start3A_686 = arith.constant 0 : i32
    %dma_start3A_687 = tpu.memref_slice %arg7[%dma_start3A_676, %dma_start3A_686] : memref<6x80xi32, #tpu.memory_space<vmem>> -> memref<1x80xi32, #tpu.memory_space<vmem>>
    %dma_start3A_688 = tpu.memref_squeeze %dma_start3A_687 : memref<1x80xi32, #tpu.memory_space<vmem>> -> memref<80xi32, #tpu.memory_space<vmem>>
    %dma_start3A_689 = arith.constant 0 : i32
    %dma_start3A_690 = tpu.memref_slice %arg4[%add3A_675, %dma_start3A_689] : memref<4000x80xi32, #tpu.memory_space<hbm>> -> memref<1x80xi32, #tpu.memory_space<hbm>>
    %dma_start3A_691 = tpu.memref_squeeze %dma_start3A_690 : memref<1x80xi32, #tpu.memory_space<hbm>> -> memref<80xi32, #tpu.memory_space<hbm>>
    tpu.enqueue_dma source(%dma_start3A_691 : memref<80xi32, #tpu.memory_space<hbm>>) target(%dma_start3A_688 : memref<80xi32, #tpu.memory_space<vmem>>) target_semaphore(%dma_start3A_685 : memref<!tpu.dma_semaphore, #tpu.memory_space<semaphore_mem>>)
    %mul3A_692 = arith.constant 250 : i32
    %mul3A_693 = arith.muli %add3A, %mul3A_692 : i32
    %add3A_694 = arith.constant 4 : i32
    %add3A_695 = arith.addi %mul3A_693, %add3A_694 : i32
    %dma_wait3A_696 = arith.constant 4 : i32
    %dma_wait3A_697 = arith.constant 4 : i32
    %dma_wait3A_698 = arith.constant 0 : i32
    %dma_wait3A_699 = tpu.memref_slice %arg6[%dma_wait3A_696, %dma_wait3A_698] : memref<6x80xi32, #tpu.memory_space<vmem>> -> memref<1x80xi32, #tpu.memory_space<vmem>>
    %dma_wait3A_700 = tpu.memref_squeeze %dma_wait3A_699 : memref<1x80xi32, #tpu.memory_space<vmem>> -> memref<80xi32, #tpu.memory_space<vmem>>
    %dma_wait3A_701 = arith.constant 0 : i32
    %dma_wait3A_702 = tpu.memref_slice %arg3[%add3A_695, %dma_wait3A_701] : memref<8000x80xi32, #tpu.memory_space<hbm>> -> memref<1x80xi32, #tpu.memory_space<hbm>>
    %dma_wait3A_703 = tpu.memref_squeeze %dma_wait3A_702 : memref<1x80xi32, #tpu.memory_space<hbm>> -> memref<80xi32, #tpu.memory_space<hbm>>
    %dma_wait3A_704 = tpu.memref_slice %arg12[%dma_wait3A_697] : memref<6x!tpu.dma_semaphore, #tpu.memory_space<semaphore_mem>> -> memref<1x!tpu.dma_semaphore, #tpu.memory_space<semaphore_mem>>
    %dma_wait3A_705 = tpu.memref_squeeze %dma_wait3A_704 : memref<1x!tpu.dma_semaphore, #tpu.memory_space<semaphore_mem>> -> memref<!tpu.dma_semaphore, #tpu.memory_space<semaphore_mem>>
    %dma_wait3A_706 = arith.constant 0 : i32
    %dma_wait3A_707 = tpu.memref_slice %arg6[%dma_wait3A_696, %dma_wait3A_706] : memref<6x80xi32, #tpu.memory_space<vmem>> -> memref<1x80xi32, #tpu.memory_space<vmem>>
    %dma_wait3A_708 = tpu.memref_squeeze %dma_wait3A_707 : memref<1x80xi32, #tpu.memory_space<vmem>> -> memref<80xi32, #tpu.memory_space<vmem>>
    %dma_wait3A_709 = arith.constant 0 : i32
    %dma_wait3A_710 = tpu.memref_slice %arg3[%add3A_695, %dma_wait3A_709] : memref<8000x80xi32, #tpu.memory_space<hbm>> -> memref<1x80xi32, #tpu.memory_space<hbm>>
    %dma_wait3A_711 = tpu.memref_squeeze %dma_wait3A_710 : memref<1x80xi32, #tpu.memory_space<hbm>> -> memref<80xi32, #tpu.memory_space<hbm>>
    tpu.wait_dma2 semaphore(%dma_wait3A_705 : memref<!tpu.dma_semaphore, #tpu.memory_space<semaphore_mem>>) src(%dma_wait3A_711 : memref<80xi32, #tpu.memory_space<hbm>>) dst(%dma_wait3A_708 : memref<80xi32, #tpu.memory_space<vmem>>)
    %mul3A_712 = arith.constant 250 : i32
    %mul3A_713 = arith.muli %arg1, %mul3A_712 : i32
    %add3A_714 = arith.constant 4 : i32
    %add3A_715 = arith.addi %mul3A_713, %add3A_714 : i32
    %dma_wait3A_716 = arith.constant 4 : i32
    %dma_wait3A_717 = arith.constant 4 : i32
    %dma_wait3A_718 = arith.constant 0 : i32
    %dma_wait3A_719 = tpu.memref_slice %arg7[%dma_wait3A_716, %dma_wait3A_718] : memref<6x80xi32, #tpu.memory_space<vmem>> -> memref<1x80xi32, #tpu.memory_space<vmem>>
    %dma_wait3A_720 = tpu.memref_squeeze %dma_wait3A_719 : memref<1x80xi32, #tpu.memory_space<vmem>> -> memref<80xi32, #tpu.memory_space<vmem>>
    %dma_wait3A_721 = arith.constant 0 : i32
    %dma_wait3A_722 = tpu.memref_slice %arg4[%add3A_715, %dma_wait3A_721] : memref<4000x80xi32, #tpu.memory_space<hbm>> -> memref<1x80xi32, #tpu.memory_space<hbm>>
    %dma_wait3A_723 = tpu.memref_squeeze %dma_wait3A_722 : memref<1x80xi32, #tpu.memory_space<hbm>> -> memref<80xi32, #tpu.memory_space<hbm>>
    %dma_wait3A_724 = tpu.memref_slice %arg12[%dma_wait3A_717] : memref<6x!tpu.dma_semaphore, #tpu.memory_space<semaphore_mem>> -> memref<1x!tpu.dma_semaphore, #tpu.memory_space<semaphore_mem>>
    %dma_wait3A_725 = tpu.memref_squeeze %dma_wait3A_724 : memref<1x!tpu.dma_semaphore, #tpu.memory_space<semaphore_mem>> -> memref<!tpu.dma_semaphore, #tpu.memory_space<semaphore_mem>>
    %dma_wait3A_726 = arith.constant 0 : i32
    %dma_wait3A_727 = tpu.memref_slice %arg7[%dma_wait3A_716, %dma_wait3A_726] : memref<6x80xi32, #tpu.memory_space<vmem>> -> memref<1x80xi32, #tpu.memory_space<vmem>>
    %dma_wait3A_728 = tpu.memref_squeeze %dma_wait3A_727 : memref<1x80xi32, #tpu.memory_space<vmem>> -> memref<80xi32, #tpu.memory_space<vmem>>
    %dma_wait3A_729 = arith.constant 0 : i32
    %dma_wait3A_730 = tpu.memref_slice %arg4[%add3A_715, %dma_wait3A_729] : memref<4000x80xi32, #tpu.memory_space<hbm>> -> memref<1x80xi32, #tpu.memory_space<hbm>>
    %dma_wait3A_731 = tpu.memref_squeeze %dma_wait3A_730 : memref<1x80xi32, #tpu.memory_space<hbm>> -> memref<80xi32, #tpu.memory_space<hbm>>
    tpu.wait_dma2 semaphore(%dma_wait3A_725 : memref<!tpu.dma_semaphore, #tpu.memory_space<semaphore_mem>>) src(%dma_wait3A_731 : memref<80xi32, #tpu.memory_space<hbm>>) dst(%dma_wait3A_728 : memref<80xi32, #tpu.memory_space<vmem>>)
    %dma_start3A_732 = arith.constant 4 : i32
    %dma_start3A_733 = arith.constant 1 : i32
    %dma_start3A_734 = arith.constant 1 : i32
    %dma_start3A_735 = arith.constant 0 : i32
    %dma_start3A_736 = arith.constant 0 : i32
    %dma_start3A_737 = tpu.memref_slice %arg8[%dma_start3A_733, %dma_start3A_735, %dma_start3A_736] : memref<3x80x128xf32, #tpu.memory_space<vmem>> -> memref<1x80x128xf32, #tpu.memory_space<vmem>>
    %dma_start3A_738 = tpu.memref_squeeze %dma_start3A_737 : memref<1x80x128xf32, #tpu.memory_space<vmem>> -> memref<80x128xf32, #tpu.memory_space<vmem>>
    %dma_start3A_739 = arith.constant 0 : i32
    %dma_start3A_740 = tpu.memref_slice %arg6[%dma_start3A_732, %dma_start3A_739] : memref<6x80xi32, #tpu.memory_space<vmem>> -> memref<1x80xi32, #tpu.memory_space<vmem>>
    %dma_start3A_741 = tpu.memref_squeeze %dma_start3A_740 : memref<1x80xi32, #tpu.memory_space<vmem>> -> memref<80xi32, #tpu.memory_space<vmem>>
    %dma_start3A_742 = arith.constant 0 : i32
    %dma_start3A_743 = arith.constant 0 : i32
    %dma_start3A_744 = tpu.memref_slice %arg2[%dma_start3A_742, %dma_start3A_743] : memref<20000x128xf32, #tpu.memory_space<hbm>> -> memref<20000x128xf32, #tpu.memory_space<hbm>>
    %dma_start3A_745 = tpu.memref_slice %arg10[%dma_start3A_734] : memref<3x!tpu.dma_semaphore, #tpu.memory_space<semaphore_mem>> -> memref<1x!tpu.dma_semaphore, #tpu.memory_space<semaphore_mem>>
    %dma_start3A_746 = tpu.memref_squeeze %dma_start3A_745 : memref<1x!tpu.dma_semaphore, #tpu.memory_space<semaphore_mem>> -> memref<!tpu.dma_semaphore, #tpu.memory_space<semaphore_mem>>
    tpu.enqueue_indirect_dma source(%dma_start3A_744 : memref<20000x128xf32, #tpu.memory_space<hbm>>) target(%dma_start3A_738 : memref<80x128xf32, #tpu.memory_space<vmem>>) offsets(%dma_start3A_741 : memref<80xi32, #tpu.memory_space<vmem>>) semaphore(%dma_start3A_746 : memref<!tpu.dma_semaphore, #tpu.memory_space<semaphore_mem>>)
    %dma_wait3A_747 = arith.constant 3 : i32
    %dma_wait3A_748 = arith.constant 0 : i32
    %dma_wait3A_749 = arith.constant 0 : i32
    %dma_wait3A_750 = arith.constant 0 : i32
    %dma_wait3A_751 = arith.constant 0 : i32
    %dma_wait3A_752 = tpu.memref_slice %arg8[%dma_wait3A_748, %dma_wait3A_750, %dma_wait3A_751] : memref<3x80x128xf32, #tpu.memory_space<vmem>> -> memref<1x80x128xf32, #tpu.memory_space<vmem>>
    %dma_wait3A_753 = tpu.memref_squeeze %dma_wait3A_752 : memref<1x80x128xf32, #tpu.memory_space<vmem>> -> memref<80x128xf32, #tpu.memory_space<vmem>>
    %dma_wait3A_754 = arith.constant 0 : i32
    %dma_wait3A_755 = tpu.memref_slice %arg6[%dma_wait3A_747, %dma_wait3A_754] : memref<6x80xi32, #tpu.memory_space<vmem>> -> memref<1x80xi32, #tpu.memory_space<vmem>>
    %dma_wait3A_756 = tpu.memref_squeeze %dma_wait3A_755 : memref<1x80xi32, #tpu.memory_space<vmem>> -> memref<80xi32, #tpu.memory_space<vmem>>
    %dma_wait3A_757 = arith.constant 0 : i32
    %dma_wait3A_758 = arith.constant 0 : i32
    %dma_wait3A_759 = tpu.memref_slice %arg2[%dma_wait3A_757, %dma_wait3A_758] : memref<20000x128xf32, #tpu.memory_space<hbm>> -> memref<20000x128xf32, #tpu.memory_space<hbm>>
    %dma_wait3A_760 = tpu.memref_slice %arg10[%dma_wait3A_749] : memref<3x!tpu.dma_semaphore, #tpu.memory_space<semaphore_mem>> -> memref<1x!tpu.dma_semaphore, #tpu.memory_space<semaphore_mem>>
    %dma_wait3A_761 = tpu.memref_squeeze %dma_wait3A_760 : memref<1x!tpu.dma_semaphore, #tpu.memory_space<semaphore_mem>> -> memref<!tpu.dma_semaphore, #tpu.memory_space<semaphore_mem>>
    tpu.wait_indirect_dma semaphore(%dma_wait3A_761 : memref<!tpu.dma_semaphore, #tpu.memory_space<semaphore_mem>>) src(%dma_wait3A_759 : memref<20000x128xf32, #tpu.memory_space<hbm>>) dst(%dma_wait3A_753 : memref<80x128xf32, #tpu.memory_space<vmem>>)
    %dma_start3A_762 = arith.constant 0 : i32
    %dma_start3A_763 = arith.constant 3 : i32
    %dma_start3A_764 = arith.constant 0 : i32
    %dma_start3A_765 = arith.constant 0 : i32
    %dma_start3A_766 = arith.constant 0 : i32
    %dma_start3A_767 = tpu.memref_slice %arg8[%dma_start3A_762, %dma_start3A_765, %dma_start3A_766] : memref<3x80x128xf32, #tpu.memory_space<vmem>> -> memref<1x80x128xf32, #tpu.memory_space<vmem>>
    %dma_start3A_768 = tpu.memref_squeeze %dma_start3A_767 : memref<1x80x128xf32, #tpu.memory_space<vmem>> -> memref<80x128xf32, #tpu.memory_space<vmem>>
    %dma_start3A_769 = arith.constant 0 : i32
    %dma_start3A_770 = tpu.memref_slice %arg7[%dma_start3A_763, %dma_start3A_769] : memref<6x80xi32, #tpu.memory_space<vmem>> -> memref<1x80xi32, #tpu.memory_space<vmem>>
    %dma_start3A_771 = tpu.memref_squeeze %dma_start3A_770 : memref<1x80xi32, #tpu.memory_space<vmem>> -> memref<80xi32, #tpu.memory_space<vmem>>
    %dma_start3A_772 = arith.constant 0 : i32
    %dma_start3A_773 = arith.constant 0 : i32
    %dma_start3A_774 = tpu.memref_slice %arg9[%dma_start3A_772, %dma_start3A_773] : memref<10000x128xf32, #tpu.memory_space<vmem_shared>> -> memref<10000x128xf32, #tpu.memory_space<vmem_shared>>
    %dma_start3A_775 = tpu.memref_slice %arg11[%dma_start3A_764] : memref<3x!tpu.dma_semaphore, #tpu.memory_space<semaphore_mem>> -> memref<1x!tpu.dma_semaphore, #tpu.memory_space<semaphore_mem>>
    %dma_start3A_776 = tpu.memref_squeeze %dma_start3A_775 : memref<1x!tpu.dma_semaphore, #tpu.memory_space<semaphore_mem>> -> memref<!tpu.dma_semaphore, #tpu.memory_space<semaphore_mem>>
    tpu.enqueue_indirect_dma source(%dma_start3A_768 : memref<80x128xf32, #tpu.memory_space<vmem>>) target(%dma_start3A_774 : memref<10000x128xf32, #tpu.memory_space<vmem_shared>>) offsets(%dma_start3A_771 : memref<80xi32, #tpu.memory_space<vmem>>) semaphore(%dma_start3A_776 : memref<!tpu.dma_semaphore, #tpu.memory_space<semaphore_mem>>) {add = true}
    %dma_wait3A_777 = arith.constant 2 : i32
    %dma_wait3A_778 = arith.constant 2 : i32
    %dma_wait3A_779 = arith.constant 2 : i32
    %dma_wait3A_780 = arith.constant 0 : i32
    %dma_wait3A_781 = arith.constant 0 : i32
    %dma_wait3A_782 = tpu.memref_slice %arg8[%dma_wait3A_777, %dma_wait3A_780, %dma_wait3A_781] : memref<3x80x128xf32, #tpu.memory_space<vmem>> -> memref<1x80x128xf32, #tpu.memory_space<vmem>>
    %dma_wait3A_783 = tpu.memref_squeeze %dma_wait3A_782 : memref<1x80x128xf32, #tpu.memory_space<vmem>> -> memref<80x128xf32, #tpu.memory_space<vmem>>
    %dma_wait3A_784 = arith.constant 0 : i32
    %dma_wait3A_785 = tpu.memref_slice %arg7[%dma_wait3A_778, %dma_wait3A_784] : memref<6x80xi32, #tpu.memory_space<vmem>> -> memref<1x80xi32, #tpu.memory_space<vmem>>
    %dma_wait3A_786 = tpu.memref_squeeze %dma_wait3A_785 : memref<1x80xi32, #tpu.memory_space<vmem>> -> memref<80xi32, #tpu.memory_space<vmem>>
    %dma_wait3A_787 = arith.constant 0 : i32
    %dma_wait3A_788 = arith.constant 0 : i32
    %dma_wait3A_789 = tpu.memref_slice %arg9[%dma_wait3A_787, %dma_wait3A_788] : memref<10000x128xf32, #tpu.memory_space<vmem_shared>> -> memref<10000x128xf32, #tpu.memory_space<vmem_shared>>
    %dma_wait3A_790 = tpu.memref_slice %arg11[%dma_wait3A_779] : memref<3x!tpu.dma_semaphore, #tpu.memory_space<semaphore_mem>> -> memref<1x!tpu.dma_semaphore, #tpu.memory_space<semaphore_mem>>
    %dma_wait3A_791 = tpu.memref_squeeze %dma_wait3A_790 : memref<1x!tpu.dma_semaphore, #tpu.memory_space<semaphore_mem>> -> memref<!tpu.dma_semaphore, #tpu.memory_space<semaphore_mem>>
    tpu.wait_indirect_dma semaphore(%dma_wait3A_791 : memref<!tpu.dma_semaphore, #tpu.memory_space<semaphore_mem>>) src(%dma_wait3A_783 : memref<80x128xf32, #tpu.memory_space<vmem>>) dst(%dma_wait3A_789 : memref<10000x128xf32, #tpu.memory_space<vmem_shared>>)
    %mul3A_792 = arith.constant 250 : i32
    %mul3A_793 = arith.muli %add3A, %mul3A_792 : i32
    %add3A_794 = arith.constant 8 : i32
    %add3A_795 = arith.addi %mul3A_793, %add3A_794 : i32
    %dma_start3A_796 = arith.constant 2 : i32
    %dma_start3A_797 = arith.constant 2 : i32
    %dma_start3A_798 = arith.constant 0 : i32
    %dma_start3A_799 = tpu.memref_slice %arg6[%dma_start3A_796, %dma_start3A_798] : memref<6x80xi32, #tpu.memory_space<vmem>> -> memref<1x80xi32, #tpu.memory_space<vmem>>
    %dma_start3A_800 = tpu.memref_squeeze %dma_start3A_799 : memref<1x80xi32, #tpu.memory_space<vmem>> -> memref<80xi32, #tpu.memory_space<vmem>>
    %dma_start3A_801 = arith.constant 0 : i32
    %dma_start3A_802 = tpu.memref_slice %arg3[%add3A_795, %dma_start3A_801] : memref<8000x80xi32, #tpu.memory_space<hbm>> -> memref<1x80xi32, #tpu.memory_space<hbm>>
    %dma_start3A_803 = tpu.memref_squeeze %dma_start3A_802 : memref<1x80xi32, #tpu.memory_space<hbm>> -> memref<80xi32, #tpu.memory_space<hbm>>
    %dma_start3A_804 = tpu.memref_slice %arg12[%dma_start3A_797] : memref<6x!tpu.dma_semaphore, #tpu.memory_space<semaphore_mem>> -> memref<1x!tpu.dma_semaphore, #tpu.memory_space<semaphore_mem>>
    %dma_start3A_805 = tpu.memref_squeeze %dma_start3A_804 : memref<1x!tpu.dma_semaphore, #tpu.memory_space<semaphore_mem>> -> memref<!tpu.dma_semaphore, #tpu.memory_space<semaphore_mem>>
    %dma_start3A_806 = arith.constant 0 : i32
    %dma_start3A_807 = tpu.memref_slice %arg6[%dma_start3A_796, %dma_start3A_806] : memref<6x80xi32, #tpu.memory_space<vmem>> -> memref<1x80xi32, #tpu.memory_space<vmem>>
    %dma_start3A_808 = tpu.memref_squeeze %dma_start3A_807 : memref<1x80xi32, #tpu.memory_space<vmem>> -> memref<80xi32, #tpu.memory_space<vmem>>
    %dma_start3A_809 = arith.constant 0 : i32
    %dma_start3A_810 = tpu.memref_slice %arg3[%add3A_795, %dma_start3A_809] : memref<8000x80xi32, #tpu.memory_space<hbm>> -> memref<1x80xi32, #tpu.memory_space<hbm>>
    %dma_start3A_811 = tpu.memref_squeeze %dma_start3A_810 : memref<1x80xi32, #tpu.memory_space<hbm>> -> memref<80xi32, #tpu.memory_space<hbm>>
    tpu.enqueue_dma source(%dma_start3A_811 : memref<80xi32, #tpu.memory_space<hbm>>) target(%dma_start3A_808 : memref<80xi32, #tpu.memory_space<vmem>>) target_semaphore(%dma_start3A_805 : memref<!tpu.dma_semaphore, #tpu.memory_space<semaphore_mem>>)
    %mul3A_812 = arith.constant 250 : i32
    %mul3A_813 = arith.muli %arg1, %mul3A_812 : i32
    %add3A_814 = arith.constant 8 : i32
    %add3A_815 = arith.addi %mul3A_813, %add3A_814 : i32
    %dma_start3A_816 = arith.constant 2 : i32
    %dma_start3A_817 = arith.constant 2 : i32
    %dma_start3A_818 = arith.constant 0 : i32
    %dma_start3A_819 = tpu.memref_slice %arg7[%dma_start3A_816, %dma_start3A_818] : memref<6x80xi32, #tpu.memory_space<vmem>> -> memref<1x80xi32, #tpu.memory_space<vmem>>
    %dma_start3A_820 = tpu.memref_squeeze %dma_start3A_819 : memref<1x80xi32, #tpu.memory_space<vmem>> -> memref<80xi32, #tpu.memory_space<vmem>>
    %dma_start3A_821 = arith.constant 0 : i32
    %dma_start3A_822 = tpu.memref_slice %arg4[%add3A_815, %dma_start3A_821] : memref<4000x80xi32, #tpu.memory_space<hbm>> -> memref<1x80xi32, #tpu.memory_space<hbm>>
    %dma_start3A_823 = tpu.memref_squeeze %dma_start3A_822 : memref<1x80xi32, #tpu.memory_space<hbm>> -> memref<80xi32, #tpu.memory_space<hbm>>
    %dma_start3A_824 = tpu.memref_slice %arg12[%dma_start3A_817] : memref<6x!tpu.dma_semaphore, #tpu.memory_space<semaphore_mem>> -> memref<1x!tpu.dma_semaphore, #tpu.memory_space<semaphore_mem>>
    %dma_start3A_825 = tpu.memref_squeeze %dma_start3A_824 : memref<1x!tpu.dma_semaphore, #tpu.memory_space<semaphore_mem>> -> memref<!tpu.dma_semaphore, #tpu.memory_space<semaphore_mem>>
    %dma_start3A_826 = arith.constant 0 : i32
    %dma_start3A_827 = tpu.memref_slice %arg7[%dma_start3A_816, %dma_start3A_826] : memref<6x80xi32, #tpu.memory_space<vmem>> -> memref<1x80xi32, #tpu.memory_space<vmem>>
    %dma_start3A_828 = tpu.memref_squeeze %dma_start3A_827 : memref<1x80xi32, #tpu.memory_space<vmem>> -> memref<80xi32, #tpu.memory_space<vmem>>
    %dma_start3A_829 = arith.constant 0 : i32
    %dma_start3A_830 = tpu.memref_slice %arg4[%add3A_815, %dma_start3A_829] : memref<4000x80xi32, #tpu.memory_space<hbm>> -> memref<1x80xi32, #tpu.memory_space<hbm>>
    %dma_start3A_831 = tpu.memref_squeeze %dma_start3A_830 : memref<1x80xi32, #tpu.memory_space<hbm>> -> memref<80xi32, #tpu.memory_space<hbm>>
    tpu.enqueue_dma source(%dma_start3A_831 : memref<80xi32, #tpu.memory_space<hbm>>) target(%dma_start3A_828 : memref<80xi32, #tpu.memory_space<vmem>>) target_semaphore(%dma_start3A_825 : memref<!tpu.dma_semaphore, #tpu.memory_space<semaphore_mem>>)
    %mul3A_832 = arith.constant 250 : i32
    %mul3A_833 = arith.muli %add3A, %mul3A_832 : i32
    %add3A_834 = arith.constant 5 : i32
    %add3A_835 = arith.addi %mul3A_833, %add3A_834 : i32
    %dma_wait3A_836 = arith.constant 5 : i32
    %dma_wait3A_837 = arith.constant 5 : i32
    %dma_wait3A_838 = arith.constant 0 : i32
    %dma_wait3A_839 = tpu.memref_slice %arg6[%dma_wait3A_836, %dma_wait3A_838] : memref<6x80xi32, #tpu.memory_space<vmem>> -> memref<1x80xi32, #tpu.memory_space<vmem>>
    %dma_wait3A_840 = tpu.memref_squeeze %dma_wait3A_839 : memref<1x80xi32, #tpu.memory_space<vmem>> -> memref<80xi32, #tpu.memory_space<vmem>>
    %dma_wait3A_841 = arith.constant 0 : i32
    %dma_wait3A_842 = tpu.memref_slice %arg3[%add3A_835, %dma_wait3A_841] : memref<8000x80xi32, #tpu.memory_space<hbm>> -> memref<1x80xi32, #tpu.memory_space<hbm>>
    %dma_wait3A_843 = tpu.memref_squeeze %dma_wait3A_842 : memref<1x80xi32, #tpu.memory_space<hbm>> -> memref<80xi32, #tpu.memory_space<hbm>>
    %dma_wait3A_844 = tpu.memref_slice %arg12[%dma_wait3A_837] : memref<6x!tpu.dma_semaphore, #tpu.memory_space<semaphore_mem>> -> memref<1x!tpu.dma_semaphore, #tpu.memory_space<semaphore_mem>>
    %dma_wait3A_845 = tpu.memref_squeeze %dma_wait3A_844 : memref<1x!tpu.dma_semaphore, #tpu.memory_space<semaphore_mem>> -> memref<!tpu.dma_semaphore, #tpu.memory_space<semaphore_mem>>
    %dma_wait3A_846 = arith.constant 0 : i32
    %dma_wait3A_847 = tpu.memref_slice %arg6[%dma_wait3A_836, %dma_wait3A_846] : memref<6x80xi32, #tpu.memory_space<vmem>> -> memref<1x80xi32, #tpu.memory_space<vmem>>
    %dma_wait3A_848 = tpu.memref_squeeze %dma_wait3A_847 : memref<1x80xi32, #tpu.memory_space<vmem>> -> memref<80xi32, #tpu.memory_space<vmem>>
    %dma_wait3A_849 = arith.constant 0 : i32
    %dma_wait3A_850 = tpu.memref_slice %arg3[%add3A_835, %dma_wait3A_849] : memref<8000x80xi32, #tpu.memory_space<hbm>> -> memref<1x80xi32, #tpu.memory_space<hbm>>
    %dma_wait3A_851 = tpu.memref_squeeze %dma_wait3A_850 : memref<1x80xi32, #tpu.memory_space<hbm>> -> memref<80xi32, #tpu.memory_space<hbm>>
    tpu.wait_dma2 semaphore(%dma_wait3A_845 : memref<!tpu.dma_semaphore, #tpu.memory_space<semaphore_mem>>) src(%dma_wait3A_851 : memref<80xi32, #tpu.memory_space<hbm>>) dst(%dma_wait3A_848 : memref<80xi32, #tpu.memory_space<vmem>>)
    %mul3A_852 = arith.constant 250 : i32
    %mul3A_853 = arith.muli %arg1, %mul3A_852 : i32
    %add3A_854 = arith.constant 5 : i32
    %add3A_855 = arith.addi %mul3A_853, %add3A_854 : i32
    %dma_wait3A_856 = arith.constant 5 : i32
    %dma_wait3A_857 = arith.constant 5 : i32
    %dma_wait3A_858 = arith.constant 0 : i32
    %dma_wait3A_859 = tpu.memref_slice %arg7[%dma_wait3A_856, %dma_wait3A_858] : memref<6x80xi32, #tpu.memory_space<vmem>> -> memref<1x80xi32, #tpu.memory_space<vmem>>
    %dma_wait3A_860 = tpu.memref_squeeze %dma_wait3A_859 : memref<1x80xi32, #tpu.memory_space<vmem>> -> memref<80xi32, #tpu.memory_space<vmem>>
    %dma_wait3A_861 = arith.constant 0 : i32
    %dma_wait3A_862 = tpu.memref_slice %arg4[%add3A_855, %dma_wait3A_861] : memref<4000x80xi32, #tpu.memory_space<hbm>> -> memref<1x80xi32, #tpu.memory_space<hbm>>
    %dma_wait3A_863 = tpu.memref_squeeze %dma_wait3A_862 : memref<1x80xi32, #tpu.memory_space<hbm>> -> memref<80xi32, #tpu.memory_space<hbm>>
    %dma_wait3A_864 = tpu.memref_slice %arg12[%dma_wait3A_857] : memref<6x!tpu.dma_semaphore, #tpu.memory_space<semaphore_mem>> -> memref<1x!tpu.dma_semaphore, #tpu.memory_space<semaphore_mem>>
    %dma_wait3A_865 = tpu.memref_squeeze %dma_wait3A_864 : memref<1x!tpu.dma_semaphore, #tpu.memory_space<semaphore_mem>> -> memref<!tpu.dma_semaphore, #tpu.memory_space<semaphore_mem>>
    %dma_wait3A_866 = arith.constant 0 : i32
    %dma_wait3A_867 = tpu.memref_slice %arg7[%dma_wait3A_856, %dma_wait3A_866] : memref<6x80xi32, #tpu.memory_space<vmem>> -> memref<1x80xi32, #tpu.memory_space<vmem>>
    %dma_wait3A_868 = tpu.memref_squeeze %dma_wait3A_867 : memref<1x80xi32, #tpu.memory_space<vmem>> -> memref<80xi32, #tpu.memory_space<vmem>>
    %dma_wait3A_869 = arith.constant 0 : i32
    %dma_wait3A_870 = tpu.memref_slice %arg4[%add3A_855, %dma_wait3A_869] : memref<4000x80xi32, #tpu.memory_space<hbm>> -> memref<1x80xi32, #tpu.memory_space<hbm>>
    %dma_wait3A_871 = tpu.memref_squeeze %dma_wait3A_870 : memref<1x80xi32, #tpu.memory_space<hbm>> -> memref<80xi32, #tpu.memory_space<hbm>>
    tpu.wait_dma2 semaphore(%dma_wait3A_865 : memref<!tpu.dma_semaphore, #tpu.memory_space<semaphore_mem>>) src(%dma_wait3A_871 : memref<80xi32, #tpu.memory_space<hbm>>) dst(%dma_wait3A_868 : memref<80xi32, #tpu.memory_space<vmem>>)
    %dma_start3A_872 = arith.constant 5 : i32
    %dma_start3A_873 = arith.constant 2 : i32
    %dma_start3A_874 = arith.constant 2 : i32
    %dma_start3A_875 = arith.constant 0 : i32
    %dma_start3A_876 = arith.constant 0 : i32
    %dma_start3A_877 = tpu.memref_slice %arg8[%dma_start3A_873, %dma_start3A_875, %dma_start3A_876] : memref<3x80x128xf32, #tpu.memory_space<vmem>> -> memref<1x80x128xf32, #tpu.memory_space<vmem>>
    %dma_start3A_878 = tpu.memref_squeeze %dma_start3A_877 : memref<1x80x128xf32, #tpu.memory_space<vmem>> -> memref<80x128xf32, #tpu.memory_space<vmem>>
    %dma_start3A_879 = arith.constant 0 : i32
    %dma_start3A_880 = tpu.memref_slice %arg6[%dma_start3A_872, %dma_start3A_879] : memref<6x80xi32, #tpu.memory_space<vmem>> -> memref<1x80xi32, #tpu.memory_space<vmem>>
    %dma_start3A_881 = tpu.memref_squeeze %dma_start3A_880 : memref<1x80xi32, #tpu.memory_space<vmem>> -> memref<80xi32, #tpu.memory_space<vmem>>
    %dma_start3A_882 = arith.constant 0 : i32
    %dma_start3A_883 = arith.constant 0 : i32
    %dma_start3A_884 = tpu.memref_slice %arg2[%dma_start3A_882, %dma_start3A_883] : memref<20000x128xf32, #tpu.memory_space<hbm>> -> memref<20000x128xf32, #tpu.memory_space<hbm>>
    %dma_start3A_885 = tpu.memref_slice %arg10[%dma_start3A_874] : memref<3x!tpu.dma_semaphore, #tpu.memory_space<semaphore_mem>> -> memref<1x!tpu.dma_semaphore, #tpu.memory_space<semaphore_mem>>
    %dma_start3A_886 = tpu.memref_squeeze %dma_start3A_885 : memref<1x!tpu.dma_semaphore, #tpu.memory_space<semaphore_mem>> -> memref<!tpu.dma_semaphore, #tpu.memory_space<semaphore_mem>>
    tpu.enqueue_indirect_dma source(%dma_start3A_884 : memref<20000x128xf32, #tpu.memory_space<hbm>>) target(%dma_start3A_878 : memref<80x128xf32, #tpu.memory_space<vmem>>) offsets(%dma_start3A_881 : memref<80xi32, #tpu.memory_space<vmem>>) semaphore(%dma_start3A_886 : memref<!tpu.dma_semaphore, #tpu.memory_space<semaphore_mem>>)
    %dma_wait3A_887 = arith.constant 4 : i32
    %dma_wait3A_888 = arith.constant 1 : i32
    %dma_wait3A_889 = arith.constant 1 : i32
    %dma_wait3A_890 = arith.constant 0 : i32
    %dma_wait3A_891 = arith.constant 0 : i32
    %dma_wait3A_892 = tpu.memref_slice %arg8[%dma_wait3A_888, %dma_wait3A_890, %dma_wait3A_891] : memref<3x80x128xf32, #tpu.memory_space<vmem>> -> memref<1x80x128xf32, #tpu.memory_space<vmem>>
    %dma_wait3A_893 = tpu.memref_squeeze %dma_wait3A_892 : memref<1x80x128xf32, #tpu.memory_space<vmem>> -> memref<80x128xf32, #tpu.memory_space<vmem>>
    %dma_wait3A_894 = arith.constant 0 : i32
    %dma_wait3A_895 = tpu.memref_slice %arg6[%dma_wait3A_887, %dma_wait3A_894] : memref<6x80xi32, #tpu.memory_space<vmem>> -> memref<1x80xi32, #tpu.memory_space<vmem>>
    %dma_wait3A_896 = tpu.memref_squeeze %dma_wait3A_895 : memref<1x80xi32, #tpu.memory_space<vmem>> -> memref<80xi32, #tpu.memory_space<vmem>>
    %dma_wait3A_897 = arith.constant 0 : i32
    %dma_wait3A_898 = arith.constant 0 : i32
    %dma_wait3A_899 = tpu.memref_slice %arg2[%dma_wait3A_897, %dma_wait3A_898] : memref<20000x128xf32, #tpu.memory_space<hbm>> -> memref<20000x128xf32, #tpu.memory_space<hbm>>
    %dma_wait3A_900 = tpu.memref_slice %arg10[%dma_wait3A_889] : memref<3x!tpu.dma_semaphore, #tpu.memory_space<semaphore_mem>> -> memref<1x!tpu.dma_semaphore, #tpu.memory_space<semaphore_mem>>
    %dma_wait3A_901 = tpu.memref_squeeze %dma_wait3A_900 : memref<1x!tpu.dma_semaphore, #tpu.memory_space<semaphore_mem>> -> memref<!tpu.dma_semaphore, #tpu.memory_space<semaphore_mem>>
    tpu.wait_indirect_dma semaphore(%dma_wait3A_901 : memref<!tpu.dma_semaphore, #tpu.memory_space<semaphore_mem>>) src(%dma_wait3A_899 : memref<20000x128xf32, #tpu.memory_space<hbm>>) dst(%dma_wait3A_893 : memref<80x128xf32, #tpu.memory_space<vmem>>)
    %dma_start3A_902 = arith.constant 1 : i32
    %dma_start3A_903 = arith.constant 4 : i32
    %dma_start3A_904 = arith.constant 1 : i32
    %dma_start3A_905 = arith.constant 0 : i32
    %dma_start3A_906 = arith.constant 0 : i32
    %dma_start3A_907 = tpu.memref_slice %arg8[%dma_start3A_902, %dma_start3A_905, %dma_start3A_906] : memref<3x80x128xf32, #tpu.memory_space<vmem>> -> memref<1x80x128xf32, #tpu.memory_space<vmem>>
    %dma_start3A_908 = tpu.memref_squeeze %dma_start3A_907 : memref<1x80x128xf32, #tpu.memory_space<vmem>> -> memref<80x128xf32, #tpu.memory_space<vmem>>
    %dma_start3A_909 = arith.constant 0 : i32
    %dma_start3A_910 = tpu.memref_slice %arg7[%dma_start3A_903, %dma_start3A_909] : memref<6x80xi32, #tpu.memory_space<vmem>> -> memref<1x80xi32, #tpu.memory_space<vmem>>
    %dma_start3A_911 = tpu.memref_squeeze %dma_start3A_910 : memref<1x80xi32, #tpu.memory_space<vmem>> -> memref<80xi32, #tpu.memory_space<vmem>>
    %dma_start3A_912 = arith.constant 0 : i32
    %dma_start3A_913 = arith.constant 0 : i32
    %dma_start3A_914 = tpu.memref_slice %arg9[%dma_start3A_912, %dma_start3A_913] : memref<10000x128xf32, #tpu.memory_space<vmem_shared>> -> memref<10000x128xf32, #tpu.memory_space<vmem_shared>>
    %dma_start3A_915 = tpu.memref_slice %arg11[%dma_start3A_904] : memref<3x!tpu.dma_semaphore, #tpu.memory_space<semaphore_mem>> -> memref<1x!tpu.dma_semaphore, #tpu.memory_space<semaphore_mem>>
    %dma_start3A_916 = tpu.memref_squeeze %dma_start3A_915 : memref<1x!tpu.dma_semaphore, #tpu.memory_space<semaphore_mem>> -> memref<!tpu.dma_semaphore, #tpu.memory_space<semaphore_mem>>
    tpu.enqueue_indirect_dma source(%dma_start3A_908 : memref<80x128xf32, #tpu.memory_space<vmem>>) target(%dma_start3A_914 : memref<10000x128xf32, #tpu.memory_space<vmem_shared>>) offsets(%dma_start3A_911 : memref<80xi32, #tpu.memory_space<vmem>>) semaphore(%dma_start3A_916 : memref<!tpu.dma_semaphore, #tpu.memory_space<semaphore_mem>>) {add = true}
    %scan3A_917 = arith.constant 0 : i32
    %scan3A_918 = arith.constant 1 : i32
    %scan3A_919 = arith.constant 40 : i32
    %scan3A_920 = arith.addi %scan3A_918, %scan3A_919 : i32
    %scan3A_921 = arith.constant 1 : i32
    scf.for %scan3A_1447 = %scan3A_918 to %scan3A_920 step %scan3A_921  : i32 {
      %mul3A_1448 = arith.constant 6 : i32
      %mul3A_1449 = arith.muli %scan3A_1447, %mul3A_1448 : i32
      %add3A_1450 = arith.constant 0 : i32
      %add3A_1451 = arith.addi %mul3A_1449, %add3A_1450 : i32
      %dma_wait3A_1452 = arith.constant 0 : i32
      %dma_wait3A_1453 = arith.constant 3 : i32
      %dma_wait3A_1454 = arith.constant 0 : i32
      %dma_wait3A_1455 = arith.constant 0 : i32
      %dma_wait3A_1456 = arith.constant 0 : i32
      %dma_wait3A_1457 = tpu.memref_slice %arg8[%dma_wait3A_1452, %dma_wait3A_1455, %dma_wait3A_1456] : memref<3x80x128xf32, #tpu.memory_space<vmem>> -> memref<1x80x128xf32, #tpu.memory_space<vmem>>
      %dma_wait3A_1458 = tpu.memref_squeeze %dma_wait3A_1457 : memref<1x80x128xf32, #tpu.memory_space<vmem>> -> memref<80x128xf32, #tpu.memory_space<vmem>>
      %dma_wait3A_1459 = arith.constant 0 : i32
      %dma_wait3A_1460 = tpu.memref_slice %arg7[%dma_wait3A_1453, %dma_wait3A_1459] : memref<6x80xi32, #tpu.memory_space<vmem>> -> memref<1x80xi32, #tpu.memory_space<vmem>>
      %dma_wait3A_1461 = tpu.memref_squeeze %dma_wait3A_1460 : memref<1x80xi32, #tpu.memory_space<vmem>> -> memref<80xi32, #tpu.memory_space<vmem>>
      %dma_wait3A_1462 = arith.constant 0 : i32
      %dma_wait3A_1463 = arith.constant 0 : i32
      %dma_wait3A_1464 = tpu.memref_slice %arg9[%dma_wait3A_1462, %dma_wait3A_1463] : memref<10000x128xf32, #tpu.memory_space<vmem_shared>> -> memref<10000x128xf32, #tpu.memory_space<vmem_shared>>
      %dma_wait3A_1465 = tpu.memref_slice %arg11[%dma_wait3A_1454] : memref<3x!tpu.dma_semaphore, #tpu.memory_space<semaphore_mem>> -> memref<1x!tpu.dma_semaphore, #tpu.memory_space<semaphore_mem>>
      %dma_wait3A_1466 = tpu.memref_squeeze %dma_wait3A_1465 : memref<1x!tpu.dma_semaphore, #tpu.memory_space<semaphore_mem>> -> memref<!tpu.dma_semaphore, #tpu.memory_space<semaphore_mem>>
      tpu.wait_indirect_dma semaphore(%dma_wait3A_1466 : memref<!tpu.dma_semaphore, #tpu.memory_space<semaphore_mem>>) src(%dma_wait3A_1458 : memref<80x128xf32, #tpu.memory_space<vmem>>) dst(%dma_wait3A_1464 : memref<10000x128xf32, #tpu.memory_space<vmem_shared>>)
      %add3A_1467 = arith.constant 3 : i32
      %add3A_1468 = arith.addi %add3A_1451, %add3A_1467 : i32
      %lt3A = arith.constant 250 : i32
      %lt3A_1469 = arith.cmpi slt, %add3A_1468, %lt3A : i32
      %convert_element_type3A_1470 = arith.extui %lt3A_1469 : i1 to i32
      %cond3A_1471 = arith.constant 0 : i32
      %cond3A_1472 = arith.cmpi ne, %convert_element_type3A_1470, %cond3A_1471 : i32
      scf.if %cond3A_1472 {
        %add3A_2091 = arith.constant 3 : i32
        %add3A_2092 = arith.addi %add3A_1451, %add3A_2091 : i32
        %mul3A_2093 = arith.constant 250 : i32
        %mul3A_2094 = arith.muli %add3A, %mul3A_2093 : i32
        %add3A_2095 = arith.addi %mul3A_2094, %add3A_2092 : i32
        %dma_start3A_2096 = arith.constant 3 : i32
        %dma_start3A_2097 = arith.constant 3 : i32
        %dma_start3A_2098 = arith.constant 0 : i32
        %dma_start3A_2099 = tpu.memref_slice %arg6[%dma_start3A_2096, %dma_start3A_2098] : memref<6x80xi32, #tpu.memory_space<vmem>> -> memref<1x80xi32, #tpu.memory_space<vmem>>
        %dma_start3A_2100 = tpu.memref_squeeze %dma_start3A_2099 : memref<1x80xi32, #tpu.memory_space<vmem>> -> memref<80xi32, #tpu.memory_space<vmem>>
        %dma_start3A_2101 = arith.constant 0 : i32
        %dma_start3A_2102 = tpu.memref_slice %arg3[%add3A_2095, %dma_start3A_2101] : memref<8000x80xi32, #tpu.memory_space<hbm>> -> memref<1x80xi32, #tpu.memory_space<hbm>>
        %dma_start3A_2103 = tpu.memref_squeeze %dma_start3A_2102 : memref<1x80xi32, #tpu.memory_space<hbm>> -> memref<80xi32, #tpu.memory_space<hbm>>
        %dma_start3A_2104 = tpu.memref_slice %arg12[%dma_start3A_2097] : memref<6x!tpu.dma_semaphore, #tpu.memory_space<semaphore_mem>> -> memref<1x!tpu.dma_semaphore, #tpu.memory_space<semaphore_mem>>
        %dma_start3A_2105 = tpu.memref_squeeze %dma_start3A_2104 : memref<1x!tpu.dma_semaphore, #tpu.memory_space<semaphore_mem>> -> memref<!tpu.dma_semaphore, #tpu.memory_space<semaphore_mem>>
        %dma_start3A_2106 = arith.constant 0 : i32
        %dma_start3A_2107 = tpu.memref_slice %arg6[%dma_start3A_2096, %dma_start3A_2106] : memref<6x80xi32, #tpu.memory_space<vmem>> -> memref<1x80xi32, #tpu.memory_space<vmem>>
        %dma_start3A_2108 = tpu.memref_squeeze %dma_start3A_2107 : memref<1x80xi32, #tpu.memory_space<vmem>> -> memref<80xi32, #tpu.memory_space<vmem>>
        %dma_start3A_2109 = arith.constant 0 : i32
        %dma_start3A_2110 = tpu.memref_slice %arg3[%add3A_2095, %dma_start3A_2109] : memref<8000x80xi32, #tpu.memory_space<hbm>> -> memref<1x80xi32, #tpu.memory_space<hbm>>
        %dma_start3A_2111 = tpu.memref_squeeze %dma_start3A_2110 : memref<1x80xi32, #tpu.memory_space<hbm>> -> memref<80xi32, #tpu.memory_space<hbm>>
        tpu.enqueue_dma source(%dma_start3A_2111 : memref<80xi32, #tpu.memory_space<hbm>>) target(%dma_start3A_2108 : memref<80xi32, #tpu.memory_space<vmem>>) target_semaphore(%dma_start3A_2105 : memref<!tpu.dma_semaphore, #tpu.memory_space<semaphore_mem>>)
        %mul3A_2112 = arith.constant 250 : i32
        %mul3A_2113 = arith.muli %arg1, %mul3A_2112 : i32
        %add3A_2114 = arith.addi %mul3A_2113, %add3A_2092 : i32
        %dma_start3A_2115 = arith.constant 3 : i32
        %dma_start3A_2116 = arith.constant 3 : i32
        %dma_start3A_2117 = arith.constant 0 : i32
        %dma_start3A_2118 = tpu.memref_slice %arg7[%dma_start3A_2115, %dma_start3A_2117] : memref<6x80xi32, #tpu.memory_space<vmem>> -> memref<1x80xi32, #tpu.memory_space<vmem>>
        %dma_start3A_2119 = tpu.memref_squeeze %dma_start3A_2118 : memref<1x80xi32, #tpu.memory_space<vmem>> -> memref<80xi32, #tpu.memory_space<vmem>>
        %dma_start3A_2120 = arith.constant 0 : i32
        %dma_start3A_2121 = tpu.memref_slice %arg4[%add3A_2114, %dma_start3A_2120] : memref<4000x80xi32, #tpu.memory_space<hbm>> -> memref<1x80xi32, #tpu.memory_space<hbm>>
        %dma_start3A_2122 = tpu.memref_squeeze %dma_start3A_2121 : memref<1x80xi32, #tpu.memory_space<hbm>> -> memref<80xi32, #tpu.memory_space<hbm>>
        %dma_start3A_2123 = tpu.memref_slice %arg12[%dma_start3A_2116] : memref<6x!tpu.dma_semaphore, #tpu.memory_space<semaphore_mem>> -> memref<1x!tpu.dma_semaphore, #tpu.memory_space<semaphore_mem>>
        %dma_start3A_2124 = tpu.memref_squeeze %dma_start3A_2123 : memref<1x!tpu.dma_semaphore, #tpu.memory_space<semaphore_mem>> -> memref<!tpu.dma_semaphore, #tpu.memory_space<semaphore_mem>>
        %dma_start3A_2125 = arith.constant 0 : i32
        %dma_start3A_2126 = tpu.memref_slice %arg7[%dma_start3A_2115, %dma_start3A_2125] : memref<6x80xi32, #tpu.memory_space<vmem>> -> memref<1x80xi32, #tpu.memory_space<vmem>>
        %dma_start3A_2127 = tpu.memref_squeeze %dma_start3A_2126 : memref<1x80xi32, #tpu.memory_space<vmem>> -> memref<80xi32, #tpu.memory_space<vmem>>
        %dma_start3A_2128 = arith.constant 0 : i32
        %dma_start3A_2129 = tpu.memref_slice %arg4[%add3A_2114, %dma_start3A_2128] : memref<4000x80xi32, #tpu.memory_space<hbm>> -> memref<1x80xi32, #tpu.memory_space<hbm>>
        %dma_start3A_2130 = tpu.memref_squeeze %dma_start3A_2129 : memref<1x80xi32, #tpu.memory_space<hbm>> -> memref<80xi32, #tpu.memory_space<hbm>>
        tpu.enqueue_dma source(%dma_start3A_2130 : memref<80xi32, #tpu.memory_space<hbm>>) target(%dma_start3A_2127 : memref<80xi32, #tpu.memory_space<vmem>>) target_semaphore(%dma_start3A_2124 : memref<!tpu.dma_semaphore, #tpu.memory_space<semaphore_mem>>)
      } else {
      }
      %mul3A_1473 = arith.constant 250 : i32
      %mul3A_1474 = arith.muli %add3A, %mul3A_1473 : i32
      %add3A_1475 = arith.addi %mul3A_1474, %add3A_1451 : i32
      %dma_wait3A_1476 = arith.constant 0 : i32
      %dma_wait3A_1477 = arith.constant 0 : i32
      %dma_wait3A_1478 = arith.constant 0 : i32
      %dma_wait3A_1479 = tpu.memref_slice %arg6[%dma_wait3A_1476, %dma_wait3A_1478] : memref<6x80xi32, #tpu.memory_space<vmem>> -> memref<1x80xi32, #tpu.memory_space<vmem>>
      %dma_wait3A_1480 = tpu.memref_squeeze %dma_wait3A_1479 : memref<1x80xi32, #tpu.memory_space<vmem>> -> memref<80xi32, #tpu.memory_space<vmem>>
      %dma_wait3A_1481 = arith.constant 0 : i32
      %dma_wait3A_1482 = tpu.memref_slice %arg3[%add3A_1475, %dma_wait3A_1481] : memref<8000x80xi32, #tpu.memory_space<hbm>> -> memref<1x80xi32, #tpu.memory_space<hbm>>
      %dma_wait3A_1483 = tpu.memref_squeeze %dma_wait3A_1482 : memref<1x80xi32, #tpu.memory_space<hbm>> -> memref<80xi32, #tpu.memory_space<hbm>>
      %dma_wait3A_1484 = tpu.memref_slice %arg12[%dma_wait3A_1477] : memref<6x!tpu.dma_semaphore, #tpu.memory_space<semaphore_mem>> -> memref<1x!tpu.dma_semaphore, #tpu.memory_space<semaphore_mem>>
      %dma_wait3A_1485 = tpu.memref_squeeze %dma_wait3A_1484 : memref<1x!tpu.dma_semaphore, #tpu.memory_space<semaphore_mem>> -> memref<!tpu.dma_semaphore, #tpu.memory_space<semaphore_mem>>
      %dma_wait3A_1486 = arith.constant 0 : i32
      %dma_wait3A_1487 = tpu.memref_slice %arg6[%dma_wait3A_1476, %dma_wait3A_1486] : memref<6x80xi32, #tpu.memory_space<vmem>> -> memref<1x80xi32, #tpu.memory_space<vmem>>
      %dma_wait3A_1488 = tpu.memref_squeeze %dma_wait3A_1487 : memref<1x80xi32, #tpu.memory_space<vmem>> -> memref<80xi32, #tpu.memory_space<vmem>>
      %dma_wait3A_1489 = arith.constant 0 : i32
      %dma_wait3A_1490 = tpu.memref_slice %arg3[%add3A_1475, %dma_wait3A_1489] : memref<8000x80xi32, #tpu.memory_space<hbm>> -> memref<1x80xi32, #tpu.memory_space<hbm>>
      %dma_wait3A_1491 = tpu.memref_squeeze %dma_wait3A_1490 : memref<1x80xi32, #tpu.memory_space<hbm>> -> memref<80xi32, #tpu.memory_space<hbm>>
      tpu.wait_dma2 semaphore(%dma_wait3A_1485 : memref<!tpu.dma_semaphore, #tpu.memory_space<semaphore_mem>>) src(%dma_wait3A_1491 : memref<80xi32, #tpu.memory_space<hbm>>) dst(%dma_wait3A_1488 : memref<80xi32, #tpu.memory_space<vmem>>)
      %mul3A_1492 = arith.constant 250 : i32
      %mul3A_1493 = arith.muli %arg1, %mul3A_1492 : i32
      %add3A_1494 = arith.addi %mul3A_1493, %add3A_1451 : i32
      %dma_wait3A_1495 = arith.constant 0 : i32
      %dma_wait3A_1496 = arith.constant 0 : i32
      %dma_wait3A_1497 = arith.constant 0 : i32
      %dma_wait3A_1498 = tpu.memref_slice %arg7[%dma_wait3A_1495, %dma_wait3A_1497] : memref<6x80xi32, #tpu.memory_space<vmem>> -> memref<1x80xi32, #tpu.memory_space<vmem>>
      %dma_wait3A_1499 = tpu.memref_squeeze %dma_wait3A_1498 : memref<1x80xi32, #tpu.memory_space<vmem>> -> memref<80xi32, #tpu.memory_space<vmem>>
      %dma_wait3A_1500 = arith.constant 0 : i32
      %dma_wait3A_1501 = tpu.memref_slice %arg4[%add3A_1494, %dma_wait3A_1500] : memref<4000x80xi32, #tpu.memory_space<hbm>> -> memref<1x80xi32, #tpu.memory_space<hbm>>
      %dma_wait3A_1502 = tpu.memref_squeeze %dma_wait3A_1501 : memref<1x80xi32, #tpu.memory_space<hbm>> -> memref<80xi32, #tpu.memory_space<hbm>>
      %dma_wait3A_1503 = tpu.memref_slice %arg12[%dma_wait3A_1496] : memref<6x!tpu.dma_semaphore, #tpu.memory_space<semaphore_mem>> -> memref<1x!tpu.dma_semaphore, #tpu.memory_space<semaphore_mem>>
      %dma_wait3A_1504 = tpu.memref_squeeze %dma_wait3A_1503 : memref<1x!tpu.dma_semaphore, #tpu.memory_space<semaphore_mem>> -> memref<!tpu.dma_semaphore, #tpu.memory_space<semaphore_mem>>
      %dma_wait3A_1505 = arith.constant 0 : i32
      %dma_wait3A_1506 = tpu.memref_slice %arg7[%dma_wait3A_1495, %dma_wait3A_1505] : memref<6x80xi32, #tpu.memory_space<vmem>> -> memref<1x80xi32, #tpu.memory_space<vmem>>
      %dma_wait3A_1507 = tpu.memref_squeeze %dma_wait3A_1506 : memref<1x80xi32, #tpu.memory_space<vmem>> -> memref<80xi32, #tpu.memory_space<vmem>>
      %dma_wait3A_1508 = arith.constant 0 : i32
      %dma_wait3A_1509 = tpu.memref_slice %arg4[%add3A_1494, %dma_wait3A_1508] : memref<4000x80xi32, #tpu.memory_space<hbm>> -> memref<1x80xi32, #tpu.memory_space<hbm>>
      %dma_wait3A_1510 = tpu.memref_squeeze %dma_wait3A_1509 : memref<1x80xi32, #tpu.memory_space<hbm>> -> memref<80xi32, #tpu.memory_space<hbm>>
      tpu.wait_dma2 semaphore(%dma_wait3A_1504 : memref<!tpu.dma_semaphore, #tpu.memory_space<semaphore_mem>>) src(%dma_wait3A_1510 : memref<80xi32, #tpu.memory_space<hbm>>) dst(%dma_wait3A_1507 : memref<80xi32, #tpu.memory_space<vmem>>)
      %dma_start3A_1511 = arith.constant 0 : i32
      %dma_start3A_1512 = arith.constant 0 : i32
      %dma_start3A_1513 = arith.constant 0 : i32
      %dma_start3A_1514 = arith.constant 0 : i32
      %dma_start3A_1515 = arith.constant 0 : i32
      %dma_start3A_1516 = tpu.memref_slice %arg8[%dma_start3A_1512, %dma_start3A_1514, %dma_start3A_1515] : memref<3x80x128xf32, #tpu.memory_space<vmem>> -> memref<1x80x128xf32, #tpu.memory_space<vmem>>
      %dma_start3A_1517 = tpu.memref_squeeze %dma_start3A_1516 : memref<1x80x128xf32, #tpu.memory_space<vmem>> -> memref<80x128xf32, #tpu.memory_space<vmem>>
      %dma_start3A_1518 = arith.constant 0 : i32
      %dma_start3A_1519 = tpu.memref_slice %arg6[%dma_start3A_1511, %dma_start3A_1518] : memref<6x80xi32, #tpu.memory_space<vmem>> -> memref<1x80xi32, #tpu.memory_space<vmem>>
      %dma_start3A_1520 = tpu.memref_squeeze %dma_start3A_1519 : memref<1x80xi32, #tpu.memory_space<vmem>> -> memref<80xi32, #tpu.memory_space<vmem>>
      %dma_start3A_1521 = arith.constant 0 : i32
      %dma_start3A_1522 = arith.constant 0 : i32
      %dma_start3A_1523 = tpu.memref_slice %arg2[%dma_start3A_1521, %dma_start3A_1522] : memref<20000x128xf32, #tpu.memory_space<hbm>> -> memref<20000x128xf32, #tpu.memory_space<hbm>>
      %dma_start3A_1524 = tpu.memref_slice %arg10[%dma_start3A_1513] : memref<3x!tpu.dma_semaphore, #tpu.memory_space<semaphore_mem>> -> memref<1x!tpu.dma_semaphore, #tpu.memory_space<semaphore_mem>>
      %dma_start3A_1525 = tpu.memref_squeeze %dma_start3A_1524 : memref<1x!tpu.dma_semaphore, #tpu.memory_space<semaphore_mem>> -> memref<!tpu.dma_semaphore, #tpu.memory_space<semaphore_mem>>
      tpu.enqueue_indirect_dma source(%dma_start3A_1523 : memref<20000x128xf32, #tpu.memory_space<hbm>>) target(%dma_start3A_1517 : memref<80x128xf32, #tpu.memory_space<vmem>>) offsets(%dma_start3A_1520 : memref<80xi32, #tpu.memory_space<vmem>>) semaphore(%dma_start3A_1525 : memref<!tpu.dma_semaphore, #tpu.memory_space<semaphore_mem>>)
      %dma_wait3A_1526 = arith.constant 5 : i32
      %dma_wait3A_1527 = arith.constant 2 : i32
      %dma_wait3A_1528 = arith.constant 2 : i32
      %dma_wait3A_1529 = arith.constant 0 : i32
      %dma_wait3A_1530 = arith.constant 0 : i32
      %dma_wait3A_1531 = tpu.memref_slice %arg8[%dma_wait3A_1527, %dma_wait3A_1529, %dma_wait3A_1530] : memref<3x80x128xf32, #tpu.memory_space<vmem>> -> memref<1x80x128xf32, #tpu.memory_space<vmem>>
      %dma_wait3A_1532 = tpu.memref_squeeze %dma_wait3A_1531 : memref<1x80x128xf32, #tpu.memory_space<vmem>> -> memref<80x128xf32, #tpu.memory_space<vmem>>
      %dma_wait3A_1533 = arith.constant 0 : i32
      %dma_wait3A_1534 = tpu.memref_slice %arg6[%dma_wait3A_1526, %dma_wait3A_1533] : memref<6x80xi32, #tpu.memory_space<vmem>> -> memref<1x80xi32, #tpu.memory_space<vmem>>
      %dma_wait3A_1535 = tpu.memref_squeeze %dma_wait3A_1534 : memref<1x80xi32, #tpu.memory_space<vmem>> -> memref<80xi32, #tpu.memory_space<vmem>>
      %dma_wait3A_1536 = arith.constant 0 : i32
      %dma_wait3A_1537 = arith.constant 0 : i32
      %dma_wait3A_1538 = tpu.memref_slice %arg2[%dma_wait3A_1536, %dma_wait3A_1537] : memref<20000x128xf32, #tpu.memory_space<hbm>> -> memref<20000x128xf32, #tpu.memory_space<hbm>>
      %dma_wait3A_1539 = tpu.memref_slice %arg10[%dma_wait3A_1528] : memref<3x!tpu.dma_semaphore, #tpu.memory_space<semaphore_mem>> -> memref<1x!tpu.dma_semaphore, #tpu.memory_space<semaphore_mem>>
      %dma_wait3A_1540 = tpu.memref_squeeze %dma_wait3A_1539 : memref<1x!tpu.dma_semaphore, #tpu.memory_space<semaphore_mem>> -> memref<!tpu.dma_semaphore, #tpu.memory_space<semaphore_mem>>
      tpu.wait_indirect_dma semaphore(%dma_wait3A_1540 : memref<!tpu.dma_semaphore, #tpu.memory_space<semaphore_mem>>) src(%dma_wait3A_1538 : memref<20000x128xf32, #tpu.memory_space<hbm>>) dst(%dma_wait3A_1532 : memref<80x128xf32, #tpu.memory_space<vmem>>)
      %dma_start3A_1541 = arith.constant 2 : i32
      %dma_start3A_1542 = arith.constant 5 : i32
      %dma_start3A_1543 = arith.constant 2 : i32
      %dma_start3A_1544 = arith.constant 0 : i32
      %dma_start3A_1545 = arith.constant 0 : i32
      %dma_start3A_1546 = tpu.memref_slice %arg8[%dma_start3A_1541, %dma_start3A_1544, %dma_start3A_1545] : memref<3x80x128xf32, #tpu.memory_space<vmem>> -> memref<1x80x128xf32, #tpu.memory_space<vmem>>
      %dma_start3A_1547 = tpu.memref_squeeze %dma_start3A_1546 : memref<1x80x128xf32, #tpu.memory_space<vmem>> -> memref<80x128xf32, #tpu.memory_space<vmem>>
      %dma_start3A_1548 = arith.constant 0 : i32
      %dma_start3A_1549 = tpu.memref_slice %arg7[%dma_start3A_1542, %dma_start3A_1548] : memref<6x80xi32, #tpu.memory_space<vmem>> -> memref<1x80xi32, #tpu.memory_space<vmem>>
      %dma_start3A_1550 = tpu.memref_squeeze %dma_start3A_1549 : memref<1x80xi32, #tpu.memory_space<vmem>> -> memref<80xi32, #tpu.memory_space<vmem>>
      %dma_start3A_1551 = arith.constant 0 : i32
      %dma_start3A_1552 = arith.constant 0 : i32
      %dma_start3A_1553 = tpu.memref_slice %arg9[%dma_start3A_1551, %dma_start3A_1552] : memref<10000x128xf32, #tpu.memory_space<vmem_shared>> -> memref<10000x128xf32, #tpu.memory_space<vmem_shared>>
      %dma_start3A_1554 = tpu.memref_slice %arg11[%dma_start3A_1543] : memref<3x!tpu.dma_semaphore, #tpu.memory_space<semaphore_mem>> -> memref<1x!tpu.dma_semaphore, #tpu.memory_space<semaphore_mem>>
      %dma_start3A_1555 = tpu.memref_squeeze %dma_start3A_1554 : memref<1x!tpu.dma_semaphore, #tpu.memory_space<semaphore_mem>> -> memref<!tpu.dma_semaphore, #tpu.memory_space<semaphore_mem>>
      tpu.enqueue_indirect_dma source(%dma_start3A_1547 : memref<80x128xf32, #tpu.memory_space<vmem>>) target(%dma_start3A_1553 : memref<10000x128xf32, #tpu.memory_space<vmem_shared>>) offsets(%dma_start3A_1550 : memref<80xi32, #tpu.memory_space<vmem>>) semaphore(%dma_start3A_1555 : memref<!tpu.dma_semaphore, #tpu.memory_space<semaphore_mem>>) {add = true}
      %add3A_1556 = arith.constant 1 : i32
      %add3A_1557 = arith.addi %mul3A_1449, %add3A_1556 : i32
      %dma_wait3A_1558 = arith.constant 1 : i32
      %dma_wait3A_1559 = arith.constant 4 : i32
      %dma_wait3A_1560 = arith.constant 1 : i32
      %dma_wait3A_1561 = arith.constant 0 : i32
      %dma_wait3A_1562 = arith.constant 0 : i32
      %dma_wait3A_1563 = tpu.memref_slice %arg8[%dma_wait3A_1558, %dma_wait3A_1561, %dma_wait3A_1562] : memref<3x80x128xf32, #tpu.memory_space<vmem>> -> memref<1x80x128xf32, #tpu.memory_space<vmem>>
      %dma_wait3A_1564 = tpu.memref_squeeze %dma_wait3A_1563 : memref<1x80x128xf32, #tpu.memory_space<vmem>> -> memref<80x128xf32, #tpu.memory_space<vmem>>
      %dma_wait3A_1565 = arith.constant 0 : i32
      %dma_wait3A_1566 = tpu.memref_slice %arg7[%dma_wait3A_1559, %dma_wait3A_1565] : memref<6x80xi32, #tpu.memory_space<vmem>> -> memref<1x80xi32, #tpu.memory_space<vmem>>
      %dma_wait3A_1567 = tpu.memref_squeeze %dma_wait3A_1566 : memref<1x80xi32, #tpu.memory_space<vmem>> -> memref<80xi32, #tpu.memory_space<vmem>>
      %dma_wait3A_1568 = arith.constant 0 : i32
      %dma_wait3A_1569 = arith.constant 0 : i32
      %dma_wait3A_1570 = tpu.memref_slice %arg9[%dma_wait3A_1568, %dma_wait3A_1569] : memref<10000x128xf32, #tpu.memory_space<vmem_shared>> -> memref<10000x128xf32, #tpu.memory_space<vmem_shared>>
      %dma_wait3A_1571 = tpu.memref_slice %arg11[%dma_wait3A_1560] : memref<3x!tpu.dma_semaphore, #tpu.memory_space<semaphore_mem>> -> memref<1x!tpu.dma_semaphore, #tpu.memory_space<semaphore_mem>>
      %dma_wait3A_1572 = tpu.memref_squeeze %dma_wait3A_1571 : memref<1x!tpu.dma_semaphore, #tpu.memory_space<semaphore_mem>> -> memref<!tpu.dma_semaphore, #tpu.memory_space<semaphore_mem>>
      tpu.wait_indirect_dma semaphore(%dma_wait3A_1572 : memref<!tpu.dma_semaphore, #tpu.memory_space<semaphore_mem>>) src(%dma_wait3A_1564 : memref<80x128xf32, #tpu.memory_space<vmem>>) dst(%dma_wait3A_1570 : memref<10000x128xf32, #tpu.memory_space<vmem_shared>>)
      %add3A_1573 = arith.constant 3 : i32
      %add3A_1574 = arith.addi %add3A_1557, %add3A_1573 : i32
      %lt3A_1575 = arith.constant 250 : i32
      %lt3A_1576 = arith.cmpi slt, %add3A_1574, %lt3A_1575 : i32
      %convert_element_type3A_1577 = arith.extui %lt3A_1576 : i1 to i32
      %cond3A_1578 = arith.constant 0 : i32
      %cond3A_1579 = arith.cmpi ne, %convert_element_type3A_1577, %cond3A_1578 : i32
      scf.if %cond3A_1579 {
        %add3A_2091 = arith.constant 3 : i32
        %add3A_2092 = arith.addi %add3A_1557, %add3A_2091 : i32
        %mul3A_2093 = arith.constant 250 : i32
        %mul3A_2094 = arith.muli %add3A, %mul3A_2093 : i32
        %add3A_2095 = arith.addi %mul3A_2094, %add3A_2092 : i32
        %dma_start3A_2096 = arith.constant 4 : i32
        %dma_start3A_2097 = arith.constant 4 : i32
        %dma_start3A_2098 = arith.constant 0 : i32
        %dma_start3A_2099 = tpu.memref_slice %arg6[%dma_start3A_2096, %dma_start3A_2098] : memref<6x80xi32, #tpu.memory_space<vmem>> -> memref<1x80xi32, #tpu.memory_space<vmem>>
        %dma_start3A_2100 = tpu.memref_squeeze %dma_start3A_2099 : memref<1x80xi32, #tpu.memory_space<vmem>> -> memref<80xi32, #tpu.memory_space<vmem>>
        %dma_start3A_2101 = arith.constant 0 : i32
        %dma_start3A_2102 = tpu.memref_slice %arg3[%add3A_2095, %dma_start3A_2101] : memref<8000x80xi32, #tpu.memory_space<hbm>> -> memref<1x80xi32, #tpu.memory_space<hbm>>
        %dma_start3A_2103 = tpu.memref_squeeze %dma_start3A_2102 : memref<1x80xi32, #tpu.memory_space<hbm>> -> memref<80xi32, #tpu.memory_space<hbm>>
        %dma_start3A_2104 = tpu.memref_slice %arg12[%dma_start3A_2097] : memref<6x!tpu.dma_semaphore, #tpu.memory_space<semaphore_mem>> -> memref<1x!tpu.dma_semaphore, #tpu.memory_space<semaphore_mem>>
        %dma_start3A_2105 = tpu.memref_squeeze %dma_start3A_2104 : memref<1x!tpu.dma_semaphore, #tpu.memory_space<semaphore_mem>> -> memref<!tpu.dma_semaphore, #tpu.memory_space<semaphore_mem>>
        %dma_start3A_2106 = arith.constant 0 : i32
        %dma_start3A_2107 = tpu.memref_slice %arg6[%dma_start3A_2096, %dma_start3A_2106] : memref<6x80xi32, #tpu.memory_space<vmem>> -> memref<1x80xi32, #tpu.memory_space<vmem>>
        %dma_start3A_2108 = tpu.memref_squeeze %dma_start3A_2107 : memref<1x80xi32, #tpu.memory_space<vmem>> -> memref<80xi32, #tpu.memory_space<vmem>>
        %dma_start3A_2109 = arith.constant 0 : i32
        %dma_start3A_2110 = tpu.memref_slice %arg3[%add3A_2095, %dma_start3A_2109] : memref<8000x80xi32, #tpu.memory_space<hbm>> -> memref<1x80xi32, #tpu.memory_space<hbm>>
        %dma_start3A_2111 = tpu.memref_squeeze %dma_start3A_2110 : memref<1x80xi32, #tpu.memory_space<hbm>> -> memref<80xi32, #tpu.memory_space<hbm>>
        tpu.enqueue_dma source(%dma_start3A_2111 : memref<80xi32, #tpu.memory_space<hbm>>) target(%dma_start3A_2108 : memref<80xi32, #tpu.memory_space<vmem>>) target_semaphore(%dma_start3A_2105 : memref<!tpu.dma_semaphore, #tpu.memory_space<semaphore_mem>>)
        %mul3A_2112 = arith.constant 250 : i32
        %mul3A_2113 = arith.muli %arg1, %mul3A_2112 : i32
        %add3A_2114 = arith.addi %mul3A_2113, %add3A_2092 : i32
        %dma_start3A_2115 = arith.constant 4 : i32
        %dma_start3A_2116 = arith.constant 4 : i32
        %dma_start3A_2117 = arith.constant 0 : i32
        %dma_start3A_2118 = tpu.memref_slice %arg7[%dma_start3A_2115, %dma_start3A_2117] : memref<6x80xi32, #tpu.memory_space<vmem>> -> memref<1x80xi32, #tpu.memory_space<vmem>>
        %dma_start3A_2119 = tpu.memref_squeeze %dma_start3A_2118 : memref<1x80xi32, #tpu.memory_space<vmem>> -> memref<80xi32, #tpu.memory_space<vmem>>
        %dma_start3A_2120 = arith.constant 0 : i32
        %dma_start3A_2121 = tpu.memref_slice %arg4[%add3A_2114, %dma_start3A_2120] : memref<4000x80xi32, #tpu.memory_space<hbm>> -> memref<1x80xi32, #tpu.memory_space<hbm>>
        %dma_start3A_2122 = tpu.memref_squeeze %dma_start3A_2121 : memref<1x80xi32, #tpu.memory_space<hbm>> -> memref<80xi32, #tpu.memory_space<hbm>>
        %dma_start3A_2123 = tpu.memref_slice %arg12[%dma_start3A_2116] : memref<6x!tpu.dma_semaphore, #tpu.memory_space<semaphore_mem>> -> memref<1x!tpu.dma_semaphore, #tpu.memory_space<semaphore_mem>>
        %dma_start3A_2124 = tpu.memref_squeeze %dma_start3A_2123 : memref<1x!tpu.dma_semaphore, #tpu.memory_space<semaphore_mem>> -> memref<!tpu.dma_semaphore, #tpu.memory_space<semaphore_mem>>
        %dma_start3A_2125 = arith.constant 0 : i32
        %dma_start3A_2126 = tpu.memref_slice %arg7[%dma_start3A_2115, %dma_start3A_2125] : memref<6x80xi32, #tpu.memory_space<vmem>> -> memref<1x80xi32, #tpu.memory_space<vmem>>
        %dma_start3A_2127 = tpu.memref_squeeze %dma_start3A_2126 : memref<1x80xi32, #tpu.memory_space<vmem>> -> memref<80xi32, #tpu.memory_space<vmem>>
        %dma_start3A_2128 = arith.constant 0 : i32
        %dma_start3A_2129 = tpu.memref_slice %arg4[%add3A_2114, %dma_start3A_2128] : memref<4000x80xi32, #tpu.memory_space<hbm>> -> memref<1x80xi32, #tpu.memory_space<hbm>>
        %dma_start3A_2130 = tpu.memref_squeeze %dma_start3A_2129 : memref<1x80xi32, #tpu.memory_space<hbm>> -> memref<80xi32, #tpu.memory_space<hbm>>
        tpu.enqueue_dma source(%dma_start3A_2130 : memref<80xi32, #tpu.memory_space<hbm>>) target(%dma_start3A_2127 : memref<80xi32, #tpu.memory_space<vmem>>) target_semaphore(%dma_start3A_2124 : memref<!tpu.dma_semaphore, #tpu.memory_space<semaphore_mem>>)
      } else {
      }
      %mul3A_1580 = arith.constant 250 : i32
      %mul3A_1581 = arith.muli %add3A, %mul3A_1580 : i32
      %add3A_1582 = arith.addi %mul3A_1581, %add3A_1557 : i32
      %dma_wait3A_1583 = arith.constant 1 : i32
      %dma_wait3A_1584 = arith.constant 1 : i32
      %dma_wait3A_1585 = arith.constant 0 : i32
      %dma_wait3A_1586 = tpu.memref_slice %arg6[%dma_wait3A_1583, %dma_wait3A_1585] : memref<6x80xi32, #tpu.memory_space<vmem>> -> memref<1x80xi32, #tpu.memory_space<vmem>>
      %dma_wait3A_1587 = tpu.memref_squeeze %dma_wait3A_1586 : memref<1x80xi32, #tpu.memory_space<vmem>> -> memref<80xi32, #tpu.memory_space<vmem>>
      %dma_wait3A_1588 = arith.constant 0 : i32
      %dma_wait3A_1589 = tpu.memref_slice %arg3[%add3A_1582, %dma_wait3A_1588] : memref<8000x80xi32, #tpu.memory_space<hbm>> -> memref<1x80xi32, #tpu.memory_space<hbm>>
      %dma_wait3A_1590 = tpu.memref_squeeze %dma_wait3A_1589 : memref<1x80xi32, #tpu.memory_space<hbm>> -> memref<80xi32, #tpu.memory_space<hbm>>
      %dma_wait3A_1591 = tpu.memref_slice %arg12[%dma_wait3A_1584] : memref<6x!tpu.dma_semaphore, #tpu.memory_space<semaphore_mem>> -> memref<1x!tpu.dma_semaphore, #tpu.memory_space<semaphore_mem>>
      %dma_wait3A_1592 = tpu.memref_squeeze %dma_wait3A_1591 : memref<1x!tpu.dma_semaphore, #tpu.memory_space<semaphore_mem>> -> memref<!tpu.dma_semaphore, #tpu.memory_space<semaphore_mem>>
      %dma_wait3A_1593 = arith.constant 0 : i32
      %dma_wait3A_1594 = tpu.memref_slice %arg6[%dma_wait3A_1583, %dma_wait3A_1593] : memref<6x80xi32, #tpu.memory_space<vmem>> -> memref<1x80xi32, #tpu.memory_space<vmem>>
      %dma_wait3A_1595 = tpu.memref_squeeze %dma_wait3A_1594 : memref<1x80xi32, #tpu.memory_space<vmem>> -> memref<80xi32, #tpu.memory_space<vmem>>
      %dma_wait3A_1596 = arith.constant 0 : i32
      %dma_wait3A_1597 = tpu.memref_slice %arg3[%add3A_1582, %dma_wait3A_1596] : memref<8000x80xi32, #tpu.memory_space<hbm>> -> memref<1x80xi32, #tpu.memory_space<hbm>>
      %dma_wait3A_1598 = tpu.memref_squeeze %dma_wait3A_1597 : memref<1x80xi32, #tpu.memory_space<hbm>> -> memref<80xi32, #tpu.memory_space<hbm>>
      tpu.wait_dma2 semaphore(%dma_wait3A_1592 : memref<!tpu.dma_semaphore, #tpu.memory_space<semaphore_mem>>) src(%dma_wait3A_1598 : memref<80xi32, #tpu.memory_space<hbm>>) dst(%dma_wait3A_1595 : memref<80xi32, #tpu.memory_space<vmem>>)
      %mul3A_1599 = arith.constant 250 : i32
      %mul3A_1600 = arith.muli %arg1, %mul3A_1599 : i32
      %add3A_1601 = arith.addi %mul3A_1600, %add3A_1557 : i32
      %dma_wait3A_1602 = arith.constant 1 : i32
      %dma_wait3A_1603 = arith.constant 1 : i32
      %dma_wait3A_1604 = arith.constant 0 : i32
      %dma_wait3A_1605 = tpu.memref_slice %arg7[%dma_wait3A_1602, %dma_wait3A_1604] : memref<6x80xi32, #tpu.memory_space<vmem>> -> memref<1x80xi32, #tpu.memory_space<vmem>>
      %dma_wait3A_1606 = tpu.memref_squeeze %dma_wait3A_1605 : memref<1x80xi32, #tpu.memory_space<vmem>> -> memref<80xi32, #tpu.memory_space<vmem>>
      %dma_wait3A_1607 = arith.constant 0 : i32
      %dma_wait3A_1608 = tpu.memref_slice %arg4[%add3A_1601, %dma_wait3A_1607] : memref<4000x80xi32, #tpu.memory_space<hbm>> -> memref<1x80xi32, #tpu.memory_space<hbm>>
      %dma_wait3A_1609 = tpu.memref_squeeze %dma_wait3A_1608 : memref<1x80xi32, #tpu.memory_space<hbm>> -> memref<80xi32, #tpu.memory_space<hbm>>
      %dma_wait3A_1610 = tpu.memref_slice %arg12[%dma_wait3A_1603] : memref<6x!tpu.dma_semaphore, #tpu.memory_space<semaphore_mem>> -> memref<1x!tpu.dma_semaphore, #tpu.memory_space<semaphore_mem>>
      %dma_wait3A_1611 = tpu.memref_squeeze %dma_wait3A_1610 : memref<1x!tpu.dma_semaphore, #tpu.memory_space<semaphore_mem>> -> memref<!tpu.dma_semaphore, #tpu.memory_space<semaphore_mem>>
      %dma_wait3A_1612 = arith.constant 0 : i32
      %dma_wait3A_1613 = tpu.memref_slice %arg7[%dma_wait3A_1602, %dma_wait3A_1612] : memref<6x80xi32, #tpu.memory_space<vmem>> -> memref<1x80xi32, #tpu.memory_space<vmem>>
      %dma_wait3A_1614 = tpu.memref_squeeze %dma_wait3A_1613 : memref<1x80xi32, #tpu.memory_space<vmem>> -> memref<80xi32, #tpu.memory_space<vmem>>
      %dma_wait3A_1615 = arith.constant 0 : i32
      %dma_wait3A_1616 = tpu.memref_slice %arg4[%add3A_1601, %dma_wait3A_1615] : memref<4000x80xi32, #tpu.memory_space<hbm>> -> memref<1x80xi32, #tpu.memory_space<hbm>>
      %dma_wait3A_1617 = tpu.memref_squeeze %dma_wait3A_1616 : memref<1x80xi32, #tpu.memory_space<hbm>> -> memref<80xi32, #tpu.memory_space<hbm>>
      tpu.wait_dma2 semaphore(%dma_wait3A_1611 : memref<!tpu.dma_semaphore, #tpu.memory_space<semaphore_mem>>) src(%dma_wait3A_1617 : memref<80xi32, #tpu.memory_space<hbm>>) dst(%dma_wait3A_1614 : memref<80xi32, #tpu.memory_space<vmem>>)
      %dma_start3A_1618 = arith.constant 1 : i32
      %dma_start3A_1619 = arith.constant 1 : i32
      %dma_start3A_1620 = arith.constant 1 : i32
      %dma_start3A_1621 = arith.constant 0 : i32
      %dma_start3A_1622 = arith.constant 0 : i32
      %dma_start3A_1623 = tpu.memref_slice %arg8[%dma_start3A_1619, %dma_start3A_1621, %dma_start3A_1622] : memref<3x80x128xf32, #tpu.memory_space<vmem>> -> memref<1x80x128xf32, #tpu.memory_space<vmem>>
      %dma_start3A_1624 = tpu.memref_squeeze %dma_start3A_1623 : memref<1x80x128xf32, #tpu.memory_space<vmem>> -> memref<80x128xf32, #tpu.memory_space<vmem>>
      %dma_start3A_1625 = arith.constant 0 : i32
      %dma_start3A_1626 = tpu.memref_slice %arg6[%dma_start3A_1618, %dma_start3A_1625] : memref<6x80xi32, #tpu.memory_space<vmem>> -> memref<1x80xi32, #tpu.memory_space<vmem>>
      %dma_start3A_1627 = tpu.memref_squeeze %dma_start3A_1626 : memref<1x80xi32, #tpu.memory_space<vmem>> -> memref<80xi32, #tpu.memory_space<vmem>>
      %dma_start3A_1628 = arith.constant 0 : i32
      %dma_start3A_1629 = arith.constant 0 : i32
      %dma_start3A_1630 = tpu.memref_slice %arg2[%dma_start3A_1628, %dma_start3A_1629] : memref<20000x128xf32, #tpu.memory_space<hbm>> -> memref<20000x128xf32, #tpu.memory_space<hbm>>
      %dma_start3A_1631 = tpu.memref_slice %arg10[%dma_start3A_1620] : memref<3x!tpu.dma_semaphore, #tpu.memory_space<semaphore_mem>> -> memref<1x!tpu.dma_semaphore, #tpu.memory_space<semaphore_mem>>
      %dma_start3A_1632 = tpu.memref_squeeze %dma_start3A_1631 : memref<1x!tpu.dma_semaphore, #tpu.memory_space<semaphore_mem>> -> memref<!tpu.dma_semaphore, #tpu.memory_space<semaphore_mem>>
      tpu.enqueue_indirect_dma source(%dma_start3A_1630 : memref<20000x128xf32, #tpu.memory_space<hbm>>) target(%dma_start3A_1624 : memref<80x128xf32, #tpu.memory_space<vmem>>) offsets(%dma_start3A_1627 : memref<80xi32, #tpu.memory_space<vmem>>) semaphore(%dma_start3A_1632 : memref<!tpu.dma_semaphore, #tpu.memory_space<semaphore_mem>>)
      %dma_wait3A_1633 = arith.constant 0 : i32
      %dma_wait3A_1634 = arith.constant 0 : i32
      %dma_wait3A_1635 = arith.constant 0 : i32
      %dma_wait3A_1636 = arith.constant 0 : i32
      %dma_wait3A_1637 = arith.constant 0 : i32
      %dma_wait3A_1638 = tpu.memref_slice %arg8[%dma_wait3A_1634, %dma_wait3A_1636, %dma_wait3A_1637] : memref<3x80x128xf32, #tpu.memory_space<vmem>> -> memref<1x80x128xf32, #tpu.memory_space<vmem>>
      %dma_wait3A_1639 = tpu.memref_squeeze %dma_wait3A_1638 : memref<1x80x128xf32, #tpu.memory_space<vmem>> -> memref<80x128xf32, #tpu.memory_space<vmem>>
      %dma_wait3A_1640 = arith.constant 0 : i32
      %dma_wait3A_1641 = tpu.memref_slice %arg6[%dma_wait3A_1633, %dma_wait3A_1640] : memref<6x80xi32, #tpu.memory_space<vmem>> -> memref<1x80xi32, #tpu.memory_space<vmem>>
      %dma_wait3A_1642 = tpu.memref_squeeze %dma_wait3A_1641 : memref<1x80xi32, #tpu.memory_space<vmem>> -> memref<80xi32, #tpu.memory_space<vmem>>
      %dma_wait3A_1643 = arith.constant 0 : i32
      %dma_wait3A_1644 = arith.constant 0 : i32
      %dma_wait3A_1645 = tpu.memref_slice %arg2[%dma_wait3A_1643, %dma_wait3A_1644] : memref<20000x128xf32, #tpu.memory_space<hbm>> -> memref<20000x128xf32, #tpu.memory_space<hbm>>
      %dma_wait3A_1646 = tpu.memref_slice %arg10[%dma_wait3A_1635] : memref<3x!tpu.dma_semaphore, #tpu.memory_space<semaphore_mem>> -> memref<1x!tpu.dma_semaphore, #tpu.memory_space<semaphore_mem>>
      %dma_wait3A_1647 = tpu.memref_squeeze %dma_wait3A_1646 : memref<1x!tpu.dma_semaphore, #tpu.memory_space<semaphore_mem>> -> memref<!tpu.dma_semaphore, #tpu.memory_space<semaphore_mem>>
      tpu.wait_indirect_dma semaphore(%dma_wait3A_1647 : memref<!tpu.dma_semaphore, #tpu.memory_space<semaphore_mem>>) src(%dma_wait3A_1645 : memref<20000x128xf32, #tpu.memory_space<hbm>>) dst(%dma_wait3A_1639 : memref<80x128xf32, #tpu.memory_space<vmem>>)
      %dma_start3A_1648 = arith.constant 0 : i32
      %dma_start3A_1649 = arith.constant 0 : i32
      %dma_start3A_1650 = arith.constant 0 : i32
      %dma_start3A_1651 = arith.constant 0 : i32
      %dma_start3A_1652 = arith.constant 0 : i32
      %dma_start3A_1653 = tpu.memref_slice %arg8[%dma_start3A_1648, %dma_start3A_1651, %dma_start3A_1652] : memref<3x80x128xf32, #tpu.memory_space<vmem>> -> memref<1x80x128xf32, #tpu.memory_space<vmem>>
      %dma_start3A_1654 = tpu.memref_squeeze %dma_start3A_1653 : memref<1x80x128xf32, #tpu.memory_space<vmem>> -> memref<80x128xf32, #tpu.memory_space<vmem>>
      %dma_start3A_1655 = arith.constant 0 : i32
      %dma_start3A_1656 = tpu.memref_slice %arg7[%dma_start3A_1649, %dma_start3A_1655] : memref<6x80xi32, #tpu.memory_space<vmem>> -> memref<1x80xi32, #tpu.memory_space<vmem>>
      %dma_start3A_1657 = tpu.memref_squeeze %dma_start3A_1656 : memref<1x80xi32, #tpu.memory_space<vmem>> -> memref<80xi32, #tpu.memory_space<vmem>>
      %dma_start3A_1658 = arith.constant 0 : i32
      %dma_start3A_1659 = arith.constant 0 : i32
      %dma_start3A_1660 = tpu.memref_slice %arg9[%dma_start3A_1658, %dma_start3A_1659] : memref<10000x128xf32, #tpu.memory_space<vmem_shared>> -> memref<10000x128xf32, #tpu.memory_space<vmem_shared>>
      %dma_start3A_1661 = tpu.memref_slice %arg11[%dma_start3A_1650] : memref<3x!tpu.dma_semaphore, #tpu.memory_space<semaphore_mem>> -> memref<1x!tpu.dma_semaphore, #tpu.memory_space<semaphore_mem>>
      %dma_start3A_1662 = tpu.memref_squeeze %dma_start3A_1661 : memref<1x!tpu.dma_semaphore, #tpu.memory_space<semaphore_mem>> -> memref<!tpu.dma_semaphore, #tpu.memory_space<semaphore_mem>>
      tpu.enqueue_indirect_dma source(%dma_start3A_1654 : memref<80x128xf32, #tpu.memory_space<vmem>>) target(%dma_start3A_1660 : memref<10000x128xf32, #tpu.memory_space<vmem_shared>>) offsets(%dma_start3A_1657 : memref<80xi32, #tpu.memory_space<vmem>>) semaphore(%dma_start3A_1662 : memref<!tpu.dma_semaphore, #tpu.memory_space<semaphore_mem>>) {add = true}
      %add3A_1663 = arith.constant 2 : i32
      %add3A_1664 = arith.addi %mul3A_1449, %add3A_1663 : i32
      %dma_wait3A_1665 = arith.constant 2 : i32
      %dma_wait3A_1666 = arith.constant 5 : i32
      %dma_wait3A_1667 = arith.constant 2 : i32
      %dma_wait3A_1668 = arith.constant 0 : i32
      %dma_wait3A_1669 = arith.constant 0 : i32
      %dma_wait3A_1670 = tpu.memref_slice %arg8[%dma_wait3A_1665, %dma_wait3A_1668, %dma_wait3A_1669] : memref<3x80x128xf32, #tpu.memory_space<vmem>> -> memref<1x80x128xf32, #tpu.memory_space<vmem>>
      %dma_wait3A_1671 = tpu.memref_squeeze %dma_wait3A_1670 : memref<1x80x128xf32, #tpu.memory_space<vmem>> -> memref<80x128xf32, #tpu.memory_space<vmem>>
      %dma_wait3A_1672 = arith.constant 0 : i32
      %dma_wait3A_1673 = tpu.memref_slice %arg7[%dma_wait3A_1666, %dma_wait3A_1672] : memref<6x80xi32, #tpu.memory_space<vmem>> -> memref<1x80xi32, #tpu.memory_space<vmem>>
      %dma_wait3A_1674 = tpu.memref_squeeze %dma_wait3A_1673 : memref<1x80xi32, #tpu.memory_space<vmem>> -> memref<80xi32, #tpu.memory_space<vmem>>
      %dma_wait3A_1675 = arith.constant 0 : i32
      %dma_wait3A_1676 = arith.constant 0 : i32
      %dma_wait3A_1677 = tpu.memref_slice %arg9[%dma_wait3A_1675, %dma_wait3A_1676] : memref<10000x128xf32, #tpu.memory_space<vmem_shared>> -> memref<10000x128xf32, #tpu.memory_space<vmem_shared>>
      %dma_wait3A_1678 = tpu.memref_slice %arg11[%dma_wait3A_1667] : memref<3x!tpu.dma_semaphore, #tpu.memory_space<semaphore_mem>> -> memref<1x!tpu.dma_semaphore, #tpu.memory_space<semaphore_mem>>
      %dma_wait3A_1679 = tpu.memref_squeeze %dma_wait3A_1678 : memref<1x!tpu.dma_semaphore, #tpu.memory_space<semaphore_mem>> -> memref<!tpu.dma_semaphore, #tpu.memory_space<semaphore_mem>>
      tpu.wait_indirect_dma semaphore(%dma_wait3A_1679 : memref<!tpu.dma_semaphore, #tpu.memory_space<semaphore_mem>>) src(%dma_wait3A_1671 : memref<80x128xf32, #tpu.memory_space<vmem>>) dst(%dma_wait3A_1677 : memref<10000x128xf32, #tpu.memory_space<vmem_shared>>)
      %add3A_1680 = arith.constant 3 : i32
      %add3A_1681 = arith.addi %add3A_1664, %add3A_1680 : i32
      %lt3A_1682 = arith.constant 250 : i32
      %lt3A_1683 = arith.cmpi slt, %add3A_1681, %lt3A_1682 : i32
      %convert_element_type3A_1684 = arith.extui %lt3A_1683 : i1 to i32
      %cond3A_1685 = arith.constant 0 : i32
      %cond3A_1686 = arith.cmpi ne, %convert_element_type3A_1684, %cond3A_1685 : i32
      scf.if %cond3A_1686 {
        %add3A_2091 = arith.constant 3 : i32
        %add3A_2092 = arith.addi %add3A_1664, %add3A_2091 : i32
        %mul3A_2093 = arith.constant 250 : i32
        %mul3A_2094 = arith.muli %add3A, %mul3A_2093 : i32
        %add3A_2095 = arith.addi %mul3A_2094, %add3A_2092 : i32
        %dma_start3A_2096 = arith.constant 5 : i32
        %dma_start3A_2097 = arith.constant 5 : i32
        %dma_start3A_2098 = arith.constant 0 : i32
        %dma_start3A_2099 = tpu.memref_slice %arg6[%dma_start3A_2096, %dma_start3A_2098] : memref<6x80xi32, #tpu.memory_space<vmem>> -> memref<1x80xi32, #tpu.memory_space<vmem>>
        %dma_start3A_2100 = tpu.memref_squeeze %dma_start3A_2099 : memref<1x80xi32, #tpu.memory_space<vmem>> -> memref<80xi32, #tpu.memory_space<vmem>>
        %dma_start3A_2101 = arith.constant 0 : i32
        %dma_start3A_2102 = tpu.memref_slice %arg3[%add3A_2095, %dma_start3A_2101] : memref<8000x80xi32, #tpu.memory_space<hbm>> -> memref<1x80xi32, #tpu.memory_space<hbm>>
        %dma_start3A_2103 = tpu.memref_squeeze %dma_start3A_2102 : memref<1x80xi32, #tpu.memory_space<hbm>> -> memref<80xi32, #tpu.memory_space<hbm>>
        %dma_start3A_2104 = tpu.memref_slice %arg12[%dma_start3A_2097] : memref<6x!tpu.dma_semaphore, #tpu.memory_space<semaphore_mem>> -> memref<1x!tpu.dma_semaphore, #tpu.memory_space<semaphore_mem>>
        %dma_start3A_2105 = tpu.memref_squeeze %dma_start3A_2104 : memref<1x!tpu.dma_semaphore, #tpu.memory_space<semaphore_mem>> -> memref<!tpu.dma_semaphore, #tpu.memory_space<semaphore_mem>>
        %dma_start3A_2106 = arith.constant 0 : i32
        %dma_start3A_2107 = tpu.memref_slice %arg6[%dma_start3A_2096, %dma_start3A_2106] : memref<6x80xi32, #tpu.memory_space<vmem>> -> memref<1x80xi32, #tpu.memory_space<vmem>>
        %dma_start3A_2108 = tpu.memref_squeeze %dma_start3A_2107 : memref<1x80xi32, #tpu.memory_space<vmem>> -> memref<80xi32, #tpu.memory_space<vmem>>
        %dma_start3A_2109 = arith.constant 0 : i32
        %dma_start3A_2110 = tpu.memref_slice %arg3[%add3A_2095, %dma_start3A_2109] : memref<8000x80xi32, #tpu.memory_space<hbm>> -> memref<1x80xi32, #tpu.memory_space<hbm>>
        %dma_start3A_2111 = tpu.memref_squeeze %dma_start3A_2110 : memref<1x80xi32, #tpu.memory_space<hbm>> -> memref<80xi32, #tpu.memory_space<hbm>>
        tpu.enqueue_dma source(%dma_start3A_2111 : memref<80xi32, #tpu.memory_space<hbm>>) target(%dma_start3A_2108 : memref<80xi32, #tpu.memory_space<vmem>>) target_semaphore(%dma_start3A_2105 : memref<!tpu.dma_semaphore, #tpu.memory_space<semaphore_mem>>)
        %mul3A_2112 = arith.constant 250 : i32
        %mul3A_2113 = arith.muli %arg1, %mul3A_2112 : i32
        %add3A_2114 = arith.addi %mul3A_2113, %add3A_2092 : i32
        %dma_start3A_2115 = arith.constant 5 : i32
        %dma_start3A_2116 = arith.constant 5 : i32
        %dma_start3A_2117 = arith.constant 0 : i32
        %dma_start3A_2118 = tpu.memref_slice %arg7[%dma_start3A_2115, %dma_start3A_2117] : memref<6x80xi32, #tpu.memory_space<vmem>> -> memref<1x80xi32, #tpu.memory_space<vmem>>
        %dma_start3A_2119 = tpu.memref_squeeze %dma_start3A_2118 : memref<1x80xi32, #tpu.memory_space<vmem>> -> memref<80xi32, #tpu.memory_space<vmem>>
        %dma_start3A_2120 = arith.constant 0 : i32
        %dma_start3A_2121 = tpu.memref_slice %arg4[%add3A_2114, %dma_start3A_2120] : memref<4000x80xi32, #tpu.memory_space<hbm>> -> memref<1x80xi32, #tpu.memory_space<hbm>>
        %dma_start3A_2122 = tpu.memref_squeeze %dma_start3A_2121 : memref<1x80xi32, #tpu.memory_space<hbm>> -> memref<80xi32, #tpu.memory_space<hbm>>
        %dma_start3A_2123 = tpu.memref_slice %arg12[%dma_start3A_2116] : memref<6x!tpu.dma_semaphore, #tpu.memory_space<semaphore_mem>> -> memref<1x!tpu.dma_semaphore, #tpu.memory_space<semaphore_mem>>
        %dma_start3A_2124 = tpu.memref_squeeze %dma_start3A_2123 : memref<1x!tpu.dma_semaphore, #tpu.memory_space<semaphore_mem>> -> memref<!tpu.dma_semaphore, #tpu.memory_space<semaphore_mem>>
        %dma_start3A_2125 = arith.constant 0 : i32
        %dma_start3A_2126 = tpu.memref_slice %arg7[%dma_start3A_2115, %dma_start3A_2125] : memref<6x80xi32, #tpu.memory_space<vmem>> -> memref<1x80xi32, #tpu.memory_space<vmem>>
        %dma_start3A_2127 = tpu.memref_squeeze %dma_start3A_2126 : memref<1x80xi32, #tpu.memory_space<vmem>> -> memref<80xi32, #tpu.memory_space<vmem>>
        %dma_start3A_2128 = arith.constant 0 : i32
        %dma_start3A_2129 = tpu.memref_slice %arg4[%add3A_2114, %dma_start3A_2128] : memref<4000x80xi32, #tpu.memory_space<hbm>> -> memref<1x80xi32, #tpu.memory_space<hbm>>
        %dma_start3A_2130 = tpu.memref_squeeze %dma_start3A_2129 : memref<1x80xi32, #tpu.memory_space<hbm>> -> memref<80xi32, #tpu.memory_space<hbm>>
        tpu.enqueue_dma source(%dma_start3A_2130 : memref<80xi32, #tpu.memory_space<hbm>>) target(%dma_start3A_2127 : memref<80xi32, #tpu.memory_space<vmem>>) target_semaphore(%dma_start3A_2124 : memref<!tpu.dma_semaphore, #tpu.memory_space<semaphore_mem>>)
      } else {
      }
      %mul3A_1687 = arith.constant 250 : i32
      %mul3A_1688 = arith.muli %add3A, %mul3A_1687 : i32
      %add3A_1689 = arith.addi %mul3A_1688, %add3A_1664 : i32
      %dma_wait3A_1690 = arith.constant 2 : i32
      %dma_wait3A_1691 = arith.constant 2 : i32
      %dma_wait3A_1692 = arith.constant 0 : i32
      %dma_wait3A_1693 = tpu.memref_slice %arg6[%dma_wait3A_1690, %dma_wait3A_1692] : memref<6x80xi32, #tpu.memory_space<vmem>> -> memref<1x80xi32, #tpu.memory_space<vmem>>
      %dma_wait3A_1694 = tpu.memref_squeeze %dma_wait3A_1693 : memref<1x80xi32, #tpu.memory_space<vmem>> -> memref<80xi32, #tpu.memory_space<vmem>>
      %dma_wait3A_1695 = arith.constant 0 : i32
      %dma_wait3A_1696 = tpu.memref_slice %arg3[%add3A_1689, %dma_wait3A_1695] : memref<8000x80xi32, #tpu.memory_space<hbm>> -> memref<1x80xi32, #tpu.memory_space<hbm>>
      %dma_wait3A_1697 = tpu.memref_squeeze %dma_wait3A_1696 : memref<1x80xi32, #tpu.memory_space<hbm>> -> memref<80xi32, #tpu.memory_space<hbm>>
      %dma_wait3A_1698 = tpu.memref_slice %arg12[%dma_wait3A_1691] : memref<6x!tpu.dma_semaphore, #tpu.memory_space<semaphore_mem>> -> memref<1x!tpu.dma_semaphore, #tpu.memory_space<semaphore_mem>>
      %dma_wait3A_1699 = tpu.memref_squeeze %dma_wait3A_1698 : memref<1x!tpu.dma_semaphore, #tpu.memory_space<semaphore_mem>> -> memref<!tpu.dma_semaphore, #tpu.memory_space<semaphore_mem>>
      %dma_wait3A_1700 = arith.constant 0 : i32
      %dma_wait3A_1701 = tpu.memref_slice %arg6[%dma_wait3A_1690, %dma_wait3A_1700] : memref<6x80xi32, #tpu.memory_space<vmem>> -> memref<1x80xi32, #tpu.memory_space<vmem>>
      %dma_wait3A_1702 = tpu.memref_squeeze %dma_wait3A_1701 : memref<1x80xi32, #tpu.memory_space<vmem>> -> memref<80xi32, #tpu.memory_space<vmem>>
      %dma_wait3A_1703 = arith.constant 0 : i32
      %dma_wait3A_1704 = tpu.memref_slice %arg3[%add3A_1689, %dma_wait3A_1703] : memref<8000x80xi32, #tpu.memory_space<hbm>> -> memref<1x80xi32, #tpu.memory_space<hbm>>
      %dma_wait3A_1705 = tpu.memref_squeeze %dma_wait3A_1704 : memref<1x80xi32, #tpu.memory_space<hbm>> -> memref<80xi32, #tpu.memory_space<hbm>>
      tpu.wait_dma2 semaphore(%dma_wait3A_1699 : memref<!tpu.dma_semaphore, #tpu.memory_space<semaphore_mem>>) src(%dma_wait3A_1705 : memref<80xi32, #tpu.memory_space<hbm>>) dst(%dma_wait3A_1702 : memref<80xi32, #tpu.memory_space<vmem>>)
      %mul3A_1706 = arith.constant 250 : i32
      %mul3A_1707 = arith.muli %arg1, %mul3A_1706 : i32
      %add3A_1708 = arith.addi %mul3A_1707, %add3A_1664 : i32
      %dma_wait3A_1709 = arith.constant 2 : i32
      %dma_wait3A_1710 = arith.constant 2 : i32
      %dma_wait3A_1711 = arith.constant 0 : i32
      %dma_wait3A_1712 = tpu.memref_slice %arg7[%dma_wait3A_1709, %dma_wait3A_1711] : memref<6x80xi32, #tpu.memory_space<vmem>> -> memref<1x80xi32, #tpu.memory_space<vmem>>
      %dma_wait3A_1713 = tpu.memref_squeeze %dma_wait3A_1712 : memref<1x80xi32, #tpu.memory_space<vmem>> -> memref<80xi32, #tpu.memory_space<vmem>>
      %dma_wait3A_1714 = arith.constant 0 : i32
      %dma_wait3A_1715 = tpu.memref_slice %arg4[%add3A_1708, %dma_wait3A_1714] : memref<4000x80xi32, #tpu.memory_space<hbm>> -> memref<1x80xi32, #tpu.memory_space<hbm>>
      %dma_wait3A_1716 = tpu.memref_squeeze %dma_wait3A_1715 : memref<1x80xi32, #tpu.memory_space<hbm>> -> memref<80xi32, #tpu.memory_space<hbm>>
      %dma_wait3A_1717 = tpu.memref_slice %arg12[%dma_wait3A_1710] : memref<6x!tpu.dma_semaphore, #tpu.memory_space<semaphore_mem>> -> memref<1x!tpu.dma_semaphore, #tpu.memory_space<semaphore_mem>>
      %dma_wait3A_1718 = tpu.memref_squeeze %dma_wait3A_1717 : memref<1x!tpu.dma_semaphore, #tpu.memory_space<semaphore_mem>> -> memref<!tpu.dma_semaphore, #tpu.memory_space<semaphore_mem>>
      %dma_wait3A_1719 = arith.constant 0 : i32
      %dma_wait3A_1720 = tpu.memref_slice %arg7[%dma_wait3A_1709, %dma_wait3A_1719] : memref<6x80xi32, #tpu.memory_space<vmem>> -> memref<1x80xi32, #tpu.memory_space<vmem>>
      %dma_wait3A_1721 = tpu.memref_squeeze %dma_wait3A_1720 : memref<1x80xi32, #tpu.memory_space<vmem>> -> memref<80xi32, #tpu.memory_space<vmem>>
      %dma_wait3A_1722 = arith.constant 0 : i32
      %dma_wait3A_1723 = tpu.memref_slice %arg4[%add3A_1708, %dma_wait3A_1722] : memref<4000x80xi32, #tpu.memory_space<hbm>> -> memref<1x80xi32, #tpu.memory_space<hbm>>
      %dma_wait3A_1724 = tpu.memref_squeeze %dma_wait3A_1723 : memref<1x80xi32, #tpu.memory_space<hbm>> -> memref<80xi32, #tpu.memory_space<hbm>>
      tpu.wait_dma2 semaphore(%dma_wait3A_1718 : memref<!tpu.dma_semaphore, #tpu.memory_space<semaphore_mem>>) src(%dma_wait3A_1724 : memref<80xi32, #tpu.memory_space<hbm>>) dst(%dma_wait3A_1721 : memref<80xi32, #tpu.memory_space<vmem>>)
      %dma_start3A_1725 = arith.constant 2 : i32
      %dma_start3A_1726 = arith.constant 2 : i32
      %dma_start3A_1727 = arith.constant 2 : i32
      %dma_start3A_1728 = arith.constant 0 : i32
      %dma_start3A_1729 = arith.constant 0 : i32
      %dma_start3A_1730 = tpu.memref_slice %arg8[%dma_start3A_1726, %dma_start3A_1728, %dma_start3A_1729] : memref<3x80x128xf32, #tpu.memory_space<vmem>> -> memref<1x80x128xf32, #tpu.memory_space<vmem>>
      %dma_start3A_1731 = tpu.memref_squeeze %dma_start3A_1730 : memref<1x80x128xf32, #tpu.memory_space<vmem>> -> memref<80x128xf32, #tpu.memory_space<vmem>>
      %dma_start3A_1732 = arith.constant 0 : i32
      %dma_start3A_1733 = tpu.memref_slice %arg6[%dma_start3A_1725, %dma_start3A_1732] : memref<6x80xi32, #tpu.memory_space<vmem>> -> memref<1x80xi32, #tpu.memory_space<vmem>>
      %dma_start3A_1734 = tpu.memref_squeeze %dma_start3A_1733 : memref<1x80xi32, #tpu.memory_space<vmem>> -> memref<80xi32, #tpu.memory_space<vmem>>
      %dma_start3A_1735 = arith.constant 0 : i32
      %dma_start3A_1736 = arith.constant 0 : i32
      %dma_start3A_1737 = tpu.memref_slice %arg2[%dma_start3A_1735, %dma_start3A_1736] : memref<20000x128xf32, #tpu.memory_space<hbm>> -> memref<20000x128xf32, #tpu.memory_space<hbm>>
      %dma_start3A_1738 = tpu.memref_slice %arg10[%dma_start3A_1727] : memref<3x!tpu.dma_semaphore, #tpu.memory_space<semaphore_mem>> -> memref<1x!tpu.dma_semaphore, #tpu.memory_space<semaphore_mem>>
      %dma_start3A_1739 = tpu.memref_squeeze %dma_start3A_1738 : memref<1x!tpu.dma_semaphore, #tpu.memory_space<semaphore_mem>> -> memref<!tpu.dma_semaphore, #tpu.memory_space<semaphore_mem>>
      tpu.enqueue_indirect_dma source(%dma_start3A_1737 : memref<20000x128xf32, #tpu.memory_space<hbm>>) target(%dma_start3A_1731 : memref<80x128xf32, #tpu.memory_space<vmem>>) offsets(%dma_start3A_1734 : memref<80xi32, #tpu.memory_space<vmem>>) semaphore(%dma_start3A_1739 : memref<!tpu.dma_semaphore, #tpu.memory_space<semaphore_mem>>)
      %dma_wait3A_1740 = arith.constant 1 : i32
      %dma_wait3A_1741 = arith.constant 1 : i32
      %dma_wait3A_1742 = arith.constant 1 : i32
      %dma_wait3A_1743 = arith.constant 0 : i32
      %dma_wait3A_1744 = arith.constant 0 : i32
      %dma_wait3A_1745 = tpu.memref_slice %arg8[%dma_wait3A_1741, %dma_wait3A_1743, %dma_wait3A_1744] : memref<3x80x128xf32, #tpu.memory_space<vmem>> -> memref<1x80x128xf32, #tpu.memory_space<vmem>>
      %dma_wait3A_1746 = tpu.memref_squeeze %dma_wait3A_1745 : memref<1x80x128xf32, #tpu.memory_space<vmem>> -> memref<80x128xf32, #tpu.memory_space<vmem>>
      %dma_wait3A_1747 = arith.constant 0 : i32
      %dma_wait3A_1748 = tpu.memref_slice %arg6[%dma_wait3A_1740, %dma_wait3A_1747] : memref<6x80xi32, #tpu.memory_space<vmem>> -> memref<1x80xi32, #tpu.memory_space<vmem>>
      %dma_wait3A_1749 = tpu.memref_squeeze %dma_wait3A_1748 : memref<1x80xi32, #tpu.memory_space<vmem>> -> memref<80xi32, #tpu.memory_space<vmem>>
      %dma_wait3A_1750 = arith.constant 0 : i32
      %dma_wait3A_1751 = arith.constant 0 : i32
      %dma_wait3A_1752 = tpu.memref_slice %arg2[%dma_wait3A_1750, %dma_wait3A_1751] : memref<20000x128xf32, #tpu.memory_space<hbm>> -> memref<20000x128xf32, #tpu.memory_space<hbm>>
      %dma_wait3A_1753 = tpu.memref_slice %arg10[%dma_wait3A_1742] : memref<3x!tpu.dma_semaphore, #tpu.memory_space<semaphore_mem>> -> memref<1x!tpu.dma_semaphore, #tpu.memory_space<semaphore_mem>>
      %dma_wait3A_1754 = tpu.memref_squeeze %dma_wait3A_1753 : memref<1x!tpu.dma_semaphore, #tpu.memory_space<semaphore_mem>> -> memref<!tpu.dma_semaphore, #tpu.memory_space<semaphore_mem>>
      tpu.wait_indirect_dma semaphore(%dma_wait3A_1754 : memref<!tpu.dma_semaphore, #tpu.memory_space<semaphore_mem>>) src(%dma_wait3A_1752 : memref<20000x128xf32, #tpu.memory_space<hbm>>) dst(%dma_wait3A_1746 : memref<80x128xf32, #tpu.memory_space<vmem>>)
      %dma_start3A_1755 = arith.constant 1 : i32
      %dma_start3A_1756 = arith.constant 1 : i32
      %dma_start3A_1757 = arith.constant 1 : i32
      %dma_start3A_1758 = arith.constant 0 : i32
      %dma_start3A_1759 = arith.constant 0 : i32
      %dma_start3A_1760 = tpu.memref_slice %arg8[%dma_start3A_1755, %dma_start3A_1758, %dma_start3A_1759] : memref<3x80x128xf32, #tpu.memory_space<vmem>> -> memref<1x80x128xf32, #tpu.memory_space<vmem>>
      %dma_start3A_1761 = tpu.memref_squeeze %dma_start3A_1760 : memref<1x80x128xf32, #tpu.memory_space<vmem>> -> memref<80x128xf32, #tpu.memory_space<vmem>>
      %dma_start3A_1762 = arith.constant 0 : i32
      %dma_start3A_1763 = tpu.memref_slice %arg7[%dma_start3A_1756, %dma_start3A_1762] : memref<6x80xi32, #tpu.memory_space<vmem>> -> memref<1x80xi32, #tpu.memory_space<vmem>>
      %dma_start3A_1764 = tpu.memref_squeeze %dma_start3A_1763 : memref<1x80xi32, #tpu.memory_space<vmem>> -> memref<80xi32, #tpu.memory_space<vmem>>
      %dma_start3A_1765 = arith.constant 0 : i32
      %dma_start3A_1766 = arith.constant 0 : i32
      %dma_start3A_1767 = tpu.memref_slice %arg9[%dma_start3A_1765, %dma_start3A_1766] : memref<10000x128xf32, #tpu.memory_space<vmem_shared>> -> memref<10000x128xf32, #tpu.memory_space<vmem_shared>>
      %dma_start3A_1768 = tpu.memref_slice %arg11[%dma_start3A_1757] : memref<3x!tpu.dma_semaphore, #tpu.memory_space<semaphore_mem>> -> memref<1x!tpu.dma_semaphore, #tpu.memory_space<semaphore_mem>>
      %dma_start3A_1769 = tpu.memref_squeeze %dma_start3A_1768 : memref<1x!tpu.dma_semaphore, #tpu.memory_space<semaphore_mem>> -> memref<!tpu.dma_semaphore, #tpu.memory_space<semaphore_mem>>
      tpu.enqueue_indirect_dma source(%dma_start3A_1761 : memref<80x128xf32, #tpu.memory_space<vmem>>) target(%dma_start3A_1767 : memref<10000x128xf32, #tpu.memory_space<vmem_shared>>) offsets(%dma_start3A_1764 : memref<80xi32, #tpu.memory_space<vmem>>) semaphore(%dma_start3A_1769 : memref<!tpu.dma_semaphore, #tpu.memory_space<semaphore_mem>>) {add = true}
      %add3A_1770 = arith.constant 3 : i32
      %add3A_1771 = arith.addi %mul3A_1449, %add3A_1770 : i32
      %dma_wait3A_1772 = arith.constant 0 : i32
      %dma_wait3A_1773 = arith.constant 0 : i32
      %dma_wait3A_1774 = arith.constant 0 : i32
      %dma_wait3A_1775 = arith.constant 0 : i32
      %dma_wait3A_1776 = arith.constant 0 : i32
      %dma_wait3A_1777 = tpu.memref_slice %arg8[%dma_wait3A_1772, %dma_wait3A_1775, %dma_wait3A_1776] : memref<3x80x128xf32, #tpu.memory_space<vmem>> -> memref<1x80x128xf32, #tpu.memory_space<vmem>>
      %dma_wait3A_1778 = tpu.memref_squeeze %dma_wait3A_1777 : memref<1x80x128xf32, #tpu.memory_space<vmem>> -> memref<80x128xf32, #tpu.memory_space<vmem>>
      %dma_wait3A_1779 = arith.constant 0 : i32
      %dma_wait3A_1780 = tpu.memref_slice %arg7[%dma_wait3A_1773, %dma_wait3A_1779] : memref<6x80xi32, #tpu.memory_space<vmem>> -> memref<1x80xi32, #tpu.memory_space<vmem>>
      %dma_wait3A_1781 = tpu.memref_squeeze %dma_wait3A_1780 : memref<1x80xi32, #tpu.memory_space<vmem>> -> memref<80xi32, #tpu.memory_space<vmem>>
      %dma_wait3A_1782 = arith.constant 0 : i32
      %dma_wait3A_1783 = arith.constant 0 : i32
      %dma_wait3A_1784 = tpu.memref_slice %arg9[%dma_wait3A_1782, %dma_wait3A_1783] : memref<10000x128xf32, #tpu.memory_space<vmem_shared>> -> memref<10000x128xf32, #tpu.memory_space<vmem_shared>>
      %dma_wait3A_1785 = tpu.memref_slice %arg11[%dma_wait3A_1774] : memref<3x!tpu.dma_semaphore, #tpu.memory_space<semaphore_mem>> -> memref<1x!tpu.dma_semaphore, #tpu.memory_space<semaphore_mem>>
      %dma_wait3A_1786 = tpu.memref_squeeze %dma_wait3A_1785 : memref<1x!tpu.dma_semaphore, #tpu.memory_space<semaphore_mem>> -> memref<!tpu.dma_semaphore, #tpu.memory_space<semaphore_mem>>
      tpu.wait_indirect_dma semaphore(%dma_wait3A_1786 : memref<!tpu.dma_semaphore, #tpu.memory_space<semaphore_mem>>) src(%dma_wait3A_1778 : memref<80x128xf32, #tpu.memory_space<vmem>>) dst(%dma_wait3A_1784 : memref<10000x128xf32, #tpu.memory_space<vmem_shared>>)
      %add3A_1787 = arith.constant 3 : i32
      %add3A_1788 = arith.addi %add3A_1771, %add3A_1787 : i32
      %lt3A_1789 = arith.constant 250 : i32
      %lt3A_1790 = arith.cmpi slt, %add3A_1788, %lt3A_1789 : i32
      %convert_element_type3A_1791 = arith.extui %lt3A_1790 : i1 to i32
      %cond3A_1792 = arith.constant 0 : i32
      %cond3A_1793 = arith.cmpi ne, %convert_element_type3A_1791, %cond3A_1792 : i32
      scf.if %cond3A_1793 {
        %add3A_2091 = arith.constant 3 : i32
        %add3A_2092 = arith.addi %add3A_1771, %add3A_2091 : i32
        %mul3A_2093 = arith.constant 250 : i32
        %mul3A_2094 = arith.muli %add3A, %mul3A_2093 : i32
        %add3A_2095 = arith.addi %mul3A_2094, %add3A_2092 : i32
        %dma_start3A_2096 = arith.constant 0 : i32
        %dma_start3A_2097 = arith.constant 0 : i32
        %dma_start3A_2098 = arith.constant 0 : i32
        %dma_start3A_2099 = tpu.memref_slice %arg6[%dma_start3A_2096, %dma_start3A_2098] : memref<6x80xi32, #tpu.memory_space<vmem>> -> memref<1x80xi32, #tpu.memory_space<vmem>>
        %dma_start3A_2100 = tpu.memref_squeeze %dma_start3A_2099 : memref<1x80xi32, #tpu.memory_space<vmem>> -> memref<80xi32, #tpu.memory_space<vmem>>
        %dma_start3A_2101 = arith.constant 0 : i32
        %dma_start3A_2102 = tpu.memref_slice %arg3[%add3A_2095, %dma_start3A_2101] : memref<8000x80xi32, #tpu.memory_space<hbm>> -> memref<1x80xi32, #tpu.memory_space<hbm>>
        %dma_start3A_2103 = tpu.memref_squeeze %dma_start3A_2102 : memref<1x80xi32, #tpu.memory_space<hbm>> -> memref<80xi32, #tpu.memory_space<hbm>>
        %dma_start3A_2104 = tpu.memref_slice %arg12[%dma_start3A_2097] : memref<6x!tpu.dma_semaphore, #tpu.memory_space<semaphore_mem>> -> memref<1x!tpu.dma_semaphore, #tpu.memory_space<semaphore_mem>>
        %dma_start3A_2105 = tpu.memref_squeeze %dma_start3A_2104 : memref<1x!tpu.dma_semaphore, #tpu.memory_space<semaphore_mem>> -> memref<!tpu.dma_semaphore, #tpu.memory_space<semaphore_mem>>
        %dma_start3A_2106 = arith.constant 0 : i32
        %dma_start3A_2107 = tpu.memref_slice %arg6[%dma_start3A_2096, %dma_start3A_2106] : memref<6x80xi32, #tpu.memory_space<vmem>> -> memref<1x80xi32, #tpu.memory_space<vmem>>
        %dma_start3A_2108 = tpu.memref_squeeze %dma_start3A_2107 : memref<1x80xi32, #tpu.memory_space<vmem>> -> memref<80xi32, #tpu.memory_space<vmem>>
        %dma_start3A_2109 = arith.constant 0 : i32
        %dma_start3A_2110 = tpu.memref_slice %arg3[%add3A_2095, %dma_start3A_2109] : memref<8000x80xi32, #tpu.memory_space<hbm>> -> memref<1x80xi32, #tpu.memory_space<hbm>>
        %dma_start3A_2111 = tpu.memref_squeeze %dma_start3A_2110 : memref<1x80xi32, #tpu.memory_space<hbm>> -> memref<80xi32, #tpu.memory_space<hbm>>
        tpu.enqueue_dma source(%dma_start3A_2111 : memref<80xi32, #tpu.memory_space<hbm>>) target(%dma_start3A_2108 : memref<80xi32, #tpu.memory_space<vmem>>) target_semaphore(%dma_start3A_2105 : memref<!tpu.dma_semaphore, #tpu.memory_space<semaphore_mem>>)
        %mul3A_2112 = arith.constant 250 : i32
        %mul3A_2113 = arith.muli %arg1, %mul3A_2112 : i32
        %add3A_2114 = arith.addi %mul3A_2113, %add3A_2092 : i32
        %dma_start3A_2115 = arith.constant 0 : i32
        %dma_start3A_2116 = arith.constant 0 : i32
        %dma_start3A_2117 = arith.constant 0 : i32
        %dma_start3A_2118 = tpu.memref_slice %arg7[%dma_start3A_2115, %dma_start3A_2117] : memref<6x80xi32, #tpu.memory_space<vmem>> -> memref<1x80xi32, #tpu.memory_space<vmem>>
        %dma_start3A_2119 = tpu.memref_squeeze %dma_start3A_2118 : memref<1x80xi32, #tpu.memory_space<vmem>> -> memref<80xi32, #tpu.memory_space<vmem>>
        %dma_start3A_2120 = arith.constant 0 : i32
        %dma_start3A_2121 = tpu.memref_slice %arg4[%add3A_2114, %dma_start3A_2120] : memref<4000x80xi32, #tpu.memory_space<hbm>> -> memref<1x80xi32, #tpu.memory_space<hbm>>
        %dma_start3A_2122 = tpu.memref_squeeze %dma_start3A_2121 : memref<1x80xi32, #tpu.memory_space<hbm>> -> memref<80xi32, #tpu.memory_space<hbm>>
        %dma_start3A_2123 = tpu.memref_slice %arg12[%dma_start3A_2116] : memref<6x!tpu.dma_semaphore, #tpu.memory_space<semaphore_mem>> -> memref<1x!tpu.dma_semaphore, #tpu.memory_space<semaphore_mem>>
        %dma_start3A_2124 = tpu.memref_squeeze %dma_start3A_2123 : memref<1x!tpu.dma_semaphore, #tpu.memory_space<semaphore_mem>> -> memref<!tpu.dma_semaphore, #tpu.memory_space<semaphore_mem>>
        %dma_start3A_2125 = arith.constant 0 : i32
        %dma_start3A_2126 = tpu.memref_slice %arg7[%dma_start3A_2115, %dma_start3A_2125] : memref<6x80xi32, #tpu.memory_space<vmem>> -> memref<1x80xi32, #tpu.memory_space<vmem>>
        %dma_start3A_2127 = tpu.memref_squeeze %dma_start3A_2126 : memref<1x80xi32, #tpu.memory_space<vmem>> -> memref<80xi32, #tpu.memory_space<vmem>>
        %dma_start3A_2128 = arith.constant 0 : i32
        %dma_start3A_2129 = tpu.memref_slice %arg4[%add3A_2114, %dma_start3A_2128] : memref<4000x80xi32, #tpu.memory_space<hbm>> -> memref<1x80xi32, #tpu.memory_space<hbm>>
        %dma_start3A_2130 = tpu.memref_squeeze %dma_start3A_2129 : memref<1x80xi32, #tpu.memory_space<hbm>> -> memref<80xi32, #tpu.memory_space<hbm>>
        tpu.enqueue_dma source(%dma_start3A_2130 : memref<80xi32, #tpu.memory_space<hbm>>) target(%dma_start3A_2127 : memref<80xi32, #tpu.memory_space<vmem>>) target_semaphore(%dma_start3A_2124 : memref<!tpu.dma_semaphore, #tpu.memory_space<semaphore_mem>>)
      } else {
      }
      %mul3A_1794 = arith.constant 250 : i32
      %mul3A_1795 = arith.muli %add3A, %mul3A_1794 : i32
      %add3A_1796 = arith.addi %mul3A_1795, %add3A_1771 : i32
      %dma_wait3A_1797 = arith.constant 3 : i32
      %dma_wait3A_1798 = arith.constant 3 : i32
      %dma_wait3A_1799 = arith.constant 0 : i32
      %dma_wait3A_1800 = tpu.memref_slice %arg6[%dma_wait3A_1797, %dma_wait3A_1799] : memref<6x80xi32, #tpu.memory_space<vmem>> -> memref<1x80xi32, #tpu.memory_space<vmem>>
      %dma_wait3A_1801 = tpu.memref_squeeze %dma_wait3A_1800 : memref<1x80xi32, #tpu.memory_space<vmem>> -> memref<80xi32, #tpu.memory_space<vmem>>
      %dma_wait3A_1802 = arith.constant 0 : i32
      %dma_wait3A_1803 = tpu.memref_slice %arg3[%add3A_1796, %dma_wait3A_1802] : memref<8000x80xi32, #tpu.memory_space<hbm>> -> memref<1x80xi32, #tpu.memory_space<hbm>>
      %dma_wait3A_1804 = tpu.memref_squeeze %dma_wait3A_1803 : memref<1x80xi32, #tpu.memory_space<hbm>> -> memref<80xi32, #tpu.memory_space<hbm>>
      %dma_wait3A_1805 = tpu.memref_slice %arg12[%dma_wait3A_1798] : memref<6x!tpu.dma_semaphore, #tpu.memory_space<semaphore_mem>> -> memref<1x!tpu.dma_semaphore, #tpu.memory_space<semaphore_mem>>
      %dma_wait3A_1806 = tpu.memref_squeeze %dma_wait3A_1805 : memref<1x!tpu.dma_semaphore, #tpu.memory_space<semaphore_mem>> -> memref<!tpu.dma_semaphore, #tpu.memory_space<semaphore_mem>>
      %dma_wait3A_1807 = arith.constant 0 : i32
      %dma_wait3A_1808 = tpu.memref_slice %arg6[%dma_wait3A_1797, %dma_wait3A_1807] : memref<6x80xi32, #tpu.memory_space<vmem>> -> memref<1x80xi32, #tpu.memory_space<vmem>>
      %dma_wait3A_1809 = tpu.memref_squeeze %dma_wait3A_1808 : memref<1x80xi32, #tpu.memory_space<vmem>> -> memref<80xi32, #tpu.memory_space<vmem>>
      %dma_wait3A_1810 = arith.constant 0 : i32
      %dma_wait3A_1811 = tpu.memref_slice %arg3[%add3A_1796, %dma_wait3A_1810] : memref<8000x80xi32, #tpu.memory_space<hbm>> -> memref<1x80xi32, #tpu.memory_space<hbm>>
      %dma_wait3A_1812 = tpu.memref_squeeze %dma_wait3A_1811 : memref<1x80xi32, #tpu.memory_space<hbm>> -> memref<80xi32, #tpu.memory_space<hbm>>
      tpu.wait_dma2 semaphore(%dma_wait3A_1806 : memref<!tpu.dma_semaphore, #tpu.memory_space<semaphore_mem>>) src(%dma_wait3A_1812 : memref<80xi32, #tpu.memory_space<hbm>>) dst(%dma_wait3A_1809 : memref<80xi32, #tpu.memory_space<vmem>>)
      %mul3A_1813 = arith.constant 250 : i32
      %mul3A_1814 = arith.muli %arg1, %mul3A_1813 : i32
      %add3A_1815 = arith.addi %mul3A_1814, %add3A_1771 : i32
      %dma_wait3A_1816 = arith.constant 3 : i32
      %dma_wait3A_1817 = arith.constant 3 : i32
      %dma_wait3A_1818 = arith.constant 0 : i32
      %dma_wait3A_1819 = tpu.memref_slice %arg7[%dma_wait3A_1816, %dma_wait3A_1818] : memref<6x80xi32, #tpu.memory_space<vmem>> -> memref<1x80xi32, #tpu.memory_space<vmem>>
      %dma_wait3A_1820 = tpu.memref_squeeze %dma_wait3A_1819 : memref<1x80xi32, #tpu.memory_space<vmem>> -> memref<80xi32, #tpu.memory_space<vmem>>
      %dma_wait3A_1821 = arith.constant 0 : i32
      %dma_wait3A_1822 = tpu.memref_slice %arg4[%add3A_1815, %dma_wait3A_1821] : memref<4000x80xi32, #tpu.memory_space<hbm>> -> memref<1x80xi32, #tpu.memory_space<hbm>>
      %dma_wait3A_1823 = tpu.memref_squeeze %dma_wait3A_1822 : memref<1x80xi32, #tpu.memory_space<hbm>> -> memref<80xi32, #tpu.memory_space<hbm>>
      %dma_wait3A_1824 = tpu.memref_slice %arg12[%dma_wait3A_1817] : memref<6x!tpu.dma_semaphore, #tpu.memory_space<semaphore_mem>> -> memref<1x!tpu.dma_semaphore, #tpu.memory_space<semaphore_mem>>
      %dma_wait3A_1825 = tpu.memref_squeeze %dma_wait3A_1824 : memref<1x!tpu.dma_semaphore, #tpu.memory_space<semaphore_mem>> -> memref<!tpu.dma_semaphore, #tpu.memory_space<semaphore_mem>>
      %dma_wait3A_1826 = arith.constant 0 : i32
      %dma_wait3A_1827 = tpu.memref_slice %arg7[%dma_wait3A_1816, %dma_wait3A_1826] : memref<6x80xi32, #tpu.memory_space<vmem>> -> memref<1x80xi32, #tpu.memory_space<vmem>>
      %dma_wait3A_1828 = tpu.memref_squeeze %dma_wait3A_1827 : memref<1x80xi32, #tpu.memory_space<vmem>> -> memref<80xi32, #tpu.memory_space<vmem>>
      %dma_wait3A_1829 = arith.constant 0 : i32
      %dma_wait3A_1830 = tpu.memref_slice %arg4[%add3A_1815, %dma_wait3A_1829] : memref<4000x80xi32, #tpu.memory_space<hbm>> -> memref<1x80xi32, #tpu.memory_space<hbm>>
      %dma_wait3A_1831 = tpu.memref_squeeze %dma_wait3A_1830 : memref<1x80xi32, #tpu.memory_space<hbm>> -> memref<80xi32, #tpu.memory_space<hbm>>
      tpu.wait_dma2 semaphore(%dma_wait3A_1825 : memref<!tpu.dma_semaphore, #tpu.memory_space<semaphore_mem>>) src(%dma_wait3A_1831 : memref<80xi32, #tpu.memory_space<hbm>>) dst(%dma_wait3A_1828 : memref<80xi32, #tpu.memory_space<vmem>>)
      %dma_start3A_1832 = arith.constant 3 : i32
      %dma_start3A_1833 = arith.constant 0 : i32
      %dma_start3A_1834 = arith.constant 0 : i32
      %dma_start3A_1835 = arith.constant 0 : i32
      %dma_start3A_1836 = arith.constant 0 : i32
      %dma_start3A_1837 = tpu.memref_slice %arg8[%dma_start3A_1833, %dma_start3A_1835, %dma_start3A_1836] : memref<3x80x128xf32, #tpu.memory_space<vmem>> -> memref<1x80x128xf32, #tpu.memory_space<vmem>>
      %dma_start3A_1838 = tpu.memref_squeeze %dma_start3A_1837 : memref<1x80x128xf32, #tpu.memory_space<vmem>> -> memref<80x128xf32, #tpu.memory_space<vmem>>
      %dma_start3A_1839 = arith.constant 0 : i32
      %dma_start3A_1840 = tpu.memref_slice %arg6[%dma_start3A_1832, %dma_start3A_1839] : memref<6x80xi32, #tpu.memory_space<vmem>> -> memref<1x80xi32, #tpu.memory_space<vmem>>
      %dma_start3A_1841 = tpu.memref_squeeze %dma_start3A_1840 : memref<1x80xi32, #tpu.memory_space<vmem>> -> memref<80xi32, #tpu.memory_space<vmem>>
      %dma_start3A_1842 = arith.constant 0 : i32
      %dma_start3A_1843 = arith.constant 0 : i32
      %dma_start3A_1844 = tpu.memref_slice %arg2[%dma_start3A_1842, %dma_start3A_1843] : memref<20000x128xf32, #tpu.memory_space<hbm>> -> memref<20000x128xf32, #tpu.memory_space<hbm>>
      %dma_start3A_1845 = tpu.memref_slice %arg10[%dma_start3A_1834] : memref<3x!tpu.dma_semaphore, #tpu.memory_space<semaphore_mem>> -> memref<1x!tpu.dma_semaphore, #tpu.memory_space<semaphore_mem>>
      %dma_start3A_1846 = tpu.memref_squeeze %dma_start3A_1845 : memref<1x!tpu.dma_semaphore, #tpu.memory_space<semaphore_mem>> -> memref<!tpu.dma_semaphore, #tpu.memory_space<semaphore_mem>>
      tpu.enqueue_indirect_dma source(%dma_start3A_1844 : memref<20000x128xf32, #tpu.memory_space<hbm>>) target(%dma_start3A_1838 : memref<80x128xf32, #tpu.memory_space<vmem>>) offsets(%dma_start3A_1841 : memref<80xi32, #tpu.memory_space<vmem>>) semaphore(%dma_start3A_1846 : memref<!tpu.dma_semaphore, #tpu.memory_space<semaphore_mem>>)
      %dma_wait3A_1847 = arith.constant 2 : i32
      %dma_wait3A_1848 = arith.constant 2 : i32
      %dma_wait3A_1849 = arith.constant 2 : i32
      %dma_wait3A_1850 = arith.constant 0 : i32
      %dma_wait3A_1851 = arith.constant 0 : i32
      %dma_wait3A_1852 = tpu.memref_slice %arg8[%dma_wait3A_1848, %dma_wait3A_1850, %dma_wait3A_1851] : memref<3x80x128xf32, #tpu.memory_space<vmem>> -> memref<1x80x128xf32, #tpu.memory_space<vmem>>
      %dma_wait3A_1853 = tpu.memref_squeeze %dma_wait3A_1852 : memref<1x80x128xf32, #tpu.memory_space<vmem>> -> memref<80x128xf32, #tpu.memory_space<vmem>>
      %dma_wait3A_1854 = arith.constant 0 : i32
      %dma_wait3A_1855 = tpu.memref_slice %arg6[%dma_wait3A_1847, %dma_wait3A_1854] : memref<6x80xi32, #tpu.memory_space<vmem>> -> memref<1x80xi32, #tpu.memory_space<vmem>>
      %dma_wait3A_1856 = tpu.memref_squeeze %dma_wait3A_1855 : memref<1x80xi32, #tpu.memory_space<vmem>> -> memref<80xi32, #tpu.memory_space<vmem>>
      %dma_wait3A_1857 = arith.constant 0 : i32
      %dma_wait3A_1858 = arith.constant 0 : i32
      %dma_wait3A_1859 = tpu.memref_slice %arg2[%dma_wait3A_1857, %dma_wait3A_1858] : memref<20000x128xf32, #tpu.memory_space<hbm>> -> memref<20000x128xf32, #tpu.memory_space<hbm>>
      %dma_wait3A_1860 = tpu.memref_slice %arg10[%dma_wait3A_1849] : memref<3x!tpu.dma_semaphore, #tpu.memory_space<semaphore_mem>> -> memref<1x!tpu.dma_semaphore, #tpu.memory_space<semaphore_mem>>
      %dma_wait3A_1861 = tpu.memref_squeeze %dma_wait3A_1860 : memref<1x!tpu.dma_semaphore, #tpu.memory_space<semaphore_mem>> -> memref<!tpu.dma_semaphore, #tpu.memory_space<semaphore_mem>>
      tpu.wait_indirect_dma semaphore(%dma_wait3A_1861 : memref<!tpu.dma_semaphore, #tpu.memory_space<semaphore_mem>>) src(%dma_wait3A_1859 : memref<20000x128xf32, #tpu.memory_space<hbm>>) dst(%dma_wait3A_1853 : memref<80x128xf32, #tpu.memory_space<vmem>>)
      %dma_start3A_1862 = arith.constant 2 : i32
      %dma_start3A_1863 = arith.constant 2 : i32
      %dma_start3A_1864 = arith.constant 2 : i32
      %dma_start3A_1865 = arith.constant 0 : i32
      %dma_start3A_1866 = arith.constant 0 : i32
      %dma_start3A_1867 = tpu.memref_slice %arg8[%dma_start3A_1862, %dma_start3A_1865, %dma_start3A_1866] : memref<3x80x128xf32, #tpu.memory_space<vmem>> -> memref<1x80x128xf32, #tpu.memory_space<vmem>>
      %dma_start3A_1868 = tpu.memref_squeeze %dma_start3A_1867 : memref<1x80x128xf32, #tpu.memory_space<vmem>> -> memref<80x128xf32, #tpu.memory_space<vmem>>
      %dma_start3A_1869 = arith.constant 0 : i32
      %dma_start3A_1870 = tpu.memref_slice %arg7[%dma_start3A_1863, %dma_start3A_1869] : memref<6x80xi32, #tpu.memory_space<vmem>> -> memref<1x80xi32, #tpu.memory_space<vmem>>
      %dma_start3A_1871 = tpu.memref_squeeze %dma_start3A_1870 : memref<1x80xi32, #tpu.memory_space<vmem>> -> memref<80xi32, #tpu.memory_space<vmem>>
      %dma_start3A_1872 = arith.constant 0 : i32
      %dma_start3A_1873 = arith.constant 0 : i32
      %dma_start3A_1874 = tpu.memref_slice %arg9[%dma_start3A_1872, %dma_start3A_1873] : memref<10000x128xf32, #tpu.memory_space<vmem_shared>> -> memref<10000x128xf32, #tpu.memory_space<vmem_shared>>
      %dma_start3A_1875 = tpu.memref_slice %arg11[%dma_start3A_1864] : memref<3x!tpu.dma_semaphore, #tpu.memory_space<semaphore_mem>> -> memref<1x!tpu.dma_semaphore, #tpu.memory_space<semaphore_mem>>
      %dma_start3A_1876 = tpu.memref_squeeze %dma_start3A_1875 : memref<1x!tpu.dma_semaphore, #tpu.memory_space<semaphore_mem>> -> memref<!tpu.dma_semaphore, #tpu.memory_space<semaphore_mem>>
      tpu.enqueue_indirect_dma source(%dma_start3A_1868 : memref<80x128xf32, #tpu.memory_space<vmem>>) target(%dma_start3A_1874 : memref<10000x128xf32, #tpu.memory_space<vmem_shared>>) offsets(%dma_start3A_1871 : memref<80xi32, #tpu.memory_space<vmem>>) semaphore(%dma_start3A_1876 : memref<!tpu.dma_semaphore, #tpu.memory_space<semaphore_mem>>) {add = true}
      %add3A_1877 = arith.constant 4 : i32
      %add3A_1878 = arith.addi %mul3A_1449, %add3A_1877 : i32
      %dma_wait3A_1879 = arith.constant 1 : i32
      %dma_wait3A_1880 = arith.constant 1 : i32
      %dma_wait3A_1881 = arith.constant 1 : i32
      %dma_wait3A_1882 = arith.constant 0 : i32
      %dma_wait3A_1883 = arith.constant 0 : i32
      %dma_wait3A_1884 = tpu.memref_slice %arg8[%dma_wait3A_1879, %dma_wait3A_1882, %dma_wait3A_1883] : memref<3x80x128xf32, #tpu.memory_space<vmem>> -> memref<1x80x128xf32, #tpu.memory_space<vmem>>
      %dma_wait3A_1885 = tpu.memref_squeeze %dma_wait3A_1884 : memref<1x80x128xf32, #tpu.memory_space<vmem>> -> memref<80x128xf32, #tpu.memory_space<vmem>>
      %dma_wait3A_1886 = arith.constant 0 : i32
      %dma_wait3A_1887 = tpu.memref_slice %arg7[%dma_wait3A_1880, %dma_wait3A_1886] : memref<6x80xi32, #tpu.memory_space<vmem>> -> memref<1x80xi32, #tpu.memory_space<vmem>>
      %dma_wait3A_1888 = tpu.memref_squeeze %dma_wait3A_1887 : memref<1x80xi32, #tpu.memory_space<vmem>> -> memref<80xi32, #tpu.memory_space<vmem>>
      %dma_wait3A_1889 = arith.constant 0 : i32
      %dma_wait3A_1890 = arith.constant 0 : i32
      %dma_wait3A_1891 = tpu.memref_slice %arg9[%dma_wait3A_1889, %dma_wait3A_1890] : memref<10000x128xf32, #tpu.memory_space<vmem_shared>> -> memref<10000x128xf32, #tpu.memory_space<vmem_shared>>
      %dma_wait3A_1892 = tpu.memref_slice %arg11[%dma_wait3A_1881] : memref<3x!tpu.dma_semaphore, #tpu.memory_space<semaphore_mem>> -> memref<1x!tpu.dma_semaphore, #tpu.memory_space<semaphore_mem>>
      %dma_wait3A_1893 = tpu.memref_squeeze %dma_wait3A_1892 : memref<1x!tpu.dma_semaphore, #tpu.memory_space<semaphore_mem>> -> memref<!tpu.dma_semaphore, #tpu.memory_space<semaphore_mem>>
      tpu.wait_indirect_dma semaphore(%dma_wait3A_1893 : memref<!tpu.dma_semaphore, #tpu.memory_space<semaphore_mem>>) src(%dma_wait3A_1885 : memref<80x128xf32, #tpu.memory_space<vmem>>) dst(%dma_wait3A_1891 : memref<10000x128xf32, #tpu.memory_space<vmem_shared>>)
      %add3A_1894 = arith.constant 3 : i32
      %add3A_1895 = arith.addi %add3A_1878, %add3A_1894 : i32
      %lt3A_1896 = arith.constant 250 : i32
      %lt3A_1897 = arith.cmpi slt, %add3A_1895, %lt3A_1896 : i32
      %convert_element_type3A_1898 = arith.extui %lt3A_1897 : i1 to i32
      %cond3A_1899 = arith.constant 0 : i32
      %cond3A_1900 = arith.cmpi ne, %convert_element_type3A_1898, %cond3A_1899 : i32
      scf.if %cond3A_1900 {
        %add3A_2091 = arith.constant 3 : i32
        %add3A_2092 = arith.addi %add3A_1878, %add3A_2091 : i32
        %mul3A_2093 = arith.constant 250 : i32
        %mul3A_2094 = arith.muli %add3A, %mul3A_2093 : i32
        %add3A_2095 = arith.addi %mul3A_2094, %add3A_2092 : i32
        %dma_start3A_2096 = arith.constant 1 : i32
        %dma_start3A_2097 = arith.constant 1 : i32
        %dma_start3A_2098 = arith.constant 0 : i32
        %dma_start3A_2099 = tpu.memref_slice %arg6[%dma_start3A_2096, %dma_start3A_2098] : memref<6x80xi32, #tpu.memory_space<vmem>> -> memref<1x80xi32, #tpu.memory_space<vmem>>
        %dma_start3A_2100 = tpu.memref_squeeze %dma_start3A_2099 : memref<1x80xi32, #tpu.memory_space<vmem>> -> memref<80xi32, #tpu.memory_space<vmem>>
        %dma_start3A_2101 = arith.constant 0 : i32
        %dma_start3A_2102 = tpu.memref_slice %arg3[%add3A_2095, %dma_start3A_2101] : memref<8000x80xi32, #tpu.memory_space<hbm>> -> memref<1x80xi32, #tpu.memory_space<hbm>>
        %dma_start3A_2103 = tpu.memref_squeeze %dma_start3A_2102 : memref<1x80xi32, #tpu.memory_space<hbm>> -> memref<80xi32, #tpu.memory_space<hbm>>
        %dma_start3A_2104 = tpu.memref_slice %arg12[%dma_start3A_2097] : memref<6x!tpu.dma_semaphore, #tpu.memory_space<semaphore_mem>> -> memref<1x!tpu.dma_semaphore, #tpu.memory_space<semaphore_mem>>
        %dma_start3A_2105 = tpu.memref_squeeze %dma_start3A_2104 : memref<1x!tpu.dma_semaphore, #tpu.memory_space<semaphore_mem>> -> memref<!tpu.dma_semaphore, #tpu.memory_space<semaphore_mem>>
        %dma_start3A_2106 = arith.constant 0 : i32
        %dma_start3A_2107 = tpu.memref_slice %arg6[%dma_start3A_2096, %dma_start3A_2106] : memref<6x80xi32, #tpu.memory_space<vmem>> -> memref<1x80xi32, #tpu.memory_space<vmem>>
        %dma_start3A_2108 = tpu.memref_squeeze %dma_start3A_2107 : memref<1x80xi32, #tpu.memory_space<vmem>> -> memref<80xi32, #tpu.memory_space<vmem>>
        %dma_start3A_2109 = arith.constant 0 : i32
        %dma_start3A_2110 = tpu.memref_slice %arg3[%add3A_2095, %dma_start3A_2109] : memref<8000x80xi32, #tpu.memory_space<hbm>> -> memref<1x80xi32, #tpu.memory_space<hbm>>
        %dma_start3A_2111 = tpu.memref_squeeze %dma_start3A_2110 : memref<1x80xi32, #tpu.memory_space<hbm>> -> memref<80xi32, #tpu.memory_space<hbm>>
        tpu.enqueue_dma source(%dma_start3A_2111 : memref<80xi32, #tpu.memory_space<hbm>>) target(%dma_start3A_2108 : memref<80xi32, #tpu.memory_space<vmem>>) target_semaphore(%dma_start3A_2105 : memref<!tpu.dma_semaphore, #tpu.memory_space<semaphore_mem>>)
        %mul3A_2112 = arith.constant 250 : i32
        %mul3A_2113 = arith.muli %arg1, %mul3A_2112 : i32
        %add3A_2114 = arith.addi %mul3A_2113, %add3A_2092 : i32
        %dma_start3A_2115 = arith.constant 1 : i32
        %dma_start3A_2116 = arith.constant 1 : i32
        %dma_start3A_2117 = arith.constant 0 : i32
        %dma_start3A_2118 = tpu.memref_slice %arg7[%dma_start3A_2115, %dma_start3A_2117] : memref<6x80xi32, #tpu.memory_space<vmem>> -> memref<1x80xi32, #tpu.memory_space<vmem>>
        %dma_start3A_2119 = tpu.memref_squeeze %dma_start3A_2118 : memref<1x80xi32, #tpu.memory_space<vmem>> -> memref<80xi32, #tpu.memory_space<vmem>>
        %dma_start3A_2120 = arith.constant 0 : i32
        %dma_start3A_2121 = tpu.memref_slice %arg4[%add3A_2114, %dma_start3A_2120] : memref<4000x80xi32, #tpu.memory_space<hbm>> -> memref<1x80xi32, #tpu.memory_space<hbm>>
        %dma_start3A_2122 = tpu.memref_squeeze %dma_start3A_2121 : memref<1x80xi32, #tpu.memory_space<hbm>> -> memref<80xi32, #tpu.memory_space<hbm>>
        %dma_start3A_2123 = tpu.memref_slice %arg12[%dma_start3A_2116] : memref<6x!tpu.dma_semaphore, #tpu.memory_space<semaphore_mem>> -> memref<1x!tpu.dma_semaphore, #tpu.memory_space<semaphore_mem>>
        %dma_start3A_2124 = tpu.memref_squeeze %dma_start3A_2123 : memref<1x!tpu.dma_semaphore, #tpu.memory_space<semaphore_mem>> -> memref<!tpu.dma_semaphore, #tpu.memory_space<semaphore_mem>>
        %dma_start3A_2125 = arith.constant 0 : i32
        %dma_start3A_2126 = tpu.memref_slice %arg7[%dma_start3A_2115, %dma_start3A_2125] : memref<6x80xi32, #tpu.memory_space<vmem>> -> memref<1x80xi32, #tpu.memory_space<vmem>>
        %dma_start3A_2127 = tpu.memref_squeeze %dma_start3A_2126 : memref<1x80xi32, #tpu.memory_space<vmem>> -> memref<80xi32, #tpu.memory_space<vmem>>
        %dma_start3A_2128 = arith.constant 0 : i32
        %dma_start3A_2129 = tpu.memref_slice %arg4[%add3A_2114, %dma_start3A_2128] : memref<4000x80xi32, #tpu.memory_space<hbm>> -> memref<1x80xi32, #tpu.memory_space<hbm>>
        %dma_start3A_2130 = tpu.memref_squeeze %dma_start3A_2129 : memref<1x80xi32, #tpu.memory_space<hbm>> -> memref<80xi32, #tpu.memory_space<hbm>>
        tpu.enqueue_dma source(%dma_start3A_2130 : memref<80xi32, #tpu.memory_space<hbm>>) target(%dma_start3A_2127 : memref<80xi32, #tpu.memory_space<vmem>>) target_semaphore(%dma_start3A_2124 : memref<!tpu.dma_semaphore, #tpu.memory_space<semaphore_mem>>)
      } else {
      }
      %mul3A_1901 = arith.constant 250 : i32
      %mul3A_1902 = arith.muli %add3A, %mul3A_1901 : i32
      %add3A_1903 = arith.addi %mul3A_1902, %add3A_1878 : i32
      %dma_wait3A_1904 = arith.constant 4 : i32
      %dma_wait3A_1905 = arith.constant 4 : i32
      %dma_wait3A_1906 = arith.constant 0 : i32
      %dma_wait3A_1907 = tpu.memref_slice %arg6[%dma_wait3A_1904, %dma_wait3A_1906] : memref<6x80xi32, #tpu.memory_space<vmem>> -> memref<1x80xi32, #tpu.memory_space<vmem>>
      %dma_wait3A_1908 = tpu.memref_squeeze %dma_wait3A_1907 : memref<1x80xi32, #tpu.memory_space<vmem>> -> memref<80xi32, #tpu.memory_space<vmem>>
      %dma_wait3A_1909 = arith.constant 0 : i32
      %dma_wait3A_1910 = tpu.memref_slice %arg3[%add3A_1903, %dma_wait3A_1909] : memref<8000x80xi32, #tpu.memory_space<hbm>> -> memref<1x80xi32, #tpu.memory_space<hbm>>
      %dma_wait3A_1911 = tpu.memref_squeeze %dma_wait3A_1910 : memref<1x80xi32, #tpu.memory_space<hbm>> -> memref<80xi32, #tpu.memory_space<hbm>>
      %dma_wait3A_1912 = tpu.memref_slice %arg12[%dma_wait3A_1905] : memref<6x!tpu.dma_semaphore, #tpu.memory_space<semaphore_mem>> -> memref<1x!tpu.dma_semaphore, #tpu.memory_space<semaphore_mem>>
      %dma_wait3A_1913 = tpu.memref_squeeze %dma_wait3A_1912 : memref<1x!tpu.dma_semaphore, #tpu.memory_space<semaphore_mem>> -> memref<!tpu.dma_semaphore, #tpu.memory_space<semaphore_mem>>
      %dma_wait3A_1914 = arith.constant 0 : i32
      %dma_wait3A_1915 = tpu.memref_slice %arg6[%dma_wait3A_1904, %dma_wait3A_1914] : memref<6x80xi32, #tpu.memory_space<vmem>> -> memref<1x80xi32, #tpu.memory_space<vmem>>
      %dma_wait3A_1916 = tpu.memref_squeeze %dma_wait3A_1915 : memref<1x80xi32, #tpu.memory_space<vmem>> -> memref<80xi32, #tpu.memory_space<vmem>>
      %dma_wait3A_1917 = arith.constant 0 : i32
      %dma_wait3A_1918 = tpu.memref_slice %arg3[%add3A_1903, %dma_wait3A_1917] : memref<8000x80xi32, #tpu.memory_space<hbm>> -> memref<1x80xi32, #tpu.memory_space<hbm>>
      %dma_wait3A_1919 = tpu.memref_squeeze %dma_wait3A_1918 : memref<1x80xi32, #tpu.memory_space<hbm>> -> memref<80xi32, #tpu.memory_space<hbm>>
      tpu.wait_dma2 semaphore(%dma_wait3A_1913 : memref<!tpu.dma_semaphore, #tpu.memory_space<semaphore_mem>>) src(%dma_wait3A_1919 : memref<80xi32, #tpu.memory_space<hbm>>) dst(%dma_wait3A_1916 : memref<80xi32, #tpu.memory_space<vmem>>)
      %mul3A_1920 = arith.constant 250 : i32
      %mul3A_1921 = arith.muli %arg1, %mul3A_1920 : i32
      %add3A_1922 = arith.addi %mul3A_1921, %add3A_1878 : i32
      %dma_wait3A_1923 = arith.constant 4 : i32
      %dma_wait3A_1924 = arith.constant 4 : i32
      %dma_wait3A_1925 = arith.constant 0 : i32
      %dma_wait3A_1926 = tpu.memref_slice %arg7[%dma_wait3A_1923, %dma_wait3A_1925] : memref<6x80xi32, #tpu.memory_space<vmem>> -> memref<1x80xi32, #tpu.memory_space<vmem>>
      %dma_wait3A_1927 = tpu.memref_squeeze %dma_wait3A_1926 : memref<1x80xi32, #tpu.memory_space<vmem>> -> memref<80xi32, #tpu.memory_space<vmem>>
      %dma_wait3A_1928 = arith.constant 0 : i32
      %dma_wait3A_1929 = tpu.memref_slice %arg4[%add3A_1922, %dma_wait3A_1928] : memref<4000x80xi32, #tpu.memory_space<hbm>> -> memref<1x80xi32, #tpu.memory_space<hbm>>
      %dma_wait3A_1930 = tpu.memref_squeeze %dma_wait3A_1929 : memref<1x80xi32, #tpu.memory_space<hbm>> -> memref<80xi32, #tpu.memory_space<hbm>>
      %dma_wait3A_1931 = tpu.memref_slice %arg12[%dma_wait3A_1924] : memref<6x!tpu.dma_semaphore, #tpu.memory_space<semaphore_mem>> -> memref<1x!tpu.dma_semaphore, #tpu.memory_space<semaphore_mem>>
      %dma_wait3A_1932 = tpu.memref_squeeze %dma_wait3A_1931 : memref<1x!tpu.dma_semaphore, #tpu.memory_space<semaphore_mem>> -> memref<!tpu.dma_semaphore, #tpu.memory_space<semaphore_mem>>
      %dma_wait3A_1933 = arith.constant 0 : i32
      %dma_wait3A_1934 = tpu.memref_slice %arg7[%dma_wait3A_1923, %dma_wait3A_1933] : memref<6x80xi32, #tpu.memory_space<vmem>> -> memref<1x80xi32, #tpu.memory_space<vmem>>
      %dma_wait3A_1935 = tpu.memref_squeeze %dma_wait3A_1934 : memref<1x80xi32, #tpu.memory_space<vmem>> -> memref<80xi32, #tpu.memory_space<vmem>>
      %dma_wait3A_1936 = arith.constant 0 : i32
      %dma_wait3A_1937 = tpu.memref_slice %arg4[%add3A_1922, %dma_wait3A_1936] : memref<4000x80xi32, #tpu.memory_space<hbm>> -> memref<1x80xi32, #tpu.memory_space<hbm>>
      %dma_wait3A_1938 = tpu.memref_squeeze %dma_wait3A_1937 : memref<1x80xi32, #tpu.memory_space<hbm>> -> memref<80xi32, #tpu.memory_space<hbm>>
      tpu.wait_dma2 semaphore(%dma_wait3A_1932 : memref<!tpu.dma_semaphore, #tpu.memory_space<semaphore_mem>>) src(%dma_wait3A_1938 : memref<80xi32, #tpu.memory_space<hbm>>) dst(%dma_wait3A_1935 : memref<80xi32, #tpu.memory_space<vmem>>)
      %dma_start3A_1939 = arith.constant 4 : i32
      %dma_start3A_1940 = arith.constant 1 : i32
      %dma_start3A_1941 = arith.constant 1 : i32
      %dma_start3A_1942 = arith.constant 0 : i32
      %dma_start3A_1943 = arith.constant 0 : i32
      %dma_start3A_1944 = tpu.memref_slice %arg8[%dma_start3A_1940, %dma_start3A_1942, %dma_start3A_1943] : memref<3x80x128xf32, #tpu.memory_space<vmem>> -> memref<1x80x128xf32, #tpu.memory_space<vmem>>
      %dma_start3A_1945 = tpu.memref_squeeze %dma_start3A_1944 : memref<1x80x128xf32, #tpu.memory_space<vmem>> -> memref<80x128xf32, #tpu.memory_space<vmem>>
      %dma_start3A_1946 = arith.constant 0 : i32
      %dma_start3A_1947 = tpu.memref_slice %arg6[%dma_start3A_1939, %dma_start3A_1946] : memref<6x80xi32, #tpu.memory_space<vmem>> -> memref<1x80xi32, #tpu.memory_space<vmem>>
      %dma_start3A_1948 = tpu.memref_squeeze %dma_start3A_1947 : memref<1x80xi32, #tpu.memory_space<vmem>> -> memref<80xi32, #tpu.memory_space<vmem>>
      %dma_start3A_1949 = arith.constant 0 : i32
      %dma_start3A_1950 = arith.constant 0 : i32
      %dma_start3A_1951 = tpu.memref_slice %arg2[%dma_start3A_1949, %dma_start3A_1950] : memref<20000x128xf32, #tpu.memory_space<hbm>> -> memref<20000x128xf32, #tpu.memory_space<hbm>>
      %dma_start3A_1952 = tpu.memref_slice %arg10[%dma_start3A_1941] : memref<3x!tpu.dma_semaphore, #tpu.memory_space<semaphore_mem>> -> memref<1x!tpu.dma_semaphore, #tpu.memory_space<semaphore_mem>>
      %dma_start3A_1953 = tpu.memref_squeeze %dma_start3A_1952 : memref<1x!tpu.dma_semaphore, #tpu.memory_space<semaphore_mem>> -> memref<!tpu.dma_semaphore, #tpu.memory_space<semaphore_mem>>
      tpu.enqueue_indirect_dma source(%dma_start3A_1951 : memref<20000x128xf32, #tpu.memory_space<hbm>>) target(%dma_start3A_1945 : memref<80x128xf32, #tpu.memory_space<vmem>>) offsets(%dma_start3A_1948 : memref<80xi32, #tpu.memory_space<vmem>>) semaphore(%dma_start3A_1953 : memref<!tpu.dma_semaphore, #tpu.memory_space<semaphore_mem>>)
      %dma_wait3A_1954 = arith.constant 3 : i32
      %dma_wait3A_1955 = arith.constant 0 : i32
      %dma_wait3A_1956 = arith.constant 0 : i32
      %dma_wait3A_1957 = arith.constant 0 : i32
      %dma_wait3A_1958 = arith.constant 0 : i32
      %dma_wait3A_1959 = tpu.memref_slice %arg8[%dma_wait3A_1955, %dma_wait3A_1957, %dma_wait3A_1958] : memref<3x80x128xf32, #tpu.memory_space<vmem>> -> memref<1x80x128xf32, #tpu.memory_space<vmem>>
      %dma_wait3A_1960 = tpu.memref_squeeze %dma_wait3A_1959 : memref<1x80x128xf32, #tpu.memory_space<vmem>> -> memref<80x128xf32, #tpu.memory_space<vmem>>
      %dma_wait3A_1961 = arith.constant 0 : i32
      %dma_wait3A_1962 = tpu.memref_slice %arg6[%dma_wait3A_1954, %dma_wait3A_1961] : memref<6x80xi32, #tpu.memory_space<vmem>> -> memref<1x80xi32, #tpu.memory_space<vmem>>
      %dma_wait3A_1963 = tpu.memref_squeeze %dma_wait3A_1962 : memref<1x80xi32, #tpu.memory_space<vmem>> -> memref<80xi32, #tpu.memory_space<vmem>>
      %dma_wait3A_1964 = arith.constant 0 : i32
      %dma_wait3A_1965 = arith.constant 0 : i32
      %dma_wait3A_1966 = tpu.memref_slice %arg2[%dma_wait3A_1964, %dma_wait3A_1965] : memref<20000x128xf32, #tpu.memory_space<hbm>> -> memref<20000x128xf32, #tpu.memory_space<hbm>>
      %dma_wait3A_1967 = tpu.memref_slice %arg10[%dma_wait3A_1956] : memref<3x!tpu.dma_semaphore, #tpu.memory_space<semaphore_mem>> -> memref<1x!tpu.dma_semaphore, #tpu.memory_space<semaphore_mem>>
      %dma_wait3A_1968 = tpu.memref_squeeze %dma_wait3A_1967 : memref<1x!tpu.dma_semaphore, #tpu.memory_space<semaphore_mem>> -> memref<!tpu.dma_semaphore, #tpu.memory_space<semaphore_mem>>
      tpu.wait_indirect_dma semaphore(%dma_wait3A_1968 : memref<!tpu.dma_semaphore, #tpu.memory_space<semaphore_mem>>) src(%dma_wait3A_1966 : memref<20000x128xf32, #tpu.memory_space<hbm>>) dst(%dma_wait3A_1960 : memref<80x128xf32, #tpu.memory_space<vmem>>)
      %dma_start3A_1969 = arith.constant 0 : i32
      %dma_start3A_1970 = arith.constant 3 : i32
      %dma_start3A_1971 = arith.constant 0 : i32
      %dma_start3A_1972 = arith.constant 0 : i32
      %dma_start3A_1973 = arith.constant 0 : i32
      %dma_start3A_1974 = tpu.memref_slice %arg8[%dma_start3A_1969, %dma_start3A_1972, %dma_start3A_1973] : memref<3x80x128xf32, #tpu.memory_space<vmem>> -> memref<1x80x128xf32, #tpu.memory_space<vmem>>
      %dma_start3A_1975 = tpu.memref_squeeze %dma_start3A_1974 : memref<1x80x128xf32, #tpu.memory_space<vmem>> -> memref<80x128xf32, #tpu.memory_space<vmem>>
      %dma_start3A_1976 = arith.constant 0 : i32
      %dma_start3A_1977 = tpu.memref_slice %arg7[%dma_start3A_1970, %dma_start3A_1976] : memref<6x80xi32, #tpu.memory_space<vmem>> -> memref<1x80xi32, #tpu.memory_space<vmem>>
      %dma_start3A_1978 = tpu.memref_squeeze %dma_start3A_1977 : memref<1x80xi32, #tpu.memory_space<vmem>> -> memref<80xi32, #tpu.memory_space<vmem>>
      %dma_start3A_1979 = arith.constant 0 : i32
      %dma_start3A_1980 = arith.constant 0 : i32
      %dma_start3A_1981 = tpu.memref_slice %arg9[%dma_start3A_1979, %dma_start3A_1980] : memref<10000x128xf32, #tpu.memory_space<vmem_shared>> -> memref<10000x128xf32, #tpu.memory_space<vmem_shared>>
      %dma_start3A_1982 = tpu.memref_slice %arg11[%dma_start3A_1971] : memref<3x!tpu.dma_semaphore, #tpu.memory_space<semaphore_mem>> -> memref<1x!tpu.dma_semaphore, #tpu.memory_space<semaphore_mem>>
      %dma_start3A_1983 = tpu.memref_squeeze %dma_start3A_1982 : memref<1x!tpu.dma_semaphore, #tpu.memory_space<semaphore_mem>> -> memref<!tpu.dma_semaphore, #tpu.memory_space<semaphore_mem>>
      tpu.enqueue_indirect_dma source(%dma_start3A_1975 : memref<80x128xf32, #tpu.memory_space<vmem>>) target(%dma_start3A_1981 : memref<10000x128xf32, #tpu.memory_space<vmem_shared>>) offsets(%dma_start3A_1978 : memref<80xi32, #tpu.memory_space<vmem>>) semaphore(%dma_start3A_1983 : memref<!tpu.dma_semaphore, #tpu.memory_space<semaphore_mem>>) {add = true}
      %add3A_1984 = arith.constant 5 : i32
      %add3A_1985 = arith.addi %mul3A_1449, %add3A_1984 : i32
      %dma_wait3A_1986 = arith.constant 2 : i32
      %dma_wait3A_1987 = arith.constant 2 : i32
      %dma_wait3A_1988 = arith.constant 2 : i32
      %dma_wait3A_1989 = arith.constant 0 : i32
      %dma_wait3A_1990 = arith.constant 0 : i32
      %dma_wait3A_1991 = tpu.memref_slice %arg8[%dma_wait3A_1986, %dma_wait3A_1989, %dma_wait3A_1990] : memref<3x80x128xf32, #tpu.memory_space<vmem>> -> memref<1x80x128xf32, #tpu.memory_space<vmem>>
      %dma_wait3A_1992 = tpu.memref_squeeze %dma_wait3A_1991 : memref<1x80x128xf32, #tpu.memory_space<vmem>> -> memref<80x128xf32, #tpu.memory_space<vmem>>
      %dma_wait3A_1993 = arith.constant 0 : i32
      %dma_wait3A_1994 = tpu.memref_slice %arg7[%dma_wait3A_1987, %dma_wait3A_1993] : memref<6x80xi32, #tpu.memory_space<vmem>> -> memref<1x80xi32, #tpu.memory_space<vmem>>
      %dma_wait3A_1995 = tpu.memref_squeeze %dma_wait3A_1994 : memref<1x80xi32, #tpu.memory_space<vmem>> -> memref<80xi32, #tpu.memory_space<vmem>>
      %dma_wait3A_1996 = arith.constant 0 : i32
      %dma_wait3A_1997 = arith.constant 0 : i32
      %dma_wait3A_1998 = tpu.memref_slice %arg9[%dma_wait3A_1996, %dma_wait3A_1997] : memref<10000x128xf32, #tpu.memory_space<vmem_shared>> -> memref<10000x128xf32, #tpu.memory_space<vmem_shared>>
      %dma_wait3A_1999 = tpu.memref_slice %arg11[%dma_wait3A_1988] : memref<3x!tpu.dma_semaphore, #tpu.memory_space<semaphore_mem>> -> memref<1x!tpu.dma_semaphore, #tpu.memory_space<semaphore_mem>>
      %dma_wait3A_2000 = tpu.memref_squeeze %dma_wait3A_1999 : memref<1x!tpu.dma_semaphore, #tpu.memory_space<semaphore_mem>> -> memref<!tpu.dma_semaphore, #tpu.memory_space<semaphore_mem>>
      tpu.wait_indirect_dma semaphore(%dma_wait3A_2000 : memref<!tpu.dma_semaphore, #tpu.memory_space<semaphore_mem>>) src(%dma_wait3A_1992 : memref<80x128xf32, #tpu.memory_space<vmem>>) dst(%dma_wait3A_1998 : memref<10000x128xf32, #tpu.memory_space<vmem_shared>>)
      %add3A_2001 = arith.constant 3 : i32
      %add3A_2002 = arith.addi %add3A_1985, %add3A_2001 : i32
      %lt3A_2003 = arith.constant 250 : i32
      %lt3A_2004 = arith.cmpi slt, %add3A_2002, %lt3A_2003 : i32
      %convert_element_type3A_2005 = arith.extui %lt3A_2004 : i1 to i32
      %cond3A_2006 = arith.constant 0 : i32
      %cond3A_2007 = arith.cmpi ne, %convert_element_type3A_2005, %cond3A_2006 : i32
      scf.if %cond3A_2007 {
        %add3A_2091 = arith.constant 3 : i32
        %add3A_2092 = arith.addi %add3A_1985, %add3A_2091 : i32
        %mul3A_2093 = arith.constant 250 : i32
        %mul3A_2094 = arith.muli %add3A, %mul3A_2093 : i32
        %add3A_2095 = arith.addi %mul3A_2094, %add3A_2092 : i32
        %dma_start3A_2096 = arith.constant 2 : i32
        %dma_start3A_2097 = arith.constant 2 : i32
        %dma_start3A_2098 = arith.constant 0 : i32
        %dma_start3A_2099 = tpu.memref_slice %arg6[%dma_start3A_2096, %dma_start3A_2098] : memref<6x80xi32, #tpu.memory_space<vmem>> -> memref<1x80xi32, #tpu.memory_space<vmem>>
        %dma_start3A_2100 = tpu.memref_squeeze %dma_start3A_2099 : memref<1x80xi32, #tpu.memory_space<vmem>> -> memref<80xi32, #tpu.memory_space<vmem>>
        %dma_start3A_2101 = arith.constant 0 : i32
        %dma_start3A_2102 = tpu.memref_slice %arg3[%add3A_2095, %dma_start3A_2101] : memref<8000x80xi32, #tpu.memory_space<hbm>> -> memref<1x80xi32, #tpu.memory_space<hbm>>
        %dma_start3A_2103 = tpu.memref_squeeze %dma_start3A_2102 : memref<1x80xi32, #tpu.memory_space<hbm>> -> memref<80xi32, #tpu.memory_space<hbm>>
        %dma_start3A_2104 = tpu.memref_slice %arg12[%dma_start3A_2097] : memref<6x!tpu.dma_semaphore, #tpu.memory_space<semaphore_mem>> -> memref<1x!tpu.dma_semaphore, #tpu.memory_space<semaphore_mem>>
        %dma_start3A_2105 = tpu.memref_squeeze %dma_start3A_2104 : memref<1x!tpu.dma_semaphore, #tpu.memory_space<semaphore_mem>> -> memref<!tpu.dma_semaphore, #tpu.memory_space<semaphore_mem>>
        %dma_start3A_2106 = arith.constant 0 : i32
        %dma_start3A_2107 = tpu.memref_slice %arg6[%dma_start3A_2096, %dma_start3A_2106] : memref<6x80xi32, #tpu.memory_space<vmem>> -> memref<1x80xi32, #tpu.memory_space<vmem>>
        %dma_start3A_2108 = tpu.memref_squeeze %dma_start3A_2107 : memref<1x80xi32, #tpu.memory_space<vmem>> -> memref<80xi32, #tpu.memory_space<vmem>>
        %dma_start3A_2109 = arith.constant 0 : i32
        %dma_start3A_2110 = tpu.memref_slice %arg3[%add3A_2095, %dma_start3A_2109] : memref<8000x80xi32, #tpu.memory_space<hbm>> -> memref<1x80xi32, #tpu.memory_space<hbm>>
        %dma_start3A_2111 = tpu.memref_squeeze %dma_start3A_2110 : memref<1x80xi32, #tpu.memory_space<hbm>> -> memref<80xi32, #tpu.memory_space<hbm>>
        tpu.enqueue_dma source(%dma_start3A_2111 : memref<80xi32, #tpu.memory_space<hbm>>) target(%dma_start3A_2108 : memref<80xi32, #tpu.memory_space<vmem>>) target_semaphore(%dma_start3A_2105 : memref<!tpu.dma_semaphore, #tpu.memory_space<semaphore_mem>>)
        %mul3A_2112 = arith.constant 250 : i32
        %mul3A_2113 = arith.muli %arg1, %mul3A_2112 : i32
        %add3A_2114 = arith.addi %mul3A_2113, %add3A_2092 : i32
        %dma_start3A_2115 = arith.constant 2 : i32
        %dma_start3A_2116 = arith.constant 2 : i32
        %dma_start3A_2117 = arith.constant 0 : i32
        %dma_start3A_2118 = tpu.memref_slice %arg7[%dma_start3A_2115, %dma_start3A_2117] : memref<6x80xi32, #tpu.memory_space<vmem>> -> memref<1x80xi32, #tpu.memory_space<vmem>>
        %dma_start3A_2119 = tpu.memref_squeeze %dma_start3A_2118 : memref<1x80xi32, #tpu.memory_space<vmem>> -> memref<80xi32, #tpu.memory_space<vmem>>
        %dma_start3A_2120 = arith.constant 0 : i32
        %dma_start3A_2121 = tpu.memref_slice %arg4[%add3A_2114, %dma_start3A_2120] : memref<4000x80xi32, #tpu.memory_space<hbm>> -> memref<1x80xi32, #tpu.memory_space<hbm>>
        %dma_start3A_2122 = tpu.memref_squeeze %dma_start3A_2121 : memref<1x80xi32, #tpu.memory_space<hbm>> -> memref<80xi32, #tpu.memory_space<hbm>>
        %dma_start3A_2123 = tpu.memref_slice %arg12[%dma_start3A_2116] : memref<6x!tpu.dma_semaphore, #tpu.memory_space<semaphore_mem>> -> memref<1x!tpu.dma_semaphore, #tpu.memory_space<semaphore_mem>>
        %dma_start3A_2124 = tpu.memref_squeeze %dma_start3A_2123 : memref<1x!tpu.dma_semaphore, #tpu.memory_space<semaphore_mem>> -> memref<!tpu.dma_semaphore, #tpu.memory_space<semaphore_mem>>
        %dma_start3A_2125 = arith.constant 0 : i32
        %dma_start3A_2126 = tpu.memref_slice %arg7[%dma_start3A_2115, %dma_start3A_2125] : memref<6x80xi32, #tpu.memory_space<vmem>> -> memref<1x80xi32, #tpu.memory_space<vmem>>
        %dma_start3A_2127 = tpu.memref_squeeze %dma_start3A_2126 : memref<1x80xi32, #tpu.memory_space<vmem>> -> memref<80xi32, #tpu.memory_space<vmem>>
        %dma_start3A_2128 = arith.constant 0 : i32
        %dma_start3A_2129 = tpu.memref_slice %arg4[%add3A_2114, %dma_start3A_2128] : memref<4000x80xi32, #tpu.memory_space<hbm>> -> memref<1x80xi32, #tpu.memory_space<hbm>>
        %dma_start3A_2130 = tpu.memref_squeeze %dma_start3A_2129 : memref<1x80xi32, #tpu.memory_space<hbm>> -> memref<80xi32, #tpu.memory_space<hbm>>
        tpu.enqueue_dma source(%dma_start3A_2130 : memref<80xi32, #tpu.memory_space<hbm>>) target(%dma_start3A_2127 : memref<80xi32, #tpu.memory_space<vmem>>) target_semaphore(%dma_start3A_2124 : memref<!tpu.dma_semaphore, #tpu.memory_space<semaphore_mem>>)
      } else {
      }
      %mul3A_2008 = arith.constant 250 : i32
      %mul3A_2009 = arith.muli %add3A, %mul3A_2008 : i32
      %add3A_2010 = arith.addi %mul3A_2009, %add3A_1985 : i32
      %dma_wait3A_2011 = arith.constant 5 : i32
      %dma_wait3A_2012 = arith.constant 5 : i32
      %dma_wait3A_2013 = arith.constant 0 : i32
      %dma_wait3A_2014 = tpu.memref_slice %arg6[%dma_wait3A_2011, %dma_wait3A_2013] : memref<6x80xi32, #tpu.memory_space<vmem>> -> memref<1x80xi32, #tpu.memory_space<vmem>>
      %dma_wait3A_2015 = tpu.memref_squeeze %dma_wait3A_2014 : memref<1x80xi32, #tpu.memory_space<vmem>> -> memref<80xi32, #tpu.memory_space<vmem>>
      %dma_wait3A_2016 = arith.constant 0 : i32
      %dma_wait3A_2017 = tpu.memref_slice %arg3[%add3A_2010, %dma_wait3A_2016] : memref<8000x80xi32, #tpu.memory_space<hbm>> -> memref<1x80xi32, #tpu.memory_space<hbm>>
      %dma_wait3A_2018 = tpu.memref_squeeze %dma_wait3A_2017 : memref<1x80xi32, #tpu.memory_space<hbm>> -> memref<80xi32, #tpu.memory_space<hbm>>
      %dma_wait3A_2019 = tpu.memref_slice %arg12[%dma_wait3A_2012] : memref<6x!tpu.dma_semaphore, #tpu.memory_space<semaphore_mem>> -> memref<1x!tpu.dma_semaphore, #tpu.memory_space<semaphore_mem>>
      %dma_wait3A_2020 = tpu.memref_squeeze %dma_wait3A_2019 : memref<1x!tpu.dma_semaphore, #tpu.memory_space<semaphore_mem>> -> memref<!tpu.dma_semaphore, #tpu.memory_space<semaphore_mem>>
      %dma_wait3A_2021 = arith.constant 0 : i32
      %dma_wait3A_2022 = tpu.memref_slice %arg6[%dma_wait3A_2011, %dma_wait3A_2021] : memref<6x80xi32, #tpu.memory_space<vmem>> -> memref<1x80xi32, #tpu.memory_space<vmem>>
      %dma_wait3A_2023 = tpu.memref_squeeze %dma_wait3A_2022 : memref<1x80xi32, #tpu.memory_space<vmem>> -> memref<80xi32, #tpu.memory_space<vmem>>
      %dma_wait3A_2024 = arith.constant 0 : i32
      %dma_wait3A_2025 = tpu.memref_slice %arg3[%add3A_2010, %dma_wait3A_2024] : memref<8000x80xi32, #tpu.memory_space<hbm>> -> memref<1x80xi32, #tpu.memory_space<hbm>>
      %dma_wait3A_2026 = tpu.memref_squeeze %dma_wait3A_2025 : memref<1x80xi32, #tpu.memory_space<hbm>> -> memref<80xi32, #tpu.memory_space<hbm>>
      tpu.wait_dma2 semaphore(%dma_wait3A_2020 : memref<!tpu.dma_semaphore, #tpu.memory_space<semaphore_mem>>) src(%dma_wait3A_2026 : memref<80xi32, #tpu.memory_space<hbm>>) dst(%dma_wait3A_2023 : memref<80xi32, #tpu.memory_space<vmem>>)
      %mul3A_2027 = arith.constant 250 : i32
      %mul3A_2028 = arith.muli %arg1, %mul3A_2027 : i32
      %add3A_2029 = arith.addi %mul3A_2028, %add3A_1985 : i32
      %dma_wait3A_2030 = arith.constant 5 : i32
      %dma_wait3A_2031 = arith.constant 5 : i32
      %dma_wait3A_2032 = arith.constant 0 : i32
      %dma_wait3A_2033 = tpu.memref_slice %arg7[%dma_wait3A_2030, %dma_wait3A_2032] : memref<6x80xi32, #tpu.memory_space<vmem>> -> memref<1x80xi32, #tpu.memory_space<vmem>>
      %dma_wait3A_2034 = tpu.memref_squeeze %dma_wait3A_2033 : memref<1x80xi32, #tpu.memory_space<vmem>> -> memref<80xi32, #tpu.memory_space<vmem>>
      %dma_wait3A_2035 = arith.constant 0 : i32
      %dma_wait3A_2036 = tpu.memref_slice %arg4[%add3A_2029, %dma_wait3A_2035] : memref<4000x80xi32, #tpu.memory_space<hbm>> -> memref<1x80xi32, #tpu.memory_space<hbm>>
      %dma_wait3A_2037 = tpu.memref_squeeze %dma_wait3A_2036 : memref<1x80xi32, #tpu.memory_space<hbm>> -> memref<80xi32, #tpu.memory_space<hbm>>
      %dma_wait3A_2038 = tpu.memref_slice %arg12[%dma_wait3A_2031] : memref<6x!tpu.dma_semaphore, #tpu.memory_space<semaphore_mem>> -> memref<1x!tpu.dma_semaphore, #tpu.memory_space<semaphore_mem>>
      %dma_wait3A_2039 = tpu.memref_squeeze %dma_wait3A_2038 : memref<1x!tpu.dma_semaphore, #tpu.memory_space<semaphore_mem>> -> memref<!tpu.dma_semaphore, #tpu.memory_space<semaphore_mem>>
      %dma_wait3A_2040 = arith.constant 0 : i32
      %dma_wait3A_2041 = tpu.memref_slice %arg7[%dma_wait3A_2030, %dma_wait3A_2040] : memref<6x80xi32, #tpu.memory_space<vmem>> -> memref<1x80xi32, #tpu.memory_space<vmem>>
      %dma_wait3A_2042 = tpu.memref_squeeze %dma_wait3A_2041 : memref<1x80xi32, #tpu.memory_space<vmem>> -> memref<80xi32, #tpu.memory_space<vmem>>
      %dma_wait3A_2043 = arith.constant 0 : i32
      %dma_wait3A_2044 = tpu.memref_slice %arg4[%add3A_2029, %dma_wait3A_2043] : memref<4000x80xi32, #tpu.memory_space<hbm>> -> memref<1x80xi32, #tpu.memory_space<hbm>>
      %dma_wait3A_2045 = tpu.memref_squeeze %dma_wait3A_2044 : memref<1x80xi32, #tpu.memory_space<hbm>> -> memref<80xi32, #tpu.memory_space<hbm>>
      tpu.wait_dma2 semaphore(%dma_wait3A_2039 : memref<!tpu.dma_semaphore, #tpu.memory_space<semaphore_mem>>) src(%dma_wait3A_2045 : memref<80xi32, #tpu.memory_space<hbm>>) dst(%dma_wait3A_2042 : memref<80xi32, #tpu.memory_space<vmem>>)
      %dma_start3A_2046 = arith.constant 5 : i32
      %dma_start3A_2047 = arith.constant 2 : i32
      %dma_start3A_2048 = arith.constant 2 : i32
      %dma_start3A_2049 = arith.constant 0 : i32
      %dma_start3A_2050 = arith.constant 0 : i32
      %dma_start3A_2051 = tpu.memref_slice %arg8[%dma_start3A_2047, %dma_start3A_2049, %dma_start3A_2050] : memref<3x80x128xf32, #tpu.memory_space<vmem>> -> memref<1x80x128xf32, #tpu.memory_space<vmem>>
      %dma_start3A_2052 = tpu.memref_squeeze %dma_start3A_2051 : memref<1x80x128xf32, #tpu.memory_space<vmem>> -> memref<80x128xf32, #tpu.memory_space<vmem>>
      %dma_start3A_2053 = arith.constant 0 : i32
      %dma_start3A_2054 = tpu.memref_slice %arg6[%dma_start3A_2046, %dma_start3A_2053] : memref<6x80xi32, #tpu.memory_space<vmem>> -> memref<1x80xi32, #tpu.memory_space<vmem>>
      %dma_start3A_2055 = tpu.memref_squeeze %dma_start3A_2054 : memref<1x80xi32, #tpu.memory_space<vmem>> -> memref<80xi32, #tpu.memory_space<vmem>>
      %dma_start3A_2056 = arith.constant 0 : i32
      %dma_start3A_2057 = arith.constant 0 : i32
      %dma_start3A_2058 = tpu.memref_slice %arg2[%dma_start3A_2056, %dma_start3A_2057] : memref<20000x128xf32, #tpu.memory_space<hbm>> -> memref<20000x128xf32, #tpu.memory_space<hbm>>
      %dma_start3A_2059 = tpu.memref_slice %arg10[%dma_start3A_2048] : memref<3x!tpu.dma_semaphore, #tpu.memory_space<semaphore_mem>> -> memref<1x!tpu.dma_semaphore, #tpu.memory_space<semaphore_mem>>
      %dma_start3A_2060 = tpu.memref_squeeze %dma_start3A_2059 : memref<1x!tpu.dma_semaphore, #tpu.memory_space<semaphore_mem>> -> memref<!tpu.dma_semaphore, #tpu.memory_space<semaphore_mem>>
      tpu.enqueue_indirect_dma source(%dma_start3A_2058 : memref<20000x128xf32, #tpu.memory_space<hbm>>) target(%dma_start3A_2052 : memref<80x128xf32, #tpu.memory_space<vmem>>) offsets(%dma_start3A_2055 : memref<80xi32, #tpu.memory_space<vmem>>) semaphore(%dma_start3A_2060 : memref<!tpu.dma_semaphore, #tpu.memory_space<semaphore_mem>>)
      %dma_wait3A_2061 = arith.constant 4 : i32
      %dma_wait3A_2062 = arith.constant 1 : i32
      %dma_wait3A_2063 = arith.constant 1 : i32
      %dma_wait3A_2064 = arith.constant 0 : i32
      %dma_wait3A_2065 = arith.constant 0 : i32
      %dma_wait3A_2066 = tpu.memref_slice %arg8[%dma_wait3A_2062, %dma_wait3A_2064, %dma_wait3A_2065] : memref<3x80x128xf32, #tpu.memory_space<vmem>> -> memref<1x80x128xf32, #tpu.memory_space<vmem>>
      %dma_wait3A_2067 = tpu.memref_squeeze %dma_wait3A_2066 : memref<1x80x128xf32, #tpu.memory_space<vmem>> -> memref<80x128xf32, #tpu.memory_space<vmem>>
      %dma_wait3A_2068 = arith.constant 0 : i32
      %dma_wait3A_2069 = tpu.memref_slice %arg6[%dma_wait3A_2061, %dma_wait3A_2068] : memref<6x80xi32, #tpu.memory_space<vmem>> -> memref<1x80xi32, #tpu.memory_space<vmem>>
      %dma_wait3A_2070 = tpu.memref_squeeze %dma_wait3A_2069 : memref<1x80xi32, #tpu.memory_space<vmem>> -> memref<80xi32, #tpu.memory_space<vmem>>
      %dma_wait3A_2071 = arith.constant 0 : i32
      %dma_wait3A_2072 = arith.constant 0 : i32
      %dma_wait3A_2073 = tpu.memref_slice %arg2[%dma_wait3A_2071, %dma_wait3A_2072] : memref<20000x128xf32, #tpu.memory_space<hbm>> -> memref<20000x128xf32, #tpu.memory_space<hbm>>
      %dma_wait3A_2074 = tpu.memref_slice %arg10[%dma_wait3A_2063] : memref<3x!tpu.dma_semaphore, #tpu.memory_space<semaphore_mem>> -> memref<1x!tpu.dma_semaphore, #tpu.memory_space<semaphore_mem>>
      %dma_wait3A_2075 = tpu.memref_squeeze %dma_wait3A_2074 : memref<1x!tpu.dma_semaphore, #tpu.memory_space<semaphore_mem>> -> memref<!tpu.dma_semaphore, #tpu.memory_space<semaphore_mem>>
      tpu.wait_indirect_dma semaphore(%dma_wait3A_2075 : memref<!tpu.dma_semaphore, #tpu.memory_space<semaphore_mem>>) src(%dma_wait3A_2073 : memref<20000x128xf32, #tpu.memory_space<hbm>>) dst(%dma_wait3A_2067 : memref<80x128xf32, #tpu.memory_space<vmem>>)
      %dma_start3A_2076 = arith.constant 1 : i32
      %dma_start3A_2077 = arith.constant 4 : i32
      %dma_start3A_2078 = arith.constant 1 : i32
      %dma_start3A_2079 = arith.constant 0 : i32
      %dma_start3A_2080 = arith.constant 0 : i32
      %dma_start3A_2081 = tpu.memref_slice %arg8[%dma_start3A_2076, %dma_start3A_2079, %dma_start3A_2080] : memref<3x80x128xf32, #tpu.memory_space<vmem>> -> memref<1x80x128xf32, #tpu.memory_space<vmem>>
      %dma_start3A_2082 = tpu.memref_squeeze %dma_start3A_2081 : memref<1x80x128xf32, #tpu.memory_space<vmem>> -> memref<80x128xf32, #tpu.memory_space<vmem>>
      %dma_start3A_2083 = arith.constant 0 : i32
      %dma_start3A_2084 = tpu.memref_slice %arg7[%dma_start3A_2077, %dma_start3A_2083] : memref<6x80xi32, #tpu.memory_space<vmem>> -> memref<1x80xi32, #tpu.memory_space<vmem>>
      %dma_start3A_2085 = tpu.memref_squeeze %dma_start3A_2084 : memref<1x80xi32, #tpu.memory_space<vmem>> -> memref<80xi32, #tpu.memory_space<vmem>>
      %dma_start3A_2086 = arith.constant 0 : i32
      %dma_start3A_2087 = arith.constant 0 : i32
      %dma_start3A_2088 = tpu.memref_slice %arg9[%dma_start3A_2086, %dma_start3A_2087] : memref<10000x128xf32, #tpu.memory_space<vmem_shared>> -> memref<10000x128xf32, #tpu.memory_space<vmem_shared>>
      %dma_start3A_2089 = tpu.memref_slice %arg11[%dma_start3A_2078] : memref<3x!tpu.dma_semaphore, #tpu.memory_space<semaphore_mem>> -> memref<1x!tpu.dma_semaphore, #tpu.memory_space<semaphore_mem>>
      %dma_start3A_2090 = tpu.memref_squeeze %dma_start3A_2089 : memref<1x!tpu.dma_semaphore, #tpu.memory_space<semaphore_mem>> -> memref<!tpu.dma_semaphore, #tpu.memory_space<semaphore_mem>>
      tpu.enqueue_indirect_dma source(%dma_start3A_2082 : memref<80x128xf32, #tpu.memory_space<vmem>>) target(%dma_start3A_2088 : memref<10000x128xf32, #tpu.memory_space<vmem_shared>>) offsets(%dma_start3A_2085 : memref<80xi32, #tpu.memory_space<vmem>>) semaphore(%dma_start3A_2090 : memref<!tpu.dma_semaphore, #tpu.memory_space<semaphore_mem>>) {add = true}
    }
    %scan3A_922 = arith.constant 40 : i32
    %dma_wait3A_923 = arith.constant 0 : i32
    %dma_wait3A_924 = arith.constant 3 : i32
    %dma_wait3A_925 = arith.constant 0 : i32
    %dma_wait3A_926 = arith.constant 0 : i32
    %dma_wait3A_927 = arith.constant 0 : i32
    %dma_wait3A_928 = tpu.memref_slice %arg8[%dma_wait3A_923, %dma_wait3A_926, %dma_wait3A_927] : memref<3x80x128xf32, #tpu.memory_space<vmem>> -> memref<1x80x128xf32, #tpu.memory_space<vmem>>
    %dma_wait3A_929 = tpu.memref_squeeze %dma_wait3A_928 : memref<1x80x128xf32, #tpu.memory_space<vmem>> -> memref<80x128xf32, #tpu.memory_space<vmem>>
    %dma_wait3A_930 = arith.constant 0 : i32
    %dma_wait3A_931 = tpu.memref_slice %arg7[%dma_wait3A_924, %dma_wait3A_930] : memref<6x80xi32, #tpu.memory_space<vmem>> -> memref<1x80xi32, #tpu.memory_space<vmem>>
    %dma_wait3A_932 = tpu.memref_squeeze %dma_wait3A_931 : memref<1x80xi32, #tpu.memory_space<vmem>> -> memref<80xi32, #tpu.memory_space<vmem>>
    %dma_wait3A_933 = arith.constant 0 : i32
    %dma_wait3A_934 = arith.constant 0 : i32
    %dma_wait3A_935 = tpu.memref_slice %arg9[%dma_wait3A_933, %dma_wait3A_934] : memref<10000x128xf32, #tpu.memory_space<vmem_shared>> -> memref<10000x128xf32, #tpu.memory_space<vmem_shared>>
    %dma_wait3A_936 = tpu.memref_slice %arg11[%dma_wait3A_925] : memref<3x!tpu.dma_semaphore, #tpu.memory_space<semaphore_mem>> -> memref<1x!tpu.dma_semaphore, #tpu.memory_space<semaphore_mem>>
    %dma_wait3A_937 = tpu.memref_squeeze %dma_wait3A_936 : memref<1x!tpu.dma_semaphore, #tpu.memory_space<semaphore_mem>> -> memref<!tpu.dma_semaphore, #tpu.memory_space<semaphore_mem>>
    tpu.wait_indirect_dma semaphore(%dma_wait3A_937 : memref<!tpu.dma_semaphore, #tpu.memory_space<semaphore_mem>>) src(%dma_wait3A_929 : memref<80x128xf32, #tpu.memory_space<vmem>>) dst(%dma_wait3A_935 : memref<10000x128xf32, #tpu.memory_space<vmem_shared>>)
    %mul3A_938 = arith.constant 250 : i32
    %mul3A_939 = arith.muli %add3A, %mul3A_938 : i32
    %add3A_940 = arith.constant 249 : i32
    %add3A_941 = arith.addi %mul3A_939, %add3A_940 : i32
    %dma_start3A_942 = arith.constant 3 : i32
    %dma_start3A_943 = arith.constant 3 : i32
    %dma_start3A_944 = arith.constant 0 : i32
    %dma_start3A_945 = tpu.memref_slice %arg6[%dma_start3A_942, %dma_start3A_944] : memref<6x80xi32, #tpu.memory_space<vmem>> -> memref<1x80xi32, #tpu.memory_space<vmem>>
    %dma_start3A_946 = tpu.memref_squeeze %dma_start3A_945 : memref<1x80xi32, #tpu.memory_space<vmem>> -> memref<80xi32, #tpu.memory_space<vmem>>
    %dma_start3A_947 = arith.constant 0 : i32
    %dma_start3A_948 = tpu.memref_slice %arg3[%add3A_941, %dma_start3A_947] : memref<8000x80xi32, #tpu.memory_space<hbm>> -> memref<1x80xi32, #tpu.memory_space<hbm>>
    %dma_start3A_949 = tpu.memref_squeeze %dma_start3A_948 : memref<1x80xi32, #tpu.memory_space<hbm>> -> memref<80xi32, #tpu.memory_space<hbm>>
    %dma_start3A_950 = tpu.memref_slice %arg12[%dma_start3A_943] : memref<6x!tpu.dma_semaphore, #tpu.memory_space<semaphore_mem>> -> memref<1x!tpu.dma_semaphore, #tpu.memory_space<semaphore_mem>>
    %dma_start3A_951 = tpu.memref_squeeze %dma_start3A_950 : memref<1x!tpu.dma_semaphore, #tpu.memory_space<semaphore_mem>> -> memref<!tpu.dma_semaphore, #tpu.memory_space<semaphore_mem>>
    %dma_start3A_952 = arith.constant 0 : i32
    %dma_start3A_953 = tpu.memref_slice %arg6[%dma_start3A_942, %dma_start3A_952] : memref<6x80xi32, #tpu.memory_space<vmem>> -> memref<1x80xi32, #tpu.memory_space<vmem>>
    %dma_start3A_954 = tpu.memref_squeeze %dma_start3A_953 : memref<1x80xi32, #tpu.memory_space<vmem>> -> memref<80xi32, #tpu.memory_space<vmem>>
    %dma_start3A_955 = arith.constant 0 : i32
    %dma_start3A_956 = tpu.memref_slice %arg3[%add3A_941, %dma_start3A_955] : memref<8000x80xi32, #tpu.memory_space<hbm>> -> memref<1x80xi32, #tpu.memory_space<hbm>>
    %dma_start3A_957 = tpu.memref_squeeze %dma_start3A_956 : memref<1x80xi32, #tpu.memory_space<hbm>> -> memref<80xi32, #tpu.memory_space<hbm>>
    tpu.enqueue_dma source(%dma_start3A_957 : memref<80xi32, #tpu.memory_space<hbm>>) target(%dma_start3A_954 : memref<80xi32, #tpu.memory_space<vmem>>) target_semaphore(%dma_start3A_951 : memref<!tpu.dma_semaphore, #tpu.memory_space<semaphore_mem>>)
    %mul3A_958 = arith.constant 250 : i32
    %mul3A_959 = arith.muli %arg1, %mul3A_958 : i32
    %add3A_960 = arith.constant 249 : i32
    %add3A_961 = arith.addi %mul3A_959, %add3A_960 : i32
    %dma_start3A_962 = arith.constant 3 : i32
    %dma_start3A_963 = arith.constant 3 : i32
    %dma_start3A_964 = arith.constant 0 : i32
    %dma_start3A_965 = tpu.memref_slice %arg7[%dma_start3A_962, %dma_start3A_964] : memref<6x80xi32, #tpu.memory_space<vmem>> -> memref<1x80xi32, #tpu.memory_space<vmem>>
    %dma_start3A_966 = tpu.memref_squeeze %dma_start3A_965 : memref<1x80xi32, #tpu.memory_space<vmem>> -> memref<80xi32, #tpu.memory_space<vmem>>
    %dma_start3A_967 = arith.constant 0 : i32
    %dma_start3A_968 = tpu.memref_slice %arg4[%add3A_961, %dma_start3A_967] : memref<4000x80xi32, #tpu.memory_space<hbm>> -> memref<1x80xi32, #tpu.memory_space<hbm>>
    %dma_start3A_969 = tpu.memref_squeeze %dma_start3A_968 : memref<1x80xi32, #tpu.memory_space<hbm>> -> memref<80xi32, #tpu.memory_space<hbm>>
    %dma_start3A_970 = tpu.memref_slice %arg12[%dma_start3A_963] : memref<6x!tpu.dma_semaphore, #tpu.memory_space<semaphore_mem>> -> memref<1x!tpu.dma_semaphore, #tpu.memory_space<semaphore_mem>>
    %dma_start3A_971 = tpu.memref_squeeze %dma_start3A_970 : memref<1x!tpu.dma_semaphore, #tpu.memory_space<semaphore_mem>> -> memref<!tpu.dma_semaphore, #tpu.memory_space<semaphore_mem>>
    %dma_start3A_972 = arith.constant 0 : i32
    %dma_start3A_973 = tpu.memref_slice %arg7[%dma_start3A_962, %dma_start3A_972] : memref<6x80xi32, #tpu.memory_space<vmem>> -> memref<1x80xi32, #tpu.memory_space<vmem>>
    %dma_start3A_974 = tpu.memref_squeeze %dma_start3A_973 : memref<1x80xi32, #tpu.memory_space<vmem>> -> memref<80xi32, #tpu.memory_space<vmem>>
    %dma_start3A_975 = arith.constant 0 : i32
    %dma_start3A_976 = tpu.memref_slice %arg4[%add3A_961, %dma_start3A_975] : memref<4000x80xi32, #tpu.memory_space<hbm>> -> memref<1x80xi32, #tpu.memory_space<hbm>>
    %dma_start3A_977 = tpu.memref_squeeze %dma_start3A_976 : memref<1x80xi32, #tpu.memory_space<hbm>> -> memref<80xi32, #tpu.memory_space<hbm>>
    tpu.enqueue_dma source(%dma_start3A_977 : memref<80xi32, #tpu.memory_space<hbm>>) target(%dma_start3A_974 : memref<80xi32, #tpu.memory_space<vmem>>) target_semaphore(%dma_start3A_971 : memref<!tpu.dma_semaphore, #tpu.memory_space<semaphore_mem>>)
    %mul3A_978 = arith.constant 250 : i32
    %mul3A_979 = arith.muli %add3A, %mul3A_978 : i32
    %add3A_980 = arith.constant 246 : i32
    %add3A_981 = arith.addi %mul3A_979, %add3A_980 : i32
    %dma_wait3A_982 = arith.constant 0 : i32
    %dma_wait3A_983 = arith.constant 0 : i32
    %dma_wait3A_984 = arith.constant 0 : i32
    %dma_wait3A_985 = tpu.memref_slice %arg6[%dma_wait3A_982, %dma_wait3A_984] : memref<6x80xi32, #tpu.memory_space<vmem>> -> memref<1x80xi32, #tpu.memory_space<vmem>>
    %dma_wait3A_986 = tpu.memref_squeeze %dma_wait3A_985 : memref<1x80xi32, #tpu.memory_space<vmem>> -> memref<80xi32, #tpu.memory_space<vmem>>
    %dma_wait3A_987 = arith.constant 0 : i32
    %dma_wait3A_988 = tpu.memref_slice %arg3[%add3A_981, %dma_wait3A_987] : memref<8000x80xi32, #tpu.memory_space<hbm>> -> memref<1x80xi32, #tpu.memory_space<hbm>>
    %dma_wait3A_989 = tpu.memref_squeeze %dma_wait3A_988 : memref<1x80xi32, #tpu.memory_space<hbm>> -> memref<80xi32, #tpu.memory_space<hbm>>
    %dma_wait3A_990 = tpu.memref_slice %arg12[%dma_wait3A_983] : memref<6x!tpu.dma_semaphore, #tpu.memory_space<semaphore_mem>> -> memref<1x!tpu.dma_semaphore, #tpu.memory_space<semaphore_mem>>
    %dma_wait3A_991 = tpu.memref_squeeze %dma_wait3A_990 : memref<1x!tpu.dma_semaphore, #tpu.memory_space<semaphore_mem>> -> memref<!tpu.dma_semaphore, #tpu.memory_space<semaphore_mem>>
    %dma_wait3A_992 = arith.constant 0 : i32
    %dma_wait3A_993 = tpu.memref_slice %arg6[%dma_wait3A_982, %dma_wait3A_992] : memref<6x80xi32, #tpu.memory_space<vmem>> -> memref<1x80xi32, #tpu.memory_space<vmem>>
    %dma_wait3A_994 = tpu.memref_squeeze %dma_wait3A_993 : memref<1x80xi32, #tpu.memory_space<vmem>> -> memref<80xi32, #tpu.memory_space<vmem>>
    %dma_wait3A_995 = arith.constant 0 : i32
    %dma_wait3A_996 = tpu.memref_slice %arg3[%add3A_981, %dma_wait3A_995] : memref<8000x80xi32, #tpu.memory_space<hbm>> -> memref<1x80xi32, #tpu.memory_space<hbm>>
    %dma_wait3A_997 = tpu.memref_squeeze %dma_wait3A_996 : memref<1x80xi32, #tpu.memory_space<hbm>> -> memref<80xi32, #tpu.memory_space<hbm>>
    tpu.wait_dma2 semaphore(%dma_wait3A_991 : memref<!tpu.dma_semaphore, #tpu.memory_space<semaphore_mem>>) src(%dma_wait3A_997 : memref<80xi32, #tpu.memory_space<hbm>>) dst(%dma_wait3A_994 : memref<80xi32, #tpu.memory_space<vmem>>)
    %mul3A_998 = arith.constant 250 : i32
    %mul3A_999 = arith.muli %arg1, %mul3A_998 : i32
    %add3A_1000 = arith.constant 246 : i32
    %add3A_1001 = arith.addi %mul3A_999, %add3A_1000 : i32
    %dma_wait3A_1002 = arith.constant 0 : i32
    %dma_wait3A_1003 = arith.constant 0 : i32
    %dma_wait3A_1004 = arith.constant 0 : i32
    %dma_wait3A_1005 = tpu.memref_slice %arg7[%dma_wait3A_1002, %dma_wait3A_1004] : memref<6x80xi32, #tpu.memory_space<vmem>> -> memref<1x80xi32, #tpu.memory_space<vmem>>
    %dma_wait3A_1006 = tpu.memref_squeeze %dma_wait3A_1005 : memref<1x80xi32, #tpu.memory_space<vmem>> -> memref<80xi32, #tpu.memory_space<vmem>>
    %dma_wait3A_1007 = arith.constant 0 : i32
    %dma_wait3A_1008 = tpu.memref_slice %arg4[%add3A_1001, %dma_wait3A_1007] : memref<4000x80xi32, #tpu.memory_space<hbm>> -> memref<1x80xi32, #tpu.memory_space<hbm>>
    %dma_wait3A_1009 = tpu.memref_squeeze %dma_wait3A_1008 : memref<1x80xi32, #tpu.memory_space<hbm>> -> memref<80xi32, #tpu.memory_space<hbm>>
    %dma_wait3A_1010 = tpu.memref_slice %arg12[%dma_wait3A_1003] : memref<6x!tpu.dma_semaphore, #tpu.memory_space<semaphore_mem>> -> memref<1x!tpu.dma_semaphore, #tpu.memory_space<semaphore_mem>>
    %dma_wait3A_1011 = tpu.memref_squeeze %dma_wait3A_1010 : memref<1x!tpu.dma_semaphore, #tpu.memory_space<semaphore_mem>> -> memref<!tpu.dma_semaphore, #tpu.memory_space<semaphore_mem>>
    %dma_wait3A_1012 = arith.constant 0 : i32
    %dma_wait3A_1013 = tpu.memref_slice %arg7[%dma_wait3A_1002, %dma_wait3A_1012] : memref<6x80xi32, #tpu.memory_space<vmem>> -> memref<1x80xi32, #tpu.memory_space<vmem>>
    %dma_wait3A_1014 = tpu.memref_squeeze %dma_wait3A_1013 : memref<1x80xi32, #tpu.memory_space<vmem>> -> memref<80xi32, #tpu.memory_space<vmem>>
    %dma_wait3A_1015 = arith.constant 0 : i32
    %dma_wait3A_1016 = tpu.memref_slice %arg4[%add3A_1001, %dma_wait3A_1015] : memref<4000x80xi32, #tpu.memory_space<hbm>> -> memref<1x80xi32, #tpu.memory_space<hbm>>
    %dma_wait3A_1017 = tpu.memref_squeeze %dma_wait3A_1016 : memref<1x80xi32, #tpu.memory_space<hbm>> -> memref<80xi32, #tpu.memory_space<hbm>>
    tpu.wait_dma2 semaphore(%dma_wait3A_1011 : memref<!tpu.dma_semaphore, #tpu.memory_space<semaphore_mem>>) src(%dma_wait3A_1017 : memref<80xi32, #tpu.memory_space<hbm>>) dst(%dma_wait3A_1014 : memref<80xi32, #tpu.memory_space<vmem>>)
    %dma_start3A_1018 = arith.constant 0 : i32
    %dma_start3A_1019 = arith.constant 0 : i32
    %dma_start3A_1020 = arith.constant 0 : i32
    %dma_start3A_1021 = arith.constant 0 : i32
    %dma_start3A_1022 = arith.constant 0 : i32
    %dma_start3A_1023 = tpu.memref_slice %arg8[%dma_start3A_1019, %dma_start3A_1021, %dma_start3A_1022] : memref<3x80x128xf32, #tpu.memory_space<vmem>> -> memref<1x80x128xf32, #tpu.memory_space<vmem>>
    %dma_start3A_1024 = tpu.memref_squeeze %dma_start3A_1023 : memref<1x80x128xf32, #tpu.memory_space<vmem>> -> memref<80x128xf32, #tpu.memory_space<vmem>>
    %dma_start3A_1025 = arith.constant 0 : i32
    %dma_start3A_1026 = tpu.memref_slice %arg6[%dma_start3A_1018, %dma_start3A_1025] : memref<6x80xi32, #tpu.memory_space<vmem>> -> memref<1x80xi32, #tpu.memory_space<vmem>>
    %dma_start3A_1027 = tpu.memref_squeeze %dma_start3A_1026 : memref<1x80xi32, #tpu.memory_space<vmem>> -> memref<80xi32, #tpu.memory_space<vmem>>
    %dma_start3A_1028 = arith.constant 0 : i32
    %dma_start3A_1029 = arith.constant 0 : i32
    %dma_start3A_1030 = tpu.memref_slice %arg2[%dma_start3A_1028, %dma_start3A_1029] : memref<20000x128xf32, #tpu.memory_space<hbm>> -> memref<20000x128xf32, #tpu.memory_space<hbm>>
    %dma_start3A_1031 = tpu.memref_slice %arg10[%dma_start3A_1020] : memref<3x!tpu.dma_semaphore, #tpu.memory_space<semaphore_mem>> -> memref<1x!tpu.dma_semaphore, #tpu.memory_space<semaphore_mem>>
    %dma_start3A_1032 = tpu.memref_squeeze %dma_start3A_1031 : memref<1x!tpu.dma_semaphore, #tpu.memory_space<semaphore_mem>> -> memref<!tpu.dma_semaphore, #tpu.memory_space<semaphore_mem>>
    tpu.enqueue_indirect_dma source(%dma_start3A_1030 : memref<20000x128xf32, #tpu.memory_space<hbm>>) target(%dma_start3A_1024 : memref<80x128xf32, #tpu.memory_space<vmem>>) offsets(%dma_start3A_1027 : memref<80xi32, #tpu.memory_space<vmem>>) semaphore(%dma_start3A_1032 : memref<!tpu.dma_semaphore, #tpu.memory_space<semaphore_mem>>)
    %dma_wait3A_1033 = arith.constant 5 : i32
    %dma_wait3A_1034 = arith.constant 2 : i32
    %dma_wait3A_1035 = arith.constant 2 : i32
    %dma_wait3A_1036 = arith.constant 0 : i32
    %dma_wait3A_1037 = arith.constant 0 : i32
    %dma_wait3A_1038 = tpu.memref_slice %arg8[%dma_wait3A_1034, %dma_wait3A_1036, %dma_wait3A_1037] : memref<3x80x128xf32, #tpu.memory_space<vmem>> -> memref<1x80x128xf32, #tpu.memory_space<vmem>>
    %dma_wait3A_1039 = tpu.memref_squeeze %dma_wait3A_1038 : memref<1x80x128xf32, #tpu.memory_space<vmem>> -> memref<80x128xf32, #tpu.memory_space<vmem>>
    %dma_wait3A_1040 = arith.constant 0 : i32
    %dma_wait3A_1041 = tpu.memref_slice %arg6[%dma_wait3A_1033, %dma_wait3A_1040] : memref<6x80xi32, #tpu.memory_space<vmem>> -> memref<1x80xi32, #tpu.memory_space<vmem>>
    %dma_wait3A_1042 = tpu.memref_squeeze %dma_wait3A_1041 : memref<1x80xi32, #tpu.memory_space<vmem>> -> memref<80xi32, #tpu.memory_space<vmem>>
    %dma_wait3A_1043 = arith.constant 0 : i32
    %dma_wait3A_1044 = arith.constant 0 : i32
    %dma_wait3A_1045 = tpu.memref_slice %arg2[%dma_wait3A_1043, %dma_wait3A_1044] : memref<20000x128xf32, #tpu.memory_space<hbm>> -> memref<20000x128xf32, #tpu.memory_space<hbm>>
    %dma_wait3A_1046 = tpu.memref_slice %arg10[%dma_wait3A_1035] : memref<3x!tpu.dma_semaphore, #tpu.memory_space<semaphore_mem>> -> memref<1x!tpu.dma_semaphore, #tpu.memory_space<semaphore_mem>>
    %dma_wait3A_1047 = tpu.memref_squeeze %dma_wait3A_1046 : memref<1x!tpu.dma_semaphore, #tpu.memory_space<semaphore_mem>> -> memref<!tpu.dma_semaphore, #tpu.memory_space<semaphore_mem>>
    tpu.wait_indirect_dma semaphore(%dma_wait3A_1047 : memref<!tpu.dma_semaphore, #tpu.memory_space<semaphore_mem>>) src(%dma_wait3A_1045 : memref<20000x128xf32, #tpu.memory_space<hbm>>) dst(%dma_wait3A_1039 : memref<80x128xf32, #tpu.memory_space<vmem>>)
    %dma_start3A_1048 = arith.constant 2 : i32
    %dma_start3A_1049 = arith.constant 5 : i32
    %dma_start3A_1050 = arith.constant 2 : i32
    %dma_start3A_1051 = arith.constant 0 : i32
    %dma_start3A_1052 = arith.constant 0 : i32
    %dma_start3A_1053 = tpu.memref_slice %arg8[%dma_start3A_1048, %dma_start3A_1051, %dma_start3A_1052] : memref<3x80x128xf32, #tpu.memory_space<vmem>> -> memref<1x80x128xf32, #tpu.memory_space<vmem>>
    %dma_start3A_1054 = tpu.memref_squeeze %dma_start3A_1053 : memref<1x80x128xf32, #tpu.memory_space<vmem>> -> memref<80x128xf32, #tpu.memory_space<vmem>>
    %dma_start3A_1055 = arith.constant 0 : i32
    %dma_start3A_1056 = tpu.memref_slice %arg7[%dma_start3A_1049, %dma_start3A_1055] : memref<6x80xi32, #tpu.memory_space<vmem>> -> memref<1x80xi32, #tpu.memory_space<vmem>>
    %dma_start3A_1057 = tpu.memref_squeeze %dma_start3A_1056 : memref<1x80xi32, #tpu.memory_space<vmem>> -> memref<80xi32, #tpu.memory_space<vmem>>
    %dma_start3A_1058 = arith.constant 0 : i32
    %dma_start3A_1059 = arith.constant 0 : i32
    %dma_start3A_1060 = tpu.memref_slice %arg9[%dma_start3A_1058, %dma_start3A_1059] : memref<10000x128xf32, #tpu.memory_space<vmem_shared>> -> memref<10000x128xf32, #tpu.memory_space<vmem_shared>>
    %dma_start3A_1061 = tpu.memref_slice %arg11[%dma_start3A_1050] : memref<3x!tpu.dma_semaphore, #tpu.memory_space<semaphore_mem>> -> memref<1x!tpu.dma_semaphore, #tpu.memory_space<semaphore_mem>>
    %dma_start3A_1062 = tpu.memref_squeeze %dma_start3A_1061 : memref<1x!tpu.dma_semaphore, #tpu.memory_space<semaphore_mem>> -> memref<!tpu.dma_semaphore, #tpu.memory_space<semaphore_mem>>
    tpu.enqueue_indirect_dma source(%dma_start3A_1054 : memref<80x128xf32, #tpu.memory_space<vmem>>) target(%dma_start3A_1060 : memref<10000x128xf32, #tpu.memory_space<vmem_shared>>) offsets(%dma_start3A_1057 : memref<80xi32, #tpu.memory_space<vmem>>) semaphore(%dma_start3A_1062 : memref<!tpu.dma_semaphore, #tpu.memory_space<semaphore_mem>>) {add = true}
    %dma_wait3A_1063 = arith.constant 1 : i32
    %dma_wait3A_1064 = arith.constant 4 : i32
    %dma_wait3A_1065 = arith.constant 1 : i32
    %dma_wait3A_1066 = arith.constant 0 : i32
    %dma_wait3A_1067 = arith.constant 0 : i32
    %dma_wait3A_1068 = tpu.memref_slice %arg8[%dma_wait3A_1063, %dma_wait3A_1066, %dma_wait3A_1067] : memref<3x80x128xf32, #tpu.memory_space<vmem>> -> memref<1x80x128xf32, #tpu.memory_space<vmem>>
    %dma_wait3A_1069 = tpu.memref_squeeze %dma_wait3A_1068 : memref<1x80x128xf32, #tpu.memory_space<vmem>> -> memref<80x128xf32, #tpu.memory_space<vmem>>
    %dma_wait3A_1070 = arith.constant 0 : i32
    %dma_wait3A_1071 = tpu.memref_slice %arg7[%dma_wait3A_1064, %dma_wait3A_1070] : memref<6x80xi32, #tpu.memory_space<vmem>> -> memref<1x80xi32, #tpu.memory_space<vmem>>
    %dma_wait3A_1072 = tpu.memref_squeeze %dma_wait3A_1071 : memref<1x80xi32, #tpu.memory_space<vmem>> -> memref<80xi32, #tpu.memory_space<vmem>>
    %dma_wait3A_1073 = arith.constant 0 : i32
    %dma_wait3A_1074 = arith.constant 0 : i32
    %dma_wait3A_1075 = tpu.memref_slice %arg9[%dma_wait3A_1073, %dma_wait3A_1074] : memref<10000x128xf32, #tpu.memory_space<vmem_shared>> -> memref<10000x128xf32, #tpu.memory_space<vmem_shared>>
    %dma_wait3A_1076 = tpu.memref_slice %arg11[%dma_wait3A_1065] : memref<3x!tpu.dma_semaphore, #tpu.memory_space<semaphore_mem>> -> memref<1x!tpu.dma_semaphore, #tpu.memory_space<semaphore_mem>>
    %dma_wait3A_1077 = tpu.memref_squeeze %dma_wait3A_1076 : memref<1x!tpu.dma_semaphore, #tpu.memory_space<semaphore_mem>> -> memref<!tpu.dma_semaphore, #tpu.memory_space<semaphore_mem>>
    tpu.wait_indirect_dma semaphore(%dma_wait3A_1077 : memref<!tpu.dma_semaphore, #tpu.memory_space<semaphore_mem>>) src(%dma_wait3A_1069 : memref<80x128xf32, #tpu.memory_space<vmem>>) dst(%dma_wait3A_1075 : memref<10000x128xf32, #tpu.memory_space<vmem_shared>>)
    %mul3A_1078 = arith.constant 250 : i32
    %mul3A_1079 = arith.muli %add3A, %mul3A_1078 : i32
    %add3A_1080 = arith.constant 247 : i32
    %add3A_1081 = arith.addi %mul3A_1079, %add3A_1080 : i32
    %dma_wait3A_1082 = arith.constant 1 : i32
    %dma_wait3A_1083 = arith.constant 1 : i32
    %dma_wait3A_1084 = arith.constant 0 : i32
    %dma_wait3A_1085 = tpu.memref_slice %arg6[%dma_wait3A_1082, %dma_wait3A_1084] : memref<6x80xi32, #tpu.memory_space<vmem>> -> memref<1x80xi32, #tpu.memory_space<vmem>>
    %dma_wait3A_1086 = tpu.memref_squeeze %dma_wait3A_1085 : memref<1x80xi32, #tpu.memory_space<vmem>> -> memref<80xi32, #tpu.memory_space<vmem>>
    %dma_wait3A_1087 = arith.constant 0 : i32
    %dma_wait3A_1088 = tpu.memref_slice %arg3[%add3A_1081, %dma_wait3A_1087] : memref<8000x80xi32, #tpu.memory_space<hbm>> -> memref<1x80xi32, #tpu.memory_space<hbm>>
    %dma_wait3A_1089 = tpu.memref_squeeze %dma_wait3A_1088 : memref<1x80xi32, #tpu.memory_space<hbm>> -> memref<80xi32, #tpu.memory_space<hbm>>
    %dma_wait3A_1090 = tpu.memref_slice %arg12[%dma_wait3A_1083] : memref<6x!tpu.dma_semaphore, #tpu.memory_space<semaphore_mem>> -> memref<1x!tpu.dma_semaphore, #tpu.memory_space<semaphore_mem>>
    %dma_wait3A_1091 = tpu.memref_squeeze %dma_wait3A_1090 : memref<1x!tpu.dma_semaphore, #tpu.memory_space<semaphore_mem>> -> memref<!tpu.dma_semaphore, #tpu.memory_space<semaphore_mem>>
    %dma_wait3A_1092 = arith.constant 0 : i32
    %dma_wait3A_1093 = tpu.memref_slice %arg6[%dma_wait3A_1082, %dma_wait3A_1092] : memref<6x80xi32, #tpu.memory_space<vmem>> -> memref<1x80xi32, #tpu.memory_space<vmem>>
    %dma_wait3A_1094 = tpu.memref_squeeze %dma_wait3A_1093 : memref<1x80xi32, #tpu.memory_space<vmem>> -> memref<80xi32, #tpu.memory_space<vmem>>
    %dma_wait3A_1095 = arith.constant 0 : i32
    %dma_wait3A_1096 = tpu.memref_slice %arg3[%add3A_1081, %dma_wait3A_1095] : memref<8000x80xi32, #tpu.memory_space<hbm>> -> memref<1x80xi32, #tpu.memory_space<hbm>>
    %dma_wait3A_1097 = tpu.memref_squeeze %dma_wait3A_1096 : memref<1x80xi32, #tpu.memory_space<hbm>> -> memref<80xi32, #tpu.memory_space<hbm>>
    tpu.wait_dma2 semaphore(%dma_wait3A_1091 : memref<!tpu.dma_semaphore, #tpu.memory_space<semaphore_mem>>) src(%dma_wait3A_1097 : memref<80xi32, #tpu.memory_space<hbm>>) dst(%dma_wait3A_1094 : memref<80xi32, #tpu.memory_space<vmem>>)
    %mul3A_1098 = arith.constant 250 : i32
    %mul3A_1099 = arith.muli %arg1, %mul3A_1098 : i32
    %add3A_1100 = arith.constant 247 : i32
    %add3A_1101 = arith.addi %mul3A_1099, %add3A_1100 : i32
    %dma_wait3A_1102 = arith.constant 1 : i32
    %dma_wait3A_1103 = arith.constant 1 : i32
    %dma_wait3A_1104 = arith.constant 0 : i32
    %dma_wait3A_1105 = tpu.memref_slice %arg7[%dma_wait3A_1102, %dma_wait3A_1104] : memref<6x80xi32, #tpu.memory_space<vmem>> -> memref<1x80xi32, #tpu.memory_space<vmem>>
    %dma_wait3A_1106 = tpu.memref_squeeze %dma_wait3A_1105 : memref<1x80xi32, #tpu.memory_space<vmem>> -> memref<80xi32, #tpu.memory_space<vmem>>
    %dma_wait3A_1107 = arith.constant 0 : i32
    %dma_wait3A_1108 = tpu.memref_slice %arg4[%add3A_1101, %dma_wait3A_1107] : memref<4000x80xi32, #tpu.memory_space<hbm>> -> memref<1x80xi32, #tpu.memory_space<hbm>>
    %dma_wait3A_1109 = tpu.memref_squeeze %dma_wait3A_1108 : memref<1x80xi32, #tpu.memory_space<hbm>> -> memref<80xi32, #tpu.memory_space<hbm>>
    %dma_wait3A_1110 = tpu.memref_slice %arg12[%dma_wait3A_1103] : memref<6x!tpu.dma_semaphore, #tpu.memory_space<semaphore_mem>> -> memref<1x!tpu.dma_semaphore, #tpu.memory_space<semaphore_mem>>
    %dma_wait3A_1111 = tpu.memref_squeeze %dma_wait3A_1110 : memref<1x!tpu.dma_semaphore, #tpu.memory_space<semaphore_mem>> -> memref<!tpu.dma_semaphore, #tpu.memory_space<semaphore_mem>>
    %dma_wait3A_1112 = arith.constant 0 : i32
    %dma_wait3A_1113 = tpu.memref_slice %arg7[%dma_wait3A_1102, %dma_wait3A_1112] : memref<6x80xi32, #tpu.memory_space<vmem>> -> memref<1x80xi32, #tpu.memory_space<vmem>>
    %dma_wait3A_1114 = tpu.memref_squeeze %dma_wait3A_1113 : memref<1x80xi32, #tpu.memory_space<vmem>> -> memref<80xi32, #tpu.memory_space<vmem>>
    %dma_wait3A_1115 = arith.constant 0 : i32
    %dma_wait3A_1116 = tpu.memref_slice %arg4[%add3A_1101, %dma_wait3A_1115] : memref<4000x80xi32, #tpu.memory_space<hbm>> -> memref<1x80xi32, #tpu.memory_space<hbm>>
    %dma_wait3A_1117 = tpu.memref_squeeze %dma_wait3A_1116 : memref<1x80xi32, #tpu.memory_space<hbm>> -> memref<80xi32, #tpu.memory_space<hbm>>
    tpu.wait_dma2 semaphore(%dma_wait3A_1111 : memref<!tpu.dma_semaphore, #tpu.memory_space<semaphore_mem>>) src(%dma_wait3A_1117 : memref<80xi32, #tpu.memory_space<hbm>>) dst(%dma_wait3A_1114 : memref<80xi32, #tpu.memory_space<vmem>>)
    %dma_start3A_1118 = arith.constant 1 : i32
    %dma_start3A_1119 = arith.constant 1 : i32
    %dma_start3A_1120 = arith.constant 1 : i32
    %dma_start3A_1121 = arith.constant 0 : i32
    %dma_start3A_1122 = arith.constant 0 : i32
    %dma_start3A_1123 = tpu.memref_slice %arg8[%dma_start3A_1119, %dma_start3A_1121, %dma_start3A_1122] : memref<3x80x128xf32, #tpu.memory_space<vmem>> -> memref<1x80x128xf32, #tpu.memory_space<vmem>>
    %dma_start3A_1124 = tpu.memref_squeeze %dma_start3A_1123 : memref<1x80x128xf32, #tpu.memory_space<vmem>> -> memref<80x128xf32, #tpu.memory_space<vmem>>
    %dma_start3A_1125 = arith.constant 0 : i32
    %dma_start3A_1126 = tpu.memref_slice %arg6[%dma_start3A_1118, %dma_start3A_1125] : memref<6x80xi32, #tpu.memory_space<vmem>> -> memref<1x80xi32, #tpu.memory_space<vmem>>
    %dma_start3A_1127 = tpu.memref_squeeze %dma_start3A_1126 : memref<1x80xi32, #tpu.memory_space<vmem>> -> memref<80xi32, #tpu.memory_space<vmem>>
    %dma_start3A_1128 = arith.constant 0 : i32
    %dma_start3A_1129 = arith.constant 0 : i32
    %dma_start3A_1130 = tpu.memref_slice %arg2[%dma_start3A_1128, %dma_start3A_1129] : memref<20000x128xf32, #tpu.memory_space<hbm>> -> memref<20000x128xf32, #tpu.memory_space<hbm>>
    %dma_start3A_1131 = tpu.memref_slice %arg10[%dma_start3A_1120] : memref<3x!tpu.dma_semaphore, #tpu.memory_space<semaphore_mem>> -> memref<1x!tpu.dma_semaphore, #tpu.memory_space<semaphore_mem>>
    %dma_start3A_1132 = tpu.memref_squeeze %dma_start3A_1131 : memref<1x!tpu.dma_semaphore, #tpu.memory_space<semaphore_mem>> -> memref<!tpu.dma_semaphore, #tpu.memory_space<semaphore_mem>>
    tpu.enqueue_indirect_dma source(%dma_start3A_1130 : memref<20000x128xf32, #tpu.memory_space<hbm>>) target(%dma_start3A_1124 : memref<80x128xf32, #tpu.memory_space<vmem>>) offsets(%dma_start3A_1127 : memref<80xi32, #tpu.memory_space<vmem>>) semaphore(%dma_start3A_1132 : memref<!tpu.dma_semaphore, #tpu.memory_space<semaphore_mem>>)
    %dma_wait3A_1133 = arith.constant 0 : i32
    %dma_wait3A_1134 = arith.constant 0 : i32
    %dma_wait3A_1135 = arith.constant 0 : i32
    %dma_wait3A_1136 = arith.constant 0 : i32
    %dma_wait3A_1137 = arith.constant 0 : i32
    %dma_wait3A_1138 = tpu.memref_slice %arg8[%dma_wait3A_1134, %dma_wait3A_1136, %dma_wait3A_1137] : memref<3x80x128xf32, #tpu.memory_space<vmem>> -> memref<1x80x128xf32, #tpu.memory_space<vmem>>
    %dma_wait3A_1139 = tpu.memref_squeeze %dma_wait3A_1138 : memref<1x80x128xf32, #tpu.memory_space<vmem>> -> memref<80x128xf32, #tpu.memory_space<vmem>>
    %dma_wait3A_1140 = arith.constant 0 : i32
    %dma_wait3A_1141 = tpu.memref_slice %arg6[%dma_wait3A_1133, %dma_wait3A_1140] : memref<6x80xi32, #tpu.memory_space<vmem>> -> memref<1x80xi32, #tpu.memory_space<vmem>>
    %dma_wait3A_1142 = tpu.memref_squeeze %dma_wait3A_1141 : memref<1x80xi32, #tpu.memory_space<vmem>> -> memref<80xi32, #tpu.memory_space<vmem>>
    %dma_wait3A_1143 = arith.constant 0 : i32
    %dma_wait3A_1144 = arith.constant 0 : i32
    %dma_wait3A_1145 = tpu.memref_slice %arg2[%dma_wait3A_1143, %dma_wait3A_1144] : memref<20000x128xf32, #tpu.memory_space<hbm>> -> memref<20000x128xf32, #tpu.memory_space<hbm>>
    %dma_wait3A_1146 = tpu.memref_slice %arg10[%dma_wait3A_1135] : memref<3x!tpu.dma_semaphore, #tpu.memory_space<semaphore_mem>> -> memref<1x!tpu.dma_semaphore, #tpu.memory_space<semaphore_mem>>
    %dma_wait3A_1147 = tpu.memref_squeeze %dma_wait3A_1146 : memref<1x!tpu.dma_semaphore, #tpu.memory_space<semaphore_mem>> -> memref<!tpu.dma_semaphore, #tpu.memory_space<semaphore_mem>>
    tpu.wait_indirect_dma semaphore(%dma_wait3A_1147 : memref<!tpu.dma_semaphore, #tpu.memory_space<semaphore_mem>>) src(%dma_wait3A_1145 : memref<20000x128xf32, #tpu.memory_space<hbm>>) dst(%dma_wait3A_1139 : memref<80x128xf32, #tpu.memory_space<vmem>>)
    %dma_start3A_1148 = arith.constant 0 : i32
    %dma_start3A_1149 = arith.constant 0 : i32
    %dma_start3A_1150 = arith.constant 0 : i32
    %dma_start3A_1151 = arith.constant 0 : i32
    %dma_start3A_1152 = arith.constant 0 : i32
    %dma_start3A_1153 = tpu.memref_slice %arg8[%dma_start3A_1148, %dma_start3A_1151, %dma_start3A_1152] : memref<3x80x128xf32, #tpu.memory_space<vmem>> -> memref<1x80x128xf32, #tpu.memory_space<vmem>>
    %dma_start3A_1154 = tpu.memref_squeeze %dma_start3A_1153 : memref<1x80x128xf32, #tpu.memory_space<vmem>> -> memref<80x128xf32, #tpu.memory_space<vmem>>
    %dma_start3A_1155 = arith.constant 0 : i32
    %dma_start3A_1156 = tpu.memref_slice %arg7[%dma_start3A_1149, %dma_start3A_1155] : memref<6x80xi32, #tpu.memory_space<vmem>> -> memref<1x80xi32, #tpu.memory_space<vmem>>
    %dma_start3A_1157 = tpu.memref_squeeze %dma_start3A_1156 : memref<1x80xi32, #tpu.memory_space<vmem>> -> memref<80xi32, #tpu.memory_space<vmem>>
    %dma_start3A_1158 = arith.constant 0 : i32
    %dma_start3A_1159 = arith.constant 0 : i32
    %dma_start3A_1160 = tpu.memref_slice %arg9[%dma_start3A_1158, %dma_start3A_1159] : memref<10000x128xf32, #tpu.memory_space<vmem_shared>> -> memref<10000x128xf32, #tpu.memory_space<vmem_shared>>
    %dma_start3A_1161 = tpu.memref_slice %arg11[%dma_start3A_1150] : memref<3x!tpu.dma_semaphore, #tpu.memory_space<semaphore_mem>> -> memref<1x!tpu.dma_semaphore, #tpu.memory_space<semaphore_mem>>
    %dma_start3A_1162 = tpu.memref_squeeze %dma_start3A_1161 : memref<1x!tpu.dma_semaphore, #tpu.memory_space<semaphore_mem>> -> memref<!tpu.dma_semaphore, #tpu.memory_space<semaphore_mem>>
    tpu.enqueue_indirect_dma source(%dma_start3A_1154 : memref<80x128xf32, #tpu.memory_space<vmem>>) target(%dma_start3A_1160 : memref<10000x128xf32, #tpu.memory_space<vmem_shared>>) offsets(%dma_start3A_1157 : memref<80xi32, #tpu.memory_space<vmem>>) semaphore(%dma_start3A_1162 : memref<!tpu.dma_semaphore, #tpu.memory_space<semaphore_mem>>) {add = true}
    %dma_wait3A_1163 = arith.constant 2 : i32
    %dma_wait3A_1164 = arith.constant 5 : i32
    %dma_wait3A_1165 = arith.constant 2 : i32
    %dma_wait3A_1166 = arith.constant 0 : i32
    %dma_wait3A_1167 = arith.constant 0 : i32
    %dma_wait3A_1168 = tpu.memref_slice %arg8[%dma_wait3A_1163, %dma_wait3A_1166, %dma_wait3A_1167] : memref<3x80x128xf32, #tpu.memory_space<vmem>> -> memref<1x80x128xf32, #tpu.memory_space<vmem>>
    %dma_wait3A_1169 = tpu.memref_squeeze %dma_wait3A_1168 : memref<1x80x128xf32, #tpu.memory_space<vmem>> -> memref<80x128xf32, #tpu.memory_space<vmem>>
    %dma_wait3A_1170 = arith.constant 0 : i32
    %dma_wait3A_1171 = tpu.memref_slice %arg7[%dma_wait3A_1164, %dma_wait3A_1170] : memref<6x80xi32, #tpu.memory_space<vmem>> -> memref<1x80xi32, #tpu.memory_space<vmem>>
    %dma_wait3A_1172 = tpu.memref_squeeze %dma_wait3A_1171 : memref<1x80xi32, #tpu.memory_space<vmem>> -> memref<80xi32, #tpu.memory_space<vmem>>
    %dma_wait3A_1173 = arith.constant 0 : i32
    %dma_wait3A_1174 = arith.constant 0 : i32
    %dma_wait3A_1175 = tpu.memref_slice %arg9[%dma_wait3A_1173, %dma_wait3A_1174] : memref<10000x128xf32, #tpu.memory_space<vmem_shared>> -> memref<10000x128xf32, #tpu.memory_space<vmem_shared>>
    %dma_wait3A_1176 = tpu.memref_slice %arg11[%dma_wait3A_1165] : memref<3x!tpu.dma_semaphore, #tpu.memory_space<semaphore_mem>> -> memref<1x!tpu.dma_semaphore, #tpu.memory_space<semaphore_mem>>
    %dma_wait3A_1177 = tpu.memref_squeeze %dma_wait3A_1176 : memref<1x!tpu.dma_semaphore, #tpu.memory_space<semaphore_mem>> -> memref<!tpu.dma_semaphore, #tpu.memory_space<semaphore_mem>>
    tpu.wait_indirect_dma semaphore(%dma_wait3A_1177 : memref<!tpu.dma_semaphore, #tpu.memory_space<semaphore_mem>>) src(%dma_wait3A_1169 : memref<80x128xf32, #tpu.memory_space<vmem>>) dst(%dma_wait3A_1175 : memref<10000x128xf32, #tpu.memory_space<vmem_shared>>)
    %mul3A_1178 = arith.constant 250 : i32
    %mul3A_1179 = arith.muli %add3A, %mul3A_1178 : i32
    %add3A_1180 = arith.constant 248 : i32
    %add3A_1181 = arith.addi %mul3A_1179, %add3A_1180 : i32
    %dma_wait3A_1182 = arith.constant 2 : i32
    %dma_wait3A_1183 = arith.constant 2 : i32
    %dma_wait3A_1184 = arith.constant 0 : i32
    %dma_wait3A_1185 = tpu.memref_slice %arg6[%dma_wait3A_1182, %dma_wait3A_1184] : memref<6x80xi32, #tpu.memory_space<vmem>> -> memref<1x80xi32, #tpu.memory_space<vmem>>
    %dma_wait3A_1186 = tpu.memref_squeeze %dma_wait3A_1185 : memref<1x80xi32, #tpu.memory_space<vmem>> -> memref<80xi32, #tpu.memory_space<vmem>>
    %dma_wait3A_1187 = arith.constant 0 : i32
    %dma_wait3A_1188 = tpu.memref_slice %arg3[%add3A_1181, %dma_wait3A_1187] : memref<8000x80xi32, #tpu.memory_space<hbm>> -> memref<1x80xi32, #tpu.memory_space<hbm>>
    %dma_wait3A_1189 = tpu.memref_squeeze %dma_wait3A_1188 : memref<1x80xi32, #tpu.memory_space<hbm>> -> memref<80xi32, #tpu.memory_space<hbm>>
    %dma_wait3A_1190 = tpu.memref_slice %arg12[%dma_wait3A_1183] : memref<6x!tpu.dma_semaphore, #tpu.memory_space<semaphore_mem>> -> memref<1x!tpu.dma_semaphore, #tpu.memory_space<semaphore_mem>>
    %dma_wait3A_1191 = tpu.memref_squeeze %dma_wait3A_1190 : memref<1x!tpu.dma_semaphore, #tpu.memory_space<semaphore_mem>> -> memref<!tpu.dma_semaphore, #tpu.memory_space<semaphore_mem>>
    %dma_wait3A_1192 = arith.constant 0 : i32
    %dma_wait3A_1193 = tpu.memref_slice %arg6[%dma_wait3A_1182, %dma_wait3A_1192] : memref<6x80xi32, #tpu.memory_space<vmem>> -> memref<1x80xi32, #tpu.memory_space<vmem>>
    %dma_wait3A_1194 = tpu.memref_squeeze %dma_wait3A_1193 : memref<1x80xi32, #tpu.memory_space<vmem>> -> memref<80xi32, #tpu.memory_space<vmem>>
    %dma_wait3A_1195 = arith.constant 0 : i32
    %dma_wait3A_1196 = tpu.memref_slice %arg3[%add3A_1181, %dma_wait3A_1195] : memref<8000x80xi32, #tpu.memory_space<hbm>> -> memref<1x80xi32, #tpu.memory_space<hbm>>
    %dma_wait3A_1197 = tpu.memref_squeeze %dma_wait3A_1196 : memref<1x80xi32, #tpu.memory_space<hbm>> -> memref<80xi32, #tpu.memory_space<hbm>>
    tpu.wait_dma2 semaphore(%dma_wait3A_1191 : memref<!tpu.dma_semaphore, #tpu.memory_space<semaphore_mem>>) src(%dma_wait3A_1197 : memref<80xi32, #tpu.memory_space<hbm>>) dst(%dma_wait3A_1194 : memref<80xi32, #tpu.memory_space<vmem>>)
    %mul3A_1198 = arith.constant 250 : i32
    %mul3A_1199 = arith.muli %arg1, %mul3A_1198 : i32
    %add3A_1200 = arith.constant 248 : i32
    %add3A_1201 = arith.addi %mul3A_1199, %add3A_1200 : i32
    %dma_wait3A_1202 = arith.constant 2 : i32
    %dma_wait3A_1203 = arith.constant 2 : i32
    %dma_wait3A_1204 = arith.constant 0 : i32
    %dma_wait3A_1205 = tpu.memref_slice %arg7[%dma_wait3A_1202, %dma_wait3A_1204] : memref<6x80xi32, #tpu.memory_space<vmem>> -> memref<1x80xi32, #tpu.memory_space<vmem>>
    %dma_wait3A_1206 = tpu.memref_squeeze %dma_wait3A_1205 : memref<1x80xi32, #tpu.memory_space<vmem>> -> memref<80xi32, #tpu.memory_space<vmem>>
    %dma_wait3A_1207 = arith.constant 0 : i32
    %dma_wait3A_1208 = tpu.memref_slice %arg4[%add3A_1201, %dma_wait3A_1207] : memref<4000x80xi32, #tpu.memory_space<hbm>> -> memref<1x80xi32, #tpu.memory_space<hbm>>
    %dma_wait3A_1209 = tpu.memref_squeeze %dma_wait3A_1208 : memref<1x80xi32, #tpu.memory_space<hbm>> -> memref<80xi32, #tpu.memory_space<hbm>>
    %dma_wait3A_1210 = tpu.memref_slice %arg12[%dma_wait3A_1203] : memref<6x!tpu.dma_semaphore, #tpu.memory_space<semaphore_mem>> -> memref<1x!tpu.dma_semaphore, #tpu.memory_space<semaphore_mem>>
    %dma_wait3A_1211 = tpu.memref_squeeze %dma_wait3A_1210 : memref<1x!tpu.dma_semaphore, #tpu.memory_space<semaphore_mem>> -> memref<!tpu.dma_semaphore, #tpu.memory_space<semaphore_mem>>
    %dma_wait3A_1212 = arith.constant 0 : i32
    %dma_wait3A_1213 = tpu.memref_slice %arg7[%dma_wait3A_1202, %dma_wait3A_1212] : memref<6x80xi32, #tpu.memory_space<vmem>> -> memref<1x80xi32, #tpu.memory_space<vmem>>
    %dma_wait3A_1214 = tpu.memref_squeeze %dma_wait3A_1213 : memref<1x80xi32, #tpu.memory_space<vmem>> -> memref<80xi32, #tpu.memory_space<vmem>>
    %dma_wait3A_1215 = arith.constant 0 : i32
    %dma_wait3A_1216 = tpu.memref_slice %arg4[%add3A_1201, %dma_wait3A_1215] : memref<4000x80xi32, #tpu.memory_space<hbm>> -> memref<1x80xi32, #tpu.memory_space<hbm>>
    %dma_wait3A_1217 = tpu.memref_squeeze %dma_wait3A_1216 : memref<1x80xi32, #tpu.memory_space<hbm>> -> memref<80xi32, #tpu.memory_space<hbm>>
    tpu.wait_dma2 semaphore(%dma_wait3A_1211 : memref<!tpu.dma_semaphore, #tpu.memory_space<semaphore_mem>>) src(%dma_wait3A_1217 : memref<80xi32, #tpu.memory_space<hbm>>) dst(%dma_wait3A_1214 : memref<80xi32, #tpu.memory_space<vmem>>)
    %dma_start3A_1218 = arith.constant 2 : i32
    %dma_start3A_1219 = arith.constant 2 : i32
    %dma_start3A_1220 = arith.constant 2 : i32
    %dma_start3A_1221 = arith.constant 0 : i32
    %dma_start3A_1222 = arith.constant 0 : i32
    %dma_start3A_1223 = tpu.memref_slice %arg8[%dma_start3A_1219, %dma_start3A_1221, %dma_start3A_1222] : memref<3x80x128xf32, #tpu.memory_space<vmem>> -> memref<1x80x128xf32, #tpu.memory_space<vmem>>
    %dma_start3A_1224 = tpu.memref_squeeze %dma_start3A_1223 : memref<1x80x128xf32, #tpu.memory_space<vmem>> -> memref<80x128xf32, #tpu.memory_space<vmem>>
    %dma_start3A_1225 = arith.constant 0 : i32
    %dma_start3A_1226 = tpu.memref_slice %arg6[%dma_start3A_1218, %dma_start3A_1225] : memref<6x80xi32, #tpu.memory_space<vmem>> -> memref<1x80xi32, #tpu.memory_space<vmem>>
    %dma_start3A_1227 = tpu.memref_squeeze %dma_start3A_1226 : memref<1x80xi32, #tpu.memory_space<vmem>> -> memref<80xi32, #tpu.memory_space<vmem>>
    %dma_start3A_1228 = arith.constant 0 : i32
    %dma_start3A_1229 = arith.constant 0 : i32
    %dma_start3A_1230 = tpu.memref_slice %arg2[%dma_start3A_1228, %dma_start3A_1229] : memref<20000x128xf32, #tpu.memory_space<hbm>> -> memref<20000x128xf32, #tpu.memory_space<hbm>>
    %dma_start3A_1231 = tpu.memref_slice %arg10[%dma_start3A_1220] : memref<3x!tpu.dma_semaphore, #tpu.memory_space<semaphore_mem>> -> memref<1x!tpu.dma_semaphore, #tpu.memory_space<semaphore_mem>>
    %dma_start3A_1232 = tpu.memref_squeeze %dma_start3A_1231 : memref<1x!tpu.dma_semaphore, #tpu.memory_space<semaphore_mem>> -> memref<!tpu.dma_semaphore, #tpu.memory_space<semaphore_mem>>
    tpu.enqueue_indirect_dma source(%dma_start3A_1230 : memref<20000x128xf32, #tpu.memory_space<hbm>>) target(%dma_start3A_1224 : memref<80x128xf32, #tpu.memory_space<vmem>>) offsets(%dma_start3A_1227 : memref<80xi32, #tpu.memory_space<vmem>>) semaphore(%dma_start3A_1232 : memref<!tpu.dma_semaphore, #tpu.memory_space<semaphore_mem>>)
    %dma_wait3A_1233 = arith.constant 1 : i32
    %dma_wait3A_1234 = arith.constant 1 : i32
    %dma_wait3A_1235 = arith.constant 1 : i32
    %dma_wait3A_1236 = arith.constant 0 : i32
    %dma_wait3A_1237 = arith.constant 0 : i32
    %dma_wait3A_1238 = tpu.memref_slice %arg8[%dma_wait3A_1234, %dma_wait3A_1236, %dma_wait3A_1237] : memref<3x80x128xf32, #tpu.memory_space<vmem>> -> memref<1x80x128xf32, #tpu.memory_space<vmem>>
    %dma_wait3A_1239 = tpu.memref_squeeze %dma_wait3A_1238 : memref<1x80x128xf32, #tpu.memory_space<vmem>> -> memref<80x128xf32, #tpu.memory_space<vmem>>
    %dma_wait3A_1240 = arith.constant 0 : i32
    %dma_wait3A_1241 = tpu.memref_slice %arg6[%dma_wait3A_1233, %dma_wait3A_1240] : memref<6x80xi32, #tpu.memory_space<vmem>> -> memref<1x80xi32, #tpu.memory_space<vmem>>
    %dma_wait3A_1242 = tpu.memref_squeeze %dma_wait3A_1241 : memref<1x80xi32, #tpu.memory_space<vmem>> -> memref<80xi32, #tpu.memory_space<vmem>>
    %dma_wait3A_1243 = arith.constant 0 : i32
    %dma_wait3A_1244 = arith.constant 0 : i32
    %dma_wait3A_1245 = tpu.memref_slice %arg2[%dma_wait3A_1243, %dma_wait3A_1244] : memref<20000x128xf32, #tpu.memory_space<hbm>> -> memref<20000x128xf32, #tpu.memory_space<hbm>>
    %dma_wait3A_1246 = tpu.memref_slice %arg10[%dma_wait3A_1235] : memref<3x!tpu.dma_semaphore, #tpu.memory_space<semaphore_mem>> -> memref<1x!tpu.dma_semaphore, #tpu.memory_space<semaphore_mem>>
    %dma_wait3A_1247 = tpu.memref_squeeze %dma_wait3A_1246 : memref<1x!tpu.dma_semaphore, #tpu.memory_space<semaphore_mem>> -> memref<!tpu.dma_semaphore, #tpu.memory_space<semaphore_mem>>
    tpu.wait_indirect_dma semaphore(%dma_wait3A_1247 : memref<!tpu.dma_semaphore, #tpu.memory_space<semaphore_mem>>) src(%dma_wait3A_1245 : memref<20000x128xf32, #tpu.memory_space<hbm>>) dst(%dma_wait3A_1239 : memref<80x128xf32, #tpu.memory_space<vmem>>)
    %dma_start3A_1248 = arith.constant 1 : i32
    %dma_start3A_1249 = arith.constant 1 : i32
    %dma_start3A_1250 = arith.constant 1 : i32
    %dma_start3A_1251 = arith.constant 0 : i32
    %dma_start3A_1252 = arith.constant 0 : i32
    %dma_start3A_1253 = tpu.memref_slice %arg8[%dma_start3A_1248, %dma_start3A_1251, %dma_start3A_1252] : memref<3x80x128xf32, #tpu.memory_space<vmem>> -> memref<1x80x128xf32, #tpu.memory_space<vmem>>
    %dma_start3A_1254 = tpu.memref_squeeze %dma_start3A_1253 : memref<1x80x128xf32, #tpu.memory_space<vmem>> -> memref<80x128xf32, #tpu.memory_space<vmem>>
    %dma_start3A_1255 = arith.constant 0 : i32
    %dma_start3A_1256 = tpu.memref_slice %arg7[%dma_start3A_1249, %dma_start3A_1255] : memref<6x80xi32, #tpu.memory_space<vmem>> -> memref<1x80xi32, #tpu.memory_space<vmem>>
    %dma_start3A_1257 = tpu.memref_squeeze %dma_start3A_1256 : memref<1x80xi32, #tpu.memory_space<vmem>> -> memref<80xi32, #tpu.memory_space<vmem>>
    %dma_start3A_1258 = arith.constant 0 : i32
    %dma_start3A_1259 = arith.constant 0 : i32
    %dma_start3A_1260 = tpu.memref_slice %arg9[%dma_start3A_1258, %dma_start3A_1259] : memref<10000x128xf32, #tpu.memory_space<vmem_shared>> -> memref<10000x128xf32, #tpu.memory_space<vmem_shared>>
    %dma_start3A_1261 = tpu.memref_slice %arg11[%dma_start3A_1250] : memref<3x!tpu.dma_semaphore, #tpu.memory_space<semaphore_mem>> -> memref<1x!tpu.dma_semaphore, #tpu.memory_space<semaphore_mem>>
    %dma_start3A_1262 = tpu.memref_squeeze %dma_start3A_1261 : memref<1x!tpu.dma_semaphore, #tpu.memory_space<semaphore_mem>> -> memref<!tpu.dma_semaphore, #tpu.memory_space<semaphore_mem>>
    tpu.enqueue_indirect_dma source(%dma_start3A_1254 : memref<80x128xf32, #tpu.memory_space<vmem>>) target(%dma_start3A_1260 : memref<10000x128xf32, #tpu.memory_space<vmem_shared>>) offsets(%dma_start3A_1257 : memref<80xi32, #tpu.memory_space<vmem>>) semaphore(%dma_start3A_1262 : memref<!tpu.dma_semaphore, #tpu.memory_space<semaphore_mem>>) {add = true}
    %dma_wait3A_1263 = arith.constant 0 : i32
    %dma_wait3A_1264 = arith.constant 0 : i32
    %dma_wait3A_1265 = arith.constant 0 : i32
    %dma_wait3A_1266 = arith.constant 0 : i32
    %dma_wait3A_1267 = arith.constant 0 : i32
    %dma_wait3A_1268 = tpu.memref_slice %arg8[%dma_wait3A_1263, %dma_wait3A_1266, %dma_wait3A_1267] : memref<3x80x128xf32, #tpu.memory_space<vmem>> -> memref<1x80x128xf32, #tpu.memory_space<vmem>>
    %dma_wait3A_1269 = tpu.memref_squeeze %dma_wait3A_1268 : memref<1x80x128xf32, #tpu.memory_space<vmem>> -> memref<80x128xf32, #tpu.memory_space<vmem>>
    %dma_wait3A_1270 = arith.constant 0 : i32
    %dma_wait3A_1271 = tpu.memref_slice %arg7[%dma_wait3A_1264, %dma_wait3A_1270] : memref<6x80xi32, #tpu.memory_space<vmem>> -> memref<1x80xi32, #tpu.memory_space<vmem>>
    %dma_wait3A_1272 = tpu.memref_squeeze %dma_wait3A_1271 : memref<1x80xi32, #tpu.memory_space<vmem>> -> memref<80xi32, #tpu.memory_space<vmem>>
    %dma_wait3A_1273 = arith.constant 0 : i32
    %dma_wait3A_1274 = arith.constant 0 : i32
    %dma_wait3A_1275 = tpu.memref_slice %arg9[%dma_wait3A_1273, %dma_wait3A_1274] : memref<10000x128xf32, #tpu.memory_space<vmem_shared>> -> memref<10000x128xf32, #tpu.memory_space<vmem_shared>>
    %dma_wait3A_1276 = tpu.memref_slice %arg11[%dma_wait3A_1265] : memref<3x!tpu.dma_semaphore, #tpu.memory_space<semaphore_mem>> -> memref<1x!tpu.dma_semaphore, #tpu.memory_space<semaphore_mem>>
    %dma_wait3A_1277 = tpu.memref_squeeze %dma_wait3A_1276 : memref<1x!tpu.dma_semaphore, #tpu.memory_space<semaphore_mem>> -> memref<!tpu.dma_semaphore, #tpu.memory_space<semaphore_mem>>
    tpu.wait_indirect_dma semaphore(%dma_wait3A_1277 : memref<!tpu.dma_semaphore, #tpu.memory_space<semaphore_mem>>) src(%dma_wait3A_1269 : memref<80x128xf32, #tpu.memory_space<vmem>>) dst(%dma_wait3A_1275 : memref<10000x128xf32, #tpu.memory_space<vmem_shared>>)
    %mul3A_1278 = arith.constant 250 : i32
    %mul3A_1279 = arith.muli %add3A, %mul3A_1278 : i32
    %add3A_1280 = arith.constant 249 : i32
    %add3A_1281 = arith.addi %mul3A_1279, %add3A_1280 : i32
    %dma_wait3A_1282 = arith.constant 3 : i32
    %dma_wait3A_1283 = arith.constant 3 : i32
    %dma_wait3A_1284 = arith.constant 0 : i32
    %dma_wait3A_1285 = tpu.memref_slice %arg6[%dma_wait3A_1282, %dma_wait3A_1284] : memref<6x80xi32, #tpu.memory_space<vmem>> -> memref<1x80xi32, #tpu.memory_space<vmem>>
    %dma_wait3A_1286 = tpu.memref_squeeze %dma_wait3A_1285 : memref<1x80xi32, #tpu.memory_space<vmem>> -> memref<80xi32, #tpu.memory_space<vmem>>
    %dma_wait3A_1287 = arith.constant 0 : i32
    %dma_wait3A_1288 = tpu.memref_slice %arg3[%add3A_1281, %dma_wait3A_1287] : memref<8000x80xi32, #tpu.memory_space<hbm>> -> memref<1x80xi32, #tpu.memory_space<hbm>>
    %dma_wait3A_1289 = tpu.memref_squeeze %dma_wait3A_1288 : memref<1x80xi32, #tpu.memory_space<hbm>> -> memref<80xi32, #tpu.memory_space<hbm>>
    %dma_wait3A_1290 = tpu.memref_slice %arg12[%dma_wait3A_1283] : memref<6x!tpu.dma_semaphore, #tpu.memory_space<semaphore_mem>> -> memref<1x!tpu.dma_semaphore, #tpu.memory_space<semaphore_mem>>
    %dma_wait3A_1291 = tpu.memref_squeeze %dma_wait3A_1290 : memref<1x!tpu.dma_semaphore, #tpu.memory_space<semaphore_mem>> -> memref<!tpu.dma_semaphore, #tpu.memory_space<semaphore_mem>>
    %dma_wait3A_1292 = arith.constant 0 : i32
    %dma_wait3A_1293 = tpu.memref_slice %arg6[%dma_wait3A_1282, %dma_wait3A_1292] : memref<6x80xi32, #tpu.memory_space<vmem>> -> memref<1x80xi32, #tpu.memory_space<vmem>>
    %dma_wait3A_1294 = tpu.memref_squeeze %dma_wait3A_1293 : memref<1x80xi32, #tpu.memory_space<vmem>> -> memref<80xi32, #tpu.memory_space<vmem>>
    %dma_wait3A_1295 = arith.constant 0 : i32
    %dma_wait3A_1296 = tpu.memref_slice %arg3[%add3A_1281, %dma_wait3A_1295] : memref<8000x80xi32, #tpu.memory_space<hbm>> -> memref<1x80xi32, #tpu.memory_space<hbm>>
    %dma_wait3A_1297 = tpu.memref_squeeze %dma_wait3A_1296 : memref<1x80xi32, #tpu.memory_space<hbm>> -> memref<80xi32, #tpu.memory_space<hbm>>
    tpu.wait_dma2 semaphore(%dma_wait3A_1291 : memref<!tpu.dma_semaphore, #tpu.memory_space<semaphore_mem>>) src(%dma_wait3A_1297 : memref<80xi32, #tpu.memory_space<hbm>>) dst(%dma_wait3A_1294 : memref<80xi32, #tpu.memory_space<vmem>>)
    %mul3A_1298 = arith.constant 250 : i32
    %mul3A_1299 = arith.muli %arg1, %mul3A_1298 : i32
    %add3A_1300 = arith.constant 249 : i32
    %add3A_1301 = arith.addi %mul3A_1299, %add3A_1300 : i32
    %dma_wait3A_1302 = arith.constant 3 : i32
    %dma_wait3A_1303 = arith.constant 3 : i32
    %dma_wait3A_1304 = arith.constant 0 : i32
    %dma_wait3A_1305 = tpu.memref_slice %arg7[%dma_wait3A_1302, %dma_wait3A_1304] : memref<6x80xi32, #tpu.memory_space<vmem>> -> memref<1x80xi32, #tpu.memory_space<vmem>>
    %dma_wait3A_1306 = tpu.memref_squeeze %dma_wait3A_1305 : memref<1x80xi32, #tpu.memory_space<vmem>> -> memref<80xi32, #tpu.memory_space<vmem>>
    %dma_wait3A_1307 = arith.constant 0 : i32
    %dma_wait3A_1308 = tpu.memref_slice %arg4[%add3A_1301, %dma_wait3A_1307] : memref<4000x80xi32, #tpu.memory_space<hbm>> -> memref<1x80xi32, #tpu.memory_space<hbm>>
    %dma_wait3A_1309 = tpu.memref_squeeze %dma_wait3A_1308 : memref<1x80xi32, #tpu.memory_space<hbm>> -> memref<80xi32, #tpu.memory_space<hbm>>
    %dma_wait3A_1310 = tpu.memref_slice %arg12[%dma_wait3A_1303] : memref<6x!tpu.dma_semaphore, #tpu.memory_space<semaphore_mem>> -> memref<1x!tpu.dma_semaphore, #tpu.memory_space<semaphore_mem>>
    %dma_wait3A_1311 = tpu.memref_squeeze %dma_wait3A_1310 : memref<1x!tpu.dma_semaphore, #tpu.memory_space<semaphore_mem>> -> memref<!tpu.dma_semaphore, #tpu.memory_space<semaphore_mem>>
    %dma_wait3A_1312 = arith.constant 0 : i32
    %dma_wait3A_1313 = tpu.memref_slice %arg7[%dma_wait3A_1302, %dma_wait3A_1312] : memref<6x80xi32, #tpu.memory_space<vmem>> -> memref<1x80xi32, #tpu.memory_space<vmem>>
    %dma_wait3A_1314 = tpu.memref_squeeze %dma_wait3A_1313 : memref<1x80xi32, #tpu.memory_space<vmem>> -> memref<80xi32, #tpu.memory_space<vmem>>
    %dma_wait3A_1315 = arith.constant 0 : i32
    %dma_wait3A_1316 = tpu.memref_slice %arg4[%add3A_1301, %dma_wait3A_1315] : memref<4000x80xi32, #tpu.memory_space<hbm>> -> memref<1x80xi32, #tpu.memory_space<hbm>>
    %dma_wait3A_1317 = tpu.memref_squeeze %dma_wait3A_1316 : memref<1x80xi32, #tpu.memory_space<hbm>> -> memref<80xi32, #tpu.memory_space<hbm>>
    tpu.wait_dma2 semaphore(%dma_wait3A_1311 : memref<!tpu.dma_semaphore, #tpu.memory_space<semaphore_mem>>) src(%dma_wait3A_1317 : memref<80xi32, #tpu.memory_space<hbm>>) dst(%dma_wait3A_1314 : memref<80xi32, #tpu.memory_space<vmem>>)
    %dma_start3A_1318 = arith.constant 3 : i32
    %dma_start3A_1319 = arith.constant 0 : i32
    %dma_start3A_1320 = arith.constant 0 : i32
    %dma_start3A_1321 = arith.constant 0 : i32
    %dma_start3A_1322 = arith.constant 0 : i32
    %dma_start3A_1323 = tpu.memref_slice %arg8[%dma_start3A_1319, %dma_start3A_1321, %dma_start3A_1322] : memref<3x80x128xf32, #tpu.memory_space<vmem>> -> memref<1x80x128xf32, #tpu.memory_space<vmem>>
    %dma_start3A_1324 = tpu.memref_squeeze %dma_start3A_1323 : memref<1x80x128xf32, #tpu.memory_space<vmem>> -> memref<80x128xf32, #tpu.memory_space<vmem>>
    %dma_start3A_1325 = arith.constant 0 : i32
    %dma_start3A_1326 = tpu.memref_slice %arg6[%dma_start3A_1318, %dma_start3A_1325] : memref<6x80xi32, #tpu.memory_space<vmem>> -> memref<1x80xi32, #tpu.memory_space<vmem>>
    %dma_start3A_1327 = tpu.memref_squeeze %dma_start3A_1326 : memref<1x80xi32, #tpu.memory_space<vmem>> -> memref<80xi32, #tpu.memory_space<vmem>>
    %dma_start3A_1328 = arith.constant 0 : i32
    %dma_start3A_1329 = arith.constant 0 : i32
    %dma_start3A_1330 = tpu.memref_slice %arg2[%dma_start3A_1328, %dma_start3A_1329] : memref<20000x128xf32, #tpu.memory_space<hbm>> -> memref<20000x128xf32, #tpu.memory_space<hbm>>
    %dma_start3A_1331 = tpu.memref_slice %arg10[%dma_start3A_1320] : memref<3x!tpu.dma_semaphore, #tpu.memory_space<semaphore_mem>> -> memref<1x!tpu.dma_semaphore, #tpu.memory_space<semaphore_mem>>
    %dma_start3A_1332 = tpu.memref_squeeze %dma_start3A_1331 : memref<1x!tpu.dma_semaphore, #tpu.memory_space<semaphore_mem>> -> memref<!tpu.dma_semaphore, #tpu.memory_space<semaphore_mem>>
    tpu.enqueue_indirect_dma source(%dma_start3A_1330 : memref<20000x128xf32, #tpu.memory_space<hbm>>) target(%dma_start3A_1324 : memref<80x128xf32, #tpu.memory_space<vmem>>) offsets(%dma_start3A_1327 : memref<80xi32, #tpu.memory_space<vmem>>) semaphore(%dma_start3A_1332 : memref<!tpu.dma_semaphore, #tpu.memory_space<semaphore_mem>>)
    %dma_wait3A_1333 = arith.constant 2 : i32
    %dma_wait3A_1334 = arith.constant 2 : i32
    %dma_wait3A_1335 = arith.constant 2 : i32
    %dma_wait3A_1336 = arith.constant 0 : i32
    %dma_wait3A_1337 = arith.constant 0 : i32
    %dma_wait3A_1338 = tpu.memref_slice %arg8[%dma_wait3A_1334, %dma_wait3A_1336, %dma_wait3A_1337] : memref<3x80x128xf32, #tpu.memory_space<vmem>> -> memref<1x80x128xf32, #tpu.memory_space<vmem>>
    %dma_wait3A_1339 = tpu.memref_squeeze %dma_wait3A_1338 : memref<1x80x128xf32, #tpu.memory_space<vmem>> -> memref<80x128xf32, #tpu.memory_space<vmem>>
    %dma_wait3A_1340 = arith.constant 0 : i32
    %dma_wait3A_1341 = tpu.memref_slice %arg6[%dma_wait3A_1333, %dma_wait3A_1340] : memref<6x80xi32, #tpu.memory_space<vmem>> -> memref<1x80xi32, #tpu.memory_space<vmem>>
    %dma_wait3A_1342 = tpu.memref_squeeze %dma_wait3A_1341 : memref<1x80xi32, #tpu.memory_space<vmem>> -> memref<80xi32, #tpu.memory_space<vmem>>
    %dma_wait3A_1343 = arith.constant 0 : i32
    %dma_wait3A_1344 = arith.constant 0 : i32
    %dma_wait3A_1345 = tpu.memref_slice %arg2[%dma_wait3A_1343, %dma_wait3A_1344] : memref<20000x128xf32, #tpu.memory_space<hbm>> -> memref<20000x128xf32, #tpu.memory_space<hbm>>
    %dma_wait3A_1346 = tpu.memref_slice %arg10[%dma_wait3A_1335] : memref<3x!tpu.dma_semaphore, #tpu.memory_space<semaphore_mem>> -> memref<1x!tpu.dma_semaphore, #tpu.memory_space<semaphore_mem>>
    %dma_wait3A_1347 = tpu.memref_squeeze %dma_wait3A_1346 : memref<1x!tpu.dma_semaphore, #tpu.memory_space<semaphore_mem>> -> memref<!tpu.dma_semaphore, #tpu.memory_space<semaphore_mem>>
    tpu.wait_indirect_dma semaphore(%dma_wait3A_1347 : memref<!tpu.dma_semaphore, #tpu.memory_space<semaphore_mem>>) src(%dma_wait3A_1345 : memref<20000x128xf32, #tpu.memory_space<hbm>>) dst(%dma_wait3A_1339 : memref<80x128xf32, #tpu.memory_space<vmem>>)
    %dma_start3A_1348 = arith.constant 2 : i32
    %dma_start3A_1349 = arith.constant 2 : i32
    %dma_start3A_1350 = arith.constant 2 : i32
    %dma_start3A_1351 = arith.constant 0 : i32
    %dma_start3A_1352 = arith.constant 0 : i32
    %dma_start3A_1353 = tpu.memref_slice %arg8[%dma_start3A_1348, %dma_start3A_1351, %dma_start3A_1352] : memref<3x80x128xf32, #tpu.memory_space<vmem>> -> memref<1x80x128xf32, #tpu.memory_space<vmem>>
    %dma_start3A_1354 = tpu.memref_squeeze %dma_start3A_1353 : memref<1x80x128xf32, #tpu.memory_space<vmem>> -> memref<80x128xf32, #tpu.memory_space<vmem>>
    %dma_start3A_1355 = arith.constant 0 : i32
    %dma_start3A_1356 = tpu.memref_slice %arg7[%dma_start3A_1349, %dma_start3A_1355] : memref<6x80xi32, #tpu.memory_space<vmem>> -> memref<1x80xi32, #tpu.memory_space<vmem>>
    %dma_start3A_1357 = tpu.memref_squeeze %dma_start3A_1356 : memref<1x80xi32, #tpu.memory_space<vmem>> -> memref<80xi32, #tpu.memory_space<vmem>>
    %dma_start3A_1358 = arith.constant 0 : i32
    %dma_start3A_1359 = arith.constant 0 : i32
    %dma_start3A_1360 = tpu.memref_slice %arg9[%dma_start3A_1358, %dma_start3A_1359] : memref<10000x128xf32, #tpu.memory_space<vmem_shared>> -> memref<10000x128xf32, #tpu.memory_space<vmem_shared>>
    %dma_start3A_1361 = tpu.memref_slice %arg11[%dma_start3A_1350] : memref<3x!tpu.dma_semaphore, #tpu.memory_space<semaphore_mem>> -> memref<1x!tpu.dma_semaphore, #tpu.memory_space<semaphore_mem>>
    %dma_start3A_1362 = tpu.memref_squeeze %dma_start3A_1361 : memref<1x!tpu.dma_semaphore, #tpu.memory_space<semaphore_mem>> -> memref<!tpu.dma_semaphore, #tpu.memory_space<semaphore_mem>>
    tpu.enqueue_indirect_dma source(%dma_start3A_1354 : memref<80x128xf32, #tpu.memory_space<vmem>>) target(%dma_start3A_1360 : memref<10000x128xf32, #tpu.memory_space<vmem_shared>>) offsets(%dma_start3A_1357 : memref<80xi32, #tpu.memory_space<vmem>>) semaphore(%dma_start3A_1362 : memref<!tpu.dma_semaphore, #tpu.memory_space<semaphore_mem>>) {add = true}
    %dma_wait3A_1363 = arith.constant 3 : i32
    %dma_wait3A_1364 = arith.constant 0 : i32
    %dma_wait3A_1365 = arith.constant 0 : i32
    %dma_wait3A_1366 = arith.constant 0 : i32
    %dma_wait3A_1367 = arith.constant 0 : i32
    %dma_wait3A_1368 = tpu.memref_slice %arg8[%dma_wait3A_1364, %dma_wait3A_1366, %dma_wait3A_1367] : memref<3x80x128xf32, #tpu.memory_space<vmem>> -> memref<1x80x128xf32, #tpu.memory_space<vmem>>
    %dma_wait3A_1369 = tpu.memref_squeeze %dma_wait3A_1368 : memref<1x80x128xf32, #tpu.memory_space<vmem>> -> memref<80x128xf32, #tpu.memory_space<vmem>>
    %dma_wait3A_1370 = arith.constant 0 : i32
    %dma_wait3A_1371 = tpu.memref_slice %arg6[%dma_wait3A_1363, %dma_wait3A_1370] : memref<6x80xi32, #tpu.memory_space<vmem>> -> memref<1x80xi32, #tpu.memory_space<vmem>>
    %dma_wait3A_1372 = tpu.memref_squeeze %dma_wait3A_1371 : memref<1x80xi32, #tpu.memory_space<vmem>> -> memref<80xi32, #tpu.memory_space<vmem>>
    %dma_wait3A_1373 = arith.constant 0 : i32
    %dma_wait3A_1374 = arith.constant 0 : i32
    %dma_wait3A_1375 = tpu.memref_slice %arg2[%dma_wait3A_1373, %dma_wait3A_1374] : memref<20000x128xf32, #tpu.memory_space<hbm>> -> memref<20000x128xf32, #tpu.memory_space<hbm>>
    %dma_wait3A_1376 = tpu.memref_slice %arg10[%dma_wait3A_1365] : memref<3x!tpu.dma_semaphore, #tpu.memory_space<semaphore_mem>> -> memref<1x!tpu.dma_semaphore, #tpu.memory_space<semaphore_mem>>
    %dma_wait3A_1377 = tpu.memref_squeeze %dma_wait3A_1376 : memref<1x!tpu.dma_semaphore, #tpu.memory_space<semaphore_mem>> -> memref<!tpu.dma_semaphore, #tpu.memory_space<semaphore_mem>>
    tpu.wait_indirect_dma semaphore(%dma_wait3A_1377 : memref<!tpu.dma_semaphore, #tpu.memory_space<semaphore_mem>>) src(%dma_wait3A_1375 : memref<20000x128xf32, #tpu.memory_space<hbm>>) dst(%dma_wait3A_1369 : memref<80x128xf32, #tpu.memory_space<vmem>>)
    %dma_start3A_1378 = arith.constant 0 : i32
    %dma_start3A_1379 = arith.constant 3 : i32
    %dma_start3A_1380 = arith.constant 0 : i32
    %dma_start3A_1381 = arith.constant 0 : i32
    %dma_start3A_1382 = arith.constant 0 : i32
    %dma_start3A_1383 = tpu.memref_slice %arg8[%dma_start3A_1378, %dma_start3A_1381, %dma_start3A_1382] : memref<3x80x128xf32, #tpu.memory_space<vmem>> -> memref<1x80x128xf32, #tpu.memory_space<vmem>>
    %dma_start3A_1384 = tpu.memref_squeeze %dma_start3A_1383 : memref<1x80x128xf32, #tpu.memory_space<vmem>> -> memref<80x128xf32, #tpu.memory_space<vmem>>
    %dma_start3A_1385 = arith.constant 0 : i32
    %dma_start3A_1386 = tpu.memref_slice %arg7[%dma_start3A_1379, %dma_start3A_1385] : memref<6x80xi32, #tpu.memory_space<vmem>> -> memref<1x80xi32, #tpu.memory_space<vmem>>
    %dma_start3A_1387 = tpu.memref_squeeze %dma_start3A_1386 : memref<1x80xi32, #tpu.memory_space<vmem>> -> memref<80xi32, #tpu.memory_space<vmem>>
    %dma_start3A_1388 = arith.constant 0 : i32
    %dma_start3A_1389 = arith.constant 0 : i32
    %dma_start3A_1390 = tpu.memref_slice %arg9[%dma_start3A_1388, %dma_start3A_1389] : memref<10000x128xf32, #tpu.memory_space<vmem_shared>> -> memref<10000x128xf32, #tpu.memory_space<vmem_shared>>
    %dma_start3A_1391 = tpu.memref_slice %arg11[%dma_start3A_1380] : memref<3x!tpu.dma_semaphore, #tpu.memory_space<semaphore_mem>> -> memref<1x!tpu.dma_semaphore, #tpu.memory_space<semaphore_mem>>
    %dma_start3A_1392 = tpu.memref_squeeze %dma_start3A_1391 : memref<1x!tpu.dma_semaphore, #tpu.memory_space<semaphore_mem>> -> memref<!tpu.dma_semaphore, #tpu.memory_space<semaphore_mem>>
    tpu.enqueue_indirect_dma source(%dma_start3A_1384 : memref<80x128xf32, #tpu.memory_space<vmem>>) target(%dma_start3A_1390 : memref<10000x128xf32, #tpu.memory_space<vmem_shared>>) offsets(%dma_start3A_1387 : memref<80xi32, #tpu.memory_space<vmem>>) semaphore(%dma_start3A_1392 : memref<!tpu.dma_semaphore, #tpu.memory_space<semaphore_mem>>) {add = true}
    %dma_wait3A_1393 = arith.constant 1 : i32
    %dma_wait3A_1394 = arith.constant 1 : i32
    %dma_wait3A_1395 = arith.constant 1 : i32
    %dma_wait3A_1396 = arith.constant 0 : i32
    %dma_wait3A_1397 = arith.constant 0 : i32
    %dma_wait3A_1398 = tpu.memref_slice %arg8[%dma_wait3A_1393, %dma_wait3A_1396, %dma_wait3A_1397] : memref<3x80x128xf32, #tpu.memory_space<vmem>> -> memref<1x80x128xf32, #tpu.memory_space<vmem>>
    %dma_wait3A_1399 = tpu.memref_squeeze %dma_wait3A_1398 : memref<1x80x128xf32, #tpu.memory_space<vmem>> -> memref<80x128xf32, #tpu.memory_space<vmem>>
    %dma_wait3A_1400 = arith.constant 0 : i32
    %dma_wait3A_1401 = tpu.memref_slice %arg7[%dma_wait3A_1394, %dma_wait3A_1400] : memref<6x80xi32, #tpu.memory_space<vmem>> -> memref<1x80xi32, #tpu.memory_space<vmem>>
    %dma_wait3A_1402 = tpu.memref_squeeze %dma_wait3A_1401 : memref<1x80xi32, #tpu.memory_space<vmem>> -> memref<80xi32, #tpu.memory_space<vmem>>
    %dma_wait3A_1403 = arith.constant 0 : i32
    %dma_wait3A_1404 = arith.constant 0 : i32
    %dma_wait3A_1405 = tpu.memref_slice %arg9[%dma_wait3A_1403, %dma_wait3A_1404] : memref<10000x128xf32, #tpu.memory_space<vmem_shared>> -> memref<10000x128xf32, #tpu.memory_space<vmem_shared>>
    %dma_wait3A_1406 = tpu.memref_slice %arg11[%dma_wait3A_1395] : memref<3x!tpu.dma_semaphore, #tpu.memory_space<semaphore_mem>> -> memref<1x!tpu.dma_semaphore, #tpu.memory_space<semaphore_mem>>
    %dma_wait3A_1407 = tpu.memref_squeeze %dma_wait3A_1406 : memref<1x!tpu.dma_semaphore, #tpu.memory_space<semaphore_mem>> -> memref<!tpu.dma_semaphore, #tpu.memory_space<semaphore_mem>>
    tpu.wait_indirect_dma semaphore(%dma_wait3A_1407 : memref<!tpu.dma_semaphore, #tpu.memory_space<semaphore_mem>>) src(%dma_wait3A_1399 : memref<80x128xf32, #tpu.memory_space<vmem>>) dst(%dma_wait3A_1405 : memref<10000x128xf32, #tpu.memory_space<vmem_shared>>)
    %dma_wait3A_1408 = arith.constant 2 : i32
    %dma_wait3A_1409 = arith.constant 2 : i32
    %dma_wait3A_1410 = arith.constant 2 : i32
    %dma_wait3A_1411 = arith.constant 0 : i32
    %dma_wait3A_1412 = arith.constant 0 : i32
    %dma_wait3A_1413 = tpu.memref_slice %arg8[%dma_wait3A_1408, %dma_wait3A_1411, %dma_wait3A_1412] : memref<3x80x128xf32, #tpu.memory_space<vmem>> -> memref<1x80x128xf32, #tpu.memory_space<vmem>>
    %dma_wait3A_1414 = tpu.memref_squeeze %dma_wait3A_1413 : memref<1x80x128xf32, #tpu.memory_space<vmem>> -> memref<80x128xf32, #tpu.memory_space<vmem>>
    %dma_wait3A_1415 = arith.constant 0 : i32
    %dma_wait3A_1416 = tpu.memref_slice %arg7[%dma_wait3A_1409, %dma_wait3A_1415] : memref<6x80xi32, #tpu.memory_space<vmem>> -> memref<1x80xi32, #tpu.memory_space<vmem>>
    %dma_wait3A_1417 = tpu.memref_squeeze %dma_wait3A_1416 : memref<1x80xi32, #tpu.memory_space<vmem>> -> memref<80xi32, #tpu.memory_space<vmem>>
    %dma_wait3A_1418 = arith.constant 0 : i32
    %dma_wait3A_1419 = arith.constant 0 : i32
    %dma_wait3A_1420 = tpu.memref_slice %arg9[%dma_wait3A_1418, %dma_wait3A_1419] : memref<10000x128xf32, #tpu.memory_space<vmem_shared>> -> memref<10000x128xf32, #tpu.memory_space<vmem_shared>>
    %dma_wait3A_1421 = tpu.memref_slice %arg11[%dma_wait3A_1410] : memref<3x!tpu.dma_semaphore, #tpu.memory_space<semaphore_mem>> -> memref<1x!tpu.dma_semaphore, #tpu.memory_space<semaphore_mem>>
    %dma_wait3A_1422 = tpu.memref_squeeze %dma_wait3A_1421 : memref<1x!tpu.dma_semaphore, #tpu.memory_space<semaphore_mem>> -> memref<!tpu.dma_semaphore, #tpu.memory_space<semaphore_mem>>
    tpu.wait_indirect_dma semaphore(%dma_wait3A_1422 : memref<!tpu.dma_semaphore, #tpu.memory_space<semaphore_mem>>) src(%dma_wait3A_1414 : memref<80x128xf32, #tpu.memory_space<vmem>>) dst(%dma_wait3A_1420 : memref<10000x128xf32, #tpu.memory_space<vmem_shared>>)
    %dma_wait3A_1423 = arith.constant 0 : i32
    %dma_wait3A_1424 = arith.constant 3 : i32
    %dma_wait3A_1425 = arith.constant 0 : i32
    %dma_wait3A_1426 = arith.constant 0 : i32
    %dma_wait3A_1427 = arith.constant 0 : i32
    %dma_wait3A_1428 = tpu.memref_slice %arg8[%dma_wait3A_1423, %dma_wait3A_1426, %dma_wait3A_1427] : memref<3x80x128xf32, #tpu.memory_space<vmem>> -> memref<1x80x128xf32, #tpu.memory_space<vmem>>
    %dma_wait3A_1429 = tpu.memref_squeeze %dma_wait3A_1428 : memref<1x80x128xf32, #tpu.memory_space<vmem>> -> memref<80x128xf32, #tpu.memory_space<vmem>>
    %dma_wait3A_1430 = arith.constant 0 : i32
    %dma_wait3A_1431 = tpu.memref_slice %arg7[%dma_wait3A_1424, %dma_wait3A_1430] : memref<6x80xi32, #tpu.memory_space<vmem>> -> memref<1x80xi32, #tpu.memory_space<vmem>>
    %dma_wait3A_1432 = tpu.memref_squeeze %dma_wait3A_1431 : memref<1x80xi32, #tpu.memory_space<vmem>> -> memref<80xi32, #tpu.memory_space<vmem>>
    %dma_wait3A_1433 = arith.constant 0 : i32
    %dma_wait3A_1434 = arith.constant 0 : i32
    %dma_wait3A_1435 = tpu.memref_slice %arg9[%dma_wait3A_1433, %dma_wait3A_1434] : memref<10000x128xf32, #tpu.memory_space<vmem_shared>> -> memref<10000x128xf32, #tpu.memory_space<vmem_shared>>
    %dma_wait3A_1436 = tpu.memref_slice %arg11[%dma_wait3A_1425] : memref<3x!tpu.dma_semaphore, #tpu.memory_space<semaphore_mem>> -> memref<1x!tpu.dma_semaphore, #tpu.memory_space<semaphore_mem>>
    %dma_wait3A_1437 = tpu.memref_squeeze %dma_wait3A_1436 : memref<1x!tpu.dma_semaphore, #tpu.memory_space<semaphore_mem>> -> memref<!tpu.dma_semaphore, #tpu.memory_space<semaphore_mem>>
    tpu.wait_indirect_dma semaphore(%dma_wait3A_1437 : memref<!tpu.dma_semaphore, #tpu.memory_space<semaphore_mem>>) src(%dma_wait3A_1429 : memref<80x128xf32, #tpu.memory_space<vmem>>) dst(%dma_wait3A_1435 : memref<10000x128xf32, #tpu.memory_space<vmem_shared>>)
    %barrier3A_1438 = arith.constant 0 : index
    tpu.barrier barrier_id(%barrier3A_1438)
    %mul3A_1439 = arith.constant 10000 : i32
    %mul3A_1440 = arith.muli %arg0, %mul3A_1439 : i32
    %add3A_1441 = arith.addi %mul3A_1440, %mul3A_127 : i32
    "tpu.region"() ({
      %run_scoped3A_1447 = tpu.sem_alloc : memref<!tpu.dma_semaphore, #tpu.memory_space<semaphore_mem>>
      %dma_start3A_1448 = arith.constant 0 : i32
      %dma_start3A_1449 = tpu.memref_slice %arg5[%add3A_1441, %dma_start3A_1448] : memref<20000x128xf32, #tpu.memory_space<hbm>> -> memref<624x128xf32, #tpu.memory_space<hbm>>
      %dma_start3A_1450 = arith.constant 0 : i32
      %dma_start3A_1451 = tpu.memref_slice %arg9[%mul3A_127, %dma_start3A_1450] : memref<10000x128xf32, #tpu.memory_space<vmem_shared>> -> memref<624x128xf32, #tpu.memory_space<vmem_shared>>
      tpu.enqueue_dma source(%dma_start3A_1451 : memref<624x128xf32, #tpu.memory_space<vmem_shared>>) target(%dma_start3A_1449 : memref<624x128xf32, #tpu.memory_space<hbm>>) target_semaphore(%run_scoped3A_1447 : memref<!tpu.dma_semaphore, #tpu.memory_space<semaphore_mem>>)
      %dma_wait3A_1452 = arith.constant 0 : i32
      %dma_wait3A_1453 = tpu.memref_slice %arg5[%add3A_1441, %dma_wait3A_1452] : memref<20000x128xf32, #tpu.memory_space<hbm>> -> memref<624x128xf32, #tpu.memory_space<hbm>>
      %dma_wait3A_1454 = arith.constant 0 : i32
      %dma_wait3A_1455 = tpu.memref_slice %arg9[%mul3A_127, %dma_wait3A_1454] : memref<10000x128xf32, #tpu.memory_space<vmem_shared>> -> memref<624x128xf32, #tpu.memory_space<vmem_shared>>
      tpu.wait_dma2 semaphore(%run_scoped3A_1447 : memref<!tpu.dma_semaphore, #tpu.memory_space<semaphore_mem>>) src(%dma_wait3A_1455 : memref<624x128xf32, #tpu.memory_space<vmem_shared>>) dst(%dma_wait3A_1453 : memref<624x128xf32, #tpu.memory_space<hbm>>)
      tpu.yield
    }) : () -> ()
    %eq3A_1442 = arith.constant 15 : i32
    %eq3A_1443 = arith.cmpi eq, %arg1, %eq3A_1442 : i32
    %convert_element_type3A_1444 = arith.extui %eq3A_1443 : i1 to i32
    %cond3A_1445 = arith.constant 0 : i32
    %cond3A_1446 = arith.cmpi ne, %convert_element_type3A_1444, %cond3A_1445 : i32
    scf.if %cond3A_1446 {
      %mul3A_1447 = arith.constant 10000 : i32
      %mul3A_1448 = arith.muli %arg0, %mul3A_1447 : i32
      %add3A_1449 = arith.constant 9984 : i32
      %add3A_1450 = arith.addi %mul3A_1448, %add3A_1449 : i32
      "tpu.region"() ({
        %run_scoped3A_1451 = tpu.sem_alloc : memref<!tpu.dma_semaphore, #tpu.memory_space<semaphore_mem>>
        %dma_start3A_1452 = arith.constant 0 : i32
        %dma_start3A_1453 = tpu.memref_slice %arg5[%add3A_1450, %dma_start3A_1452] : memref<20000x128xf32, #tpu.memory_space<hbm>> -> memref<16x128xf32, #tpu.memory_space<hbm>>
        %dma_start3A_1454 = arith.constant 9984 : i32
        %dma_start3A_1455 = arith.constant 0 : i32
        %dma_start3A_1456 = tpu.memref_slice %arg9[%dma_start3A_1454, %dma_start3A_1455] : memref<10000x128xf32, #tpu.memory_space<vmem_shared>> -> memref<16x128xf32, #tpu.memory_space<vmem_shared>>
        tpu.enqueue_dma source(%dma_start3A_1456 : memref<16x128xf32, #tpu.memory_space<vmem_shared>>) target(%dma_start3A_1453 : memref<16x128xf32, #tpu.memory_space<hbm>>) target_semaphore(%run_scoped3A_1451 : memref<!tpu.dma_semaphore, #tpu.memory_space<semaphore_mem>>)
        %dma_wait3A_1457 = arith.constant 0 : i32
        %dma_wait3A_1458 = tpu.memref_slice %arg5[%add3A_1450, %dma_wait3A_1457] : memref<20000x128xf32, #tpu.memory_space<hbm>> -> memref<16x128xf32, #tpu.memory_space<hbm>>
        %dma_wait3A_1459 = arith.constant 9984 : i32
        %dma_wait3A_1460 = arith.constant 0 : i32
        %dma_wait3A_1461 = tpu.memref_slice %arg9[%dma_wait3A_1459, %dma_wait3A_1460] : memref<10000x128xf32, #tpu.memory_space<vmem_shared>> -> memref<16x128xf32, #tpu.memory_space<vmem_shared>>
        tpu.wait_dma2 semaphore(%run_scoped3A_1451 : memref<!tpu.dma_semaphore, #tpu.memory_space<semaphore_mem>>) src(%dma_wait3A_1461 : memref<16x128xf32, #tpu.memory_space<vmem_shared>>) dst(%dma_wait3A_1458 : memref<16x128xf32, #tpu.memory_space<hbm>>)
        tpu.yield
      }) : () -> ()
    } else {
    }
    return
  }
}

module attributes {stable_mosaic.version = 14 : i64} {
  func.func @_prep_body(%arg0: i32, %arg1: memref<1x1xf32, #tpu.memory_space<smem>>, %arg2: memref<1000x128xf32, #tpu.memory_space<vmem>>, %arg3: memref<2x1000x128xf32, #tpu.memory_space<vmem>>) attributes {dimension_semantics = [#tpu.dimension_semantics<arbitrary>], iteration_bounds = array<i64: 10>, scalar_prefetch = 0 : i64, scratch_operands = 0 : i64, tpu.core_type = #tpu.core_type<tc>, window_params = [{transform_indices = @transform_0, window_bounds = array<i64: 1, 1>}, {transform_indices = @transform_1, window_bounds = array<i64: 1000, 128>}, {transform_indices = @transform_2, window_bounds = array<i64: 2, 1000, 128>}]} {
    %get3A = arith.constant 0 : index
    %get3A_0 = arith.constant 0 : index
    %get3A_1 = vector.load %arg2[%get3A, %get3A_0] : memref<1000x128xf32, #tpu.memory_space<vmem>>, vector<1000x128xf32>
    %max3A = arith.constant 0.000000e+00 : f32
    %max3A_2 = vector.broadcast %max3A : f32 to vector<1000x128xf32>
    %max3A_3 = arith.maximumf %get3A_1, %max3A_2 : vector<1000x128xf32>
    %add3A = arith.constant 1.000000e-07 : f32
    %add3A_4 = vector.broadcast %add3A : f32 to vector<1000x128xf32>
    %add3A_5 = arith.addf %max3A_3, %add3A_4 : vector<1000x128xf32>
    %get3A_6 = arith.constant 0 : index
    %get3A_7 = arith.constant 0 : index
    %get3A_8 = memref.load %arg1[%get3A_6, %get3A_7] : memref<1x1xf32, #tpu.memory_space<smem>>
    %mul3A = vector.broadcast %get3A_8 : f32 to vector<1000x128xf32>
    %mul3A_9 = arith.mulf %mul3A, %add3A_5 : vector<1000x128xf32>
    %exp3A = math.exp %mul3A_9 : vector<1000x128xf32>
    %swap3A = arith.constant 0 : index
    %swap3A_10 = arith.constant 0 : index
    %swap3A_11 = arith.constant 0 : index
    %swap3A_12 = vector.load %arg3[%swap3A, %swap3A_10, %swap3A_11] : memref<2x1000x128xf32, #tpu.memory_space<vmem>>, vector<1x1000x128xf32>
    %swap3A_13 = vector.shape_cast %swap3A_12 : vector<1x1000x128xf32> to vector<1000x128xf32>
    %swap3A_14 = vector.shape_cast %exp3A : vector<1000x128xf32> to vector<1x1000x128xf32>
    tpu.vector_store %arg3[%swap3A, %swap3A_10, %swap3A_11], %swap3A_14 {strides = array<i32>} : memref<2x1000x128xf32, #tpu.memory_space<vmem>>, vector<1x1000x128xf32>,
    %mul3A_15 = arith.mulf %add3A_5, %exp3A : vector<1000x128xf32>
    %swap3A_16 = arith.constant 1 : index
    %swap3A_17 = arith.constant 0 : index
    %swap3A_18 = arith.constant 0 : index
    %swap3A_19 = vector.load %arg3[%swap3A_16, %swap3A_17, %swap3A_18] : memref<2x1000x128xf32, #tpu.memory_space<vmem>>, vector<1x1000x128xf32>
    %swap3A_20 = vector.shape_cast %swap3A_19 : vector<1x1000x128xf32> to vector<1000x128xf32>
    %swap3A_21 = vector.shape_cast %mul3A_15 : vector<1000x128xf32> to vector<1x1000x128xf32>
    tpu.vector_store %arg3[%swap3A_16, %swap3A_17, %swap3A_18], %swap3A_21 {strides = array<i32>} : memref<2x1000x128xf32, #tpu.memory_space<vmem>>, vector<1x1000x128xf32>,
    return
  }
  func.func @transform_0(%arg0: i32) -> (i32, i32) {
    %c0_i32 = arith.constant 0 : i32
    %c0_i32_0 = arith.constant 0 : i32
    %c0_i32_1 = arith.constant 0 : i32
    return %c0_i32, %c0_i32_0 : i32, i32
  }
  func.func @transform_1(%arg0: i32) -> (i32, i32) {
    %c0_i32 = arith.constant 0 : i32
    %c0_i32_0 = arith.constant 0 : i32
    return %arg0, %c0_i32 : i32, i32
  }
  func.func @transform_2(%arg0: i32) -> (i32, i32, i32) {
    %c0_i32 = arith.constant 0 : i32
    %c0_i32_0 = arith.constant 0 : i32
    %c0_i32_1 = arith.constant 0 : i32
    return %c0_i32, %arg0, %c0_i32_0 : i32, i32, i32
  }
}

module attributes {stable_mosaic.version = 14 : i64} {
  func.func @_finish_body(%arg0: i32, %arg1: memref<1000x128xf32, #tpu.memory_space<vmem>>, %arg2: memref<1000x128xf32, #tpu.memory_space<vmem>>, %arg3: memref<128x128xf32, #tpu.memory_space<vmem>>, %arg4: memref<1x128xf32, #tpu.memory_space<vmem>>, %arg5: memref<1000x128xf32, #tpu.memory_space<vmem>>) attributes {dimension_semantics = [#tpu.dimension_semantics<arbitrary>], iteration_bounds = array<i64: 10>, scalar_prefetch = 0 : i64, scratch_operands = 0 : i64, tpu.core_type = #tpu.core_type<tc>, window_params = [{transform_indices = @transform_0, window_bounds = array<i64: 1000, 128>}, {transform_indices = @transform_1, window_bounds = array<i64: 1000, 128>}, {pipeline_mode = #tpu.pipeline_mode<synchronous>, transform_indices = @transform_2, window_bounds = array<i64: 128, 128>}, {pipeline_mode = #tpu.pipeline_mode<synchronous>, transform_indices = @transform_3, window_bounds = array<i64: 1, 128>}, {transform_indices = @transform_4, window_bounds = array<i64: 1000, 128>}]} {
    %get3A = arith.constant 0 : index
    %get3A_0 = arith.constant 0 : index
    %get3A_1 = vector.load %arg1[%get3A, %get3A_0] : memref<1000x128xf32, #tpu.memory_space<vmem>>, vector<1000x128xf32>
    %get3A_2 = arith.constant 0 : index
    %get3A_3 = arith.constant 0 : index
    %get3A_4 = vector.load %arg2[%get3A_2, %get3A_3] : memref<1000x128xf32, #tpu.memory_space<vmem>>, vector<1000x128xf32>
    %gt3A = arith.constant 0.000000e+00 : f32
    %gt3A_5 = vector.broadcast %gt3A : f32 to vector<1000x128xf32>
    %gt3A_6 = arith.cmpf ogt, %get3A_1, %gt3A_5 : vector<1000x128xf32>
    %gt3A_7 = arith.constant 0.000000e+00 : f32
    %gt3A_8 = vector.broadcast %gt3A_7 : f32 to vector<1000x128xf32>
    %gt3A_9 = arith.cmpf ogt, %get3A_1, %gt3A_8 : vector<1000x128xf32>
    %jit3A = arith.constant 1.000000e+00 : f32
    %broadcast_in_dim3A = vector.broadcast %jit3A : f32 to vector<1000x128xf32>
    %select_n3A = arith.select %gt3A_9, %get3A_1, %broadcast_in_dim3A : vector<1000x128xi1>, vector<1000x128xf32>
    %div3A = arith.divf %get3A_4, %select_n3A : vector<1000x128xf32>
    %jit3A_10 = arith.constant 0.000000e+00 : f32
    %broadcast_in_dim3A_11 = vector.broadcast %jit3A_10 : f32 to vector<1000x128xf32>
    %select_n3A_12 = arith.select %gt3A_6, %div3A, %broadcast_in_dim3A_11 : vector<1000x128xi1>, vector<1000x128xf32>
    %get3A_13 = arith.constant 0 : index
    %get3A_14 = arith.constant 0 : index
    %get3A_15 = vector.load %arg3[%get3A_13, %get3A_14] : memref<128x128xf32, #tpu.memory_space<vmem>>, vector<128x128xf32>
    %dot_general3A = arith.constant dense<0.000000e+00> : vector<1000x128xf32>
    %dot_general3A_16 = tpu.matmul %select_n3A_12, %get3A_15, %dot_general3A {dimension_numbers = #tpu.dot_dimension_numbers<[1], [1], [0], [0], [0, 0, 1, 0], [], []>, transpose_lhs_hint = false} : vector<1000x128xf32>, vector<128x128xf32>, vector<1000x128xf32> -> vector<1000x128xf32>
    %get3A_17 = arith.constant 0 : index
    %get3A_18 = arith.constant 0 : index
    %get3A_19 = vector.load %arg4[%get3A_17, %get3A_18] : memref<1x128xf32, #tpu.memory_space<vmem>>, vector<1x128xf32>
    %add3A = vector.broadcast %get3A_19 : vector<1x128xf32> to vector<1000x128xf32>
    %add3A_20 = arith.addf %dot_general3A_16, %add3A : vector<1000x128xf32>
    %swap3A = arith.constant 0 : index
    %swap3A_21 = arith.constant 0 : index
    %swap3A_22 = vector.load %arg5[%swap3A, %swap3A_21] : memref<1000x128xf32, #tpu.memory_space<vmem>>, vector<1000x128xf32>
    tpu.vector_store %arg5[%swap3A, %swap3A_21], %add3A_20 {strides = array<i32>} : memref<1000x128xf32, #tpu.memory_space<vmem>>, vector<1000x128xf32>,
    return
  }
  func.func @transform_0(%arg0: i32) -> (i32, i32) {
    %c0_i32 = arith.constant 0 : i32
    %c0_i32_0 = arith.constant 0 : i32
    return %arg0, %c0_i32 : i32, i32
  }
  func.func @transform_1(%arg0: i32) -> (i32, i32) {
    %add3A = arith.constant 10 : i32
    %add3A_0 = arith.addi %arg0, %add3A : i32
    %c0_i32 = arith.constant 0 : i32
    %c0_i32_1 = arith.constant 0 : i32
    return %add3A_0, %c0_i32 : i32, i32
  }
  func.func @transform_2(%arg0: i32) -> (i32, i32) {
    %c0_i32 = arith.constant 0 : i32
    %c0_i32_0 = arith.constant 0 : i32
    %c0_i32_1 = arith.constant 0 : i32
    return %c0_i32, %c0_i32_0 : i32, i32
  }
  func.func @transform_3(%arg0: i32) -> (i32, i32) {
    %c0_i32 = arith.constant 0 : i32
    %c0_i32_0 = arith.constant 0 : i32
    %c0_i32_1 = arith.constant 0 : i32
    return %c0_i32, %c0_i32_0 : i32, i32
  }
  func.func @transform_4(%arg0: i32) -> (i32, i32) {
    %c0_i32 = arith.constant 0 : i32
    %c0_i32_0 = arith.constant 0 : i32
    return %arg0, %c0_i32 : i32, i32
  }
}

</mosaic_0001>

<sc_bundles>
// kernel: kernel.5.cloned.1.call-start
scs
__scs_entry_jumppad:
0x0: {  	(pc) =	sbr.rel $0x88, $3  }
0x1: {  	(tag) =	ssettag $0x0;
	lr =	simm.s32 $0x1  }
0x2: {  	[smem:$0x3F9C] =	sst lr;
	_ =	strace $0xD0000000  }
0x3: {  	_ = 	snop  }
0x4: {  	_ = 	snop  }
0x5: {  	_ = 	snop  }
0x6: {  	_ = 	snop  }
0x7: {  	_ = 	snop  }
__scs_overlays_trampoline_lowered:
0x8: {  	[smem:$0x3FAB] =	sst s0  }
0x9: {  	[smem:$0x3FAC] =	sst s1  }
0xa: {  	[smem:$0x3FAD] =	sst s2  }
0xb: {  	[smem:$0x3FAE] =	sst s3  }
0xc: {  	[smem:$0x3FAF] =	sst s4  }
0xd: {  	[smem:$0x3FB0] =	sst s5  }
0xe: {  	[smem:$0x3FB1] =	sst s6  }
0xf: {  	[smem:$0x3FB2] =	sst s7  }
0x10: {  	[smem:$0x3FB3] =	sst s8  }
0x11: {  	[smem:$0x3FB4] =	sst s9;
	s0 =	simm.s32 @!p0 $0x0  }
0x12: {  	s1 =	sld [smem:$0x3F9A];
	s0 =	simm.s32 @p0 $0x1  }
0x13: {  	[smem:$0x3FB5] =	sst s0;
	s0 =	simm.s32 @!p1 $0x0  }
0x14: {  	s2 =	sld [smem:$0x3F99];
	s0 =	simm.s32 @p1 $0x1  }
0x15: {  	[smem:$0x3FB6] =	sst s0;
	s0 =	simm.s32 @!p2 $0x0  }
0x16: {  	s3 =	sld [smem:$0x3FDB];
	s0 =	simm.s32 @p2 $0x1  }
0x17: {  	s4 =	simm.s32 $0x1BF5;
	[smem:$0x3FB8] =	sst s0  }
0x18: {  	s0 =	sld [smem:$0x3F9B];
	_ =	swait.ge [sflag:s4], $0x0  }
0x19: {  	s7 =	sld [smem:$0x3F9C]  }
0x1a: {  	s8 =	sadd.s32 $0xFFFFE003, lr  }
0x1b: {  	s9 =	sadd.s32 $0xFFFFFEF7, lr;
	s5 =	simm.s32 $0xFFFFFFFF;
	p2 =	slt.u32 s8, $0xFFFFF086  }
0x1c: {  	p1 =	slt.u32 s9, $0xF7A;
	s5 =	simm.s32 @!p2 $0x0  }
0x1d: {  	s5 =	simm.s32 @p1 $0x1;
	p0 =	seq.s32 s7, s2  }
0x1e: {  	s7 =	smul.u32 @!p0 $0xF7A, s2;
	p2 =	seq.s32 @!p0 s5, $0x0  }
0x1f: {  	s9 =	smul.u32 $0xF7A, s1;
	s8 =	simm.s32 @!p0 $0x1BF5;
	p2 =	por !p2, p0  }
0x20: {  	[sflag:s8] =	ssyncset.s32 @!p0 $0xFFFFF086;
	s6 =	sadd.s32 @!p0 s3, s7;
	s7 =	simm.s32 @!p0 $0x108  }
0x21: {  	s3 =	sadd.s32 s3, s9;
	s6 =	sadd.s32 @!p0 $0x88, s6;
	s7 =	simm.s32 @p2 $0x1082  }
0x22: {  	[simem:s7], [sflag:s8] =	dma.local @!p0 [hbm:s6], $0xF7A  }
0x23: {  	s9 =	sor.u32 $0xD0000000, s2;
	s6 =	simm.s32 $0x108;
	_ =	swait.ge @!p0 [sflag:s8], $0x0  }
0x24: {  	s3 =	sadd.s32 $0x88, s3;
	s6 =	simm.s32 @!p1 $0x1082;
	[sflag:s4] =	ssyncset.s32 $0xFFFFF086  }
0x25: {  	[simem:s6], [sflag:s4] =	dma.local [hbm:s3], $0xF7A  }
0x26: {  	[smem:$0x3F9C] =	sst s1;
	(tag) =	ssettag s2;
	_ =	strace s9  }
0x27: {  	s1 =	sld [smem:$0x3FAC]  }
0x28: {  	s2 =	sld [smem:$0x3FAD]  }
0x29: {  	s4 =	sld [smem:$0x3FAF]  }
0x2a: {  	p0 =	seq.s32 s5, $0x0;
	s5 =	sld [smem:$0x3FB0]  }
0x2b: {  	s6 =	sld [smem:$0x3FB1]  }
0x2c: {  	s7 =	sld [smem:$0x3FB2]  }
0x2d: {  	s3 =	simm.s32 $0x108;
	s8 =	sld [smem:$0x3FB3]  }
0x2e: {  	s3 =	simm.s32 @!p0 $0x1082;
	s9 =	sld [smem:$0x3FB4]  }
0x2f: {  	lr =	sadd.s32 s0, s3;
	s0 =	sld [smem:$0x3FAB]  }
0x30: {  	s3 =	sld [smem:$0x3FAE]  }
0x31: {  	[smem:$0x3FB7] =	sst s10  }
0x32: {  	s10 =	sld [smem:$0x3FB5];
	_ =	sdelay $0x3  }
0x33: {  	p0 =	seq.s32 s10, $0x1;
	s10 =	sld [smem:$0x3FB7];
	_ =	sdelay $0x3  }
0x34: {  	[smem:$0x3FB7] =	sst s10  }
0x35: {  	s10 =	sld [smem:$0x3FB6];
	_ =	sdelay $0x3  }
0x36: {  	p1 =	seq.s32 s10, $0x1;
	s10 =	sld [smem:$0x3FB7];
	_ =	sdelay $0x3  }
0x37: {  	[smem:$0x3FB7] =	sst s10  }
0x38: {  	s10 =	sld [smem:$0x3FB8]  }
0x39: {  	_ = 	snop;
	(pc) =	sbr.ind lr, $3  }
0x3a: {  	_ = 	snop  }
0x3b: {  	_ = 	snop  }
0x3c: {  	p2 =	seq.s32 s10, $0x1;
	s10 =	sld [smem:$0x3FB7]  }
0x3d: {  	_ =	shalt  }
0x3e: {  	_ =	shalt  }
0x3f: {  	_ =	shalt  }
0x40: {  	_ =	shalt  }
0x41: {  	_ =	shalt  }
0x42: {  	_ =	shalt  }
0x43: {  	_ =	shalt  }
0x44: {  	_ =	shalt  }
0x45: {  	_ =	shalt  }
0x46: {  	_ =	shalt  }
0x47: {  	_ =	shalt  }
0x48: {  	_ =	shalt  }
0x49: {  	_ =	shalt  }
0x4a: {  	_ =	shalt  }
0x4b: {  	_ =	shalt  }
0x4c: {  	_ =	shalt  }
0x4d: {  	_ =	shalt  }
0x4e: {  	_ =	shalt  }
0x4f: {  	_ =	shalt  }
0x50: {  	_ =	shalt  }
0x51: {  	_ =	shalt  }
0x52: {  	_ =	shalt  }
0x53: {  	_ =	shalt  }
0x54: {  	_ =	shalt  }
0x55: {  	_ =	shalt  }
0x56: {  	_ =	shalt  }
0x57: {  	_ =	shalt  }
0x58: {  	_ =	shalt  }
0x59: {  	_ =	shalt  }
0x5a: {  	_ =	shalt  }
0x5b: {  	_ =	shalt  }
0x5c: {  	_ =	shalt  }
0x5d: {  	_ =	shalt  }
0x5e: {  	_ =	shalt  }
0x5f: {  	_ =	shalt  }
0x60: {  	_ =	shalt  }
0x61: {  	_ =	shalt  }
0x62: {  	_ =	shalt  }
0x63: {  	_ =	shalt  }
0x64: {  	_ =	shalt  }
0x65: {  	_ =	shalt  }
0x66: {  	_ =	shalt  }
0x67: {  	_ =	shalt  }
0x68: {  	_ =	shalt  }
0x69: {  	_ =	shalt  }
0x6a: {  	_ =	shalt  }
0x6b: {  	_ =	shalt  }
0x6c: {  	_ =	shalt  }
0x6d: {  	_ =	shalt  }
0x6e: {  	_ =	shalt  }
0x6f: {  	_ =	shalt  }
0x70: {  	_ =	shalt  }
0x71: {  	_ =	shalt  }
0x72: {  	_ =	shalt  }
0x73: {  	_ =	shalt  }
0x74: {  	_ =	shalt  }
0x75: {  	_ =	shalt  }
0x76: {  	_ =	shalt  }
0x77: {  	_ =	shalt  }
0x78: {  	_ =	shalt  }
0x79: {  	_ =	shalt  }
0x7a: {  	_ =	shalt  }
0x7b: {  	_ =	shalt  }
0x7c: {  	_ =	shalt  }
0x7d: {  	_ =	shalt  }
0x7e: {  	_ =	shalt  }
0x7f: {  	_ =	shalt  }
0x80: {  	_ =	shalt  }
0x81: {  	_ =	shalt  }
0x82: {  	_ =	shalt  }
0x83: {  	_ =	shalt  }
0x84: {  	_ =	shalt  }
0x85: {  	_ =	shalt  }
0x86: {  	_ =	shalt  }
0x87: {  	_ =	shalt  }
.Lfunc_end0:
.L_simem_size_0:
called_computation_lowered:
.L_overlay_start_0:
0x88: {  	s2 =	sld [smem:$0x3FD9]  }
0x89: {  	s3 =	sld [smem:$0x3FFE];
	_ =	sdelay $0x1  }
0x8a: {  	s1 =	srdreg.scid  }
0x8b: {  	s0 =	sand.u32 $0x1, s1  }
0x8c: {  	s17 =	sshll.u32 s0, $0xA;
	s2 =	sadd.s32 s3, s2  }
0x8d: {  	s2 =	sadd.s32 s2, s17  }
0x8e: {  	[smem:$0x3FC3] =	sst s2  }
0x8f: {  	_ = 	snop  }
0x90: {  	s2 =	sld [smem:$0x3FD0];
	(tm) =	ssettm $0x1  }
0x91: {  	s18 =	sld [smem:$0x3FFB];
	_ =	sdelay $0x3  }
0x92: {  	_ =	strace s18  }
0x93: {  	s3 =	sld [smem:$0x3FFC];
	_ =	sdelay $0x3  }
0x94: {  	_ =	strace s3  }
0x95: {  	s3 =	sld [smem:$0x3FFD];
	_ =	sdelay $0x3  }
0x96: {  	_ =	strace s3  }
0x97: {  	_ =	strace $0x8FFFFFFF  }
0x98: {  	s19 =	sld [smem:$0x3FDB];
	_ =	sdelay $0x1  }
0x99: {  	s4 =	simm.s32 $_scs_section_size  }
0x9a: {  	s5 =	simm.s32 $_size__tile_overlayer_lowered;
	s6 =	simm.s32 $_tile_overlayer_lowered  }
0x9b: {  	s22 =	simm.s32 $0x1BFF;
	s21 =	sshll.u32 s6, $0x1;
	s3 =	sadd.s32 s4, s19  }
0x9c: {  	s7 =	simm.s32 $0x0;
	s20 =	sshll.u32 s5, $0x1;
	s5 =	sadd.s32 s21, s3  }
0x9d: {  	[timem:s7], [sflag:s22] =	dma.local [hbm:s5], s20  }
0x9e: {  	_ =	swait.ge [sflag:s22], s20  }
0x9f: {  	s4 =	ssub.s32 $0x0, s20;
	[sflag:s22] =	ssyncset.done $0x0  }
0xa0: {  	[sflag:s22] =	ssyncadd.s32 s4;
	_ =	sdelay $0x1  }
0xa1: {  	s23 =	simm.s32 $0x1B8B  }
0xa2: {  	_ =	swait.ge [sflag:s23], $0x1  }
0xa3: {  	[sflag:s23] =	ssyncset.done $0x0  }
0xa4: {  	s25 =	simm.s32 $0x1B8E;
	s24 =	sld [smem:$0x3FFE];
	[sflag:s23] =	ssyncadd.s32 $0xFFFFFFFF  }
0xa5: {  	s26 =	simm.s32 $execute0_lowered;
	[smem:$0x3FD2] =	sst s25  }
0xa6: {  	s5 =	sshll.u32 s26, $0x1;
	_ =	strace $0x80000046;
	[dreg:$0x1] =	wrdreg $0xFFFFFFFF  }
0xa7: {  	s28 =	simm.s32 $_size_execute0_lowered;
	s3 =	sadd.s32 s3, s5;
	[dreg:$0x0] =	wrdreg $0x0  }
0xa8: {  	s5 =	sshll.u32 s28, $0x1;
	[dreg:$0x2] =	wrdreg s3  }
0xa9: {  	[dreg:$0x3] =	wrdreg s5  }
0xaa: {  	[dreg:$0x4] =	wrdreg $0xC0  }
0xab: {  	_ =	task [dreg:s7], $0x5FFFF  }
0xac: {  	[dreg:$0x1] =	wrdreg $0xFFFFFFFF  }
0xad: {  	[dreg:$0x0] =	wrdreg $0x60  }
0xae: {  	[dreg:$0x2] =	wrdreg s24  }
0xaf: {  	[dreg:$0x3] =	wrdreg s2  }
0xb0: {  	[dreg:$0x4] =	wrdreg $0x80000  }
0xb1: {  	[dreg:$0x5] =	wrdreg $0x9  }
0xb2: {  	_ =	task.clear_ibuf [dreg:s7], $0x6FFFF;
	_ =	strace $0x90000046  }
0xb3: {  	s29 =	simm.s32 $0x9;
	_ =	strace $0x80000048  }
0xb4: {  	_ =	swait.ge [sflag:s29], $0x1  }
0xb5: {  	[sflag:s29] =	ssyncadd.s32 $0xFFFFFFFF  }
0xb6: {  	_ =	strace $0x90000048  }
0xb7: {  	_ =	sfence  }
0xb8: {  	s30 =	sld [smem:$0x0];
	_ =	sdelay $0x2  }
0xb9: {  	s31 =	sshll.u32 s1, $0xD;
	s1 =	sshrl.u32 s1, $0x2  }
0xba: {  	s3 =	sand.u32 $0x4000, s31;
	s1 =	sadd.s32 s1, s30  }
0xbb: {  	s0 =	sor.u32 s3, s0;
	s1 =	sshll.u32 s1, $0x11  }
0xbc: {  	s0 =	sor.u32 s1, s0  }
0xbd: {  	s0 =	sadd.s32 $0x8F2B, s0  }
0xbe: {  	[sflag:s0] =	ssyncadd.remote.s32 $0x1  }
0xbf: {  	_ =	sfence.sel $0xFFFF  }
0xc0: {  	[dreg:$0x0] =	wrdreg $0xFFFFFFFF;
	(pc) =	sbr.abs _section_cstart, $3  }
0xc1: {  	[dreg:$0x1] =	wrdreg $0xFFFFFFFF  }
0xc2: {  	_ =	task.clear_ibuf [dreg:s7], $0x2FFFF;
	_ =	strace $0x9FFFFFFF  }
0xc3: {  	(tm) =	ssettm $0x7FFFFFFF  }
tec
execute0_lowered:
.L_overlay_start_1:
0x0: {  	(tag) =	ssettag $0x1  }
0x1: {  	s0 =	rddreg [dreg:$0x0]  }
0x2: {  	s5 =	rddreg [dreg:$0x1]  }
0x3: {  	s1 =	rddreg [dreg:$0x2]  }
0x4: {  	s2 =	srdreg.scid;
	s17 =	stileid.u32  }
0x5: {  	s3 =	simm.s32 $0x0;
	s30 =	simm.s32 $0x5800;
	s11 =	smul.u32 $0x7D00, s17  }
0x6: {  	s28 =	simm.s32 $0x0;
	s2 =	sand.u32 $0x1, s2;
	s15 =	smul.u32 $0xFA, s17  }
0x7: {  	[smem:$0x7FF] =	sst s3;
	s7 =	sadd.s32 $0xE00, s0;
	s29 =	smul.u32 $0x4E000, s17  }
0x8: {  	s9 =	sshll.u32 s17, $0x8;
	s12 =	sadd.s32 $0x5EA00, s0;
	s18 =	smul.u32 $0x2700, s17  }
0x9: {  	p0 =	sne.s32 s17, $0xF;
	s4 =	sshll.u32 s2, $0x4;
	_ =	strace $0x80000047  }
0xa: {  	s8 =	ssub.s32 $0x2, s2;
	s9 =	sand.u32 $0x300, s9;
	s22 =	smul.u32 $0x27100, s2  }
0xb: {  	s6 =	sor.u32 s17, s4;
	s4 =	sadd.s32 $0x10800, s0;
	s23 =	sshrl.u32 s8, $0x1  }
0xc: {  	s14 =	sand.u32 $0x7FC00, s11;
	s26 =	sshrl.u32 s11, $0x3;
	s11 =	sshrl.u32 s29, $0x2  }
0xd: {  	s6 =	smul.u32 $0x7D00, s6;
	s0 =	ssub.s32 s8, s23;
	s25 =	sor.u32 s9, s14  }
0xe: {  	s23 =	sadd.s32 s18, s22;
	s16 =	sshrl.u32 s25, $0x3;
	s0 =	smax.u32 s0, $0x1  }
0xf: {  	s10 =	sand.u32 $0xFFC00, s6;
	s16 =	sadd.s32 s7, s16;
	s6 =	sshrl.u32 s6, $0x3  }
0x10: {  	[smem:$0x7F5] =	sst s0;
	s0 =	simm.s32 $0x4;
	s13 =	sor.u32 s9, s10  }
0x11: {  	[dreg:$0xc] =	wrdreg s16;
	s6 =	sadd.s32 s5, s6;
	s16 =	sadd.s32 s11, s1  }
0x12: {  	s9 =	sor.u32 $0x80, s9;
	s31 =	sadd.s32 $0x20, s6;
	[dreg:$0x11] =	wrdreg s16  }
0x13: {  	s24 =	sshrl.u32 s13, $0x3;
	s19 =	sadd.s32 $0x30, s6;
	[dreg:$0xf] =	wrdreg s31  }
0x14: {  	s21 =	sadd.s32 $0x400, s13;
	s13 =	sadd.s32 $0x60, s6;
	[dreg:$0x12] =	wrdreg s19  }
0x15: {  	s10 =	sor.u32 s9, s10;
	s22 =	sadd.s32 $0x2800, s16;
	[dreg:$0x1a] =	wrdreg s13  }
0x16: {  	s9 =	sor.u32 s14, s9;
	s8 =	sadd.s32 s5, s24;
	[smem:$0x7F6] =	sst s22  }
0x17: {  	s14 =	smul.u32 $0xFA0, s2;
	s31 =	sadd.s32 s12, s23;
	[dreg:$0xb] =	wrdreg s8  }
0x18: {  	s2 =	smul.u32 $0x138800, s2;
	s23 =	sadd.s32 $0x5000, s16;
	[dreg:$0x18] =	wrdreg s31  }
0x19: {  	s10 =	sshrl.u32 s10, $0x3;
	s13 =	sadd.s32 $0x138000, s1;
	[smem:$0x7F7] =	sst s23  }
0x1a: {  	s9 =	sshrl.u32 s9, $0x3;
	s10 =	sadd.s32 s5, s10;
	[smem:$0x7FD] =	sst s13  }
0x1b: {  	s24 =	smul.u32 $0xFA0, s17;
	s9 =	sadd.s32 s7, s9;
	[dreg:$0xd] =	wrdreg s10  }
0x1c: {  	s8 =	sadd.s32 $0x400, s25;
	s25 =	sadd.s32 $0x40, s6;
	[dreg:$0xe] =	wrdreg s9  }
0x1d: {  	s11 =	sadd.s32 s15, s14;
	s14 =	sadd.s32 $0x70, s6;
	[dreg:$0x15] =	wrdreg s25  }
0x1e: {  	s17 =	simm.s32 $0x480;
	s15 =	sadd.s32 $0xF90, s6;
	[dreg:$0x1b] =	wrdreg s14  }
0x1f: {  	s2 =	sshrl.u32 s2, $0x3;
	s31 =	sadd.s32 $0x11800, s16;
	[dreg:$0x1c] =	wrdreg s15  }
0x20: {  	s2 =	sadd.s32 s12, s2;
	s12 =	sadd.s32 $0x50, s6;
	[smem:$0x7FC] =	sst s31  }
0x21: {  	s9 =	sadd.s32 s7, s26;
	s25 =	sadd.s32 $0xA000, s16;
	[dreg:$0x19] =	wrdreg s12  }
0x22: {  	s22 =	simm.s32 $0xD;
	s10 =	sadd.s32 $0x20, s9;
	[smem:$0x7F9] =	sst s25  }
0x23: {  	s8 =	sshrl.u32 s8, $0x3;
	s20 =	sadd.s32 $0x30, s9;
	[dreg:$0x10] =	wrdreg s10  }
0x24: {  	s23 =	simm.s32 $0x8;
	s8 =	sadd.s32 s7, s8;
	[dreg:$0x13] =	wrdreg s20  }
0x25: {  	s11 =	sshll.u32 s11, $0x4;
	s26 =	sadd.s32 $0x40, s9;
	[dreg:$0x16] =	wrdreg s8  }
0x26: {  	s14 =	simm.s32 $0x80;
	s7 =	sadd.s32 s24, s7;
	[dreg:$0x17] =	wrdreg s26  }
0x27: {  	s15 =	simm.s32 $0x800;
	s18 =	sadd.s32 $0x50, s9;
	[dreg:$0x5] =	wrdreg s7  }
0x28: {  	s6 =	simm.s32 $0x5;
	s19 =	sadd.s32 $0x60, s9;
	[dreg:$0x1d] =	wrdreg s18  }
0x29: {  	s2 =	sadd.s32 $0x27000, s2;
	s24 =	sadd.s32 $0x7800, s16;
	[dreg:$0x1e] =	wrdreg s19  }
0x2a: {  	s12 =	simm.s32 $0x400;
	s25 =	simm.s32 $0x1;
	[smem:$0x7F4] =	sst s2  }
0x2b: {  	s10 =	sshrl.u32 s21, $0x3;
	s20 =	sadd.s32 $0x70, s9;
	[smem:$0x7F8] =	sst s24  }
0x2c: {  	s21 =	sadd.s32 $0xF90, s9;
	s26 =	sadd.s32 $0xC800, s16;
	[dreg:$0x1f] =	wrdreg s20  }
0x2d: {  	s18 =	simm.s32 $0x100;
	s19 =	simm.s32 $0x7;
	[smem:$0x7F3] =	sst s21  }
0x2e: {  	s10 =	sadd.s32 s5, s10;
	s5 =	sadd.s32 s5, s11;
	[smem:$0x7FA] =	sst s26  }
0x2f: {  	s24 =	simm.s32 $0x3000;
	[dreg:$0x14] =	wrdreg s10;
	s11 =	sadd.s32 $0xE0, s5  }
0x30: {  	s2 =	simm.s32 $0xA;
	s29 =	sadd.s32 $0xD0, s5;
	[dreg:$0x4] =	wrdreg s11  }
0x31: {  	s7 =	simm.s32 $0xB;
	s8 =	sadd.s32 $0xC0, s5;
	[dreg:$0x6] =	wrdreg s29  }
0x32: {  	s21 =	simm.s32 $0x500;
	s10 =	sadd.s32 $0xB0, s5;
	[dreg:$0x7] =	wrdreg s8  }
0x33: {  	s26 =	simm.s32 $0x580;
	[dreg:$0x8] =	wrdreg s10;
	s11 =	sadd.s32 $0xA0, s5  }
0x34: {  	s20 =	simm.s32 $0x50;
	s5 =	sadd.s32 $0x90, s5;
	[dreg:$0x9] =	wrdreg s11  }
0x35: {  	s29 =	sadd.s32 $0xF000, s16;
	s8 =	simm.s32 $0x6;
	[dreg:$0xa] =	wrdreg s5  }
0x36: {  	v0 =	vimm.f32 $0.0e+00;
	[smem:$0x7FB] =	sst s29;
	s5 =	simm.s32 $0x3;
	s11 =	simm.s32 $0xC  }
.LBB2_1:
0x37: {  	[smem:$0x7F2] =	sst s28  }
0x38: {  	s9 =	rddreg [dreg:$0xb]  }
0x39: {  	[tilespmem:s3], [sflag:$0x7] =	stream.linear.gather [hbm4b:s9+s3], $0x80, $0x38;
	[tilespmem:$0x1B880] =	vst v63  }
0x3a: {  	s31 =	rddreg [dreg:$0xc]  }
0x3b: {  	[tilespmem:s12], [sflag:$0x7] =	stream.linear.gather [hbm4b:s31+s3], $0x80, $0x38;
	[tilespmem:$0x1B880] =	vst v63  }
0x3c: {  	s10 =	rddreg [dreg:$0xd]  }
0x3d: {  	[tilespmem:s14], [sflag:$0x8] =	stream.linear.gather [hbm4b:s10+s3], $0x80, $0x38;
	[tilespmem:$0x1B880] =	vst v63  }
0x3e: {  	s28 =	rddreg [dreg:$0xe]  }
0x3f: {  	[tilespmem:s17], [sflag:$0x8] =	stream.linear.gather [hbm4b:s28+s3], $0x80, $0x38;
	[tilespmem:$0x1B880] =	vst v63  }
0x40: {  	s29 =	rddreg [dreg:$0xf]  }
0x41: {  	[tilespmem:s18], [sflag:$0x9] =	stream.linear.gather [hbm4b:s29+s3], $0x80, $0x38;
	[tilespmem:$0x1B880] =	vst v63  }
0x42: {  	s9 =	simm.s32 $0x0;
	s31 =	rddreg [dreg:$0x10];
	s10 =	simm.s32 $0x200  }
0x43: {  	[tilespmem:s21], [sflag:$0x9] =	stream.linear.gather [hbm4b:s31+s3], $0x80, $0x38;
	[tilespmem:$0x1B880] =	vst v63  }
.LBB2_2:
0x44: {  	p1 =	sne.s32 s10, $0x9E00;
	[tilespmem:s9+$0x870] =	vst v0  }
0x45: {  	[tilespmem:s9+$0x800] =	vst v0  }
0x46: {  	[tilespmem:s9+$0x810] =	vst v0  }
.Ltmp0:
0x47: {  	[tilespmem:s9+$0x820] =	vst v0;
	(pc) =	sbr.rel @p1 .LBB2_2-.Ltmp0, $4  }
0x48: {  	[tilespmem:s9+$0x830] =	vst v0  }
0x49: {  	[tilespmem:s9+$0x840] =	vst v0  }
0x4a: {  	[tilespmem:s9+$0x850] =	vst v0  }
0x4b: {  	[tilespmem:s9+$0x860] =	vst v0;
	s9 =	sshra.s32 s10, $0x2;
	s10 =	sadd.s32 $0x200, s10  }
0x4c: {  	[tilespmem:s9+$0x870] =	vst v0  }
0x4d: {  	[tilespmem:s9+$0x800] =	vst v0  }
0x4e: {  	[tilespmem:s9+$0x810] =	vst v0  }
0x4f: {  	[tilespmem:s9+$0x820] =	vst v0  }
0x50: {  	[tilespmem:s9+$0x830] =	vst v0  }
0x51: {  	[tilespmem:s9+$0x840] =	vst v0  }
0x52: {  	[tilespmem:s9+$0x850] =	vst v0  }
0x53: {  	[tilespmem:s9+$0x860] =	vst v0  }
0x54: {  	[spmem:s16] =	stream.linear.scatter [tilespmem:s15], [sflag:$0xD], $0x2800, $0x38;
	[tilespmem:$0x1B880] =	vst v63  }
0x55: {  	_ =	swait.ge [sflag:s22], $0x2800  }
0x56: {  	s16 =	sld [smem:$0x7F6]  }
0x57: {  	[sflag:s22] =	ssyncset.done $0x0  }
0x58: {  	[sflag:s22] =	ssyncadd.s32 $0xFFFFD800  }
0x59: {  	[spmem:s16] =	stream.linear.scatter [tilespmem:s15], [sflag:$0xD], $0x2800, $0x38;
	[tilespmem:$0x1B880] =	vst v63  }
0x5a: {  	_ =	swait.ge [sflag:s22], $0x2800  }
0x5b: {  	s28 =	sld [smem:$0x7F7]  }
0x5c: {  	[sflag:s22] =	ssyncset.done $0x0  }
0x5d: {  	[sflag:s22] =	ssyncadd.s32 $0xFFFFD800  }
0x5e: {  	[spmem:s28] =	stream.linear.scatter [tilespmem:s15], [sflag:$0xD], $0x2800, $0x38;
	[tilespmem:$0x1B880] =	vst v63  }
0x5f: {  	_ =	swait.ge [sflag:s22], $0x2800  }
0x60: {  	s10 =	sld [smem:$0x7F8]  }
0x61: {  	[sflag:s22] =	ssyncset.done $0x0  }
0x62: {  	[sflag:s22] =	ssyncadd.s32 $0xFFFFD800  }
0x63: {  	[spmem:s10] =	stream.linear.scatter [tilespmem:s15], [sflag:$0xD], $0x2800, $0x38;
	[tilespmem:$0x1B880] =	vst v63  }
0x64: {  	_ =	swait.ge [sflag:s22], $0x2800  }
0x65: {  	s16 =	sld [smem:$0x7F9]  }
0x66: {  	[sflag:s22] =	ssyncset.done $0x0  }
0x67: {  	[sflag:s22] =	ssyncadd.s32 $0xFFFFD800  }
0x68: {  	[spmem:s16] =	stream.linear.scatter [tilespmem:s15], [sflag:$0xD], $0x2800, $0x38;
	[tilespmem:$0x1B880] =	vst v63  }
0x69: {  	_ =	swait.ge [sflag:s22], $0x2800  }
0x6a: {  	s28 =	sld [smem:$0x7FA]  }
0x6b: {  	[sflag:s22] =	ssyncset.done $0x0  }
0x6c: {  	[sflag:s22] =	ssyncadd.s32 $0xFFFFD800  }
0x6d: {  	[spmem:s28] =	stream.linear.scatter [tilespmem:s15], [sflag:$0xD], $0x2800, $0x38;
	[tilespmem:$0x1B880] =	vst v63  }
0x6e: {  	_ =	swait.ge [sflag:s22], $0x2800  }
0x6f: {  	s10 =	sld [smem:$0x7FB]  }
0x70: {  	[sflag:s22] =	ssyncset.done $0x0  }
0x71: {  	[sflag:s22] =	ssyncadd.s32 $0xFFFFD800  }
0x72: {  	[spmem:s10] =	stream.linear.scatter [tilespmem:s15], [sflag:$0xD], $0x2800, $0x38;
	[tilespmem:$0x1B880] =	vst v63  }
0x73: {  	_ =	swait.ge [sflag:s22], $0x2800  }
0x74: {  	s16 =	sld [smem:$0x7FC]  }
0x75: {  	[sflag:s22] =	ssyncset.done $0x0  }
0x76: {  	[sflag:s22] =	ssyncadd.s32 $0xFFFFD800  }
0x77: {  	[spmem:s16] =	stream.linear.scatter [tilespmem:s15], [sflag:$0xD], $0x2000, $0x38;
	[tilespmem:$0x1B880] =	vst v63  }
0x78: {  	_ =	swait.ge [sflag:s22], $0x2000  }
0x79: {  	[sflag:s22] =	ssyncset.done $0x0  }
0x7a: {  	s9 =	simm.s32 @!p0 $0x800;
	[sflag:s22] =	ssyncadd.s32 $0xFFFFE000  }
0x7b: {  	[spmem:s13] =	stream.linear.scatter @!p0 [tilespmem:s9], [sflag:$0xD], $0x800, $0x38;
	[tilespmem:$0x1B880] =	vst v63  }
0x7c: {  	s9 =	simm.s32 @!p0 $0xD  }
0x7d: {  	_ =	swait.ge @!p0 [sflag:s9], $0x800  }
0x7e: {  	[sflag:s9] =	ssyncset.done @!p0 $0x0  }
0x7f: {  	[sflag:s9] =	ssyncadd.s32 @!p0 $0xFFFFF800  }
0x80: {  	[bflag:$0x0] =	sbarrier.arrive $0xFFFF  }
0x81: {  	s13 =	simm.s32 $0x180;
	s9 =	simm.s32 $0x0;
	s10 =	rddreg [dreg:$0x12]  }
0x82: {  	[tilespmem:s13], [sflag:$0xA] =	stream.linear.gather [hbm4b:s10+s9], $0x80, $0x38;
	[tilespmem:$0x1B880] =	vst v63  }
0x83: {  	s28 =	rddreg [dreg:$0x13]  }
0x84: {  	[tilespmem:s26], [sflag:$0xA] =	stream.linear.gather [hbm4b:s28+s9], $0x80, $0x38;
	[tilespmem:$0x1B880] =	vst v63  }
0x85: {  	_ =	swait.ge [sflag:s19], $0x80  }
0x86: {  	[sflag:s19] =	ssyncset.done $0x0  }
0x87: {  	[sflag:s19] =	ssyncadd.s32 $0xFFFFFF80  }
0x88: {  	_ =	swait.ge [sflag:s19], $0x80  }
0x89: {  	[sflag:s19] =	ssyncset.done $0x0  }
0x8a: {  	[sflag:s19] =	ssyncadd.s32 $0xFFFFFF80  }
0x8b: {  	[tilespmem:s15], [sflag:$0x1] =	stream.indirect.gather [hbm4b:s4+s20], $0x80, s9, s20, $0xb8;
	[tilespmem:$0x1B880] =	vst v63  }
0x8c: {  	s22 =	simm.s32 $0x200;
	s16 =	rddreg [dreg:$0x15]  }
0x8d: {  	[tilespmem:s22], [sflag:$0xB] =	stream.linear.gather [hbm4b:s16+s9], $0x80, $0x38;
	[tilespmem:$0x1B880] =	vst v63  }
0x8e: {  	s28 =	rddreg [dreg:$0x17];
	s22 =	simm.s32 $0x600  }
0x8f: {  	[tilespmem:s22], [sflag:$0xB] =	stream.linear.gather [hbm4b:s28+s9], $0x80, $0x38;
	[tilespmem:$0x1B880] =	vst v63  }
0x90: {  	_ =	swait.ge [sflag:s23], $0x80  }
0x91: {  	[sflag:s23] =	ssyncset.done $0x0  }
0x92: {  	[sflag:s23] =	ssyncadd.s32 $0xFFFFFF80  }
0x93: {  	_ =	swait.ge [sflag:s23], $0x80  }
0x94: {  	[sflag:s23] =	ssyncset.done $0x0  }
0x95: {  	[sflag:s23] =	ssyncadd.s32 $0xFFFFFF80  }
0x96: {  	[tilespmem:s24], [sflag:$0x2] =	stream.indirect.gather [hbm4b:s4+s20], $0x80, s14, s20, $0xb8;
	[tilespmem:$0x1B880] =	vst v63  }
0x97: {  	_ =	swait.ge [sflag:s25], $0x2800  }
0x98: {  	[sflag:s25] =	ssyncset.done $0x0  }
0x99: {  	[sflag:s25] =	ssyncadd.s32 $0xFFFFD800  }
0x9a: {  	[spmem:s1] =	stream.indirect.scatter.add.f32 [tilespmem:s15], [sflag:$0x4], $0x80, s12, s20, $0xb8;
	[tilespmem:$0x1B880] =	vst v63  }
0x9b: {  	s28 =	simm.s32 $0x280;
	s16 =	rddreg [dreg:$0x19]  }
0x9c: {  	[tilespmem:s28], [sflag:$0xC] =	stream.linear.gather [hbm4b:s16+s9], $0x80, $0x38;
	[tilespmem:$0x1B880] =	vst v63  }
0x9d: {  	s31 =	simm.s32 $0x9;
	s16 =	rddreg [dreg:$0x1d];
	s28 =	simm.s32 $0x680  }
0x9e: {  	[tilespmem:s28], [sflag:$0xC] =	stream.linear.gather [hbm4b:s16+s9], $0x80, $0x38;
	[tilespmem:$0x1B880] =	vst v63  }
0x9f: {  	_ =	swait.ge [sflag:s31], $0x80  }
0xa0: {  	[sflag:s31] =	ssyncset.done $0x0  }
0xa1: {  	[sflag:s31] =	ssyncadd.s32 $0xFFFFFF80  }
0xa2: {  	_ =	swait.ge [sflag:s31], $0x80  }
0xa3: {  	[sflag:s31] =	ssyncset.done $0x0  }
0xa4: {  	s29 =	simm.s32 $0x2;
	[sflag:s31] =	ssyncadd.s32 $0xFFFFFF80  }
0xa5: {  	[tilespmem:s30], [sflag:$0x3] =	stream.indirect.gather [hbm4b:s4+s20], $0x80, s18, s20, $0xb8;
	[tilespmem:$0x1B880] =	vst v63  }
0xa6: {  	_ =	swait.ge [sflag:s29], $0x2800  }
0xa7: {  	[sflag:s29] =	ssyncset.done $0x0  }
0xa8: {  	[sflag:s29] =	ssyncadd.s32 $0xFFFFD800  }
0xa9: {  	[spmem:s1] =	stream.indirect.scatter.add.f32 [tilespmem:s24], [sflag:$0x5], $0x80, s17, s20, $0xb8;
	[tilespmem:$0x1B880] =	vst v63  }
0xaa: {  	_ =	swait.ge [sflag:s0], $0x2800  }
0xab: {  	[sflag:s0] =	ssyncset.done $0x0  }
0xac: {  	s16 =	rddreg [dreg:$0x1a];
	[sflag:s0] =	ssyncadd.s32 $0xFFFFD800  }
0xad: {  	[tilespmem:s9], [sflag:$0x7] =	stream.linear.gather [hbm4b:s16+s9], $0x80, $0x38;
	[tilespmem:$0x1B880] =	vst v63  }
0xae: {  	s16 =	rddreg [dreg:$0x1e]  }
0xaf: {  	[tilespmem:s12], [sflag:$0x7] =	stream.linear.gather [hbm4b:s16+s9], $0x80, $0x38;
	[tilespmem:$0x1B880] =	vst v63  }
0xb0: {  	_ =	swait.ge [sflag:s2], $0x80  }
0xb1: {  	[sflag:s2] =	ssyncset.done $0x0  }
0xb2: {  	[sflag:s2] =	ssyncadd.s32 $0xFFFFFF80  }
0xb3: {  	_ =	swait.ge [sflag:s2], $0x80  }
0xb4: {  	[sflag:s2] =	ssyncset.done $0x0  }
0xb5: {  	[sflag:s2] =	ssyncadd.s32 $0xFFFFFF80  }
0xb6: {  	[tilespmem:s15], [sflag:$0x1] =	stream.indirect.gather [hbm4b:s4+s20], $0x80, s13, s20, $0xb8;
	[tilespmem:$0x1B880] =	vst v63  }
0xb7: {  	_ =	swait.ge [sflag:s5], $0x2800  }
0xb8: {  	[sflag:s5] =	ssyncset.done $0x0  }
0xb9: {  	[sflag:s5] =	ssyncadd.s32 $0xFFFFD800  }
0xba: {  	[spmem:s1] =	stream.indirect.scatter.add.f32 [tilespmem:s30], [sflag:$0x6], $0x80, s21, s20, $0xb8;
	[tilespmem:$0x1B880] =	vst v63  }
0xbb: {  	_ =	swait.ge [sflag:s6], $0x2800  }
0xbc: {  	[sflag:s6] =	ssyncset.done $0x0  }
0xbd: {  	s16 =	rddreg [dreg:$0x1b];
	[sflag:s6] =	ssyncadd.s32 $0xFFFFD800  }
0xbe: {  	[tilespmem:s14], [sflag:$0x8] =	stream.linear.gather [hbm4b:s16+s9], $0x80, $0x38;
	[tilespmem:$0x1B880] =	vst v63  }
0xbf: {  	s16 =	rddreg [dreg:$0x1f]  }
0xc0: {  	[tilespmem:s17], [sflag:$0x8] =	stream.linear.gather [hbm4b:s16+s9], $0x80, $0x38;
	[tilespmem:$0x1B880] =	vst v63  }
0xc1: {  	_ =	swait.ge [sflag:s7], $0x80  }
0xc2: {  	[sflag:s7] =	ssyncset.done $0x0  }
0xc3: {  	[sflag:s7] =	ssyncadd.s32 $0xFFFFFF80  }
0xc4: {  	_ =	swait.ge [sflag:s7], $0x80  }
0xc5: {  	[sflag:s7] =	ssyncset.done $0x0  }
0xc6: {  	s16 =	simm.s32 $0x200;
	[sflag:s7] =	ssyncadd.s32 $0xFFFFFF80  }
0xc7: {  	[tilespmem:s24], [sflag:$0x2] =	stream.indirect.gather [hbm4b:s4+s20], $0x80, s16, s20, $0xb8;
	[tilespmem:$0x1B880] =	vst v63  }
0xc8: {  	_ =	swait.ge [sflag:s25], $0x2800  }
0xc9: {  	[sflag:s25] =	ssyncset.done $0x0  }
0xca: {  	[sflag:s25] =	ssyncadd.s32 $0xFFFFD800  }
0xcb: {  	[spmem:s1] =	stream.indirect.scatter.add.f32 [tilespmem:s15], [sflag:$0x4], $0x80, s26, s20, $0xb8;
	[tilespmem:$0x1B880] =	vst v63  }
0xcc: {  	_ =	swait.ge [sflag:s8], $0x2800  }
0xcd: {  	[sflag:s8] =	ssyncset.done $0x0  }
0xce: {  	s10 =	rddreg [dreg:$0x14];
	[sflag:s8] =	ssyncadd.s32 $0xFFFFD800  }
0xcf: {  	[tilespmem:s18], [sflag:$0x9] =	stream.linear.gather [hbm4b:s10+s9], $0x80, $0x38;
	[tilespmem:$0x1B880] =	vst v63  }
0xd0: {  	s10 =	rddreg [dreg:$0x16]  }
0xd1: {  	[tilespmem:s21], [sflag:$0x9] =	stream.linear.gather [hbm4b:s10+s9], $0x80, $0x38;
	[tilespmem:$0x1B880] =	vst v63  }
0xd2: {  	_ =	swait.ge [sflag:s11], $0x80  }
0xd3: {  	[sflag:s11] =	ssyncset.done $0x0  }
0xd4: {  	[sflag:s11] =	ssyncadd.s32 $0xFFFFFF80  }
0xd5: {  	_ =	swait.ge [sflag:s11], $0x80  }
0xd6: {  	[sflag:s11] =	ssyncset.done $0x0  }
0xd7: {  	s10 =	simm.s32 $0x280;
	[sflag:s11] =	ssyncadd.s32 $0xFFFFFF80  }
0xd8: {  	[tilespmem:s30], [sflag:$0x3] =	stream.indirect.gather [hbm4b:s4+s20], $0x80, s10, s20, $0xb8;
	[tilespmem:$0x1B880] =	vst v63  }
0xd9: {  	_ =	swait.ge [sflag:s29], $0x2800  }
0xda: {  	[sflag:s29] =	ssyncset.done $0x0  }
0xdb: {  	[sflag:s29] =	ssyncadd.s32 $0xFFFFD800  }
0xdc: {  	[spmem:s1] =	stream.indirect.scatter.add.f32 [tilespmem:s24], [sflag:$0x5], $0x80, s22, s20, $0xb8;
	[tilespmem:$0x1B880] =	vst v63  }
0xdd: {  	_ =	swait.ge [sflag:s0], $0x2800  }
0xde: {  	s9 =	rddreg [dreg:$0xa];
	[sflag:s0] =	ssyncset.done $0x0  }
0xdf: {  	s10 =	rddreg [dreg:$0x5];
	[sflag:s0] =	ssyncadd.s32 $0xFFFFD800;
	s9 =	sadd.s32 $0x0, s9  }
0xe0: {  	[tilespmem:s13], [sflag:$0xA] =	stream.linear.gather [hbm4b:s9+s3], $0x80, $0x38;
	[tilespmem:$0x1B880] =	vst v63  }
0xe1: {  	s9 =	sadd.s32 $0x0, s10  }
0xe2: {  	s10 =	sadd.s32 $0x90, s9  }
0xe3: {  	[tilespmem:s26], [sflag:$0xA] =	stream.linear.gather [hbm4b:s10+s3], $0x80, $0x38;
	[tilespmem:$0x1B880] =	vst v63  }
0xe4: {  	_ =	swait.ge [sflag:s19], $0x80  }
0xe5: {  	[sflag:s19] =	ssyncset.done $0x0  }
0xe6: {  	[sflag:s19] =	ssyncadd.s32 $0xFFFFFF80  }
0xe7: {  	_ =	swait.ge [sflag:s19], $0x80  }
0xe8: {  	[sflag:s19] =	ssyncset.done $0x0  }
0xe9: {  	[sflag:s19] =	ssyncadd.s32 $0xFFFFFF80  }
0xea: {  	[tilespmem:s15], [sflag:$0x1] =	stream.indirect.gather [hbm4b:s4+s20], $0x80, s3, s20, $0xb8;
	[tilespmem:$0x1B880] =	vst v63  }
0xeb: {  	_ =	swait.ge [sflag:s5], $0x2800  }
0xec: {  	[sflag:s5] =	ssyncset.done $0x0  }
0xed: {  	[sflag:s5] =	ssyncadd.s32 $0xFFFFD800  }
0xee: {  	[spmem:s1] =	stream.indirect.scatter.add.f32 [tilespmem:s30], [sflag:$0x6], $0x80, s28, s20, $0xb8;
	[tilespmem:$0x1B880] =	vst v63  }
0xef: {  	_ =	swait.ge [sflag:s6], $0x2800  }
0xf0: {  	s10 =	rddreg [dreg:$0x9];
	[sflag:s6] =	ssyncset.done $0x0  }
0xf1: {  	[sflag:s6] =	ssyncadd.s32 $0xFFFFD800;
	s10 =	sadd.s32 $0x0, s10  }
0xf2: {  	[tilespmem:s16], [sflag:$0xB] =	stream.linear.gather [hbm4b:s10+s3], $0x80, $0x38;
	[tilespmem:$0x1B880] =	vst v63  }
0xf3: {  	s16 =	sadd.s32 $0xA0, s9  }
0xf4: {  	[tilespmem:s22], [sflag:$0xB] =	stream.linear.gather [hbm4b:s16+s3], $0x80, $0x38;
	[tilespmem:$0x1B880] =	vst v63  }
0xf5: {  	_ =	swait.ge [sflag:s23], $0x80  }
0xf6: {  	[sflag:s23] =	ssyncset.done $0x0  }
0xf7: {  	[sflag:s23] =	ssyncadd.s32 $0xFFFFFF80  }
0xf8: {  	_ =	swait.ge [sflag:s23], $0x80  }
0xf9: {  	[sflag:s23] =	ssyncset.done $0x0  }
0xfa: {  	[sflag:s23] =	ssyncadd.s32 $0xFFFFFF80  }
0xfb: {  	[tilespmem:s24], [sflag:$0x2] =	stream.indirect.gather [hbm4b:s4+s20], $0x80, s14, s20, $0xb8;
	[tilespmem:$0x1B880] =	vst v63  }
0xfc: {  	_ =	swait.ge [sflag:s25], $0x2800  }
0xfd: {  	[sflag:s25] =	ssyncset.done $0x0  }
0xfe: {  	[sflag:s25] =	ssyncadd.s32 $0xFFFFD800  }
0xff: {  	[spmem:s1] =	stream.indirect.scatter.add.f32 [tilespmem:s15], [sflag:$0x4], $0x80, s12, s20, $0xb8;
	[tilespmem:$0x1B880] =	vst v63  }
0x100: {  	_ =	swait.ge [sflag:s8], $0x2800  }
0x101: {  	s16 =	rddreg [dreg:$0x8];
	[sflag:s8] =	ssyncset.done $0x0  }
0x102: {  	s22 =	simm.s32 $0x280;
	[sflag:s8] =	ssyncadd.s32 $0xFFFFD800;
	s10 =	sadd.s32 $0x0, s16  }
0x103: {  	[tilespmem:s22], [sflag:$0xC] =	stream.linear.gather [hbm4b:s10+s3], $0x80, $0x38;
	[tilespmem:$0x1B880] =	vst v63  }
0x104: {  	s16 =	sadd.s32 $0xB0, s9  }
0x105: {  	[tilespmem:s28], [sflag:$0xC] =	stream.linear.gather [hbm4b:s16+s3], $0x80, $0x38;
	[tilespmem:$0x1B880] =	vst v63  }
0x106: {  	_ =	swait.ge [sflag:s31], $0x80  }
0x107: {  	[sflag:s31] =	ssyncset.done $0x0  }
0x108: {  	[sflag:s31] =	ssyncadd.s32 $0xFFFFFF80  }
0x109: {  	_ =	swait.ge [sflag:s31], $0x80  }
0x10a: {  	[sflag:s31] =	ssyncset.done $0x0  }
0x10b: {  	[sflag:s31] =	ssyncadd.s32 $0xFFFFFF80  }
0x10c: {  	[tilespmem:s30], [sflag:$0x3] =	stream.indirect.gather [hbm4b:s4+s20], $0x80, s18, s20, $0xb8;
	[tilespmem:$0x1B880] =	vst v63  }
0x10d: {  	_ =	swait.ge [sflag:s29], $0x2800  }
0x10e: {  	[sflag:s29] =	ssyncset.done $0x0  }
0x10f: {  	[sflag:s29] =	ssyncadd.s32 $0xFFFFD800  }
0x110: {  	[spmem:s1] =	stream.indirect.scatter.add.f32 [tilespmem:s24], [sflag:$0x5], $0x80, s17, s20, $0xb8;
	[tilespmem:$0x1B880] =	vst v63  }
0x111: {  	_ =	swait.ge [sflag:s0], $0x2800  }
0x112: {  	s28 =	rddreg [dreg:$0x7];
	[sflag:s0] =	ssyncset.done $0x0  }
0x113: {  	[sflag:s0] =	ssyncadd.s32 $0xFFFFD800;
	s10 =	sadd.s32 $0x0, s28  }
0x114: {  	[tilespmem:s3], [sflag:$0x7] =	stream.linear.gather [hbm4b:s10+s3], $0x80, $0x38;
	[tilespmem:$0x1B880] =	vst v63  }
0x115: {  	s0 =	sadd.s32 $0xC0, s9  }
0x116: {  	[tilespmem:s12], [sflag:$0x7] =	stream.linear.gather [hbm4b:s0+s3], $0x80, $0x38;
	[tilespmem:$0x1B880] =	vst v63  }
0x117: {  	_ =	swait.ge [sflag:s2], $0x80  }
0x118: {  	[sflag:s2] =	ssyncset.done $0x0  }
0x119: {  	[sflag:s2] =	ssyncadd.s32 $0xFFFFFF80  }
0x11a: {  	_ =	swait.ge [sflag:s2], $0x80  }
0x11b: {  	[sflag:s2] =	ssyncset.done $0x0  }
0x11c: {  	[sflag:s2] =	ssyncadd.s32 $0xFFFFFF80  }
0x11d: {  	[tilespmem:s15], [sflag:$0x1] =	stream.indirect.gather [hbm4b:s4+s20], $0x80, s13, s20, $0xb8;
	[tilespmem:$0x1B880] =	vst v63  }
0x11e: {  	_ =	swait.ge [sflag:s5], $0x2800  }
0x11f: {  	[sflag:s5] =	ssyncset.done $0x0  }
0x120: {  	[sflag:s5] =	ssyncadd.s32 $0xFFFFD800  }
0x121: {  	[spmem:s1] =	stream.indirect.scatter.add.f32 [tilespmem:s30], [sflag:$0x6], $0x80, s21, s20, $0xb8;
	[tilespmem:$0x1B880] =	vst v63  }
0x122: {  	_ =	swait.ge [sflag:s6], $0x2800  }
0x123: {  	s12 =	rddreg [dreg:$0x6];
	[sflag:s6] =	ssyncset.done $0x0  }
0x124: {  	[sflag:s6] =	ssyncadd.s32 $0xFFFFD800;
	s10 =	sadd.s32 $0x0, s12  }
0x125: {  	[tilespmem:s14], [sflag:$0x8] =	stream.linear.gather [hbm4b:s10+s3], $0x80, $0x38;
	[tilespmem:$0x1B880] =	vst v63  }
0x126: {  	s16 =	sadd.s32 $0xD0, s9  }
0x127: {  	[tilespmem:s17], [sflag:$0x8] =	stream.linear.gather [hbm4b:s16+s3], $0x80, $0x38;
	[tilespmem:$0x1B880] =	vst v63  }
0x128: {  	_ =	swait.ge [sflag:s7], $0x80  }
0x129: {  	[sflag:s7] =	ssyncset.done $0x0  }
0x12a: {  	[sflag:s7] =	ssyncadd.s32 $0xFFFFFF80  }
0x12b: {  	_ =	swait.ge [sflag:s7], $0x80  }
0x12c: {  	[sflag:s7] =	ssyncset.done $0x0  }
0x12d: {  	s17 =	simm.s32 $0x200;
	[sflag:s7] =	ssyncadd.s32 $0xFFFFFF80  }
0x12e: {  	[tilespmem:s24], [sflag:$0x2] =	stream.indirect.gather [hbm4b:s4+s20], $0x80, s17, s20, $0xb8;
	[tilespmem:$0x1B880] =	vst v63  }
0x12f: {  	_ =	swait.ge [sflag:s25], $0x2800  }
0x130: {  	[sflag:s25] =	ssyncset.done $0x0  }
0x131: {  	[sflag:s25] =	ssyncadd.s32 $0xFFFFD800  }
0x132: {  	[spmem:s1] =	stream.indirect.scatter.add.f32 [tilespmem:s15], [sflag:$0x4], $0x80, s26, s20, $0xb8;
	[tilespmem:$0x1B880] =	vst v63  }
0x133: {  	_ =	swait.ge [sflag:s8], $0x2800  }
0x134: {  	s28 =	rddreg [dreg:$0x4];
	[sflag:s8] =	ssyncset.done $0x0  }
0x135: {  	[sflag:s8] =	ssyncadd.s32 $0xFFFFD800;
	s10 =	sadd.s32 $0x0, s28  }
0x136: {  	[tilespmem:s18], [sflag:$0x9] =	stream.linear.gather [hbm4b:s10+s3], $0x80, $0x38;
	[tilespmem:$0x1B880] =	vst v63  }
0x137: {  	s9 =	sadd.s32 $0xE0, s9  }
0x138: {  	[tilespmem:s21], [sflag:$0x9] =	stream.linear.gather [hbm4b:s9+s3], $0x80, $0x38;
	[tilespmem:$0x1B880] =	vst v63  }
0x139: {  	_ =	swait.ge [sflag:s11], $0x80  }
0x13a: {  	[sflag:s11] =	ssyncset.done $0x0  }
0x13b: {  	s22 =	simm.s32 $0x280;
	[sflag:s11] =	ssyncadd.s32 $0xFFFFFF80  }
0x13c: {  	s31 =	simm.s32 $0xC;
	s29 =	simm.s32 $0x1;
	_ =	swait.ge [sflag:s11], $0x80  }
0x13d: {  	s5 =	simm.s32 $0x4;
	s6 =	simm.s32 $0xA;
	[sflag:s11] =	ssyncset.done $0x0  }
0x13e: {  	s16 =	simm.s32 $0x60;
	s10 =	simm.s32 $0x2;
	[sflag:s11] =	ssyncadd.s32 $0xFFFFFF80  }
0x13f: {  	[tilespmem:s30], [sflag:$0x3] =	stream.indirect.gather [hbm4b:s4+s20], $0x80, s22, s20, $0xb8;
	[tilespmem:$0x1B880] =	vst v63  }
0x140: {  	s7 =	simm.s32 $0x3;
	s8 =	simm.s32 $0x5;
	_ =	swait.ge [sflag:s10], $0x2800  }
0x141: {  	s18 =	simm.s32 $0x6;
	s11 =	simm.s32 $0xB;
	[sflag:s10] =	ssyncset.done $0x0  }
.LBB2_4:
0x142: {  	[sflag:s10] =	ssyncadd.s32 $0xFFFFD800;
	s22 =	simm.s32 $0x600;
	s24 =	simm.s32 $0x3000  }
0x143: {  	[spmem:s1] =	stream.indirect.scatter.add.f32 [tilespmem:s24], [sflag:$0x5], $0x80, s22, s20, $0xb8;
	[tilespmem:$0x1B880] =	vst v63  }
0x144: {  	_ =	swait.ge [sflag:s5], $0x2800  }
0x145: {  	s9 =	smov.u32 s16;
	s0 =	rddreg [dreg:$0xa];
	[sflag:s5] =	ssyncset.done $0x0  }
0x146: {  	s12 =	rddreg [dreg:$0x5];
	[sflag:s5] =	ssyncadd.s32 $0xFFFFD800;
	s10 =	sadd.s32 s9, s0  }
0x147: {  	[tilespmem:s13], [sflag:$0xA] =	stream.linear.gather [hbm4b:s10+s3], $0x80, $0x38;
	[tilespmem:$0x1B880] =	vst v63  }
0x148: {  	s10 =	sadd.s32 s9, s12  }
0x149: {  	s12 =	sadd.s32 $0x90, s10  }
0x14a: {  	[tilespmem:s26], [sflag:$0xA] =	stream.linear.gather [hbm4b:s12+s3], $0x80, $0x38;
	[tilespmem:$0x1B880] =	vst v63  }
0x14b: {  	_ =	swait.ge [sflag:s19], $0x80  }
0x14c: {  	[sflag:s19] =	ssyncset.done $0x0  }
0x14d: {  	[sflag:s19] =	ssyncadd.s32 $0xFFFFFF80  }
0x14e: {  	_ =	swait.ge [sflag:s19], $0x80  }
0x14f: {  	[sflag:s19] =	ssyncset.done $0x0  }
0x150: {  	[sflag:s19] =	ssyncadd.s32 $0xFFFFFF80  }
0x151: {  	[tilespmem:s15], [sflag:$0x1] =	stream.indirect.gather [hbm4b:s4+s20], $0x80, s3, s20, $0xb8;
	[tilespmem:$0x1B880] =	vst v63  }
0x152: {  	_ =	swait.ge [sflag:s7], $0x2800  }
0x153: {  	[sflag:s7] =	ssyncset.done $0x0  }
0x154: {  	s2 =	simm.s32 $0x680;
	s30 =	simm.s32 $0x5800;
	[sflag:s7] =	ssyncadd.s32 $0xFFFFD800  }
0x155: {  	[spmem:s1] =	stream.indirect.scatter.add.f32 [tilespmem:s30], [sflag:$0x6], $0x80, s2, s20, $0xb8;
	[tilespmem:$0x1B880] =	vst v63  }
0x156: {  	_ =	swait.ge [sflag:s8], $0x2800  }
0x157: {  	s14 =	rddreg [dreg:$0x9];
	[sflag:s8] =	ssyncset.done $0x0  }
0x158: {  	s21 =	simm.s32 $0x200;
	[sflag:s8] =	ssyncadd.s32 $0xFFFFD800;
	s12 =	sadd.s32 s9, s14  }
0x159: {  	[tilespmem:s21], [sflag:$0xB] =	stream.linear.gather [hbm4b:s12+s3], $0x80, $0x38;
	[tilespmem:$0x1B880] =	vst v63  }
0x15a: {  	s19 =	sadd.s32 $0xA0, s10  }
0x15b: {  	[tilespmem:s22], [sflag:$0xB] =	stream.linear.gather [hbm4b:s19+s3], $0x80, $0x38;
	[tilespmem:$0x1B880] =	vst v63  }
0x15c: {  	_ =	swait.ge [sflag:s23], $0x80  }
0x15d: {  	[sflag:s23] =	ssyncset.done $0x0  }
0x15e: {  	[sflag:s23] =	ssyncadd.s32 $0xFFFFFF80  }
0x15f: {  	_ =	swait.ge [sflag:s23], $0x80  }
0x160: {  	[sflag:s23] =	ssyncset.done $0x0  }
0x161: {  	s0 =	simm.s32 $0x80;
	[sflag:s23] =	ssyncadd.s32 $0xFFFFFF80  }
0x162: {  	[tilespmem:s24], [sflag:$0x2] =	stream.indirect.gather [hbm4b:s4+s20], $0x80, s0, s20, $0xb8;
	[tilespmem:$0x1B880] =	vst v63  }
0x163: {  	_ =	swait.ge [sflag:s29], $0x2800  }
0x164: {  	[sflag:s29] =	ssyncset.done $0x0  }
0x165: {  	s28 =	simm.s32 $0x800;
	s14 =	simm.s32 $0x400;
	[sflag:s29] =	ssyncadd.s32 $0xFFFFD800  }
0x166: {  	[spmem:s1] =	stream.indirect.scatter.add.f32 [tilespmem:s28], [sflag:$0x4], $0x80, s14, s20, $0xb8;
	[tilespmem:$0x1B880] =	vst v63  }
0x167: {  	_ =	swait.ge [sflag:s18], $0x2800  }
0x168: {  	s22 =	rddreg [dreg:$0x8];
	[sflag:s18] =	ssyncset.done $0x0  }
0x169: {  	[sflag:s18] =	ssyncadd.s32 $0xFFFFD800;
	s12 =	sadd.s32 s9, s22;
	s22 =	simm.s32 $0x280  }
0x16a: {  	[tilespmem:s22], [sflag:$0xC] =	stream.linear.gather [hbm4b:s12+s3], $0x80, $0x38;
	[tilespmem:$0x1B880] =	vst v63  }
0x16b: {  	s23 =	sadd.s32 $0xB0, s10  }
0x16c: {  	[tilespmem:s2], [sflag:$0xC] =	stream.linear.gather [hbm4b:s23+s3], $0x80, $0x38;
	[tilespmem:$0x1B880] =	vst v63  }
0x16d: {  	s2 =	simm.s32 $0x9  }
0x16e: {  	_ =	swait.ge [sflag:s2], $0x80  }
0x16f: {  	[sflag:s2] =	ssyncset.done $0x0  }
0x170: {  	[sflag:s2] =	ssyncadd.s32 $0xFFFFFF80  }
0x171: {  	_ =	swait.ge [sflag:s2], $0x80  }
0x172: {  	[sflag:s2] =	ssyncset.done $0x0  }
0x173: {  	s17 =	simm.s32 $0x2;
	s23 =	simm.s32 $0x100;
	[sflag:s2] =	ssyncadd.s32 $0xFFFFFF80  }
0x174: {  	[tilespmem:s30], [sflag:$0x3] =	stream.indirect.gather [hbm4b:s4+s20], $0x80, s23, s20, $0xb8;
	[tilespmem:$0x1B880] =	vst v63  }
0x175: {  	_ =	swait.ge [sflag:s17], $0x2800  }
0x176: {  	[sflag:s17] =	ssyncset.done $0x0  }
0x177: {  	s19 =	simm.s32 $0x480;
	[sflag:s17] =	ssyncadd.s32 $0xFFFFD800  }
0x178: {  	[spmem:s1] =	stream.indirect.scatter.add.f32 [tilespmem:s24], [sflag:$0x5], $0x80, s19, s20, $0xb8;
	[tilespmem:$0x1B880] =	vst v63  }
0x179: {  	_ =	swait.ge [sflag:s5], $0x2800  }
0x17a: {  	s25 =	rddreg [dreg:$0x7];
	[sflag:s5] =	ssyncset.done $0x0  }
0x17b: {  	[sflag:s5] =	ssyncadd.s32 $0xFFFFD800;
	s12 =	sadd.s32 s9, s25  }
0x17c: {  	[tilespmem:s3], [sflag:$0x7] =	stream.linear.gather [hbm4b:s12+s3], $0x80, $0x38;
	[tilespmem:$0x1B880] =	vst v63  }
0x17d: {  	s2 =	sadd.s32 $0xC0, s10  }
0x17e: {  	[tilespmem:s14], [sflag:$0x7] =	stream.linear.gather [hbm4b:s2+s3], $0x80, $0x38;
	[tilespmem:$0x1B880] =	vst v63  }
0x17f: {  	_ =	swait.ge [sflag:s6], $0x80  }
0x180: {  	[sflag:s6] =	ssyncset.done $0x0  }
0x181: {  	[sflag:s6] =	ssyncadd.s32 $0xFFFFFF80  }
0x182: {  	_ =	swait.ge [sflag:s6], $0x80  }
0x183: {  	[sflag:s6] =	ssyncset.done $0x0  }
0x184: {  	s26 =	simm.s32 $0x180;
	s15 =	simm.s32 $0x800;
	[sflag:s6] =	ssyncadd.s32 $0xFFFFFF80  }
0x185: {  	[tilespmem:s15], [sflag:$0x1] =	stream.indirect.gather [hbm4b:s4+s20], $0x80, s26, s20, $0xb8;
	[tilespmem:$0x1B880] =	vst v63  }
0x186: {  	_ =	swait.ge [sflag:s7], $0x2800  }
0x187: {  	[sflag:s7] =	ssyncset.done $0x0  }
0x188: {  	s14 =	simm.s32 $0x500;
	[sflag:s7] =	ssyncadd.s32 $0xFFFFD800  }
0x189: {  	[spmem:s1] =	stream.indirect.scatter.add.f32 [tilespmem:s30], [sflag:$0x6], $0x80, s14, s20, $0xb8;
	[tilespmem:$0x1B880] =	vst v63  }
0x18a: {  	_ =	swait.ge [sflag:s8], $0x2800  }
0x18b: {  	s17 =	rddreg [dreg:$0x6];
	[sflag:s8] =	ssyncset.done $0x0  }
0x18c: {  	[sflag:s8] =	ssyncadd.s32 $0xFFFFD800;
	s12 =	sadd.s32 s9, s17  }
0x18d: {  	[tilespmem:s0], [sflag:$0x8] =	stream.linear.gather [hbm4b:s12+s3], $0x80, $0x38;
	[tilespmem:$0x1B880] =	vst v63  }
0x18e: {  	s13 =	sadd.s32 $0xD0, s10  }
0x18f: {  	[tilespmem:s19], [sflag:$0x8] =	stream.linear.gather [hbm4b:s13+s3], $0x80, $0x38;
	[tilespmem:$0x1B880] =	vst v63  }
0x190: {  	_ =	swait.ge [sflag:s11], $0x80  }
0x191: {  	[sflag:s11] =	ssyncset.done $0x0  }
0x192: {  	[sflag:s11] =	ssyncadd.s32 $0xFFFFFF80  }
0x193: {  	_ =	swait.ge [sflag:s11], $0x80  }
0x194: {  	[sflag:s11] =	ssyncset.done $0x0  }
0x195: {  	[sflag:s11] =	ssyncadd.s32 $0xFFFFFF80  }
0x196: {  	[tilespmem:s24], [sflag:$0x2] =	stream.indirect.gather [hbm4b:s4+s20], $0x80, s21, s20, $0xb8;
	[tilespmem:$0x1B880] =	vst v63  }
0x197: {  	_ =	swait.ge [sflag:s29], $0x2800  }
0x198: {  	[sflag:s29] =	ssyncset.done $0x0  }
0x199: {  	s26 =	simm.s32 $0x580;
	[sflag:s29] =	ssyncadd.s32 $0xFFFFD800  }
0x19a: {  	[spmem:s1] =	stream.indirect.scatter.add.f32 [tilespmem:s15], [sflag:$0x4], $0x80, s26, s20, $0xb8;
	[tilespmem:$0x1B880] =	vst v63  }
0x19b: {  	_ =	swait.ge [sflag:s18], $0x2800  }
0x19c: {  	s24 =	rddreg [dreg:$0x4];
	[sflag:s18] =	ssyncset.done $0x0  }
0x19d: {  	[sflag:s18] =	ssyncadd.s32 $0xFFFFD800;
	s9 =	sadd.s32 s9, s24  }
0x19e: {  	[tilespmem:s23], [sflag:$0x9] =	stream.linear.gather [hbm4b:s9+s3], $0x80, $0x38;
	[tilespmem:$0x1B880] =	vst v63  }
0x19f: {  	s10 =	sadd.s32 $0xE0, s10  }
0x1a0: {  	[tilespmem:s14], [sflag:$0x9] =	stream.linear.gather [hbm4b:s10+s3], $0x80, $0x38;
	[tilespmem:$0x1B880] =	vst v63  }
0x1a1: {  	_ =	swait.ge [sflag:s31], $0x80  }
0x1a2: {  	p1 =	sne.s32 s16, $0xEA0;
	[sflag:s31] =	ssyncset.done $0x0  }
0x1a3: {  	s16 =	sadd.s32 $0x60, s16;
	s28 =	simm.s32 $0x680;
	[sflag:s31] =	ssyncadd.s32 $0xFFFFFF80  }
0x1a4: {  	s25 =	simm.s32 $0x400;
	s2 =	simm.s32 $0x80;
	_ =	swait.ge [sflag:s31], $0x80  }
.Ltmp1:
0x1a5: {  	s17 =	simm.s32 $0x480;
	[sflag:s31] =	ssyncset.done $0x0;
	(pc) =	sbr.rel @p1 .LBB2_4-.Ltmp1, $4  }
0x1a6: {  	s12 =	simm.s32 $0x500;
	s10 =	simm.s32 $0x2;
	[sflag:s31] =	ssyncadd.s32 $0xFFFFFF80  }
0x1a7: {  	[tilespmem:s30], [sflag:$0x3] =	stream.indirect.gather [hbm4b:s4+s20], $0x80, s22, s20, $0xb8;
	[tilespmem:$0x1B880] =	vst v63  }
0x1a8: {  	s19 =	simm.s32 $0x7;
	s13 =	simm.s32 $0x180;
	_ =	swait.ge [sflag:s10], $0x2800  }
0x1a9: {  	s21 =	simm.s32 $0x100;
	s23 =	simm.s32 $0x8;
	[sflag:s10] =	ssyncset.done $0x0  }
0x1aa: {  	[sflag:s10] =	ssyncadd.s32 $0xFFFFD800;
	s11 =	simm.s32 $0x3000;
	s0 =	simm.s32 $0x600  }
0x1ab: {  	[spmem:s1] =	stream.indirect.scatter.add.f32 [tilespmem:s11], [sflag:$0x5], $0x80, s0, s20, $0xb8;
	[tilespmem:$0x1B880] =	vst v63  }
0x1ac: {  	_ =	swait.ge [sflag:s5], $0x2800  }
0x1ad: {  	[sflag:s5] =	ssyncset.done $0x0;
	s9 =	rddreg [dreg:$0x1c]  }
0x1ae: {  	s14 =	sld [smem:$0x7F3];
	[sflag:s5] =	ssyncadd.s32 $0xFFFFD800  }
0x1af: {  	[tilespmem:s13], [sflag:$0xA] =	stream.linear.gather [hbm4b:s9+s3], $0x80, $0x38;
	[tilespmem:$0x1B880] =	vst v63  }
0x1b0: {  	_ = 	snop  }
0x1b1: {  	[tilespmem:s26], [sflag:$0xA] =	stream.linear.gather [hbm4b:s14+s3], $0x80, $0x38;
	[tilespmem:$0x1B880] =	vst v63  }
0x1b2: {  	_ =	swait.ge [sflag:s19], $0x80  }
0x1b3: {  	[sflag:s19] =	ssyncset.done $0x0  }
0x1b4: {  	[sflag:s19] =	ssyncadd.s32 $0xFFFFFF80  }
0x1b5: {  	_ =	swait.ge [sflag:s19], $0x80  }
0x1b6: {  	[sflag:s19] =	ssyncset.done $0x0  }
0x1b7: {  	[sflag:s19] =	ssyncadd.s32 $0xFFFFFF80  }
0x1b8: {  	[tilespmem:s15], [sflag:$0x1] =	stream.indirect.gather [hbm4b:s4+s20], $0x80, s3, s20, $0xb8;
	[tilespmem:$0x1B880] =	vst v63  }
0x1b9: {  	_ =	swait.ge [sflag:s7], $0x2800  }
0x1ba: {  	[sflag:s7] =	ssyncset.done $0x0  }
0x1bb: {  	s16 =	simm.s32 $0x5800;
	[sflag:s7] =	ssyncadd.s32 $0xFFFFD800  }
0x1bc: {  	[spmem:s1] =	stream.indirect.scatter.add.f32 [tilespmem:s16], [sflag:$0x6], $0x80, s28, s20, $0xb8;
	[tilespmem:$0x1B880] =	vst v63  }
0x1bd: {  	_ =	swait.ge [sflag:s8], $0x2800  }
0x1be: {  	[sflag:s8] =	ssyncset.done $0x0  }
0x1bf: {  	[sflag:s8] =	ssyncadd.s32 $0xFFFFD800  }
0x1c0: {  	_ =	swait.ge [sflag:s23], $0x80  }
0x1c1: {  	[sflag:s23] =	ssyncset.done $0x0  }
0x1c2: {  	[sflag:s23] =	ssyncadd.s32 $0xFFFFFF80  }
0x1c3: {  	_ =	swait.ge [sflag:s23], $0x80  }
0x1c4: {  	[sflag:s23] =	ssyncset.done $0x0  }
0x1c5: {  	[sflag:s23] =	ssyncadd.s32 $0xFFFFFF80  }
0x1c6: {  	[tilespmem:s11], [sflag:$0x2] =	stream.indirect.gather [hbm4b:s4+s20], $0x80, s2, s20, $0xb8;
	[tilespmem:$0x1B880] =	vst v63  }
0x1c7: {  	_ =	swait.ge [sflag:s29], $0x2800  }
0x1c8: {  	[sflag:s29] =	ssyncset.done $0x0  }
0x1c9: {  	[sflag:s29] =	ssyncadd.s32 $0xFFFFD800  }
0x1ca: {  	[spmem:s1] =	stream.indirect.scatter.add.f32 [tilespmem:s15], [sflag:$0x4], $0x80, s25, s20, $0xb8;
	[tilespmem:$0x1B880] =	vst v63  }
0x1cb: {  	_ =	swait.ge [sflag:s18], $0x2800  }
0x1cc: {  	[sflag:s18] =	ssyncset.done $0x0  }
0x1cd: {  	s22 =	simm.s32 $0x9;
	[sflag:s18] =	ssyncadd.s32 $0xFFFFD800  }
0x1ce: {  	_ =	swait.ge [sflag:s22], $0x80  }
0x1cf: {  	[sflag:s22] =	ssyncset.done $0x0  }
0x1d0: {  	[sflag:s22] =	ssyncadd.s32 $0xFFFFFF80  }
0x1d1: {  	_ =	swait.ge [sflag:s22], $0x80  }
0x1d2: {  	[sflag:s22] =	ssyncset.done $0x0  }
0x1d3: {  	[sflag:s22] =	ssyncadd.s32 $0xFFFFFF80  }
0x1d4: {  	[tilespmem:s16], [sflag:$0x3] =	stream.indirect.gather [hbm4b:s4+s20], $0x80, s21, s20, $0xb8;
	[tilespmem:$0x1B880] =	vst v63  }
0x1d5: {  	_ =	swait.ge [sflag:s10], $0x2800  }
0x1d6: {  	[sflag:s10] =	ssyncset.done $0x0  }
0x1d7: {  	[sflag:s10] =	ssyncadd.s32 $0xFFFFD800  }
0x1d8: {  	[spmem:s1] =	stream.indirect.scatter.add.f32 [tilespmem:s11], [sflag:$0x5], $0x80, s17, s20, $0xb8;
	[tilespmem:$0x1B880] =	vst v63  }
0x1d9: {  	_ =	swait.ge [sflag:s5], $0x2800  }
0x1da: {  	[sflag:s5] =	ssyncset.done $0x0  }
0x1db: {  	[sflag:s5] =	ssyncadd.s32 $0xFFFFD800  }
0x1dc: {  	_ =	swait.ge [sflag:s6], $0x80  }
0x1dd: {  	[sflag:s6] =	ssyncset.done $0x0  }
0x1de: {  	[sflag:s6] =	ssyncadd.s32 $0xFFFFFF80  }
0x1df: {  	_ =	swait.ge [sflag:s6], $0x80  }
0x1e0: {  	[sflag:s6] =	ssyncset.done $0x0  }
0x1e1: {  	[sflag:s6] =	ssyncadd.s32 $0xFFFFFF80  }
0x1e2: {  	[tilespmem:s15], [sflag:$0x1] =	stream.indirect.gather [hbm4b:s4+s20], $0x80, s13, s20, $0xb8;
	[tilespmem:$0x1B880] =	vst v63  }
0x1e3: {  	_ =	swait.ge [sflag:s7], $0x2800  }
0x1e4: {  	[sflag:s7] =	ssyncset.done $0x0  }
0x1e5: {  	[sflag:s7] =	ssyncadd.s32 $0xFFFFD800  }
0x1e6: {  	[spmem:s1] =	stream.indirect.scatter.add.f32 [tilespmem:s16], [sflag:$0x6], $0x80, s12, s20, $0xb8;
	[tilespmem:$0x1B880] =	vst v63  }
0x1e7: {  	_ =	swait.ge [sflag:s29], $0x2800  }
0x1e8: {  	[sflag:s29] =	ssyncset.done $0x0  }
0x1e9: {  	[sflag:s29] =	ssyncadd.s32 $0xFFFFD800  }
0x1ea: {  	[spmem:s1] =	stream.indirect.scatter.add.f32 [tilespmem:s15], [sflag:$0x4], $0x80, s26, s20, $0xb8;
	[tilespmem:$0x1B880] =	vst v63  }
0x1eb: {  	_ =	swait.ge [sflag:s8], $0x2800  }
0x1ec: {  	[sflag:s8] =	ssyncset.done $0x0  }
0x1ed: {  	[sflag:s8] =	ssyncadd.s32 $0xFFFFD800  }
0x1ee: {  	_ =	swait.ge [sflag:s18], $0x2800  }
0x1ef: {  	[sflag:s18] =	ssyncset.done $0x0  }
0x1f0: {  	[sflag:s18] =	ssyncadd.s32 $0xFFFFD800  }
0x1f1: {  	_ =	swait.ge [sflag:s5], $0x2800  }
0x1f2: {  	[sflag:s5] =	ssyncset.done $0x0  }
0x1f3: {  	s24 =	stileid.u32;
	[sflag:s5] =	ssyncadd.s32 $0xFFFFD800  }
0x1f4: {  	s9 =	sshll.u32 s24, $0x6;
	[bflag:$0x0] =	sbarrier.arrive $0xFFFF  }
0x1f5: {  	s9 =	sor.u32 $0x1C0D, s9;
	s16 =	rddreg [dreg:$0x11]  }
0x1f6: {  	s22 =	simm.s32 $0xD;
	s29 =	rddreg [dreg:$0x18];
	s25 =	sshrl.u32 s16, $0x3  }
0x1f7: {  	[hbm:s29], [sflag:s9] =	dma.local [spmem:s25], $0x2700  }
0x1f8: {  	_ =	swait.ge [sflag:s22], $0x2700  }
0x1f9: {  	s13 =	sld [smem:$0x7FD]  }
0x1fa: {  	s12 =	sld [smem:$0x7F4]  }
0x1fb: {  	[sflag:s22] =	ssyncset.done $0x0  }
0x1fc: {  	[sflag:s22] =	ssyncadd.s32 $0xFFFFD900;
	s10 =	sshrl.u32 @!p0 s13, $0x3  }
0x1fd: {  	[hbm:s12], [sflag:s9] =	dma.local @!p0 [spmem:s10], $0x100  }
0x1fe: {  	s9 =	simm.s32 @!p0 $0xD  }
0x1ff: {  	_ =	swait.ge @!p0 [sflag:s9], $0x100  }
0x200: {  	s28 =	sld [smem:$0x7F2]  }
0x201: {  	s31 =	sld [smem:$0x7F5];
	_ =	sdelay $0x1  }
0x202: {  	s30 =	simm.s32 $0x5800;
	s28 =	sadd.s32 $0x1, s28  }
0x203: {  	s0 =	simm.s32 $0x4;
	s24 =	simm.s32 $0x3000;
	p1 =	sne.s32 s28, s31  }
.Ltmp2:
0x204: {  	s14 =	simm.s32 $0x80;
	s2 =	simm.s32 $0xA;
	(pc) =	sbr.rel @p1 .LBB2_1-.Ltmp2, $4  }
0x205: {  	s21 =	simm.s32 $0x500;
	s17 =	simm.s32 $0x480;
	s11 =	simm.s32 $0xC  }
0x206: {  	s6 =	simm.s32 $0x5;
	s7 =	simm.s32 $0xB;
	s8 =	simm.s32 $0x6  }
0x207: {  	s18 =	simm.s32 $0x100;
	s5 =	simm.s32 $0x3;
	[sflag:s9] =	ssyncset.done @!p0 $0x0  }
0x208: {  	s25 =	simm.s32 $0x1;
	s12 =	simm.s32 $0x400;
	[sflag:s9] =	ssyncadd.s32 @!p0 $0xFFFFFF00  }
0x209: {  	_ =	sfence.sel $0x180000  }
0x20a: {  	[bflag:$0x0] =	sbarrier.arrive $0xFFFF  }
0x20b: {  	_ =	strace $0x90000047  }
0x20c: {  	s0 =	stileid.u32;
	[bflag:$0x2] =	sbarrier.arrive $0xFFFF  }
0x20d: {  	p0 =	sne.s32 s0, $0x0;
	s0 =	rddreg [dreg:$0x3]  }
0x20e: {  	s0 =	sadd.s32 @!p0 $0x100000, s0  }
0x20f: {  	[sflag:s0] =	ssyncadd.tile.s32 @!p0 $0x1;
	_ =	shalt  }
.Lfunc_end2:
_tile_overlayer_lowered:
.L_overlay_start_2:
0x210: {  	(tag) =	ssettag $0x2  }
0x211: {  	s0 =	rddreg [dreg:$0x0];
	s2 =	stileid.u32  }
0x212: {  	s1 =	rddreg [dreg:$0x1];
	p0 =	sne.s32 s2, $0x0  }
0x213: {  	s3 =	rddreg [dreg:$0x2];
	[bflag:$0x3] =	sbarrier.arrive $0xFFFF;
	s2 =	simm.s32 @!p0 $0x1C0D  }
0x214: {  	[timem:s3], [sflag:s2] =	dma.local @!p0 [hbm:s0], s1  }
0x215: {  	s0 =	simm.s32 @!p0 $0xD  }
0x216: {  	_ =	swait.ge @!p0 [sflag:s0], s1  }
0x217: {  	s1 =	ssub.s32 @!p0 $0x0, s1;
	[sflag:s0] =	ssyncset.done @!p0 $0x0  }
0x218: {  	[sflag:s0] =	ssyncadd.s32 @!p0 s1  }
0x219: {  	[bflag:$0x3] =	sbarrier.arrive $0xFFFF  }
0x21a: {  	_ =	shalt  }

</sc_bundles>
